<compile_context>
chip_gen: v7x
topology: tpu7x:2x2x1
jax: 0.10.2.dev20260603
libtpu: 0.0.44.dev20260713+nightly
codegen_flags: <defaults>
</compile_context>

<pallas_src>
import functools

import numpy as np
import jax
import jax.numpy as jnp
from jax import lax
from jax.experimental import pallas as pl
from jax.experimental.pallas import tpu as pltpu
from jax.experimental.pallas import tpu_sc as plsc

_K = 64
_B, _S = 32, 256
_NTOK = _B * _S

_A = np.eye(_K) * _K - np.ones((_K, _K)) + np.eye(_K) * 0.001
_L0 = np.linalg.cholesky(_A)
_D_CONST = [float(x) for x in np.diag(_L0).astype(np.float32)]
_C_CONST = [float(x) for x in _L0[-1, :].astype(np.float32)]

_info = plsc.get_sparse_core_info()
_NC, _NS = _info.num_cores, _info.num_subcores
_NW = _NC * _NS
_TPW = _NTOK // _NW
_NGRP = _TPW // 16


def _sc_body(data_hbm, t_hbm, epst_hbm, out_hbm,
             data_v, t_v, epst_v, sc_v, out_v):
    wid = lax.axis_index("s") * _NC + lax.axis_index("c")
    base = wid * _TPW
    pltpu.sync_copy(data_hbm.at[pl.ds(base, _TPW)], data_v)
    pltpu.sync_copy(t_hbm.at[pl.ds(base, _TPW)], t_v)
    pltpu.sync_copy(epst_hbm.at[:, pl.ds(base, _TPW)], epst_v)

    lane = lax.iota(jnp.int32, 16)

    def body(gi, _):
        col = gi * 16
        t16 = t_v[pl.ds(col, 16)]
        d16 = data_v[pl.ds(col, 16)]
        sb = jnp.minimum(t16, 1.0 - 1e-6)
        lo = sb < 1e-10
        sb = jnp.maximum(sb, 1e-10)
        beta = sb * sb
        neg = -beta
        hotval = 63.0 * beta

        s = jnp.zeros((16,), jnp.float32)
        m = jnp.full((16,), -3.0e38, jnp.float32)
        for j in range(_K):
            e = epst_v[j, pl.ds(col, 16)]
            z = _D_CONST[j] * e + s
            if j < _K - 1:
                s = _C_CONST[j] * e + s
            l = sb * z + jnp.where(d16 == j, hotval, neg)
            m = jnp.maximum(m, l)
            sc_v[j, :] = l

        tot = jnp.zeros((16,), jnp.float32)
        for j in range(_K):
            p = jnp.exp(sc_v[j, :] - m)
            tot = tot + p
            sc_v[j, :] = p

        r = 1.0 / tot
        tok_idx = col + lane
        for j in range(_K):
            o = jnp.where(lo, 1.0 / 64.0, sc_v[j, :] * r)
            plsc.store_scatter(out_v, [tok_idx, jnp.full((16,), j, jnp.int32)], o)
        return 0

    lax.fori_loop(0, _NGRP, body, 0)
    pltpu.sync_copy(out_v, out_hbm.at[pl.ds(base, _TPW)])


_sc_call = functools.partial(
    pl.kernel,
    mesh=plsc.VectorSubcoreMesh(core_axis_name="c", subcore_axis_name="s"),
    compiler_params=pltpu.CompilerParams(needs_layout_passes=False),
    out_type=jax.ShapeDtypeStruct((_NTOK, _K), jnp.float32),
    scratch_types=[
        pltpu.VMEM((_TPW,), jnp.int32),
        pltpu.VMEM((_TPW,), jnp.float32),
        pltpu.VMEM((_K, _TPW), jnp.float32),
        pltpu.VMEM((_K, 16), jnp.float32),
        pltpu.VMEM((_TPW, _K), jnp.float32),
    ],
)(_sc_body)


def kernel(data, t):
    eps = jax.random.normal(jax.random.key(42), (_B, _S, _K), dtype=jnp.float32)
    data_flat = data.reshape(_NTOK).astype(jnp.int32)
    t_flat = t.reshape(_NTOK).astype(jnp.float32)
    epst = eps.reshape(_NTOK, _K).T
    probs = _sc_call(data_flat, t_flat, epst)
    return probs.reshape(_B, _S, _K)

# --- scband reference (transcript-rebuilt; emitter-appended) ---
"""Pipeline reference for scband-discrete-bayesian-flow-70669391888455 (READ-ONLY COPY).

The authoritative reference and input builder live on the scoring server;
editing this copy changes nothing except your own understanding.
"""

import jax, jax.numpy as jnp
import numpy as np

N_CLASSES = 64
MIN_SQRT_BETA = 1e-10
MAX_SQRT_BETA = 1.0
EPSILON = 1e-06


def setup_inputs(seed: int = 0) -> dict:
    key = jax.random.key(seed)
    k1, k2 = jax.random.split(key)
    data = jax.random.randint(k1, (32, 256), 0, N_CLASSES)
    t = jax.random.uniform(k2, (32, 256), dtype=jnp.float32)
    return {"data": data, "t": t}


def reference(data, t):
    K = N_CLASSES
    # t_to_sqrt_beta with 'square' scheduler: sqrt_beta = t * max_sqrt_beta
    sqrt_beta = jnp.minimum(t, 1.0 - EPSILON) * MAX_SQRT_BETA
    lo_beta = sqrt_beta < MIN_SQRT_BETA
    sqrt_beta = jnp.maximum(sqrt_beta, MIN_SQRT_BETA)
    beta = jnp.square(sqrt_beta)[..., None]  # [B, S, 1]
    # count_dist: mean = K * one_hot(x) - 1 scaled by beta; cov = (K*I - 11^T + 0.001*I) * beta
    one_hot = jax.nn.one_hot(data, K, dtype=jnp.float32)  # [B, S, K]
    mean = (K * one_hot - 1.0) * beta  # [B, S, K]
    eye = jnp.eye(K, dtype=jnp.float32)
    base_cov = eye * K - jnp.ones((K, K), dtype=jnp.float32) + eye * 0.001  # [K, K]
    cov = base_cov[None, None, :, :] * beta[..., None]  # [B, S, K, K]
    # MultivariateNormal rsample: mean + L @ eps, L = cholesky(cov)
    L = jnp.linalg.cholesky(cov)  # [B, S, K, K]
    eps = jax.random.normal(jax.random.key(42), mean.shape, dtype=jnp.float32)
    logits = mean + jnp.einsum('bsij,bsj->bsi', L, eps)  # [B, S, K]
    probs = jax.nn.softmax(logits, axis=-1)
    probs = jnp.where(lo_beta[..., None], jnp.ones_like(probs) / K, probs)
    return probs

if __name__ == "__main__":
    import jax
    _d = setup_inputs()
    print(jax.jit(kernel)(*tuple(_d.values())))

</pallas_src>

<mosaic_0001>
#map = affine_map<(d0, d1) -> (0)>
#map1 = affine_map<(d0, d1) -> (0, 0)>
module attributes {stable_mosaic.version = 14 : i64} {
  func.func @_sc_body(%arg0: i32, %arg1: i32, %arg2: memref<8192xi32, #tpu.memory_space<hbm>>, %arg3: memref<8192xf32, #tpu.memory_space<hbm>>, %arg4: memref<64x8192xf32, #tpu.memory_space<hbm>>, %arg5: memref<8192x64xf32, #tpu.memory_space<hbm>>, %arg6: memref<256xi32, #tpu.memory_space<vmem>>, %arg7: memref<256xf32, #tpu.memory_space<vmem>>, %arg8: memref<64x256xf32, #tpu.memory_space<vmem>>, %arg9: memref<64x16xf32, #tpu.memory_space<vmem>>, %arg10: memref<256x64xf32, #tpu.memory_space<vmem>>) attributes {dimension_semantics = [#tpu.dimension_semantics<core_parallel>, #tpu.dimension_semantics<subcore_parallel>], iteration_bounds = array<i64: 2, 16>, scalar_prefetch = 0 : i64, scratch_operands = 5 : i64, tpu.core_type = #tpu.core_type<sc_vector_subcore>, window_params = [{transform_indices = #map}, {transform_indices = #map}, {transform_indices = #map1}, {transform_indices = #map1}]} {
    %mul3A = arith.constant 2 : i32
    %mul3A_0 = arith.muli %arg1, %mul3A : i32
    %add3A = arith.addi %mul3A_0, %arg0 : i32
    %mul3A_1 = arith.constant 256 : i32
    %mul3A_2 = arith.muli %add3A, %mul3A_1 : i32
    "tpu.region"() ({
      %run_scoped3A = tpu.sem_alloc : memref<!tpu.dma_semaphore, #tpu.memory_space<semaphore_mem>>
      %dma_start3A = tpu.memref_slice %arg2[%mul3A_2] : memref<8192xi32, #tpu.memory_space<hbm>> -> memref<256xi32, #tpu.memory_space<hbm>>
      %dma_start3A_9 = tpu.memref_slice %arg2[%mul3A_2] : memref<8192xi32, #tpu.memory_space<hbm>> -> memref<256xi32, #tpu.memory_space<hbm>>
      tpu.enqueue_dma source(%dma_start3A_9 : memref<256xi32, #tpu.memory_space<hbm>>) target(%arg6 : memref<256xi32, #tpu.memory_space<vmem>>) target_semaphore(%run_scoped3A : memref<!tpu.dma_semaphore, #tpu.memory_space<semaphore_mem>>)
      %dma_wait3A = tpu.memref_slice %arg2[%mul3A_2] : memref<8192xi32, #tpu.memory_space<hbm>> -> memref<256xi32, #tpu.memory_space<hbm>>
      %dma_wait3A_10 = tpu.memref_slice %arg2[%mul3A_2] : memref<8192xi32, #tpu.memory_space<hbm>> -> memref<256xi32, #tpu.memory_space<hbm>>
      tpu.wait_dma2 semaphore(%run_scoped3A : memref<!tpu.dma_semaphore, #tpu.memory_space<semaphore_mem>>) src(%dma_wait3A_10 : memref<256xi32, #tpu.memory_space<hbm>>) dst(%arg6 : memref<256xi32, #tpu.memory_space<vmem>>)
      tpu.yield
    }) : () -> ()
    "tpu.region"() ({
      %run_scoped3A = tpu.sem_alloc : memref<!tpu.dma_semaphore, #tpu.memory_space<semaphore_mem>>
      %dma_start3A = tpu.memref_slice %arg3[%mul3A_2] : memref<8192xf32, #tpu.memory_space<hbm>> -> memref<256xf32, #tpu.memory_space<hbm>>
      %dma_start3A_9 = tpu.memref_slice %arg3[%mul3A_2] : memref<8192xf32, #tpu.memory_space<hbm>> -> memref<256xf32, #tpu.memory_space<hbm>>
      tpu.enqueue_dma source(%dma_start3A_9 : memref<256xf32, #tpu.memory_space<hbm>>) target(%arg7 : memref<256xf32, #tpu.memory_space<vmem>>) target_semaphore(%run_scoped3A : memref<!tpu.dma_semaphore, #tpu.memory_space<semaphore_mem>>)
      %dma_wait3A = tpu.memref_slice %arg3[%mul3A_2] : memref<8192xf32, #tpu.memory_space<hbm>> -> memref<256xf32, #tpu.memory_space<hbm>>
      %dma_wait3A_10 = tpu.memref_slice %arg3[%mul3A_2] : memref<8192xf32, #tpu.memory_space<hbm>> -> memref<256xf32, #tpu.memory_space<hbm>>
      tpu.wait_dma2 semaphore(%run_scoped3A : memref<!tpu.dma_semaphore, #tpu.memory_space<semaphore_mem>>) src(%dma_wait3A_10 : memref<256xf32, #tpu.memory_space<hbm>>) dst(%arg7 : memref<256xf32, #tpu.memory_space<vmem>>)
      tpu.yield
    }) : () -> ()
    "tpu.region"() ({
      %run_scoped3A = tpu.sem_alloc : memref<!tpu.dma_semaphore, #tpu.memory_space<semaphore_mem>>
      %dma_start3A = arith.constant 0 : i32
      %dma_start3A_9 = tpu.memref_slice %arg4[%dma_start3A, %mul3A_2] : memref<64x8192xf32, #tpu.memory_space<hbm>> -> memref<64x256xf32, #tpu.memory_space<hbm>>
      %dma_start3A_10 = arith.constant 0 : i32
      %dma_start3A_11 = tpu.memref_slice %arg4[%dma_start3A_10, %mul3A_2] : memref<64x8192xf32, #tpu.memory_space<hbm>> -> memref<64x256xf32, #tpu.memory_space<hbm>>
      tpu.enqueue_dma source(%dma_start3A_11 : memref<64x256xf32, #tpu.memory_space<hbm>>) target(%arg8 : memref<64x256xf32, #tpu.memory_space<vmem>>) target_semaphore(%run_scoped3A : memref<!tpu.dma_semaphore, #tpu.memory_space<semaphore_mem>>)
      %dma_wait3A = arith.constant 0 : i32
      %dma_wait3A_12 = tpu.memref_slice %arg4[%dma_wait3A, %mul3A_2] : memref<64x8192xf32, #tpu.memory_space<hbm>> -> memref<64x256xf32, #tpu.memory_space<hbm>>
      %dma_wait3A_13 = arith.constant 0 : i32
      %dma_wait3A_14 = tpu.memref_slice %arg4[%dma_wait3A_13, %mul3A_2] : memref<64x8192xf32, #tpu.memory_space<hbm>> -> memref<64x256xf32, #tpu.memory_space<hbm>>
      tpu.wait_dma2 semaphore(%run_scoped3A : memref<!tpu.dma_semaphore, #tpu.memory_space<semaphore_mem>>) src(%dma_wait3A_14 : memref<64x256xf32, #tpu.memory_space<hbm>>) dst(%arg8 : memref<64x256xf32, #tpu.memory_space<vmem>>)
      tpu.yield
    }) : () -> ()
    %iota3A = tpu.iota {dimensions = array<i32: 0>} : vector<16xi32>
    %scan3A = arith.constant 0 : i32
    %scan3A_3 = arith.constant 0 : i32
    %scan3A_4 = arith.constant 16 : i32
    %scan3A_5 = arith.addi %scan3A_3, %scan3A_4 : i32
    %scan3A_6 = arith.constant 1 : i32
    %scan3A_7 = scf.for %scan3A_9 = %scan3A_3 to %scan3A_5 step %scan3A_6 iter_args(%scan3A_10 = %scan3A) -> (i32)  : i32 {
      %mul3A_11 = arith.constant 16 : i32
      %mul3A_12 = arith.muli %scan3A_9, %mul3A_11 : i32
      %get3A = arith.index_cast %mul3A_12 : i32 to index
      %get3A_13 = tpu.vector_load %arg7[%get3A] {strides = array<i32>} : memref<256xf32, #tpu.memory_space<vmem>>, vector<16xf32>,
      %get3A_14 = arith.index_cast %mul3A_12 : i32 to index
      %get3A_15 = tpu.vector_load %arg6[%get3A_14] {strides = array<i32>} : memref<256xi32, #tpu.memory_space<vmem>>, vector<16xi32>,
      %min3A = arith.constant 0.999998986 : f32
      %min3A_16 = vector.broadcast %min3A : f32 to vector<16xf32>
      %min3A_17 = arith.minimumf %get3A_13, %min3A_16 : vector<16xf32>
      %lt3A = arith.constant 1.000000e-10 : f32
      %lt3A_18 = vector.broadcast %lt3A : f32 to vector<16xf32>
      %lt3A_19 = arith.cmpf olt, %min3A_17, %lt3A_18 : vector<16xf32>
      %max3A = arith.constant 1.000000e-10 : f32
      %max3A_20 = vector.broadcast %max3A : f32 to vector<16xf32>
      %max3A_21 = arith.maximumf %min3A_17, %max3A_20 : vector<16xf32>
      %mul3A_22 = arith.mulf %max3A_21, %max3A_21 : vector<16xf32>
      %neg3A = arith.constant 0.000000e+00 : f32
      %neg3A_23 = vector.broadcast %neg3A : f32 to vector<16xf32>
      %neg3A_24 = arith.subf %neg3A_23, %mul3A_22 : vector<16xf32>
      %mul3A_25 = arith.constant 6.300000e+01 : f32
      %mul3A_26 = vector.broadcast %mul3A_25 : f32 to vector<16xf32>
      %mul3A_27 = arith.mulf %mul3A_26, %mul3A_22 : vector<16xf32>
      %broadcast_in_dim3A = arith.constant 0.000000e+00 : f32
      %broadcast_in_dim3A_28 = vector.broadcast %broadcast_in_dim3A : f32 to vector<16xf32>
      %broadcast_in_dim3A_29 = arith.constant -3.000000e+38 : f32
      %broadcast_in_dim3A_30 = vector.broadcast %broadcast_in_dim3A_29 : f32 to vector<16xf32>
      %get3A_31 = arith.constant 0 : i32
      %get3A_32 = arith.index_cast %get3A_31 : i32 to index
      %get3A_33 = arith.index_cast %mul3A_12 : i32 to index
      %get3A_34 = tpu.vector_load %arg8[%get3A_32, %get3A_33] {strides = array<i32>} : memref<64x256xf32, #tpu.memory_space<vmem>>, vector<16xf32>,
      %mul3A_35 = arith.constant 7.93731689 : f32
      %mul3A_36 = vector.broadcast %mul3A_35 : f32 to vector<16xf32>
      %mul3A_37 = arith.mulf %mul3A_36, %get3A_34 : vector<16xf32>
      %add3A_38 = arith.addf %mul3A_37, %broadcast_in_dim3A_28 : vector<16xf32>
      %mul3A_39 = arith.constant -0.125987157 : f32
      %mul3A_40 = vector.broadcast %mul3A_39 : f32 to vector<16xf32>
      %mul3A_41 = arith.mulf %mul3A_40, %get3A_34 : vector<16xf32>
      %add3A_42 = arith.addf %mul3A_41, %broadcast_in_dim3A_28 : vector<16xf32>
      %mul3A_43 = arith.mulf %max3A_21, %add3A_38 : vector<16xf32>
      %eq3A = arith.constant 0 : i32
      %eq3A_44 = vector.broadcast %eq3A : i32 to vector<16xi32>
      %eq3A_45 = arith.cmpi eq, %get3A_15, %eq3A_44 : vector<16xi32>
      %select_n3A = arith.select %eq3A_45, %mul3A_27, %neg3A_24 : vector<16xi1>, vector<16xf32>
      %add3A_46 = arith.addf %mul3A_43, %select_n3A : vector<16xf32>
      %max3A_47 = arith.maximumf %broadcast_in_dim3A_30, %add3A_46 : vector<16xf32>
      %swap3A = arith.constant 0 : i32
      %swap3A_48 = arith.index_cast %swap3A : i32 to index
      %swap3A_49 = arith.constant 0 : index
      %swap3A_50 = tpu.vector_load %arg9[%swap3A_48, %swap3A_49] {strides = array<i32>} : memref<64x16xf32, #tpu.memory_space<vmem>>, vector<16xf32>,
      tpu.vector_store %arg9[%swap3A_48, %swap3A_49], %add3A_46 {strides = array<i32>} : memref<64x16xf32, #tpu.memory_space<vmem>>, vector<16xf32>,
      %get3A_51 = arith.constant 1 : i32
      %get3A_52 = arith.index_cast %get3A_51 : i32 to index
      %get3A_53 = arith.index_cast %mul3A_12 : i32 to index
      %get3A_54 = tpu.vector_load %arg8[%get3A_52, %get3A_53] {strides = array<i32>} : memref<64x256xf32, #tpu.memory_space<vmem>>, vector<16xf32>,
      %mul3A_55 = arith.constant 7.93631697 : f32
      %mul3A_56 = vector.broadcast %mul3A_55 : f32 to vector<16xf32>
      %mul3A_57 = arith.mulf %mul3A_56, %get3A_54 : vector<16xf32>
      %add3A_58 = arith.addf %mul3A_57, %add3A_42 : vector<16xf32>
      %mul3A_59 = arith.constant -0.128003046 : f32
      %mul3A_60 = vector.broadcast %mul3A_59 : f32 to vector<16xf32>
      %mul3A_61 = arith.mulf %mul3A_60, %get3A_54 : vector<16xf32>
      %add3A_62 = arith.addf %mul3A_61, %add3A_42 : vector<16xf32>
      %mul3A_63 = arith.mulf %max3A_21, %add3A_58 : vector<16xf32>
      %eq3A_64 = arith.constant 1 : i32
      %eq3A_65 = vector.broadcast %eq3A_64 : i32 to vector<16xi32>
      %eq3A_66 = arith.cmpi eq, %get3A_15, %eq3A_65 : vector<16xi32>
      %select_n3A_67 = arith.select %eq3A_66, %mul3A_27, %neg3A_24 : vector<16xi1>, vector<16xf32>
      %add3A_68 = arith.addf %mul3A_63, %select_n3A_67 : vector<16xf32>
      %max3A_69 = arith.maximumf %max3A_47, %add3A_68 : vector<16xf32>
      %swap3A_70 = arith.constant 1 : i32
      %swap3A_71 = arith.index_cast %swap3A_70 : i32 to index
      %swap3A_72 = arith.constant 0 : index
      %swap3A_73 = tpu.vector_load %arg9[%swap3A_71, %swap3A_72] {strides = array<i32>} : memref<64x16xf32, #tpu.memory_space<vmem>>, vector<16xf32>,
      tpu.vector_store %arg9[%swap3A_71, %swap3A_72], %add3A_68 {strides = array<i32>} : memref<64x16xf32, #tpu.memory_space<vmem>>, vector<16xf32>,
      %get3A_74 = arith.constant 2 : i32
      %get3A_75 = arith.index_cast %get3A_74 : i32 to index
      %get3A_76 = arith.index_cast %mul3A_12 : i32 to index
      %get3A_77 = tpu.vector_load %arg8[%get3A_75, %get3A_76] {strides = array<i32>} : memref<64x256xf32, #tpu.memory_space<vmem>>, vector<16xf32>,
      %mul3A_78 = arith.constant 7.93528461 : f32
      %mul3A_79 = vector.broadcast %mul3A_78 : f32 to vector<16xf32>
      %mul3A_80 = arith.mulf %mul3A_79, %get3A_77 : vector<16xf32>
      %add3A_81 = arith.addf %mul3A_80, %add3A_62 : vector<16xf32>
      %mul3A_82 = arith.constant -0.1300845 : f32
      %mul3A_83 = vector.broadcast %mul3A_82 : f32 to vector<16xf32>
      %mul3A_84 = arith.mulf %mul3A_83, %get3A_77 : vector<16xf32>
      %add3A_85 = arith.addf %mul3A_84, %add3A_62 : vector<16xf32>
      %mul3A_86 = arith.mulf %max3A_21, %add3A_81 : vector<16xf32>
      %eq3A_87 = arith.constant 2 : i32
      %eq3A_88 = vector.broadcast %eq3A_87 : i32 to vector<16xi32>
      %eq3A_89 = arith.cmpi eq, %get3A_15, %eq3A_88 : vector<16xi32>
      %select_n3A_90 = arith.select %eq3A_89, %mul3A_27, %neg3A_24 : vector<16xi1>, vector<16xf32>
      %add3A_91 = arith.addf %mul3A_86, %select_n3A_90 : vector<16xf32>
      %max3A_92 = arith.maximumf %max3A_69, %add3A_91 : vector<16xf32>
      %swap3A_93 = arith.constant 2 : i32
      %swap3A_94 = arith.index_cast %swap3A_93 : i32 to index
      %swap3A_95 = arith.constant 0 : index
      %swap3A_96 = tpu.vector_load %arg9[%swap3A_94, %swap3A_95] {strides = array<i32>} : memref<64x16xf32, #tpu.memory_space<vmem>>, vector<16xf32>,
      tpu.vector_store %arg9[%swap3A_94, %swap3A_95], %add3A_91 {strides = array<i32>} : memref<64x16xf32, #tpu.memory_space<vmem>>, vector<16xf32>,
      %get3A_97 = arith.constant 3 : i32
      %get3A_98 = arith.index_cast %get3A_97 : i32 to index
      %get3A_99 = arith.index_cast %mul3A_12 : i32 to index
      %get3A_100 = tpu.vector_load %arg8[%get3A_98, %get3A_99] {strides = array<i32>} : memref<64x256xf32, #tpu.memory_space<vmem>>, vector<16xf32>,
      %mul3A_101 = arith.constant 7.9342184 : f32
      %mul3A_102 = vector.broadcast %mul3A_101 : f32 to vector<16xf32>
      %mul3A_103 = arith.mulf %mul3A_102, %get3A_100 : vector<16xf32>
      %add3A_104 = arith.addf %mul3A_103, %add3A_85 : vector<16xf32>
      %mul3A_105 = arith.constant -0.132234767 : f32
      %mul3A_106 = vector.broadcast %mul3A_105 : f32 to vector<16xf32>
      %mul3A_107 = arith.mulf %mul3A_106, %get3A_100 : vector<16xf32>
      %add3A_108 = arith.addf %mul3A_107, %add3A_85 : vector<16xf32>
      %mul3A_109 = arith.mulf %max3A_21, %add3A_104 : vector<16xf32>
      %eq3A_110 = arith.constant 3 : i32
      %eq3A_111 = vector.broadcast %eq3A_110 : i32 to vector<16xi32>
      %eq3A_112 = arith.cmpi eq, %get3A_15, %eq3A_111 : vector<16xi32>
      %select_n3A_113 = arith.select %eq3A_112, %mul3A_27, %neg3A_24 : vector<16xi1>, vector<16xf32>
      %add3A_114 = arith.addf %mul3A_109, %select_n3A_113 : vector<16xf32>
      %max3A_115 = arith.maximumf %max3A_92, %add3A_114 : vector<16xf32>
      %swap3A_116 = arith.constant 3 : i32
      %swap3A_117 = arith.index_cast %swap3A_116 : i32 to index
      %swap3A_118 = arith.constant 0 : index
      %swap3A_119 = tpu.vector_load %arg9[%swap3A_117, %swap3A_118] {strides = array<i32>} : memref<64x16xf32, #tpu.memory_space<vmem>>, vector<16xf32>,
      tpu.vector_store %arg9[%swap3A_117, %swap3A_118], %add3A_114 {strides = array<i32>} : memref<64x16xf32, #tpu.memory_space<vmem>>, vector<16xf32>,
      %get3A_120 = arith.constant 4 : i32
      %get3A_121 = arith.index_cast %get3A_120 : i32 to index
      %get3A_122 = arith.index_cast %mul3A_12 : i32 to index
      %get3A_123 = tpu.vector_load %arg8[%get3A_121, %get3A_122] {strides = array<i32>} : memref<64x256xf32, #tpu.memory_space<vmem>>, vector<16xf32>,
      %mul3A_124 = arith.constant 7.93311644 : f32
      %mul3A_125 = vector.broadcast %mul3A_124 : f32 to vector<16xf32>
      %mul3A_126 = arith.mulf %mul3A_125, %get3A_123 : vector<16xf32>
      %add3A_127 = arith.addf %mul3A_126, %add3A_108 : vector<16xf32>
      %mul3A_128 = arith.constant -0.13445732 : f32
      %mul3A_129 = vector.broadcast %mul3A_128 : f32 to vector<16xf32>
      %mul3A_130 = arith.mulf %mul3A_129, %get3A_123 : vector<16xf32>
      %add3A_131 = arith.addf %mul3A_130, %add3A_108 : vector<16xf32>
      %mul3A_132 = arith.mulf %max3A_21, %add3A_127 : vector<16xf32>
      %eq3A_133 = arith.constant 4 : i32
      %eq3A_134 = vector.broadcast %eq3A_133 : i32 to vector<16xi32>
      %eq3A_135 = arith.cmpi eq, %get3A_15, %eq3A_134 : vector<16xi32>
      %select_n3A_136 = arith.select %eq3A_135, %mul3A_27, %neg3A_24 : vector<16xi1>, vector<16xf32>
      %add3A_137 = arith.addf %mul3A_132, %select_n3A_136 : vector<16xf32>
      %max3A_138 = arith.maximumf %max3A_115, %add3A_137 : vector<16xf32>
      %swap3A_139 = arith.constant 4 : i32
      %swap3A_140 = arith.index_cast %swap3A_139 : i32 to index
      %swap3A_141 = arith.constant 0 : index
      %swap3A_142 = tpu.vector_load %arg9[%swap3A_140, %swap3A_141] {strides = array<i32>} : memref<64x16xf32, #tpu.memory_space<vmem>>, vector<16xf32>,
      tpu.vector_store %arg9[%swap3A_140, %swap3A_141], %add3A_137 {strides = array<i32>} : memref<64x16xf32, #tpu.memory_space<vmem>>, vector<16xf32>,
      %get3A_143 = arith.constant 5 : i32
      %get3A_144 = arith.index_cast %get3A_143 : i32 to index
      %get3A_145 = arith.index_cast %mul3A_12 : i32 to index
      %get3A_146 = tpu.vector_load %arg8[%get3A_144, %get3A_145] {strides = array<i32>} : memref<64x256xf32, #tpu.memory_space<vmem>>, vector<16xf32>,
      %mul3A_147 = arith.constant 7.9319768 : f32
      %mul3A_148 = vector.broadcast %mul3A_147 : f32 to vector<16xf32>
      %mul3A_149 = arith.mulf %mul3A_148, %get3A_146 : vector<16xf32>
      %add3A_150 = arith.addf %mul3A_149, %add3A_131 : vector<16xf32>
      %mul3A_151 = arith.constant -0.136755869 : f32
      %mul3A_152 = vector.broadcast %mul3A_151 : f32 to vector<16xf32>
      %mul3A_153 = arith.mulf %mul3A_152, %get3A_146 : vector<16xf32>
      %add3A_154 = arith.addf %mul3A_153, %add3A_131 : vector<16xf32>
      %mul3A_155 = arith.mulf %max3A_21, %add3A_150 : vector<16xf32>
      %eq3A_156 = arith.constant 5 : i32
      %eq3A_157 = vector.broadcast %eq3A_156 : i32 to vector<16xi32>
      %eq3A_158 = arith.cmpi eq, %get3A_15, %eq3A_157 : vector<16xi32>
      %select_n3A_159 = arith.select %eq3A_158, %mul3A_27, %neg3A_24 : vector<16xi1>, vector<16xf32>
      %add3A_160 = arith.addf %mul3A_155, %select_n3A_159 : vector<16xf32>
      %max3A_161 = arith.maximumf %max3A_138, %add3A_160 : vector<16xf32>
      %swap3A_162 = arith.constant 5 : i32
      %swap3A_163 = arith.index_cast %swap3A_162 : i32 to index
      %swap3A_164 = arith.constant 0 : index
      %swap3A_165 = tpu.vector_load %arg9[%swap3A_163, %swap3A_164] {strides = array<i32>} : memref<64x16xf32, #tpu.memory_space<vmem>>, vector<16xf32>,
      tpu.vector_store %arg9[%swap3A_163, %swap3A_164], %add3A_160 {strides = array<i32>} : memref<64x16xf32, #tpu.memory_space<vmem>>, vector<16xf32>,
      %get3A_166 = arith.constant 6 : i32
      %get3A_167 = arith.index_cast %get3A_166 : i32 to index
      %get3A_168 = arith.index_cast %mul3A_12 : i32 to index
      %get3A_169 = tpu.vector_load %arg8[%get3A_167, %get3A_168] {strides = array<i32>} : memref<64x256xf32, #tpu.memory_space<vmem>>, vector<16xf32>,
      %mul3A_170 = arith.constant 7.93079758 : f32
      %mul3A_171 = vector.broadcast %mul3A_170 : f32 to vector<16xf32>
      %mul3A_172 = arith.mulf %mul3A_171, %get3A_169 : vector<16xf32>
      %add3A_173 = arith.addf %mul3A_172, %add3A_154 : vector<16xf32>
      %mul3A_174 = arith.constant -0.139134362 : f32
      %mul3A_175 = vector.broadcast %mul3A_174 : f32 to vector<16xf32>
      %mul3A_176 = arith.mulf %mul3A_175, %get3A_169 : vector<16xf32>
      %add3A_177 = arith.addf %mul3A_176, %add3A_154 : vector<16xf32>
      %mul3A_178 = arith.mulf %max3A_21, %add3A_173 : vector<16xf32>
      %eq3A_179 = arith.constant 6 : i32
      %eq3A_180 = vector.broadcast %eq3A_179 : i32 to vector<16xi32>
      %eq3A_181 = arith.cmpi eq, %get3A_15, %eq3A_180 : vector<16xi32>
      %select_n3A_182 = arith.select %eq3A_181, %mul3A_27, %neg3A_24 : vector<16xi1>, vector<16xf32>
      %add3A_183 = arith.addf %mul3A_178, %select_n3A_182 : vector<16xf32>
      %max3A_184 = arith.maximumf %max3A_161, %add3A_183 : vector<16xf32>
      %swap3A_185 = arith.constant 6 : i32
      %swap3A_186 = arith.index_cast %swap3A_185 : i32 to index
      %swap3A_187 = arith.constant 0 : index
      %swap3A_188 = tpu.vector_load %arg9[%swap3A_186, %swap3A_187] {strides = array<i32>} : memref<64x16xf32, #tpu.memory_space<vmem>>, vector<16xf32>,
      tpu.vector_store %arg9[%swap3A_186, %swap3A_187], %add3A_183 {strides = array<i32>} : memref<64x16xf32, #tpu.memory_space<vmem>>, vector<16xf32>,
      %get3A_189 = arith.constant 7 : i32
      %get3A_190 = arith.index_cast %get3A_189 : i32 to index
      %get3A_191 = arith.index_cast %mul3A_12 : i32 to index
      %get3A_192 = tpu.vector_load %arg8[%get3A_190, %get3A_191] {strides = array<i32>} : memref<64x256xf32, #tpu.memory_space<vmem>>, vector<16xf32>,
      %mul3A_193 = arith.constant 7.92957735 : f32
      %mul3A_194 = vector.broadcast %mul3A_193 : f32 to vector<16xf32>
      %mul3A_195 = arith.mulf %mul3A_194, %get3A_192 : vector<16xf32>
      %add3A_196 = arith.addf %mul3A_195, %add3A_177 : vector<16xf32>
      %mul3A_197 = arith.constant -0.141597062 : f32
      %mul3A_198 = vector.broadcast %mul3A_197 : f32 to vector<16xf32>
      %mul3A_199 = arith.mulf %mul3A_198, %get3A_192 : vector<16xf32>
      %add3A_200 = arith.addf %mul3A_199, %add3A_177 : vector<16xf32>
      %mul3A_201 = arith.mulf %max3A_21, %add3A_196 : vector<16xf32>
      %eq3A_202 = arith.constant 7 : i32
      %eq3A_203 = vector.broadcast %eq3A_202 : i32 to vector<16xi32>
      %eq3A_204 = arith.cmpi eq, %get3A_15, %eq3A_203 : vector<16xi32>
      %select_n3A_205 = arith.select %eq3A_204, %mul3A_27, %neg3A_24 : vector<16xi1>, vector<16xf32>
      %add3A_206 = arith.addf %mul3A_201, %select_n3A_205 : vector<16xf32>
      %max3A_207 = arith.maximumf %max3A_184, %add3A_206 : vector<16xf32>
      %swap3A_208 = arith.constant 7 : i32
      %swap3A_209 = arith.index_cast %swap3A_208 : i32 to index
      %swap3A_210 = arith.constant 0 : index
      %swap3A_211 = tpu.vector_load %arg9[%swap3A_209, %swap3A_210] {strides = array<i32>} : memref<64x16xf32, #tpu.memory_space<vmem>>, vector<16xf32>,
      tpu.vector_store %arg9[%swap3A_209, %swap3A_210], %add3A_206 {strides = array<i32>} : memref<64x16xf32, #tpu.memory_space<vmem>>, vector<16xf32>,
      %get3A_212 = arith.constant 8 : i32
      %get3A_213 = arith.index_cast %get3A_212 : i32 to index
      %get3A_214 = arith.index_cast %mul3A_12 : i32 to index
      %get3A_215 = tpu.vector_load %arg8[%get3A_213, %get3A_214] {strides = array<i32>} : memref<64x256xf32, #tpu.memory_space<vmem>>, vector<16xf32>,
      %mul3A_216 = arith.constant 7.92831278 : f32
      %mul3A_217 = vector.broadcast %mul3A_216 : f32 to vector<16xf32>
      %mul3A_218 = arith.mulf %mul3A_217, %get3A_215 : vector<16xf32>
      %add3A_219 = arith.addf %mul3A_218, %add3A_200 : vector<16xf32>
      %mul3A_220 = arith.constant -0.144148529 : f32
      %mul3A_221 = vector.broadcast %mul3A_220 : f32 to vector<16xf32>
      %mul3A_222 = arith.mulf %mul3A_221, %get3A_215 : vector<16xf32>
      %add3A_223 = arith.addf %mul3A_222, %add3A_200 : vector<16xf32>
      %mul3A_224 = arith.mulf %max3A_21, %add3A_219 : vector<16xf32>
      %eq3A_225 = arith.constant 8 : i32
      %eq3A_226 = vector.broadcast %eq3A_225 : i32 to vector<16xi32>
      %eq3A_227 = arith.cmpi eq, %get3A_15, %eq3A_226 : vector<16xi32>
      %select_n3A_228 = arith.select %eq3A_227, %mul3A_27, %neg3A_24 : vector<16xi1>, vector<16xf32>
      %add3A_229 = arith.addf %mul3A_224, %select_n3A_228 : vector<16xf32>
      %max3A_230 = arith.maximumf %max3A_207, %add3A_229 : vector<16xf32>
      %swap3A_231 = arith.constant 8 : i32
      %swap3A_232 = arith.index_cast %swap3A_231 : i32 to index
      %swap3A_233 = arith.constant 0 : index
      %swap3A_234 = tpu.vector_load %arg9[%swap3A_232, %swap3A_233] {strides = array<i32>} : memref<64x16xf32, #tpu.memory_space<vmem>>, vector<16xf32>,
      tpu.vector_store %arg9[%swap3A_232, %swap3A_233], %add3A_229 {strides = array<i32>} : memref<64x16xf32, #tpu.memory_space<vmem>>, vector<16xf32>,
      %get3A_235 = arith.constant 9 : i32
      %get3A_236 = arith.index_cast %get3A_235 : i32 to index
      %get3A_237 = arith.index_cast %mul3A_12 : i32 to index
      %get3A_238 = tpu.vector_load %arg8[%get3A_236, %get3A_237] {strides = array<i32>} : memref<64x256xf32, #tpu.memory_space<vmem>>, vector<16xf32>,
      %mul3A_239 = arith.constant 7.92700243 : f32
      %mul3A_240 = vector.broadcast %mul3A_239 : f32 to vector<16xf32>
      %mul3A_241 = arith.mulf %mul3A_240, %get3A_238 : vector<16xf32>
      %add3A_242 = arith.addf %mul3A_241, %add3A_223 : vector<16xf32>
      %mul3A_243 = arith.constant -0.146793619 : f32
      %mul3A_244 = vector.broadcast %mul3A_243 : f32 to vector<16xf32>
      %mul3A_245 = arith.mulf %mul3A_244, %get3A_238 : vector<16xf32>
      %add3A_246 = arith.addf %mul3A_245, %add3A_223 : vector<16xf32>
      %mul3A_247 = arith.mulf %max3A_21, %add3A_242 : vector<16xf32>
      %eq3A_248 = arith.constant 9 : i32
      %eq3A_249 = vector.broadcast %eq3A_248 : i32 to vector<16xi32>
      %eq3A_250 = arith.cmpi eq, %get3A_15, %eq3A_249 : vector<16xi32>
      %select_n3A_251 = arith.select %eq3A_250, %mul3A_27, %neg3A_24 : vector<16xi1>, vector<16xf32>
      %add3A_252 = arith.addf %mul3A_247, %select_n3A_251 : vector<16xf32>
      %max3A_253 = arith.maximumf %max3A_230, %add3A_252 : vector<16xf32>
      %swap3A_254 = arith.constant 9 : i32
      %swap3A_255 = arith.index_cast %swap3A_254 : i32 to index
      %swap3A_256 = arith.constant 0 : index
      %swap3A_257 = tpu.vector_load %arg9[%swap3A_255, %swap3A_256] {strides = array<i32>} : memref<64x16xf32, #tpu.memory_space<vmem>>, vector<16xf32>,
      tpu.vector_store %arg9[%swap3A_255, %swap3A_256], %add3A_252 {strides = array<i32>} : memref<64x16xf32, #tpu.memory_space<vmem>>, vector<16xf32>,
      %get3A_258 = arith.constant 10 : i32
      %get3A_259 = arith.index_cast %get3A_258 : i32 to index
      %get3A_260 = arith.index_cast %mul3A_12 : i32 to index
      %get3A_261 = tpu.vector_load %arg8[%get3A_259, %get3A_260] {strides = array<i32>} : memref<64x256xf32, #tpu.memory_space<vmem>>, vector<16xf32>,
      %mul3A_262 = arith.constant 7.92564296 : f32
      %mul3A_263 = vector.broadcast %mul3A_262 : f32 to vector<16xf32>
      %mul3A_264 = arith.mulf %mul3A_263, %get3A_261 : vector<16xf32>
      %add3A_265 = arith.addf %mul3A_264, %add3A_246 : vector<16xf32>
      %mul3A_266 = arith.constant -0.149537608 : f32
      %mul3A_267 = vector.broadcast %mul3A_266 : f32 to vector<16xf32>
      %mul3A_268 = arith.mulf %mul3A_267, %get3A_261 : vector<16xf32>
      %add3A_269 = arith.addf %mul3A_268, %add3A_246 : vector<16xf32>
      %mul3A_270 = arith.mulf %max3A_21, %add3A_265 : vector<16xf32>
      %eq3A_271 = arith.constant 10 : i32
      %eq3A_272 = vector.broadcast %eq3A_271 : i32 to vector<16xi32>
      %eq3A_273 = arith.cmpi eq, %get3A_15, %eq3A_272 : vector<16xi32>
      %select_n3A_274 = arith.select %eq3A_273, %mul3A_27, %neg3A_24 : vector<16xi1>, vector<16xf32>
      %add3A_275 = arith.addf %mul3A_270, %select_n3A_274 : vector<16xf32>
      %max3A_276 = arith.maximumf %max3A_253, %add3A_275 : vector<16xf32>
      %swap3A_277 = arith.constant 10 : i32
      %swap3A_278 = arith.index_cast %swap3A_277 : i32 to index
      %swap3A_279 = arith.constant 0 : index
      %swap3A_280 = tpu.vector_load %arg9[%swap3A_278, %swap3A_279] {strides = array<i32>} : memref<64x16xf32, #tpu.memory_space<vmem>>, vector<16xf32>,
      tpu.vector_store %arg9[%swap3A_278, %swap3A_279], %add3A_275 {strides = array<i32>} : memref<64x16xf32, #tpu.memory_space<vmem>>, vector<16xf32>,
      %get3A_281 = arith.constant 11 : i32
      %get3A_282 = arith.index_cast %get3A_281 : i32 to index
      %get3A_283 = arith.index_cast %mul3A_12 : i32 to index
      %get3A_284 = tpu.vector_load %arg8[%get3A_282, %get3A_283] {strides = array<i32>} : memref<64x256xf32, #tpu.memory_space<vmem>>, vector<16xf32>,
      %mul3A_285 = arith.constant 7.92423248 : f32
      %mul3A_286 = vector.broadcast %mul3A_285 : f32 to vector<16xf32>
      %mul3A_287 = arith.mulf %mul3A_286, %get3A_284 : vector<16xf32>
      %add3A_288 = arith.addf %mul3A_287, %add3A_269 : vector<16xf32>
      %mul3A_289 = arith.constant -0.152386144 : f32
      %mul3A_290 = vector.broadcast %mul3A_289 : f32 to vector<16xf32>
      %mul3A_291 = arith.mulf %mul3A_290, %get3A_284 : vector<16xf32>
      %add3A_292 = arith.addf %mul3A_291, %add3A_269 : vector<16xf32>
      %mul3A_293 = arith.mulf %max3A_21, %add3A_288 : vector<16xf32>
      %eq3A_294 = arith.constant 11 : i32
      %eq3A_295 = vector.broadcast %eq3A_294 : i32 to vector<16xi32>
      %eq3A_296 = arith.cmpi eq, %get3A_15, %eq3A_295 : vector<16xi32>
      %select_n3A_297 = arith.select %eq3A_296, %mul3A_27, %neg3A_24 : vector<16xi1>, vector<16xf32>
      %add3A_298 = arith.addf %mul3A_293, %select_n3A_297 : vector<16xf32>
      %max3A_299 = arith.maximumf %max3A_276, %add3A_298 : vector<16xf32>
      %swap3A_300 = arith.constant 11 : i32
      %swap3A_301 = arith.index_cast %swap3A_300 : i32 to index
      %swap3A_302 = arith.constant 0 : index
      %swap3A_303 = tpu.vector_load %arg9[%swap3A_301, %swap3A_302] {strides = array<i32>} : memref<64x16xf32, #tpu.memory_space<vmem>>, vector<16xf32>,
      tpu.vector_store %arg9[%swap3A_301, %swap3A_302], %add3A_298 {strides = array<i32>} : memref<64x16xf32, #tpu.memory_space<vmem>>, vector<16xf32>,
      %get3A_304 = arith.constant 12 : i32
      %get3A_305 = arith.index_cast %get3A_304 : i32 to index
      %get3A_306 = arith.index_cast %mul3A_12 : i32 to index
      %get3A_307 = tpu.vector_load %arg8[%get3A_305, %get3A_306] {strides = array<i32>} : memref<64x256xf32, #tpu.memory_space<vmem>>, vector<16xf32>,
      %mul3A_308 = arith.constant 7.92276668 : f32
      %mul3A_309 = vector.broadcast %mul3A_308 : f32 to vector<16xf32>
      %mul3A_310 = arith.mulf %mul3A_309, %get3A_307 : vector<16xf32>
      %add3A_311 = arith.addf %mul3A_310, %add3A_292 : vector<16xf32>
      %mul3A_312 = arith.constant -0.155345321 : f32
      %mul3A_313 = vector.broadcast %mul3A_312 : f32 to vector<16xf32>
      %mul3A_314 = arith.mulf %mul3A_313, %get3A_307 : vector<16xf32>
      %add3A_315 = arith.addf %mul3A_314, %add3A_292 : vector<16xf32>
      %mul3A_316 = arith.mulf %max3A_21, %add3A_311 : vector<16xf32>
      %eq3A_317 = arith.constant 12 : i32
      %eq3A_318 = vector.broadcast %eq3A_317 : i32 to vector<16xi32>
      %eq3A_319 = arith.cmpi eq, %get3A_15, %eq3A_318 : vector<16xi32>
      %select_n3A_320 = arith.select %eq3A_319, %mul3A_27, %neg3A_24 : vector<16xi1>, vector<16xf32>
      %add3A_321 = arith.addf %mul3A_316, %select_n3A_320 : vector<16xf32>
      %max3A_322 = arith.maximumf %max3A_299, %add3A_321 : vector<16xf32>
      %swap3A_323 = arith.constant 12 : i32
      %swap3A_324 = arith.index_cast %swap3A_323 : i32 to index
      %swap3A_325 = arith.constant 0 : index
      %swap3A_326 = tpu.vector_load %arg9[%swap3A_324, %swap3A_325] {strides = array<i32>} : memref<64x16xf32, #tpu.memory_space<vmem>>, vector<16xf32>,
      tpu.vector_store %arg9[%swap3A_324, %swap3A_325], %add3A_321 {strides = array<i32>} : memref<64x16xf32, #tpu.memory_space<vmem>>, vector<16xf32>,
      %get3A_327 = arith.constant 13 : i32
      %get3A_328 = arith.index_cast %get3A_327 : i32 to index
      %get3A_329 = arith.index_cast %mul3A_12 : i32 to index
      %get3A_330 = tpu.vector_load %arg8[%get3A_328, %get3A_329] {strides = array<i32>} : memref<64x256xf32, #tpu.memory_space<vmem>>, vector<16xf32>,
      %mul3A_331 = arith.constant 7.92124366 : f32
      %mul3A_332 = vector.broadcast %mul3A_331 : f32 to vector<16xf32>
      %mul3A_333 = arith.mulf %mul3A_332, %get3A_330 : vector<16xf32>
      %add3A_334 = arith.addf %mul3A_333, %add3A_315 : vector<16xf32>
      %mul3A_335 = arith.constant -0.15842171 : f32
      %mul3A_336 = vector.broadcast %mul3A_335 : f32 to vector<16xf32>
      %mul3A_337 = arith.mulf %mul3A_336, %get3A_330 : vector<16xf32>
      %add3A_338 = arith.addf %mul3A_337, %add3A_315 : vector<16xf32>
      %mul3A_339 = arith.mulf %max3A_21, %add3A_334 : vector<16xf32>
      %eq3A_340 = arith.constant 13 : i32
      %eq3A_341 = vector.broadcast %eq3A_340 : i32 to vector<16xi32>
      %eq3A_342 = arith.cmpi eq, %get3A_15, %eq3A_341 : vector<16xi32>
      %select_n3A_343 = arith.select %eq3A_342, %mul3A_27, %neg3A_24 : vector<16xi1>, vector<16xf32>
      %add3A_344 = arith.addf %mul3A_339, %select_n3A_343 : vector<16xf32>
      %max3A_345 = arith.maximumf %max3A_322, %add3A_344 : vector<16xf32>
      %swap3A_346 = arith.constant 13 : i32
      %swap3A_347 = arith.index_cast %swap3A_346 : i32 to index
      %swap3A_348 = arith.constant 0 : index
      %swap3A_349 = tpu.vector_load %arg9[%swap3A_347, %swap3A_348] {strides = array<i32>} : memref<64x16xf32, #tpu.memory_space<vmem>>, vector<16xf32>,
      tpu.vector_store %arg9[%swap3A_347, %swap3A_348], %add3A_344 {strides = array<i32>} : memref<64x16xf32, #tpu.memory_space<vmem>>, vector<16xf32>,
      %get3A_350 = arith.constant 14 : i32
      %get3A_351 = arith.index_cast %get3A_350 : i32 to index
      %get3A_352 = arith.index_cast %mul3A_12 : i32 to index
      %get3A_353 = tpu.vector_load %arg8[%get3A_351, %get3A_352] {strides = array<i32>} : memref<64x256xf32, #tpu.memory_space<vmem>>, vector<16xf32>,
      %mul3A_354 = arith.constant 7.91965961 : f32
      %mul3A_355 = vector.broadcast %mul3A_354 : f32 to vector<16xf32>
      %mul3A_356 = arith.mulf %mul3A_355, %get3A_353 : vector<16xf32>
      %add3A_357 = arith.addf %mul3A_356, %add3A_338 : vector<16xf32>
      %mul3A_358 = arith.constant -0.161622405 : f32
      %mul3A_359 = vector.broadcast %mul3A_358 : f32 to vector<16xf32>
      %mul3A_360 = arith.mulf %mul3A_359, %get3A_353 : vector<16xf32>
      %add3A_361 = arith.addf %mul3A_360, %add3A_338 : vector<16xf32>
      %mul3A_362 = arith.mulf %max3A_21, %add3A_357 : vector<16xf32>
      %eq3A_363 = arith.constant 14 : i32
      %eq3A_364 = vector.broadcast %eq3A_363 : i32 to vector<16xi32>
      %eq3A_365 = arith.cmpi eq, %get3A_15, %eq3A_364 : vector<16xi32>
      %select_n3A_366 = arith.select %eq3A_365, %mul3A_27, %neg3A_24 : vector<16xi1>, vector<16xf32>
      %add3A_367 = arith.addf %mul3A_362, %select_n3A_366 : vector<16xf32>
      %max3A_368 = arith.maximumf %max3A_345, %add3A_367 : vector<16xf32>
      %swap3A_369 = arith.constant 14 : i32
      %swap3A_370 = arith.index_cast %swap3A_369 : i32 to index
      %swap3A_371 = arith.constant 0 : index
      %swap3A_372 = tpu.vector_load %arg9[%swap3A_370, %swap3A_371] {strides = array<i32>} : memref<64x16xf32, #tpu.memory_space<vmem>>, vector<16xf32>,
      tpu.vector_store %arg9[%swap3A_370, %swap3A_371], %add3A_367 {strides = array<i32>} : memref<64x16xf32, #tpu.memory_space<vmem>>, vector<16xf32>,
      %get3A_373 = arith.constant 15 : i32
      %get3A_374 = arith.index_cast %get3A_373 : i32 to index
      %get3A_375 = arith.index_cast %mul3A_12 : i32 to index
      %get3A_376 = tpu.vector_load %arg8[%get3A_374, %get3A_375] {strides = array<i32>} : memref<64x256xf32, #tpu.memory_space<vmem>>, vector<16xf32>,
      %mul3A_377 = arith.constant 7.918010e+00 : f32
      %mul3A_378 = vector.broadcast %mul3A_377 : f32 to vector<16xf32>
      %mul3A_379 = arith.mulf %mul3A_378, %get3A_376 : vector<16xf32>
      %add3A_380 = arith.addf %mul3A_379, %add3A_361 : vector<16xf32>
      %mul3A_381 = arith.constant -0.164955109 : f32
      %mul3A_382 = vector.broadcast %mul3A_381 : f32 to vector<16xf32>
      %mul3A_383 = arith.mulf %mul3A_382, %get3A_376 : vector<16xf32>
      %add3A_384 = arith.addf %mul3A_383, %add3A_361 : vector<16xf32>
      %mul3A_385 = arith.mulf %max3A_21, %add3A_380 : vector<16xf32>
      %eq3A_386 = arith.constant 15 : i32
      %eq3A_387 = vector.broadcast %eq3A_386 : i32 to vector<16xi32>
      %eq3A_388 = arith.cmpi eq, %get3A_15, %eq3A_387 : vector<16xi32>
      %select_n3A_389 = arith.select %eq3A_388, %mul3A_27, %neg3A_24 : vector<16xi1>, vector<16xf32>
      %add3A_390 = arith.addf %mul3A_385, %select_n3A_389 : vector<16xf32>
      %max3A_391 = arith.maximumf %max3A_368, %add3A_390 : vector<16xf32>
      %swap3A_392 = arith.constant 15 : i32
      %swap3A_393 = arith.index_cast %swap3A_392 : i32 to index
      %swap3A_394 = arith.constant 0 : index
      %swap3A_395 = tpu.vector_load %arg9[%swap3A_393, %swap3A_394] {strides = array<i32>} : memref<64x16xf32, #tpu.memory_space<vmem>>, vector<16xf32>,
      tpu.vector_store %arg9[%swap3A_393, %swap3A_394], %add3A_390 {strides = array<i32>} : memref<64x16xf32, #tpu.memory_space<vmem>>, vector<16xf32>,
      %get3A_396 = arith.constant 16 : i32
      %get3A_397 = arith.index_cast %get3A_396 : i32 to index
      %get3A_398 = arith.index_cast %mul3A_12 : i32 to index
      %get3A_399 = tpu.vector_load %arg8[%get3A_397, %get3A_398] {strides = array<i32>} : memref<64x256xf32, #tpu.memory_space<vmem>>, vector<16xf32>,
      %mul3A_400 = arith.constant 7.91629171 : f32
      %mul3A_401 = vector.broadcast %mul3A_400 : f32 to vector<16xf32>
      %mul3A_402 = arith.mulf %mul3A_401, %get3A_399 : vector<16xf32>
      %add3A_403 = arith.addf %mul3A_402, %add3A_384 : vector<16xf32>
      %mul3A_404 = arith.constant -0.168428153 : f32
      %mul3A_405 = vector.broadcast %mul3A_404 : f32 to vector<16xf32>
      %mul3A_406 = arith.mulf %mul3A_405, %get3A_399 : vector<16xf32>
      %add3A_407 = arith.addf %mul3A_406, %add3A_384 : vector<16xf32>
      %mul3A_408 = arith.mulf %max3A_21, %add3A_403 : vector<16xf32>
      %eq3A_409 = arith.constant 16 : i32
      %eq3A_410 = vector.broadcast %eq3A_409 : i32 to vector<16xi32>
      %eq3A_411 = arith.cmpi eq, %get3A_15, %eq3A_410 : vector<16xi32>
      %select_n3A_412 = arith.select %eq3A_411, %mul3A_27, %neg3A_24 : vector<16xi1>, vector<16xf32>
      %add3A_413 = arith.addf %mul3A_408, %select_n3A_412 : vector<16xf32>
      %max3A_414 = arith.maximumf %max3A_391, %add3A_413 : vector<16xf32>
      %swap3A_415 = arith.constant 16 : i32
      %swap3A_416 = arith.index_cast %swap3A_415 : i32 to index
      %swap3A_417 = arith.constant 0 : index
      %swap3A_418 = tpu.vector_load %arg9[%swap3A_416, %swap3A_417] {strides = array<i32>} : memref<64x16xf32, #tpu.memory_space<vmem>>, vector<16xf32>,
      tpu.vector_store %arg9[%swap3A_416, %swap3A_417], %add3A_413 {strides = array<i32>} : memref<64x16xf32, #tpu.memory_space<vmem>>, vector<16xf32>,
      %get3A_419 = arith.constant 17 : i32
      %get3A_420 = arith.index_cast %get3A_419 : i32 to index
      %get3A_421 = arith.index_cast %mul3A_12 : i32 to index
      %get3A_422 = tpu.vector_load %arg8[%get3A_420, %get3A_421] {strides = array<i32>} : memref<64x256xf32, #tpu.memory_space<vmem>>, vector<16xf32>,
      %mul3A_423 = arith.constant 7.91449976 : f32
      %mul3A_424 = vector.broadcast %mul3A_423 : f32 to vector<16xf32>
      %mul3A_425 = arith.mulf %mul3A_424, %get3A_422 : vector<16xf32>
      %add3A_426 = arith.addf %mul3A_425, %add3A_407 : vector<16xf32>
      %mul3A_427 = arith.constant -0.172050595 : f32
      %mul3A_428 = vector.broadcast %mul3A_427 : f32 to vector<16xf32>
      %mul3A_429 = arith.mulf %mul3A_428, %get3A_422 : vector<16xf32>
      %add3A_430 = arith.addf %mul3A_429, %add3A_407 : vector<16xf32>
      %mul3A_431 = arith.mulf %max3A_21, %add3A_426 : vector<16xf32>
      %eq3A_432 = arith.constant 17 : i32
      %eq3A_433 = vector.broadcast %eq3A_432 : i32 to vector<16xi32>
      %eq3A_434 = arith.cmpi eq, %get3A_15, %eq3A_433 : vector<16xi32>
      %select_n3A_435 = arith.select %eq3A_434, %mul3A_27, %neg3A_24 : vector<16xi1>, vector<16xf32>
      %add3A_436 = arith.addf %mul3A_431, %select_n3A_435 : vector<16xf32>
      %max3A_437 = arith.maximumf %max3A_414, %add3A_436 : vector<16xf32>
      %swap3A_438 = arith.constant 17 : i32
      %swap3A_439 = arith.index_cast %swap3A_438 : i32 to index
      %swap3A_440 = arith.constant 0 : index
      %swap3A_441 = tpu.vector_load %arg9[%swap3A_439, %swap3A_440] {strides = array<i32>} : memref<64x16xf32, #tpu.memory_space<vmem>>, vector<16xf32>,
      tpu.vector_store %arg9[%swap3A_439, %swap3A_440], %add3A_436 {strides = array<i32>} : memref<64x16xf32, #tpu.memory_space<vmem>>, vector<16xf32>,
      %get3A_442 = arith.constant 18 : i32
      %get3A_443 = arith.index_cast %get3A_442 : i32 to index
      %get3A_444 = arith.index_cast %mul3A_12 : i32 to index
      %get3A_445 = tpu.vector_load %arg8[%get3A_443, %get3A_444] {strides = array<i32>} : memref<64x256xf32, #tpu.memory_space<vmem>>, vector<16xf32>,
      %mul3A_446 = arith.constant 7.9126296 : f32
      %mul3A_447 = vector.broadcast %mul3A_446 : f32 to vector<16xf32>
      %mul3A_448 = arith.mulf %mul3A_447, %get3A_445 : vector<16xf32>
      %add3A_449 = arith.addf %mul3A_448, %add3A_430 : vector<16xf32>
      %mul3A_450 = arith.constant -0.175832301 : f32
      %mul3A_451 = vector.broadcast %mul3A_450 : f32 to vector<16xf32>
      %mul3A_452 = arith.mulf %mul3A_451, %get3A_445 : vector<16xf32>
      %add3A_453 = arith.addf %mul3A_452, %add3A_430 : vector<16xf32>
      %mul3A_454 = arith.mulf %max3A_21, %add3A_449 : vector<16xf32>
      %eq3A_455 = arith.constant 18 : i32
      %eq3A_456 = vector.broadcast %eq3A_455 : i32 to vector<16xi32>
      %eq3A_457 = arith.cmpi eq, %get3A_15, %eq3A_456 : vector<16xi32>
      %select_n3A_458 = arith.select %eq3A_457, %mul3A_27, %neg3A_24 : vector<16xi1>, vector<16xf32>
      %add3A_459 = arith.addf %mul3A_454, %select_n3A_458 : vector<16xf32>
      %max3A_460 = arith.maximumf %max3A_437, %add3A_459 : vector<16xf32>
      %swap3A_461 = arith.constant 18 : i32
      %swap3A_462 = arith.index_cast %swap3A_461 : i32 to index
      %swap3A_463 = arith.constant 0 : index
      %swap3A_464 = tpu.vector_load %arg9[%swap3A_462, %swap3A_463] {strides = array<i32>} : memref<64x16xf32, #tpu.memory_space<vmem>>, vector<16xf32>,
      tpu.vector_store %arg9[%swap3A_462, %swap3A_463], %add3A_459 {strides = array<i32>} : memref<64x16xf32, #tpu.memory_space<vmem>>, vector<16xf32>,
      %get3A_465 = arith.constant 19 : i32
      %get3A_466 = arith.index_cast %get3A_465 : i32 to index
      %get3A_467 = arith.index_cast %mul3A_12 : i32 to index
      %get3A_468 = tpu.vector_load %arg8[%get3A_466, %get3A_467] {strides = array<i32>} : memref<64x256xf32, #tpu.memory_space<vmem>>, vector<16xf32>,
      %mul3A_469 = arith.constant 7.91067553 : f32
      %mul3A_470 = vector.broadcast %mul3A_469 : f32 to vector<16xf32>
      %mul3A_471 = arith.mulf %mul3A_470, %get3A_468 : vector<16xf32>
      %add3A_472 = arith.addf %mul3A_471, %add3A_453 : vector<16xf32>
      %mul3A_473 = arith.constant -1.797840e-01 : f32
      %mul3A_474 = vector.broadcast %mul3A_473 : f32 to vector<16xf32>
      %mul3A_475 = arith.mulf %mul3A_474, %get3A_468 : vector<16xf32>
      %add3A_476 = arith.addf %mul3A_475, %add3A_453 : vector<16xf32>
      %mul3A_477 = arith.mulf %max3A_21, %add3A_472 : vector<16xf32>
      %eq3A_478 = arith.constant 19 : i32
      %eq3A_479 = vector.broadcast %eq3A_478 : i32 to vector<16xi32>
      %eq3A_480 = arith.cmpi eq, %get3A_15, %eq3A_479 : vector<16xi32>
      %select_n3A_481 = arith.select %eq3A_480, %mul3A_27, %neg3A_24 : vector<16xi1>, vector<16xf32>
      %add3A_482 = arith.addf %mul3A_477, %select_n3A_481 : vector<16xf32>
      %max3A_483 = arith.maximumf %max3A_460, %add3A_482 : vector<16xf32>
      %swap3A_484 = arith.constant 19 : i32
      %swap3A_485 = arith.index_cast %swap3A_484 : i32 to index
      %swap3A_486 = arith.constant 0 : index
      %swap3A_487 = tpu.vector_load %arg9[%swap3A_485, %swap3A_486] {strides = array<i32>} : memref<64x16xf32, #tpu.memory_space<vmem>>, vector<16xf32>,
      tpu.vector_store %arg9[%swap3A_485, %swap3A_486], %add3A_482 {strides = array<i32>} : memref<64x16xf32, #tpu.memory_space<vmem>>, vector<16xf32>,
      %get3A_488 = arith.constant 20 : i32
      %get3A_489 = arith.index_cast %get3A_488 : i32 to index
      %get3A_490 = arith.index_cast %mul3A_12 : i32 to index
      %get3A_491 = tpu.vector_load %arg8[%get3A_489, %get3A_490] {strides = array<i32>} : memref<64x256xf32, #tpu.memory_space<vmem>>, vector<16xf32>,
      %mul3A_492 = arith.constant 7.90863227 : f32
      %mul3A_493 = vector.broadcast %mul3A_492 : f32 to vector<16xf32>
      %mul3A_494 = arith.mulf %mul3A_493, %get3A_491 : vector<16xf32>
      %add3A_495 = arith.addf %mul3A_494, %add3A_476 : vector<16xf32>
      %mul3A_496 = arith.constant -0.183917403 : f32
      %mul3A_497 = vector.broadcast %mul3A_496 : f32 to vector<16xf32>
      %mul3A_498 = arith.mulf %mul3A_497, %get3A_491 : vector<16xf32>
      %add3A_499 = arith.addf %mul3A_498, %add3A_476 : vector<16xf32>
      %mul3A_500 = arith.mulf %max3A_21, %add3A_495 : vector<16xf32>
      %eq3A_501 = arith.constant 20 : i32
      %eq3A_502 = vector.broadcast %eq3A_501 : i32 to vector<16xi32>
      %eq3A_503 = arith.cmpi eq, %get3A_15, %eq3A_502 : vector<16xi32>
      %select_n3A_504 = arith.select %eq3A_503, %mul3A_27, %neg3A_24 : vector<16xi1>, vector<16xf32>
      %add3A_505 = arith.addf %mul3A_500, %select_n3A_504 : vector<16xf32>
      %max3A_506 = arith.maximumf %max3A_483, %add3A_505 : vector<16xf32>
      %swap3A_507 = arith.constant 20 : i32
      %swap3A_508 = arith.index_cast %swap3A_507 : i32 to index
      %swap3A_509 = arith.constant 0 : index
      %swap3A_510 = tpu.vector_load %arg9[%swap3A_508, %swap3A_509] {strides = array<i32>} : memref<64x16xf32, #tpu.memory_space<vmem>>, vector<16xf32>,
      tpu.vector_store %arg9[%swap3A_508, %swap3A_509], %add3A_505 {strides = array<i32>} : memref<64x16xf32, #tpu.memory_space<vmem>>, vector<16xf32>,
      %get3A_511 = arith.constant 21 : i32
      %get3A_512 = arith.index_cast %get3A_511 : i32 to index
      %get3A_513 = arith.index_cast %mul3A_12 : i32 to index
      %get3A_514 = tpu.vector_load %arg8[%get3A_512, %get3A_513] {strides = array<i32>} : memref<64x256xf32, #tpu.memory_space<vmem>>, vector<16xf32>,
      %mul3A_515 = arith.constant 7.90649366 : f32
      %mul3A_516 = vector.broadcast %mul3A_515 : f32 to vector<16xf32>
      %mul3A_517 = arith.mulf %mul3A_516, %get3A_514 : vector<16xf32>
      %add3A_518 = arith.addf %mul3A_517, %add3A_499 : vector<16xf32>
      %mul3A_519 = arith.constant -0.188245356 : f32
      %mul3A_520 = vector.broadcast %mul3A_519 : f32 to vector<16xf32>
      %mul3A_521 = arith.mulf %mul3A_520, %get3A_514 : vector<16xf32>
      %add3A_522 = arith.addf %mul3A_521, %add3A_499 : vector<16xf32>
      %mul3A_523 = arith.mulf %max3A_21, %add3A_518 : vector<16xf32>
      %eq3A_524 = arith.constant 21 : i32
      %eq3A_525 = vector.broadcast %eq3A_524 : i32 to vector<16xi32>
      %eq3A_526 = arith.cmpi eq, %get3A_15, %eq3A_525 : vector<16xi32>
      %select_n3A_527 = arith.select %eq3A_526, %mul3A_27, %neg3A_24 : vector<16xi1>, vector<16xf32>
      %add3A_528 = arith.addf %mul3A_523, %select_n3A_527 : vector<16xf32>
      %max3A_529 = arith.maximumf %max3A_506, %add3A_528 : vector<16xf32>
      %swap3A_530 = arith.constant 21 : i32
      %swap3A_531 = arith.index_cast %swap3A_530 : i32 to index
      %swap3A_532 = arith.constant 0 : index
      %swap3A_533 = tpu.vector_load %arg9[%swap3A_531, %swap3A_532] {strides = array<i32>} : memref<64x16xf32, #tpu.memory_space<vmem>>, vector<16xf32>,
      tpu.vector_store %arg9[%swap3A_531, %swap3A_532], %add3A_528 {strides = array<i32>} : memref<64x16xf32, #tpu.memory_space<vmem>>, vector<16xf32>,
      %get3A_534 = arith.constant 22 : i32
      %get3A_535 = arith.index_cast %get3A_534 : i32 to index
      %get3A_536 = arith.index_cast %mul3A_12 : i32 to index
      %get3A_537 = tpu.vector_load %arg8[%get3A_535, %get3A_536] {strides = array<i32>} : memref<64x256xf32, #tpu.memory_space<vmem>>, vector<16xf32>,
      %mul3A_538 = arith.constant 7.90425205 : f32
      %mul3A_539 = vector.broadcast %mul3A_538 : f32 to vector<16xf32>
      %mul3A_540 = arith.mulf %mul3A_539, %get3A_537 : vector<16xf32>
      %add3A_541 = arith.addf %mul3A_540, %add3A_522 : vector<16xf32>
      %mul3A_542 = arith.constant -0.19278194 : f32
      %mul3A_543 = vector.broadcast %mul3A_542 : f32 to vector<16xf32>
      %mul3A_544 = arith.mulf %mul3A_543, %get3A_537 : vector<16xf32>
      %add3A_545 = arith.addf %mul3A_544, %add3A_522 : vector<16xf32>
      %mul3A_546 = arith.mulf %max3A_21, %add3A_541 : vector<16xf32>
      %eq3A_547 = arith.constant 22 : i32
      %eq3A_548 = vector.broadcast %eq3A_547 : i32 to vector<16xi32>
      %eq3A_549 = arith.cmpi eq, %get3A_15, %eq3A_548 : vector<16xi32>
      %select_n3A_550 = arith.select %eq3A_549, %mul3A_27, %neg3A_24 : vector<16xi1>, vector<16xf32>
      %add3A_551 = arith.addf %mul3A_546, %select_n3A_550 : vector<16xf32>
      %max3A_552 = arith.maximumf %max3A_529, %add3A_551 : vector<16xf32>
      %swap3A_553 = arith.constant 22 : i32
      %swap3A_554 = arith.index_cast %swap3A_553 : i32 to index
      %swap3A_555 = arith.constant 0 : index
      %swap3A_556 = tpu.vector_load %arg9[%swap3A_554, %swap3A_555] {strides = array<i32>} : memref<64x16xf32, #tpu.memory_space<vmem>>, vector<16xf32>,
      tpu.vector_store %arg9[%swap3A_554, %swap3A_555], %add3A_551 {strides = array<i32>} : memref<64x16xf32, #tpu.memory_space<vmem>>, vector<16xf32>,
      %get3A_557 = arith.constant 23 : i32
      %get3A_558 = arith.index_cast %get3A_557 : i32 to index
      %get3A_559 = arith.index_cast %mul3A_12 : i32 to index
      %get3A_560 = tpu.vector_load %arg8[%get3A_558, %get3A_559] {strides = array<i32>} : memref<64x256xf32, #tpu.memory_space<vmem>>, vector<16xf32>,
      %mul3A_561 = arith.constant 7.90190077 : f32
      %mul3A_562 = vector.broadcast %mul3A_561 : f32 to vector<16xf32>
      %mul3A_563 = arith.mulf %mul3A_562, %get3A_560 : vector<16xf32>
      %add3A_564 = arith.addf %mul3A_563, %add3A_545 : vector<16xf32>
      %mul3A_565 = arith.constant -0.197542578 : f32
      %mul3A_566 = vector.broadcast %mul3A_565 : f32 to vector<16xf32>
      %mul3A_567 = arith.mulf %mul3A_566, %get3A_560 : vector<16xf32>
      %add3A_568 = arith.addf %mul3A_567, %add3A_545 : vector<16xf32>
      %mul3A_569 = arith.mulf %max3A_21, %add3A_564 : vector<16xf32>
      %eq3A_570 = arith.constant 23 : i32
      %eq3A_571 = vector.broadcast %eq3A_570 : i32 to vector<16xi32>
      %eq3A_572 = arith.cmpi eq, %get3A_15, %eq3A_571 : vector<16xi32>
      %select_n3A_573 = arith.select %eq3A_572, %mul3A_27, %neg3A_24 : vector<16xi1>, vector<16xf32>
      %add3A_574 = arith.addf %mul3A_569, %select_n3A_573 : vector<16xf32>
      %max3A_575 = arith.maximumf %max3A_552, %add3A_574 : vector<16xf32>
      %swap3A_576 = arith.constant 23 : i32
      %swap3A_577 = arith.index_cast %swap3A_576 : i32 to index
      %swap3A_578 = arith.constant 0 : index
      %swap3A_579 = tpu.vector_load %arg9[%swap3A_577, %swap3A_578] {strides = array<i32>} : memref<64x16xf32, #tpu.memory_space<vmem>>, vector<16xf32>,
      tpu.vector_store %arg9[%swap3A_577, %swap3A_578], %add3A_574 {strides = array<i32>} : memref<64x16xf32, #tpu.memory_space<vmem>>, vector<16xf32>,
      %get3A_580 = arith.constant 24 : i32
      %get3A_581 = arith.index_cast %get3A_580 : i32 to index
      %get3A_582 = arith.index_cast %mul3A_12 : i32 to index
      %get3A_583 = tpu.vector_load %arg8[%get3A_581, %get3A_582] {strides = array<i32>} : memref<64x256xf32, #tpu.memory_space<vmem>>, vector<16xf32>,
      %mul3A_584 = arith.constant 7.89943122 : f32
      %mul3A_585 = vector.broadcast %mul3A_584 : f32 to vector<16xf32>
      %mul3A_586 = arith.mulf %mul3A_585, %get3A_583 : vector<16xf32>
      %add3A_587 = arith.addf %mul3A_586, %add3A_568 : vector<16xf32>
      %mul3A_588 = arith.constant -0.202544332 : f32
      %mul3A_589 = vector.broadcast %mul3A_588 : f32 to vector<16xf32>
      %mul3A_590 = arith.mulf %mul3A_589, %get3A_583 : vector<16xf32>
      %add3A_591 = arith.addf %mul3A_590, %add3A_568 : vector<16xf32>
      %mul3A_592 = arith.mulf %max3A_21, %add3A_587 : vector<16xf32>
      %eq3A_593 = arith.constant 24 : i32
      %eq3A_594 = vector.broadcast %eq3A_593 : i32 to vector<16xi32>
      %eq3A_595 = arith.cmpi eq, %get3A_15, %eq3A_594 : vector<16xi32>
      %select_n3A_596 = arith.select %eq3A_595, %mul3A_27, %neg3A_24 : vector<16xi1>, vector<16xf32>
      %add3A_597 = arith.addf %mul3A_592, %select_n3A_596 : vector<16xf32>
      %max3A_598 = arith.maximumf %max3A_575, %add3A_597 : vector<16xf32>
      %swap3A_599 = arith.constant 24 : i32
      %swap3A_600 = arith.index_cast %swap3A_599 : i32 to index
      %swap3A_601 = arith.constant 0 : index
      %swap3A_602 = tpu.vector_load %arg9[%swap3A_600, %swap3A_601] {strides = array<i32>} : memref<64x16xf32, #tpu.memory_space<vmem>>, vector<16xf32>,
      tpu.vector_store %arg9[%swap3A_600, %swap3A_601], %add3A_597 {strides = array<i32>} : memref<64x16xf32, #tpu.memory_space<vmem>>, vector<16xf32>,
      %get3A_603 = arith.constant 25 : i32
      %get3A_604 = arith.index_cast %get3A_603 : i32 to index
      %get3A_605 = arith.index_cast %mul3A_12 : i32 to index
      %get3A_606 = tpu.vector_load %arg8[%get3A_604, %get3A_605] {strides = array<i32>} : memref<64x256xf32, #tpu.memory_space<vmem>>, vector<16xf32>,
      %mul3A_607 = arith.constant 7.89683437 : f32
      %mul3A_608 = vector.broadcast %mul3A_607 : f32 to vector<16xf32>
      %mul3A_609 = arith.mulf %mul3A_608, %get3A_606 : vector<16xf32>
      %add3A_610 = arith.addf %mul3A_609, %add3A_591 : vector<16xf32>
      %mul3A_611 = arith.constant -0.207805961 : f32
      %mul3A_612 = vector.broadcast %mul3A_611 : f32 to vector<16xf32>
      %mul3A_613 = arith.mulf %mul3A_612, %get3A_606 : vector<16xf32>
      %add3A_614 = arith.addf %mul3A_613, %add3A_591 : vector<16xf32>
      %mul3A_615 = arith.mulf %max3A_21, %add3A_610 : vector<16xf32>
      %eq3A_616 = arith.constant 25 : i32
      %eq3A_617 = vector.broadcast %eq3A_616 : i32 to vector<16xi32>
      %eq3A_618 = arith.cmpi eq, %get3A_15, %eq3A_617 : vector<16xi32>
      %select_n3A_619 = arith.select %eq3A_618, %mul3A_27, %neg3A_24 : vector<16xi1>, vector<16xf32>
      %add3A_620 = arith.addf %mul3A_615, %select_n3A_619 : vector<16xf32>
      %max3A_621 = arith.maximumf %max3A_598, %add3A_620 : vector<16xf32>
      %swap3A_622 = arith.constant 25 : i32
      %swap3A_623 = arith.index_cast %swap3A_622 : i32 to index
      %swap3A_624 = arith.constant 0 : index
      %swap3A_625 = tpu.vector_load %arg9[%swap3A_623, %swap3A_624] {strides = array<i32>} : memref<64x16xf32, #tpu.memory_space<vmem>>, vector<16xf32>,
      tpu.vector_store %arg9[%swap3A_623, %swap3A_624], %add3A_620 {strides = array<i32>} : memref<64x16xf32, #tpu.memory_space<vmem>>, vector<16xf32>,
      %get3A_626 = arith.constant 26 : i32
      %get3A_627 = arith.index_cast %get3A_626 : i32 to index
      %get3A_628 = arith.index_cast %mul3A_12 : i32 to index
      %get3A_629 = tpu.vector_load %arg8[%get3A_627, %get3A_628] {strides = array<i32>} : memref<64x256xf32, #tpu.memory_space<vmem>>, vector<16xf32>,
      %mul3A_630 = arith.constant 7.89409971 : f32
      %mul3A_631 = vector.broadcast %mul3A_630 : f32 to vector<16xf32>
      %mul3A_632 = arith.mulf %mul3A_631, %get3A_629 : vector<16xf32>
      %add3A_633 = arith.addf %mul3A_632, %add3A_614 : vector<16xf32>
      %mul3A_634 = arith.constant -0.213348269 : f32
      %mul3A_635 = vector.broadcast %mul3A_634 : f32 to vector<16xf32>
      %mul3A_636 = arith.mulf %mul3A_635, %get3A_629 : vector<16xf32>
      %add3A_637 = arith.addf %mul3A_636, %add3A_614 : vector<16xf32>
      %mul3A_638 = arith.mulf %max3A_21, %add3A_633 : vector<16xf32>
      %eq3A_639 = arith.constant 26 : i32
      %eq3A_640 = vector.broadcast %eq3A_639 : i32 to vector<16xi32>
      %eq3A_641 = arith.cmpi eq, %get3A_15, %eq3A_640 : vector<16xi32>
      %select_n3A_642 = arith.select %eq3A_641, %mul3A_27, %neg3A_24 : vector<16xi1>, vector<16xf32>
      %add3A_643 = arith.addf %mul3A_638, %select_n3A_642 : vector<16xf32>
      %max3A_644 = arith.maximumf %max3A_621, %add3A_643 : vector<16xf32>
      %swap3A_645 = arith.constant 26 : i32
      %swap3A_646 = arith.index_cast %swap3A_645 : i32 to index
      %swap3A_647 = arith.constant 0 : index
      %swap3A_648 = tpu.vector_load %arg9[%swap3A_646, %swap3A_647] {strides = array<i32>} : memref<64x16xf32, #tpu.memory_space<vmem>>, vector<16xf32>,
      tpu.vector_store %arg9[%swap3A_646, %swap3A_647], %add3A_643 {strides = array<i32>} : memref<64x16xf32, #tpu.memory_space<vmem>>, vector<16xf32>,
      %get3A_649 = arith.constant 27 : i32
      %get3A_650 = arith.index_cast %get3A_649 : i32 to index
      %get3A_651 = arith.index_cast %mul3A_12 : i32 to index
      %get3A_652 = tpu.vector_load %arg8[%get3A_650, %get3A_651] {strides = array<i32>} : memref<64x256xf32, #tpu.memory_space<vmem>>, vector<16xf32>,
      %mul3A_653 = arith.constant 7.8912158 : f32
      %mul3A_654 = vector.broadcast %mul3A_653 : f32 to vector<16xf32>
      %mul3A_655 = arith.mulf %mul3A_654, %get3A_652 : vector<16xf32>
      %add3A_656 = arith.addf %mul3A_655, %add3A_637 : vector<16xf32>
      %mul3A_657 = arith.constant -0.219194353 : f32
      %mul3A_658 = vector.broadcast %mul3A_657 : f32 to vector<16xf32>
      %mul3A_659 = arith.mulf %mul3A_658, %get3A_652 : vector<16xf32>
      %add3A_660 = arith.addf %mul3A_659, %add3A_637 : vector<16xf32>
      %mul3A_661 = arith.mulf %max3A_21, %add3A_656 : vector<16xf32>
      %eq3A_662 = arith.constant 27 : i32
      %eq3A_663 = vector.broadcast %eq3A_662 : i32 to vector<16xi32>
      %eq3A_664 = arith.cmpi eq, %get3A_15, %eq3A_663 : vector<16xi32>
      %select_n3A_665 = arith.select %eq3A_664, %mul3A_27, %neg3A_24 : vector<16xi1>, vector<16xf32>
      %add3A_666 = arith.addf %mul3A_661, %select_n3A_665 : vector<16xf32>
      %max3A_667 = arith.maximumf %max3A_644, %add3A_666 : vector<16xf32>
      %swap3A_668 = arith.constant 27 : i32
      %swap3A_669 = arith.index_cast %swap3A_668 : i32 to index
      %swap3A_670 = arith.constant 0 : index
      %swap3A_671 = tpu.vector_load %arg9[%swap3A_669, %swap3A_670] {strides = array<i32>} : memref<64x16xf32, #tpu.memory_space<vmem>>, vector<16xf32>,
      tpu.vector_store %arg9[%swap3A_669, %swap3A_670], %add3A_666 {strides = array<i32>} : memref<64x16xf32, #tpu.memory_space<vmem>>, vector<16xf32>,
      %get3A_672 = arith.constant 28 : i32
      %get3A_673 = arith.index_cast %get3A_672 : i32 to index
      %get3A_674 = arith.index_cast %mul3A_12 : i32 to index
      %get3A_675 = tpu.vector_load %arg8[%get3A_673, %get3A_674] {strides = array<i32>} : memref<64x256xf32, #tpu.memory_space<vmem>>, vector<16xf32>,
      %mul3A_676 = arith.constant 7.88817119 : f32
      %mul3A_677 = vector.broadcast %mul3A_676 : f32 to vector<16xf32>
      %mul3A_678 = arith.mulf %mul3A_677, %get3A_675 : vector<16xf32>
      %add3A_679 = arith.addf %mul3A_678, %add3A_660 : vector<16xf32>
      %mul3A_680 = arith.constant -0.225369886 : f32
      %mul3A_681 = vector.broadcast %mul3A_680 : f32 to vector<16xf32>
      %mul3A_682 = arith.mulf %mul3A_681, %get3A_675 : vector<16xf32>
      %add3A_683 = arith.addf %mul3A_682, %add3A_660 : vector<16xf32>
      %mul3A_684 = arith.mulf %max3A_21, %add3A_679 : vector<16xf32>
      %eq3A_685 = arith.constant 28 : i32
      %eq3A_686 = vector.broadcast %eq3A_685 : i32 to vector<16xi32>
      %eq3A_687 = arith.cmpi eq, %get3A_15, %eq3A_686 : vector<16xi32>
      %select_n3A_688 = arith.select %eq3A_687, %mul3A_27, %neg3A_24 : vector<16xi1>, vector<16xf32>
      %add3A_689 = arith.addf %mul3A_684, %select_n3A_688 : vector<16xf32>
      %max3A_690 = arith.maximumf %max3A_667, %add3A_689 : vector<16xf32>
      %swap3A_691 = arith.constant 28 : i32
      %swap3A_692 = arith.index_cast %swap3A_691 : i32 to index
      %swap3A_693 = arith.constant 0 : index
      %swap3A_694 = tpu.vector_load %arg9[%swap3A_692, %swap3A_693] {strides = array<i32>} : memref<64x16xf32, #tpu.memory_space<vmem>>, vector<16xf32>,
      tpu.vector_store %arg9[%swap3A_692, %swap3A_693], %add3A_689 {strides = array<i32>} : memref<64x16xf32, #tpu.memory_space<vmem>>, vector<16xf32>,
      %get3A_695 = arith.constant 29 : i32
      %get3A_696 = arith.index_cast %get3A_695 : i32 to index
      %get3A_697 = arith.index_cast %mul3A_12 : i32 to index
      %get3A_698 = tpu.vector_load %arg8[%get3A_696, %get3A_697] {strides = array<i32>} : memref<64x256xf32, #tpu.memory_space<vmem>>, vector<16xf32>,
      %mul3A_699 = arith.constant 7.88495111 : f32
      %mul3A_700 = vector.broadcast %mul3A_699 : f32 to vector<16xf32>
      %mul3A_701 = arith.mulf %mul3A_700, %get3A_698 : vector<16xf32>
      %add3A_702 = arith.addf %mul3A_701, %add3A_683 : vector<16xf32>
      %mul3A_703 = arith.constant -0.231903508 : f32
      %mul3A_704 = vector.broadcast %mul3A_703 : f32 to vector<16xf32>
      %mul3A_705 = arith.mulf %mul3A_704, %get3A_698 : vector<16xf32>
      %add3A_706 = arith.addf %mul3A_705, %add3A_683 : vector<16xf32>
      %mul3A_707 = arith.mulf %max3A_21, %add3A_702 : vector<16xf32>
      %eq3A_708 = arith.constant 29 : i32
      %eq3A_709 = vector.broadcast %eq3A_708 : i32 to vector<16xi32>
      %eq3A_710 = arith.cmpi eq, %get3A_15, %eq3A_709 : vector<16xi32>
      %select_n3A_711 = arith.select %eq3A_710, %mul3A_27, %neg3A_24 : vector<16xi1>, vector<16xf32>
      %add3A_712 = arith.addf %mul3A_707, %select_n3A_711 : vector<16xf32>
      %max3A_713 = arith.maximumf %max3A_690, %add3A_712 : vector<16xf32>
      %swap3A_714 = arith.constant 29 : i32
      %swap3A_715 = arith.index_cast %swap3A_714 : i32 to index
      %swap3A_716 = arith.constant 0 : index
      %swap3A_717 = tpu.vector_load %arg9[%swap3A_715, %swap3A_716] {strides = array<i32>} : memref<64x16xf32, #tpu.memory_space<vmem>>, vector<16xf32>,
      tpu.vector_store %arg9[%swap3A_715, %swap3A_716], %add3A_712 {strides = array<i32>} : memref<64x16xf32, #tpu.memory_space<vmem>>, vector<16xf32>,
      %get3A_718 = arith.constant 30 : i32
      %get3A_719 = arith.index_cast %get3A_718 : i32 to index
      %get3A_720 = arith.index_cast %mul3A_12 : i32 to index
      %get3A_721 = tpu.vector_load %arg8[%get3A_719, %get3A_720] {strides = array<i32>} : memref<64x256xf32, #tpu.memory_space<vmem>>, vector<16xf32>,
      %mul3A_722 = arith.constant 7.881540e+00 : f32
      %mul3A_723 = vector.broadcast %mul3A_722 : f32 to vector<16xf32>
      %mul3A_724 = arith.mulf %mul3A_723, %get3A_721 : vector<16xf32>
      %add3A_725 = arith.addf %mul3A_724, %add3A_706 : vector<16xf32>
      %mul3A_726 = arith.constant -0.238827303 : f32
      %mul3A_727 = vector.broadcast %mul3A_726 : f32 to vector<16xf32>
      %mul3A_728 = arith.mulf %mul3A_727, %get3A_721 : vector<16xf32>
      %add3A_729 = arith.addf %mul3A_728, %add3A_706 : vector<16xf32>
      %mul3A_730 = arith.mulf %max3A_21, %add3A_725 : vector<16xf32>
      %eq3A_731 = arith.constant 30 : i32
      %eq3A_732 = vector.broadcast %eq3A_731 : i32 to vector<16xi32>
      %eq3A_733 = arith.cmpi eq, %get3A_15, %eq3A_732 : vector<16xi32>
      %select_n3A_734 = arith.select %eq3A_733, %mul3A_27, %neg3A_24 : vector<16xi1>, vector<16xf32>
      %add3A_735 = arith.addf %mul3A_730, %select_n3A_734 : vector<16xf32>
      %max3A_736 = arith.maximumf %max3A_713, %add3A_735 : vector<16xf32>
      %swap3A_737 = arith.constant 30 : i32
      %swap3A_738 = arith.index_cast %swap3A_737 : i32 to index
      %swap3A_739 = arith.constant 0 : index
      %swap3A_740 = tpu.vector_load %arg9[%swap3A_738, %swap3A_739] {strides = array<i32>} : memref<64x16xf32, #tpu.memory_space<vmem>>, vector<16xf32>,
      tpu.vector_store %arg9[%swap3A_738, %swap3A_739], %add3A_735 {strides = array<i32>} : memref<64x16xf32, #tpu.memory_space<vmem>>, vector<16xf32>,
      %get3A_741 = arith.constant 31 : i32
      %get3A_742 = arith.index_cast %get3A_741 : i32 to index
      %get3A_743 = arith.index_cast %mul3A_12 : i32 to index
      %get3A_744 = tpu.vector_load %arg8[%get3A_742, %get3A_743] {strides = array<i32>} : memref<64x256xf32, #tpu.memory_space<vmem>>, vector<16xf32>,
      %mul3A_745 = arith.constant 7.87792063 : f32
      %mul3A_746 = vector.broadcast %mul3A_745 : f32 to vector<16xf32>
      %mul3A_747 = arith.mulf %mul3A_746, %get3A_744 : vector<16xf32>
      %add3A_748 = arith.addf %mul3A_747, %add3A_729 : vector<16xf32>
      %mul3A_749 = arith.constant -0.246177331 : f32
      %mul3A_750 = vector.broadcast %mul3A_749 : f32 to vector<16xf32>
      %mul3A_751 = arith.mulf %mul3A_750, %get3A_744 : vector<16xf32>
      %add3A_752 = arith.addf %mul3A_751, %add3A_729 : vector<16xf32>
      %mul3A_753 = arith.mulf %max3A_21, %add3A_748 : vector<16xf32>
      %eq3A_754 = arith.constant 31 : i32
      %eq3A_755 = vector.broadcast %eq3A_754 : i32 to vector<16xi32>
      %eq3A_756 = arith.cmpi eq, %get3A_15, %eq3A_755 : vector<16xi32>
      %select_n3A_757 = arith.select %eq3A_756, %mul3A_27, %neg3A_24 : vector<16xi1>, vector<16xf32>
      %add3A_758 = arith.addf %mul3A_753, %select_n3A_757 : vector<16xf32>
      %max3A_759 = arith.maximumf %max3A_736, %add3A_758 : vector<16xf32>
      %swap3A_760 = arith.constant 31 : i32
      %swap3A_761 = arith.index_cast %swap3A_760 : i32 to index
      %swap3A_762 = arith.constant 0 : index
      %swap3A_763 = tpu.vector_load %arg9[%swap3A_761, %swap3A_762] {strides = array<i32>} : memref<64x16xf32, #tpu.memory_space<vmem>>, vector<16xf32>,
      tpu.vector_store %arg9[%swap3A_761, %swap3A_762], %add3A_758 {strides = array<i32>} : memref<64x16xf32, #tpu.memory_space<vmem>>, vector<16xf32>,
      %get3A_764 = arith.constant 32 : i32
      %get3A_765 = arith.index_cast %get3A_764 : i32 to index
      %get3A_766 = arith.index_cast %mul3A_12 : i32 to index
      %get3A_767 = tpu.vector_load %arg8[%get3A_765, %get3A_766] {strides = array<i32>} : memref<64x256xf32, #tpu.memory_space<vmem>>, vector<16xf32>,
      %mul3A_768 = arith.constant 7.87407351 : f32
      %mul3A_769 = vector.broadcast %mul3A_768 : f32 to vector<16xf32>
      %mul3A_770 = arith.mulf %mul3A_769, %get3A_767 : vector<16xf32>
      %add3A_771 = arith.addf %mul3A_770, %add3A_752 : vector<16xf32>
      %mul3A_772 = arith.constant -0.253994167 : f32
      %mul3A_773 = vector.broadcast %mul3A_772 : f32 to vector<16xf32>
      %mul3A_774 = arith.mulf %mul3A_773, %get3A_767 : vector<16xf32>
      %add3A_775 = arith.addf %mul3A_774, %add3A_752 : vector<16xf32>
      %mul3A_776 = arith.mulf %max3A_21, %add3A_771 : vector<16xf32>
      %eq3A_777 = arith.constant 32 : i32
      %eq3A_778 = vector.broadcast %eq3A_777 : i32 to vector<16xi32>
      %eq3A_779 = arith.cmpi eq, %get3A_15, %eq3A_778 : vector<16xi32>
      %select_n3A_780 = arith.select %eq3A_779, %mul3A_27, %neg3A_24 : vector<16xi1>, vector<16xf32>
      %add3A_781 = arith.addf %mul3A_776, %select_n3A_780 : vector<16xf32>
      %max3A_782 = arith.maximumf %max3A_759, %add3A_781 : vector<16xf32>
      %swap3A_783 = arith.constant 32 : i32
      %swap3A_784 = arith.index_cast %swap3A_783 : i32 to index
      %swap3A_785 = arith.constant 0 : index
      %swap3A_786 = tpu.vector_load %arg9[%swap3A_784, %swap3A_785] {strides = array<i32>} : memref<64x16xf32, #tpu.memory_space<vmem>>, vector<16xf32>,
      tpu.vector_store %arg9[%swap3A_784, %swap3A_785], %add3A_781 {strides = array<i32>} : memref<64x16xf32, #tpu.memory_space<vmem>>, vector<16xf32>,
      %get3A_787 = arith.constant 33 : i32
      %get3A_788 = arith.index_cast %get3A_787 : i32 to index
      %get3A_789 = arith.index_cast %mul3A_12 : i32 to index
      %get3A_790 = tpu.vector_load %arg8[%get3A_788, %get3A_789] {strides = array<i32>} : memref<64x256xf32, #tpu.memory_space<vmem>>, vector<16xf32>,
      %mul3A_791 = arith.constant 7.86997557 : f32
      %mul3A_792 = vector.broadcast %mul3A_791 : f32 to vector<16xf32>
      %mul3A_793 = arith.mulf %mul3A_792, %get3A_790 : vector<16xf32>
      %add3A_794 = arith.addf %mul3A_793, %add3A_775 : vector<16xf32>
      %mul3A_795 = arith.constant -0.262323767 : f32
      %mul3A_796 = vector.broadcast %mul3A_795 : f32 to vector<16xf32>
      %mul3A_797 = arith.mulf %mul3A_796, %get3A_790 : vector<16xf32>
      %add3A_798 = arith.addf %mul3A_797, %add3A_775 : vector<16xf32>
      %mul3A_799 = arith.mulf %max3A_21, %add3A_794 : vector<16xf32>
      %eq3A_800 = arith.constant 33 : i32
      %eq3A_801 = vector.broadcast %eq3A_800 : i32 to vector<16xi32>
      %eq3A_802 = arith.cmpi eq, %get3A_15, %eq3A_801 : vector<16xi32>
      %select_n3A_803 = arith.select %eq3A_802, %mul3A_27, %neg3A_24 : vector<16xi1>, vector<16xf32>
      %add3A_804 = arith.addf %mul3A_799, %select_n3A_803 : vector<16xf32>
      %max3A_805 = arith.maximumf %max3A_782, %add3A_804 : vector<16xf32>
      %swap3A_806 = arith.constant 33 : i32
      %swap3A_807 = arith.index_cast %swap3A_806 : i32 to index
      %swap3A_808 = arith.constant 0 : index
      %swap3A_809 = tpu.vector_load %arg9[%swap3A_807, %swap3A_808] {strides = array<i32>} : memref<64x16xf32, #tpu.memory_space<vmem>>, vector<16xf32>,
      tpu.vector_store %arg9[%swap3A_807, %swap3A_808], %add3A_804 {strides = array<i32>} : memref<64x16xf32, #tpu.memory_space<vmem>>, vector<16xf32>,
      %get3A_810 = arith.constant 34 : i32
      %get3A_811 = arith.index_cast %get3A_810 : i32 to index
      %get3A_812 = arith.index_cast %mul3A_12 : i32 to index
      %get3A_813 = tpu.vector_load %arg8[%get3A_811, %get3A_812] {strides = array<i32>} : memref<64x256xf32, #tpu.memory_space<vmem>>, vector<16xf32>,
      %mul3A_814 = arith.constant 7.86560249 : f32
      %mul3A_815 = vector.broadcast %mul3A_814 : f32 to vector<16xf32>
      %mul3A_816 = arith.mulf %mul3A_815, %get3A_813 : vector<16xf32>
      %add3A_817 = arith.addf %mul3A_816, %add3A_798 : vector<16xf32>
      %mul3A_818 = arith.constant -0.27121833 : f32
      %mul3A_819 = vector.broadcast %mul3A_818 : f32 to vector<16xf32>
      %mul3A_820 = arith.mulf %mul3A_819, %get3A_813 : vector<16xf32>
      %add3A_821 = arith.addf %mul3A_820, %add3A_798 : vector<16xf32>
      %mul3A_822 = arith.mulf %max3A_21, %add3A_817 : vector<16xf32>
      %eq3A_823 = arith.constant 34 : i32
      %eq3A_824 = vector.broadcast %eq3A_823 : i32 to vector<16xi32>
      %eq3A_825 = arith.cmpi eq, %get3A_15, %eq3A_824 : vector<16xi32>
      %select_n3A_826 = arith.select %eq3A_825, %mul3A_27, %neg3A_24 : vector<16xi1>, vector<16xf32>
      %add3A_827 = arith.addf %mul3A_822, %select_n3A_826 : vector<16xf32>
      %max3A_828 = arith.maximumf %max3A_805, %add3A_827 : vector<16xf32>
      %swap3A_829 = arith.constant 34 : i32
      %swap3A_830 = arith.index_cast %swap3A_829 : i32 to index
      %swap3A_831 = arith.constant 0 : index
      %swap3A_832 = tpu.vector_load %arg9[%swap3A_830, %swap3A_831] {strides = array<i32>} : memref<64x16xf32, #tpu.memory_space<vmem>>, vector<16xf32>,
      tpu.vector_store %arg9[%swap3A_830, %swap3A_831], %add3A_827 {strides = array<i32>} : memref<64x16xf32, #tpu.memory_space<vmem>>, vector<16xf32>,
      %get3A_833 = arith.constant 35 : i32
      %get3A_834 = arith.index_cast %get3A_833 : i32 to index
      %get3A_835 = arith.index_cast %mul3A_12 : i32 to index
      %get3A_836 = tpu.vector_load %arg8[%get3A_834, %get3A_835] {strides = array<i32>} : memref<64x256xf32, #tpu.memory_space<vmem>>, vector<16xf32>,
      %mul3A_837 = arith.constant 7.8609252 : f32
      %mul3A_838 = vector.broadcast %mul3A_837 : f32 to vector<16xf32>
      %mul3A_839 = arith.mulf %mul3A_838, %get3A_836 : vector<16xf32>
      %add3A_840 = arith.addf %mul3A_839, %add3A_821 : vector<16xf32>
      %mul3A_841 = arith.constant -0.280737311 : f32
      %mul3A_842 = vector.broadcast %mul3A_841 : f32 to vector<16xf32>
      %mul3A_843 = arith.mulf %mul3A_842, %get3A_836 : vector<16xf32>
      %add3A_844 = arith.addf %mul3A_843, %add3A_821 : vector<16xf32>
      %mul3A_845 = arith.mulf %max3A_21, %add3A_840 : vector<16xf32>
      %eq3A_846 = arith.constant 35 : i32
      %eq3A_847 = vector.broadcast %eq3A_846 : i32 to vector<16xi32>
      %eq3A_848 = arith.cmpi eq, %get3A_15, %eq3A_847 : vector<16xi32>
      %select_n3A_849 = arith.select %eq3A_848, %mul3A_27, %neg3A_24 : vector<16xi1>, vector<16xf32>
      %add3A_850 = arith.addf %mul3A_845, %select_n3A_849 : vector<16xf32>
      %max3A_851 = arith.maximumf %max3A_828, %add3A_850 : vector<16xf32>
      %swap3A_852 = arith.constant 35 : i32
      %swap3A_853 = arith.index_cast %swap3A_852 : i32 to index
      %swap3A_854 = arith.constant 0 : index
      %swap3A_855 = tpu.vector_load %arg9[%swap3A_853, %swap3A_854] {strides = array<i32>} : memref<64x16xf32, #tpu.memory_space<vmem>>, vector<16xf32>,
      tpu.vector_store %arg9[%swap3A_853, %swap3A_854], %add3A_850 {strides = array<i32>} : memref<64x16xf32, #tpu.memory_space<vmem>>, vector<16xf32>,
      %get3A_856 = arith.constant 36 : i32
      %get3A_857 = arith.index_cast %get3A_856 : i32 to index
      %get3A_858 = arith.index_cast %mul3A_12 : i32 to index
      %get3A_859 = tpu.vector_load %arg8[%get3A_857, %get3A_858] {strides = array<i32>} : memref<64x256xf32, #tpu.memory_space<vmem>>, vector<16xf32>,
      %mul3A_860 = arith.constant 7.85591078 : f32
      %mul3A_861 = vector.broadcast %mul3A_860 : f32 to vector<16xf32>
      %mul3A_862 = arith.mulf %mul3A_861, %get3A_859 : vector<16xf32>
      %add3A_863 = arith.addf %mul3A_862, %add3A_844 : vector<16xf32>
      %mul3A_864 = arith.constant -0.290948868 : f32
      %mul3A_865 = vector.broadcast %mul3A_864 : f32 to vector<16xf32>
      %mul3A_866 = arith.mulf %mul3A_865, %get3A_859 : vector<16xf32>
      %add3A_867 = arith.addf %mul3A_866, %add3A_844 : vector<16xf32>
      %mul3A_868 = arith.mulf %max3A_21, %add3A_863 : vector<16xf32>
      %eq3A_869 = arith.constant 36 : i32
      %eq3A_870 = vector.broadcast %eq3A_869 : i32 to vector<16xi32>
      %eq3A_871 = arith.cmpi eq, %get3A_15, %eq3A_870 : vector<16xi32>
      %select_n3A_872 = arith.select %eq3A_871, %mul3A_27, %neg3A_24 : vector<16xi1>, vector<16xf32>
      %add3A_873 = arith.addf %mul3A_868, %select_n3A_872 : vector<16xf32>
      %max3A_874 = arith.maximumf %max3A_851, %add3A_873 : vector<16xf32>
      %swap3A_875 = arith.constant 36 : i32
      %swap3A_876 = arith.index_cast %swap3A_875 : i32 to index
      %swap3A_877 = arith.constant 0 : index
      %swap3A_878 = tpu.vector_load %arg9[%swap3A_876, %swap3A_877] {strides = array<i32>} : memref<64x16xf32, #tpu.memory_space<vmem>>, vector<16xf32>,
      tpu.vector_store %arg9[%swap3A_876, %swap3A_877], %add3A_873 {strides = array<i32>} : memref<64x16xf32, #tpu.memory_space<vmem>>, vector<16xf32>,
      %get3A_879 = arith.constant 37 : i32
      %get3A_880 = arith.index_cast %get3A_879 : i32 to index
      %get3A_881 = arith.index_cast %mul3A_12 : i32 to index
      %get3A_882 = tpu.vector_load %arg8[%get3A_880, %get3A_881] {strides = array<i32>} : memref<64x256xf32, #tpu.memory_space<vmem>>, vector<16xf32>,
      %mul3A_883 = arith.constant 7.85052109 : f32
      %mul3A_884 = vector.broadcast %mul3A_883 : f32 to vector<16xf32>
      %mul3A_885 = arith.mulf %mul3A_884, %get3A_882 : vector<16xf32>
      %add3A_886 = arith.addf %mul3A_885, %add3A_867 : vector<16xf32>
      %mul3A_887 = arith.constant -0.3019315 : f32
      %mul3A_888 = vector.broadcast %mul3A_887 : f32 to vector<16xf32>
      %mul3A_889 = arith.mulf %mul3A_888, %get3A_882 : vector<16xf32>
      %add3A_890 = arith.addf %mul3A_889, %add3A_867 : vector<16xf32>
      %mul3A_891 = arith.mulf %max3A_21, %add3A_886 : vector<16xf32>
      %eq3A_892 = arith.constant 37 : i32
      %eq3A_893 = vector.broadcast %eq3A_892 : i32 to vector<16xi32>
      %eq3A_894 = arith.cmpi eq, %get3A_15, %eq3A_893 : vector<16xi32>
      %select_n3A_895 = arith.select %eq3A_894, %mul3A_27, %neg3A_24 : vector<16xi1>, vector<16xf32>
      %add3A_896 = arith.addf %mul3A_891, %select_n3A_895 : vector<16xf32>
      %max3A_897 = arith.maximumf %max3A_874, %add3A_896 : vector<16xf32>
      %swap3A_898 = arith.constant 37 : i32
      %swap3A_899 = arith.index_cast %swap3A_898 : i32 to index
      %swap3A_900 = arith.constant 0 : index
      %swap3A_901 = tpu.vector_load %arg9[%swap3A_899, %swap3A_900] {strides = array<i32>} : memref<64x16xf32, #tpu.memory_space<vmem>>, vector<16xf32>,
      tpu.vector_store %arg9[%swap3A_899, %swap3A_900], %add3A_896 {strides = array<i32>} : memref<64x16xf32, #tpu.memory_space<vmem>>, vector<16xf32>,
      %get3A_902 = arith.constant 38 : i32
      %get3A_903 = arith.index_cast %get3A_902 : i32 to index
      %get3A_904 = arith.index_cast %mul3A_12 : i32 to index
      %get3A_905 = tpu.vector_load %arg8[%get3A_903, %get3A_904] {strides = array<i32>} : memref<64x256xf32, #tpu.memory_space<vmem>>, vector<16xf32>,
      %mul3A_906 = arith.constant 7.84471273 : f32
      %mul3A_907 = vector.broadcast %mul3A_906 : f32 to vector<16xf32>
      %mul3A_908 = arith.mulf %mul3A_907, %get3A_905 : vector<16xf32>
      %add3A_909 = arith.addf %mul3A_908, %add3A_890 : vector<16xf32>
      %mul3A_910 = arith.constant -0.313775957 : f32
      %mul3A_911 = vector.broadcast %mul3A_910 : f32 to vector<16xf32>
      %mul3A_912 = arith.mulf %mul3A_911, %get3A_905 : vector<16xf32>
      %add3A_913 = arith.addf %mul3A_912, %add3A_890 : vector<16xf32>
      %mul3A_914 = arith.mulf %max3A_21, %add3A_909 : vector<16xf32>
      %eq3A_915 = arith.constant 38 : i32
      %eq3A_916 = vector.broadcast %eq3A_915 : i32 to vector<16xi32>
      %eq3A_917 = arith.cmpi eq, %get3A_15, %eq3A_916 : vector<16xi32>
      %select_n3A_918 = arith.select %eq3A_917, %mul3A_27, %neg3A_24 : vector<16xi1>, vector<16xf32>
      %add3A_919 = arith.addf %mul3A_914, %select_n3A_918 : vector<16xf32>
      %max3A_920 = arith.maximumf %max3A_897, %add3A_919 : vector<16xf32>
      %swap3A_921 = arith.constant 38 : i32
      %swap3A_922 = arith.index_cast %swap3A_921 : i32 to index
      %swap3A_923 = arith.constant 0 : index
      %swap3A_924 = tpu.vector_load %arg9[%swap3A_922, %swap3A_923] {strides = array<i32>} : memref<64x16xf32, #tpu.memory_space<vmem>>, vector<16xf32>,
      tpu.vector_store %arg9[%swap3A_922, %swap3A_923], %add3A_919 {strides = array<i32>} : memref<64x16xf32, #tpu.memory_space<vmem>>, vector<16xf32>,
      %get3A_925 = arith.constant 39 : i32
      %get3A_926 = arith.index_cast %get3A_925 : i32 to index
      %get3A_927 = arith.index_cast %mul3A_12 : i32 to index
      %get3A_928 = tpu.vector_load %arg8[%get3A_926, %get3A_927] {strides = array<i32>} : memref<64x256xf32, #tpu.memory_space<vmem>>, vector<16xf32>,
      %mul3A_929 = arith.constant 7.83843517 : f32
      %mul3A_930 = vector.broadcast %mul3A_929 : f32 to vector<16xf32>
      %mul3A_931 = arith.mulf %mul3A_930, %get3A_928 : vector<16xf32>
      %add3A_932 = arith.addf %mul3A_931, %add3A_913 : vector<16xf32>
      %mul3A_933 = arith.constant -0.326587856 : f32
      %mul3A_934 = vector.broadcast %mul3A_933 : f32 to vector<16xf32>
      %mul3A_935 = arith.mulf %mul3A_934, %get3A_928 : vector<16xf32>
      %add3A_936 = arith.addf %mul3A_935, %add3A_913 : vector<16xf32>
      %mul3A_937 = arith.mulf %max3A_21, %add3A_932 : vector<16xf32>
      %eq3A_938 = arith.constant 39 : i32
      %eq3A_939 = vector.broadcast %eq3A_938 : i32 to vector<16xi32>
      %eq3A_940 = arith.cmpi eq, %get3A_15, %eq3A_939 : vector<16xi32>
      %select_n3A_941 = arith.select %eq3A_940, %mul3A_27, %neg3A_24 : vector<16xi1>, vector<16xf32>
      %add3A_942 = arith.addf %mul3A_937, %select_n3A_941 : vector<16xf32>
      %max3A_943 = arith.maximumf %max3A_920, %add3A_942 : vector<16xf32>
      %swap3A_944 = arith.constant 39 : i32
      %swap3A_945 = arith.index_cast %swap3A_944 : i32 to index
      %swap3A_946 = arith.constant 0 : index
      %swap3A_947 = tpu.vector_load %arg9[%swap3A_945, %swap3A_946] {strides = array<i32>} : memref<64x16xf32, #tpu.memory_space<vmem>>, vector<16xf32>,
      tpu.vector_store %arg9[%swap3A_945, %swap3A_946], %add3A_942 {strides = array<i32>} : memref<64x16xf32, #tpu.memory_space<vmem>>, vector<16xf32>,
      %get3A_948 = arith.constant 40 : i32
      %get3A_949 = arith.index_cast %get3A_948 : i32 to index
      %get3A_950 = arith.index_cast %mul3A_12 : i32 to index
      %get3A_951 = tpu.vector_load %arg8[%get3A_949, %get3A_950] {strides = array<i32>} : memref<64x256xf32, #tpu.memory_space<vmem>>, vector<16xf32>,
      %mul3A_952 = arith.constant 7.83162832 : f32
      %mul3A_953 = vector.broadcast %mul3A_952 : f32 to vector<16xf32>
      %mul3A_954 = arith.mulf %mul3A_953, %get3A_951 : vector<16xf32>
      %add3A_955 = arith.addf %mul3A_954, %add3A_936 : vector<16xf32>
      %mul3A_956 = arith.constant -0.340490788 : f32
      %mul3A_957 = vector.broadcast %mul3A_956 : f32 to vector<16xf32>
      %mul3A_958 = arith.mulf %mul3A_957, %get3A_951 : vector<16xf32>
      %add3A_959 = arith.addf %mul3A_958, %add3A_936 : vector<16xf32>
      %mul3A_960 = arith.mulf %max3A_21, %add3A_955 : vector<16xf32>
      %eq3A_961 = arith.constant 40 : i32
      %eq3A_962 = vector.broadcast %eq3A_961 : i32 to vector<16xi32>
      %eq3A_963 = arith.cmpi eq, %get3A_15, %eq3A_962 : vector<16xi32>
      %select_n3A_964 = arith.select %eq3A_963, %mul3A_27, %neg3A_24 : vector<16xi1>, vector<16xf32>
      %add3A_965 = arith.addf %mul3A_960, %select_n3A_964 : vector<16xf32>
      %max3A_966 = arith.maximumf %max3A_943, %add3A_965 : vector<16xf32>
      %swap3A_967 = arith.constant 40 : i32
      %swap3A_968 = arith.index_cast %swap3A_967 : i32 to index
      %swap3A_969 = arith.constant 0 : index
      %swap3A_970 = tpu.vector_load %arg9[%swap3A_968, %swap3A_969] {strides = array<i32>} : memref<64x16xf32, #tpu.memory_space<vmem>>, vector<16xf32>,
      tpu.vector_store %arg9[%swap3A_968, %swap3A_969], %add3A_965 {strides = array<i32>} : memref<64x16xf32, #tpu.memory_space<vmem>>, vector<16xf32>,
      %get3A_971 = arith.constant 41 : i32
      %get3A_972 = arith.index_cast %get3A_971 : i32 to index
      %get3A_973 = arith.index_cast %mul3A_12 : i32 to index
      %get3A_974 = tpu.vector_load %arg8[%get3A_972, %get3A_973] {strides = array<i32>} : memref<64x256xf32, #tpu.memory_space<vmem>>, vector<16xf32>,
      %mul3A_975 = arith.constant 7.82422304 : f32
      %mul3A_976 = vector.broadcast %mul3A_975 : f32 to vector<16xf32>
      %mul3A_977 = arith.mulf %mul3A_976, %get3A_974 : vector<16xf32>
      %add3A_978 = arith.addf %mul3A_977, %add3A_959 : vector<16xf32>
      %mul3A_979 = arith.constant -0.355630338 : f32
      %mul3A_980 = vector.broadcast %mul3A_979 : f32 to vector<16xf32>
      %mul3A_981 = arith.mulf %mul3A_980, %get3A_974 : vector<16xf32>
      %add3A_982 = arith.addf %mul3A_981, %add3A_959 : vector<16xf32>
      %mul3A_983 = arith.mulf %max3A_21, %add3A_978 : vector<16xf32>
      %eq3A_984 = arith.constant 41 : i32
      %eq3A_985 = vector.broadcast %eq3A_984 : i32 to vector<16xi32>
      %eq3A_986 = arith.cmpi eq, %get3A_15, %eq3A_985 : vector<16xi32>
      %select_n3A_987 = arith.select %eq3A_986, %mul3A_27, %neg3A_24 : vector<16xi1>, vector<16xf32>
      %add3A_988 = arith.addf %mul3A_983, %select_n3A_987 : vector<16xf32>
      %max3A_989 = arith.maximumf %max3A_966, %add3A_988 : vector<16xf32>
      %swap3A_990 = arith.constant 41 : i32
      %swap3A_991 = arith.index_cast %swap3A_990 : i32 to index
      %swap3A_992 = arith.constant 0 : index
      %swap3A_993 = tpu.vector_load %arg9[%swap3A_991, %swap3A_992] {strides = array<i32>} : memref<64x16xf32, #tpu.memory_space<vmem>>, vector<16xf32>,
      tpu.vector_store %arg9[%swap3A_991, %swap3A_992], %add3A_988 {strides = array<i32>} : memref<64x16xf32, #tpu.memory_space<vmem>>, vector<16xf32>,
      %get3A_994 = arith.constant 42 : i32
      %get3A_995 = arith.index_cast %get3A_994 : i32 to index
      %get3A_996 = arith.index_cast %mul3A_12 : i32 to index
      %get3A_997 = tpu.vector_load %arg8[%get3A_995, %get3A_996] {strides = array<i32>} : memref<64x256xf32, #tpu.memory_space<vmem>>, vector<16xf32>,
      %mul3A_998 = arith.constant 7.81613684 : f32
      %mul3A_999 = vector.broadcast %mul3A_998 : f32 to vector<16xf32>
      %mul3A_1000 = arith.mulf %mul3A_999, %get3A_997 : vector<16xf32>
      %add3A_1001 = arith.addf %mul3A_1000, %add3A_982 : vector<16xf32>
      %mul3A_1002 = arith.constant -0.37217927 : f32
      %mul3A_1003 = vector.broadcast %mul3A_1002 : f32 to vector<16xf32>
      %mul3A_1004 = arith.mulf %mul3A_1003, %get3A_997 : vector<16xf32>
      %add3A_1005 = arith.addf %mul3A_1004, %add3A_982 : vector<16xf32>
      %mul3A_1006 = arith.mulf %max3A_21, %add3A_1001 : vector<16xf32>
      %eq3A_1007 = arith.constant 42 : i32
      %eq3A_1008 = vector.broadcast %eq3A_1007 : i32 to vector<16xi32>
      %eq3A_1009 = arith.cmpi eq, %get3A_15, %eq3A_1008 : vector<16xi32>
      %select_n3A_1010 = arith.select %eq3A_1009, %mul3A_27, %neg3A_24 : vector<16xi1>, vector<16xf32>
      %add3A_1011 = arith.addf %mul3A_1006, %select_n3A_1010 : vector<16xf32>
      %max3A_1012 = arith.maximumf %max3A_989, %add3A_1011 : vector<16xf32>
      %swap3A_1013 = arith.constant 42 : i32
      %swap3A_1014 = arith.index_cast %swap3A_1013 : i32 to index
      %swap3A_1015 = arith.constant 0 : index
      %swap3A_1016 = tpu.vector_load %arg9[%swap3A_1014, %swap3A_1015] {strides = array<i32>} : memref<64x16xf32, #tpu.memory_space<vmem>>, vector<16xf32>,
      tpu.vector_store %arg9[%swap3A_1014, %swap3A_1015], %add3A_1011 {strides = array<i32>} : memref<64x16xf32, #tpu.memory_space<vmem>>, vector<16xf32>,
      %get3A_1017 = arith.constant 43 : i32
      %get3A_1018 = arith.index_cast %get3A_1017 : i32 to index
      %get3A_1019 = arith.index_cast %mul3A_12 : i32 to index
      %get3A_1020 = tpu.vector_load %arg8[%get3A_1018, %get3A_1019] {strides = array<i32>} : memref<64x256xf32, #tpu.memory_space<vmem>>, vector<16xf32>,
      %mul3A_1021 = arith.constant 7.807271 : f32
      %mul3A_1022 = vector.broadcast %mul3A_1021 : f32 to vector<16xf32>
      %mul3A_1023 = arith.mulf %mul3A_1022, %get3A_1020 : vector<16xf32>
      %add3A_1024 = arith.addf %mul3A_1023, %add3A_1005 : vector<16xf32>
      %mul3A_1025 = arith.constant -0.390344024 : f32
      %mul3A_1026 = vector.broadcast %mul3A_1025 : f32 to vector<16xf32>
      %mul3A_1027 = arith.mulf %mul3A_1026, %get3A_1020 : vector<16xf32>
      %add3A_1028 = arith.addf %mul3A_1027, %add3A_1005 : vector<16xf32>
      %mul3A_1029 = arith.mulf %max3A_21, %add3A_1024 : vector<16xf32>
      %eq3A_1030 = arith.constant 43 : i32
      %eq3A_1031 = vector.broadcast %eq3A_1030 : i32 to vector<16xi32>
      %eq3A_1032 = arith.cmpi eq, %get3A_15, %eq3A_1031 : vector<16xi32>
      %select_n3A_1033 = arith.select %eq3A_1032, %mul3A_27, %neg3A_24 : vector<16xi1>, vector<16xf32>
      %add3A_1034 = arith.addf %mul3A_1029, %select_n3A_1033 : vector<16xf32>
      %max3A_1035 = arith.maximumf %max3A_1012, %add3A_1034 : vector<16xf32>
      %swap3A_1036 = arith.constant 43 : i32
      %swap3A_1037 = arith.index_cast %swap3A_1036 : i32 to index
      %swap3A_1038 = arith.constant 0 : index
      %swap3A_1039 = tpu.vector_load %arg9[%swap3A_1037, %swap3A_1038] {strides = array<i32>} : memref<64x16xf32, #tpu.memory_space<vmem>>, vector<16xf32>,
      tpu.vector_store %arg9[%swap3A_1037, %swap3A_1038], %add3A_1034 {strides = array<i32>} : memref<64x16xf32, #tpu.memory_space<vmem>>, vector<16xf32>,
      %get3A_1040 = arith.constant 44 : i32
      %get3A_1041 = arith.index_cast %get3A_1040 : i32 to index
      %get3A_1042 = arith.index_cast %mul3A_12 : i32 to index
      %get3A_1043 = tpu.vector_load %arg8[%get3A_1041, %get3A_1042] {strides = array<i32>} : memref<64x256xf32, #tpu.memory_space<vmem>>, vector<16xf32>,
      %mul3A_1044 = arith.constant 7.79750681 : f32
      %mul3A_1045 = vector.broadcast %mul3A_1044 : f32 to vector<16xf32>
      %mul3A_1046 = arith.mulf %mul3A_1045, %get3A_1043 : vector<16xf32>
      %add3A_1047 = arith.addf %mul3A_1046, %add3A_1028 : vector<16xf32>
      %mul3A_1048 = arith.constant -0.410373479 : f32
      %mul3A_1049 = vector.broadcast %mul3A_1048 : f32 to vector<16xf32>
      %mul3A_1050 = arith.mulf %mul3A_1049, %get3A_1043 : vector<16xf32>
      %add3A_1051 = arith.addf %mul3A_1050, %add3A_1028 : vector<16xf32>
      %mul3A_1052 = arith.mulf %max3A_21, %add3A_1047 : vector<16xf32>
      %eq3A_1053 = arith.constant 44 : i32
      %eq3A_1054 = vector.broadcast %eq3A_1053 : i32 to vector<16xi32>
      %eq3A_1055 = arith.cmpi eq, %get3A_15, %eq3A_1054 : vector<16xi32>
      %select_n3A_1056 = arith.select %eq3A_1055, %mul3A_27, %neg3A_24 : vector<16xi1>, vector<16xf32>
      %add3A_1057 = arith.addf %mul3A_1052, %select_n3A_1056 : vector<16xf32>
      %max3A_1058 = arith.maximumf %max3A_1035, %add3A_1057 : vector<16xf32>
      %swap3A_1059 = arith.constant 44 : i32
      %swap3A_1060 = arith.index_cast %swap3A_1059 : i32 to index
      %swap3A_1061 = arith.constant 0 : index
      %swap3A_1062 = tpu.vector_load %arg9[%swap3A_1060, %swap3A_1061] {strides = array<i32>} : memref<64x16xf32, #tpu.memory_space<vmem>>, vector<16xf32>,
      tpu.vector_store %arg9[%swap3A_1060, %swap3A_1061], %add3A_1057 {strides = array<i32>} : memref<64x16xf32, #tpu.memory_space<vmem>>, vector<16xf32>,
      %get3A_1063 = arith.constant 45 : i32
      %get3A_1064 = arith.index_cast %get3A_1063 : i32 to index
      %get3A_1065 = arith.index_cast %mul3A_12 : i32 to index
      %get3A_1066 = tpu.vector_load %arg8[%get3A_1064, %get3A_1065] {strides = array<i32>} : memref<64x256xf32, #tpu.memory_space<vmem>>, vector<16xf32>,
      %mul3A_1067 = arith.constant 7.78670024 : f32
      %mul3A_1068 = vector.broadcast %mul3A_1067 : f32 to vector<16xf32>
      %mul3A_1069 = arith.mulf %mul3A_1068, %get3A_1066 : vector<16xf32>
      %add3A_1070 = arith.addf %mul3A_1069, %add3A_1051 : vector<16xf32>
      %mul3A_1071 = arith.constant -0.432570428 : f32
      %mul3A_1072 = vector.broadcast %mul3A_1071 : f32 to vector<16xf32>
      %mul3A_1073 = arith.mulf %mul3A_1072, %get3A_1066 : vector<16xf32>
      %add3A_1074 = arith.addf %mul3A_1073, %add3A_1051 : vector<16xf32>
      %mul3A_1075 = arith.mulf %max3A_21, %add3A_1070 : vector<16xf32>
      %eq3A_1076 = arith.constant 45 : i32
      %eq3A_1077 = vector.broadcast %eq3A_1076 : i32 to vector<16xi32>
      %eq3A_1078 = arith.cmpi eq, %get3A_15, %eq3A_1077 : vector<16xi32>
      %select_n3A_1079 = arith.select %eq3A_1078, %mul3A_27, %neg3A_24 : vector<16xi1>, vector<16xf32>
      %add3A_1080 = arith.addf %mul3A_1075, %select_n3A_1079 : vector<16xf32>
      %max3A_1081 = arith.maximumf %max3A_1058, %add3A_1080 : vector<16xf32>
      %swap3A_1082 = arith.constant 45 : i32
      %swap3A_1083 = arith.index_cast %swap3A_1082 : i32 to index
      %swap3A_1084 = arith.constant 0 : index
      %swap3A_1085 = tpu.vector_load %arg9[%swap3A_1083, %swap3A_1084] {strides = array<i32>} : memref<64x16xf32, #tpu.memory_space<vmem>>, vector<16xf32>,
      tpu.vector_store %arg9[%swap3A_1083, %swap3A_1084], %add3A_1080 {strides = array<i32>} : memref<64x16xf32, #tpu.memory_space<vmem>>, vector<16xf32>,
      %get3A_1086 = arith.constant 46 : i32
      %get3A_1087 = arith.index_cast %get3A_1086 : i32 to index
      %get3A_1088 = arith.index_cast %mul3A_12 : i32 to index
      %get3A_1089 = tpu.vector_load %arg8[%get3A_1087, %get3A_1088] {strides = array<i32>} : memref<64x256xf32, #tpu.memory_space<vmem>>, vector<16xf32>,
      %mul3A_1090 = arith.constant 7.77467585 : f32
      %mul3A_1091 = vector.broadcast %mul3A_1090 : f32 to vector<16xf32>
      %mul3A_1092 = arith.mulf %mul3A_1091, %get3A_1089 : vector<16xf32>
      %add3A_1093 = arith.addf %mul3A_1092, %add3A_1074 : vector<16xf32>
      %mul3A_1094 = arith.constant -0.457306981 : f32
      %mul3A_1095 = vector.broadcast %mul3A_1094 : f32 to vector<16xf32>
      %mul3A_1096 = arith.mulf %mul3A_1095, %get3A_1089 : vector<16xf32>
      %add3A_1097 = arith.addf %mul3A_1096, %add3A_1074 : vector<16xf32>
      %mul3A_1098 = arith.mulf %max3A_21, %add3A_1093 : vector<16xf32>
      %eq3A_1099 = arith.constant 46 : i32
      %eq3A_1100 = vector.broadcast %eq3A_1099 : i32 to vector<16xi32>
      %eq3A_1101 = arith.cmpi eq, %get3A_15, %eq3A_1100 : vector<16xi32>
      %select_n3A_1102 = arith.select %eq3A_1101, %mul3A_27, %neg3A_24 : vector<16xi1>, vector<16xf32>
      %add3A_1103 = arith.addf %mul3A_1098, %select_n3A_1102 : vector<16xf32>
      %max3A_1104 = arith.maximumf %max3A_1081, %add3A_1103 : vector<16xf32>
      %swap3A_1105 = arith.constant 46 : i32
      %swap3A_1106 = arith.index_cast %swap3A_1105 : i32 to index
      %swap3A_1107 = arith.constant 0 : index
      %swap3A_1108 = tpu.vector_load %arg9[%swap3A_1106, %swap3A_1107] {strides = array<i32>} : memref<64x16xf32, #tpu.memory_space<vmem>>, vector<16xf32>,
      tpu.vector_store %arg9[%swap3A_1106, %swap3A_1107], %add3A_1103 {strides = array<i32>} : memref<64x16xf32, #tpu.memory_space<vmem>>, vector<16xf32>,
      %get3A_1109 = arith.constant 47 : i32
      %get3A_1110 = arith.index_cast %get3A_1109 : i32 to index
      %get3A_1111 = arith.index_cast %mul3A_12 : i32 to index
      %get3A_1112 = tpu.vector_load %arg8[%get3A_1110, %get3A_1111] {strides = array<i32>} : memref<64x256xf32, #tpu.memory_space<vmem>>, vector<16xf32>,
      %mul3A_1113 = arith.constant 7.76121473 : f32
      %mul3A_1114 = vector.broadcast %mul3A_1113 : f32 to vector<16xf32>
      %mul3A_1115 = arith.mulf %mul3A_1114, %get3A_1112 : vector<16xf32>
      %add3A_1116 = arith.addf %mul3A_1115, %add3A_1097 : vector<16xf32>
      %mul3A_1117 = arith.constant -0.485045612 : f32
      %mul3A_1118 = vector.broadcast %mul3A_1117 : f32 to vector<16xf32>
      %mul3A_1119 = arith.mulf %mul3A_1118, %get3A_1112 : vector<16xf32>
      %add3A_1120 = arith.addf %mul3A_1119, %add3A_1097 : vector<16xf32>
      %mul3A_1121 = arith.mulf %max3A_21, %add3A_1116 : vector<16xf32>
      %eq3A_1122 = arith.constant 47 : i32
      %eq3A_1123 = vector.broadcast %eq3A_1122 : i32 to vector<16xi32>
      %eq3A_1124 = arith.cmpi eq, %get3A_15, %eq3A_1123 : vector<16xi32>
      %select_n3A_1125 = arith.select %eq3A_1124, %mul3A_27, %neg3A_24 : vector<16xi1>, vector<16xf32>
      %add3A_1126 = arith.addf %mul3A_1121, %select_n3A_1125 : vector<16xf32>
      %max3A_1127 = arith.maximumf %max3A_1104, %add3A_1126 : vector<16xf32>
      %swap3A_1128 = arith.constant 47 : i32
      %swap3A_1129 = arith.index_cast %swap3A_1128 : i32 to index
      %swap3A_1130 = arith.constant 0 : index
      %swap3A_1131 = tpu.vector_load %arg9[%swap3A_1129, %swap3A_1130] {strides = array<i32>} : memref<64x16xf32, #tpu.memory_space<vmem>>, vector<16xf32>,
      tpu.vector_store %arg9[%swap3A_1129, %swap3A_1130], %add3A_1126 {strides = array<i32>} : memref<64x16xf32, #tpu.memory_space<vmem>>, vector<16xf32>,
      %get3A_1132 = arith.constant 48 : i32
      %get3A_1133 = arith.index_cast %get3A_1132 : i32 to index
      %get3A_1134 = arith.index_cast %mul3A_12 : i32 to index
      %get3A_1135 = tpu.vector_load %arg8[%get3A_1133, %get3A_1134] {strides = array<i32>} : memref<64x256xf32, #tpu.memory_space<vmem>>, vector<16xf32>,
      %mul3A_1136 = arith.constant 7.7460432 : f32
      %mul3A_1137 = vector.broadcast %mul3A_1136 : f32 to vector<16xf32>
      %mul3A_1138 = arith.mulf %mul3A_1137, %get3A_1135 : vector<16xf32>
      %add3A_1139 = arith.addf %mul3A_1138, %add3A_1120 : vector<16xf32>
      %mul3A_1140 = arith.constant -0.516368449 : f32
      %mul3A_1141 = vector.broadcast %mul3A_1140 : f32 to vector<16xf32>
      %mul3A_1142 = arith.mulf %mul3A_1141, %get3A_1135 : vector<16xf32>
      %add3A_1143 = arith.addf %mul3A_1142, %add3A_1120 : vector<16xf32>
      %mul3A_1144 = arith.mulf %max3A_21, %add3A_1139 : vector<16xf32>
      %eq3A_1145 = arith.constant 48 : i32
      %eq3A_1146 = vector.broadcast %eq3A_1145 : i32 to vector<16xi32>
      %eq3A_1147 = arith.cmpi eq, %get3A_15, %eq3A_1146 : vector<16xi32>
      %select_n3A_1148 = arith.select %eq3A_1147, %mul3A_27, %neg3A_24 : vector<16xi1>, vector<16xf32>
      %add3A_1149 = arith.addf %mul3A_1144, %select_n3A_1148 : vector<16xf32>
      %max3A_1150 = arith.maximumf %max3A_1127, %add3A_1149 : vector<16xf32>
      %swap3A_1151 = arith.constant 48 : i32
      %swap3A_1152 = arith.index_cast %swap3A_1151 : i32 to index
      %swap3A_1153 = arith.constant 0 : index
      %swap3A_1154 = tpu.vector_load %arg9[%swap3A_1152, %swap3A_1153] {strides = array<i32>} : memref<64x16xf32, #tpu.memory_space<vmem>>, vector<16xf32>,
      tpu.vector_store %arg9[%swap3A_1152, %swap3A_1153], %add3A_1149 {strides = array<i32>} : memref<64x16xf32, #tpu.memory_space<vmem>>, vector<16xf32>,
      %get3A_1155 = arith.constant 49 : i32
      %get3A_1156 = arith.index_cast %get3A_1155 : i32 to index
      %get3A_1157 = arith.index_cast %mul3A_12 : i32 to index
      %get3A_1158 = tpu.vector_load %arg8[%get3A_1156, %get3A_1157] {strides = array<i32>} : memref<64x256xf32, #tpu.memory_space<vmem>>, vector<16xf32>,
      %mul3A_1159 = arith.constant 7.72881317 : f32
      %mul3A_1160 = vector.broadcast %mul3A_1159 : f32 to vector<16xf32>
      %mul3A_1161 = arith.mulf %mul3A_1160, %get3A_1158 : vector<16xf32>
      %add3A_1162 = arith.addf %mul3A_1161, %add3A_1143 : vector<16xf32>
      %mul3A_1163 = arith.constant -0.552018642 : f32
      %mul3A_1164 = vector.broadcast %mul3A_1163 : f32 to vector<16xf32>
      %mul3A_1165 = arith.mulf %mul3A_1164, %get3A_1158 : vector<16xf32>
      %add3A_1166 = arith.addf %mul3A_1165, %add3A_1143 : vector<16xf32>
      %mul3A_1167 = arith.mulf %max3A_21, %add3A_1162 : vector<16xf32>
      %eq3A_1168 = arith.constant 49 : i32
      %eq3A_1169 = vector.broadcast %eq3A_1168 : i32 to vector<16xi32>
      %eq3A_1170 = arith.cmpi eq, %get3A_15, %eq3A_1169 : vector<16xi32>
      %select_n3A_1171 = arith.select %eq3A_1170, %mul3A_27, %neg3A_24 : vector<16xi1>, vector<16xf32>
      %add3A_1172 = arith.addf %mul3A_1167, %select_n3A_1171 : vector<16xf32>
      %max3A_1173 = arith.maximumf %max3A_1150, %add3A_1172 : vector<16xf32>
      %swap3A_1174 = arith.constant 49 : i32
      %swap3A_1175 = arith.index_cast %swap3A_1174 : i32 to index
      %swap3A_1176 = arith.constant 0 : index
      %swap3A_1177 = tpu.vector_load %arg9[%swap3A_1175, %swap3A_1176] {strides = array<i32>} : memref<64x16xf32, #tpu.memory_space<vmem>>, vector<16xf32>,
      tpu.vector_store %arg9[%swap3A_1175, %swap3A_1176], %add3A_1172 {strides = array<i32>} : memref<64x16xf32, #tpu.memory_space<vmem>>, vector<16xf32>,
      %get3A_1178 = arith.constant 50 : i32
      %get3A_1179 = arith.index_cast %get3A_1178 : i32 to index
      %get3A_1180 = arith.index_cast %mul3A_12 : i32 to index
      %get3A_1181 = tpu.vector_load %arg8[%get3A_1179, %get3A_1180] {strides = array<i32>} : memref<64x256xf32, #tpu.memory_space<vmem>>, vector<16xf32>,
      %mul3A_1182 = arith.constant 7.7090745 : f32
      %mul3A_1183 = vector.broadcast %mul3A_1182 : f32 to vector<16xf32>
      %mul3A_1184 = arith.mulf %mul3A_1183, %get3A_1181 : vector<16xf32>
      %add3A_1185 = arith.addf %mul3A_1184, %add3A_1166 : vector<16xf32>
      %mul3A_1186 = arith.constant -0.592960119 : f32
      %mul3A_1187 = vector.broadcast %mul3A_1186 : f32 to vector<16xf32>
      %mul3A_1188 = arith.mulf %mul3A_1187, %get3A_1181 : vector<16xf32>
      %add3A_1189 = arith.addf %mul3A_1188, %add3A_1166 : vector<16xf32>
      %mul3A_1190 = arith.mulf %max3A_21, %add3A_1185 : vector<16xf32>
      %eq3A_1191 = arith.constant 50 : i32
      %eq3A_1192 = vector.broadcast %eq3A_1191 : i32 to vector<16xi32>
      %eq3A_1193 = arith.cmpi eq, %get3A_15, %eq3A_1192 : vector<16xi32>
      %select_n3A_1194 = arith.select %eq3A_1193, %mul3A_27, %neg3A_24 : vector<16xi1>, vector<16xf32>
      %add3A_1195 = arith.addf %mul3A_1190, %select_n3A_1194 : vector<16xf32>
      %max3A_1196 = arith.maximumf %max3A_1173, %add3A_1195 : vector<16xf32>
      %swap3A_1197 = arith.constant 50 : i32
      %swap3A_1198 = arith.index_cast %swap3A_1197 : i32 to index
      %swap3A_1199 = arith.constant 0 : index
      %swap3A_1200 = tpu.vector_load %arg9[%swap3A_1198, %swap3A_1199] {strides = array<i32>} : memref<64x16xf32, #tpu.memory_space<vmem>>, vector<16xf32>,
      tpu.vector_store %arg9[%swap3A_1198, %swap3A_1199], %add3A_1195 {strides = array<i32>} : memref<64x16xf32, #tpu.memory_space<vmem>>, vector<16xf32>,
      %get3A_1201 = arith.constant 51 : i32
      %get3A_1202 = arith.index_cast %get3A_1201 : i32 to index
      %get3A_1203 = arith.index_cast %mul3A_12 : i32 to index
      %get3A_1204 = tpu.vector_load %arg8[%get3A_1202, %get3A_1203] {strides = array<i32>} : memref<64x256xf32, #tpu.memory_space<vmem>>, vector<16xf32>,
      %mul3A_1205 = arith.constant 7.6862359 : f32
      %mul3A_1206 = vector.broadcast %mul3A_1205 : f32 to vector<16xf32>
      %mul3A_1207 = arith.mulf %mul3A_1206, %get3A_1204 : vector<16xf32>
      %add3A_1208 = arith.addf %mul3A_1207, %add3A_1189 : vector<16xf32>
      %mul3A_1209 = arith.constant -0.640466272 : f32
      %mul3A_1210 = vector.broadcast %mul3A_1209 : f32 to vector<16xf32>
      %mul3A_1211 = arith.mulf %mul3A_1210, %get3A_1204 : vector<16xf32>
      %add3A_1212 = arith.addf %mul3A_1211, %add3A_1189 : vector<16xf32>
      %mul3A_1213 = arith.mulf %max3A_21, %add3A_1208 : vector<16xf32>
      %eq3A_1214 = arith.constant 51 : i32
      %eq3A_1215 = vector.broadcast %eq3A_1214 : i32 to vector<16xi32>
      %eq3A_1216 = arith.cmpi eq, %get3A_15, %eq3A_1215 : vector<16xi32>
      %select_n3A_1217 = arith.select %eq3A_1216, %mul3A_27, %neg3A_24 : vector<16xi1>, vector<16xf32>
      %add3A_1218 = arith.addf %mul3A_1213, %select_n3A_1217 : vector<16xf32>
      %max3A_1219 = arith.maximumf %max3A_1196, %add3A_1218 : vector<16xf32>
      %swap3A_1220 = arith.constant 51 : i32
      %swap3A_1221 = arith.index_cast %swap3A_1220 : i32 to index
      %swap3A_1222 = arith.constant 0 : index
      %swap3A_1223 = tpu.vector_load %arg9[%swap3A_1221, %swap3A_1222] {strides = array<i32>} : memref<64x16xf32, #tpu.memory_space<vmem>>, vector<16xf32>,
      tpu.vector_store %arg9[%swap3A_1221, %swap3A_1222], %add3A_1218 {strides = array<i32>} : memref<64x16xf32, #tpu.memory_space<vmem>>, vector<16xf32>,
      %get3A_1224 = arith.constant 52 : i32
      %get3A_1225 = arith.index_cast %get3A_1224 : i32 to index
      %get3A_1226 = arith.index_cast %mul3A_12 : i32 to index
      %get3A_1227 = tpu.vector_load %arg8[%get3A_1225, %get3A_1226] {strides = array<i32>} : memref<64x256xf32, #tpu.memory_space<vmem>>, vector<16xf32>,
      %mul3A_1228 = arith.constant 7.65950584 : f32
      %mul3A_1229 = vector.broadcast %mul3A_1228 : f32 to vector<16xf32>
      %mul3A_1230 = arith.mulf %mul3A_1229, %get3A_1227 : vector<16xf32>
      %add3A_1231 = arith.addf %mul3A_1230, %add3A_1212 : vector<16xf32>
      %mul3A_1232 = arith.constant -0.696255385 : f32
      %mul3A_1233 = vector.broadcast %mul3A_1232 : f32 to vector<16xf32>
      %mul3A_1234 = arith.mulf %mul3A_1233, %get3A_1227 : vector<16xf32>
      %add3A_1235 = arith.addf %mul3A_1234, %add3A_1212 : vector<16xf32>
      %mul3A_1236 = arith.mulf %max3A_21, %add3A_1231 : vector<16xf32>
      %eq3A_1237 = arith.constant 52 : i32
      %eq3A_1238 = vector.broadcast %eq3A_1237 : i32 to vector<16xi32>
      %eq3A_1239 = arith.cmpi eq, %get3A_15, %eq3A_1238 : vector<16xi32>
      %select_n3A_1240 = arith.select %eq3A_1239, %mul3A_27, %neg3A_24 : vector<16xi1>, vector<16xf32>
      %add3A_1241 = arith.addf %mul3A_1236, %select_n3A_1240 : vector<16xf32>
      %max3A_1242 = arith.maximumf %max3A_1219, %add3A_1241 : vector<16xf32>
      %swap3A_1243 = arith.constant 52 : i32
      %swap3A_1244 = arith.index_cast %swap3A_1243 : i32 to index
      %swap3A_1245 = arith.constant 0 : index
      %swap3A_1246 = tpu.vector_load %arg9[%swap3A_1244, %swap3A_1245] {strides = array<i32>} : memref<64x16xf32, #tpu.memory_space<vmem>>, vector<16xf32>,
      tpu.vector_store %arg9[%swap3A_1244, %swap3A_1245], %add3A_1241 {strides = array<i32>} : memref<64x16xf32, #tpu.memory_space<vmem>>, vector<16xf32>,
      %get3A_1247 = arith.constant 53 : i32
      %get3A_1248 = arith.index_cast %get3A_1247 : i32 to index
      %get3A_1249 = arith.index_cast %mul3A_12 : i32 to index
      %get3A_1250 = tpu.vector_load %arg8[%get3A_1248, %get3A_1249] {strides = array<i32>} : memref<64x256xf32, #tpu.memory_space<vmem>>, vector<16xf32>,
      %mul3A_1251 = arith.constant 7.62779474 : f32
      %mul3A_1252 = vector.broadcast %mul3A_1251 : f32 to vector<16xf32>
      %mul3A_1253 = arith.mulf %mul3A_1252, %get3A_1250 : vector<16xf32>
      %add3A_1254 = arith.addf %mul3A_1253, %add3A_1235 : vector<16xf32>
      %mul3A_1255 = arith.constant -0.762703239 : f32
      %mul3A_1256 = vector.broadcast %mul3A_1255 : f32 to vector<16xf32>
      %mul3A_1257 = arith.mulf %mul3A_1256, %get3A_1250 : vector<16xf32>
      %add3A_1258 = arith.addf %mul3A_1257, %add3A_1235 : vector<16xf32>
      %mul3A_1259 = arith.mulf %max3A_21, %add3A_1254 : vector<16xf32>
      %eq3A_1260 = arith.constant 53 : i32
      %eq3A_1261 = vector.broadcast %eq3A_1260 : i32 to vector<16xi32>
      %eq3A_1262 = arith.cmpi eq, %get3A_15, %eq3A_1261 : vector<16xi32>
      %select_n3A_1263 = arith.select %eq3A_1262, %mul3A_27, %neg3A_24 : vector<16xi1>, vector<16xf32>
      %add3A_1264 = arith.addf %mul3A_1259, %select_n3A_1263 : vector<16xf32>
      %max3A_1265 = arith.maximumf %max3A_1242, %add3A_1264 : vector<16xf32>
      %swap3A_1266 = arith.constant 53 : i32
      %swap3A_1267 = arith.index_cast %swap3A_1266 : i32 to index
      %swap3A_1268 = arith.constant 0 : index
      %swap3A_1269 = tpu.vector_load %arg9[%swap3A_1267, %swap3A_1268] {strides = array<i32>} : memref<64x16xf32, #tpu.memory_space<vmem>>, vector<16xf32>,
      tpu.vector_store %arg9[%swap3A_1267, %swap3A_1268], %add3A_1264 {strides = array<i32>} : memref<64x16xf32, #tpu.memory_space<vmem>>, vector<16xf32>,
      %get3A_1270 = arith.constant 54 : i32
      %get3A_1271 = arith.index_cast %get3A_1270 : i32 to index
      %get3A_1272 = arith.index_cast %mul3A_12 : i32 to index
      %get3A_1273 = tpu.vector_load %arg8[%get3A_1271, %get3A_1272] {strides = array<i32>} : memref<64x256xf32, #tpu.memory_space<vmem>>, vector<16xf32>,
      %mul3A_1274 = arith.constant 7.58956766 : f32
      %mul3A_1275 = vector.broadcast %mul3A_1274 : f32 to vector<16xf32>
      %mul3A_1276 = arith.mulf %mul3A_1275, %get3A_1273 : vector<16xf32>
      %add3A_1277 = arith.addf %mul3A_1276, %add3A_1258 : vector<16xf32>
      %mul3A_1278 = arith.constant -0.843191623 : f32
      %mul3A_1279 = vector.broadcast %mul3A_1278 : f32 to vector<16xf32>
      %mul3A_1280 = arith.mulf %mul3A_1279, %get3A_1273 : vector<16xf32>
      %add3A_1281 = arith.addf %mul3A_1280, %add3A_1258 : vector<16xf32>
      %mul3A_1282 = arith.mulf %max3A_21, %add3A_1277 : vector<16xf32>
      %eq3A_1283 = arith.constant 54 : i32
      %eq3A_1284 = vector.broadcast %eq3A_1283 : i32 to vector<16xi32>
      %eq3A_1285 = arith.cmpi eq, %get3A_15, %eq3A_1284 : vector<16xi32>
      %select_n3A_1286 = arith.select %eq3A_1285, %mul3A_27, %neg3A_24 : vector<16xi1>, vector<16xf32>
      %add3A_1287 = arith.addf %mul3A_1282, %select_n3A_1286 : vector<16xf32>
      %max3A_1288 = arith.maximumf %max3A_1265, %add3A_1287 : vector<16xf32>
      %swap3A_1289 = arith.constant 54 : i32
      %swap3A_1290 = arith.index_cast %swap3A_1289 : i32 to index
      %swap3A_1291 = arith.constant 0 : index
      %swap3A_1292 = tpu.vector_load %arg9[%swap3A_1290, %swap3A_1291] {strides = array<i32>} : memref<64x16xf32, #tpu.memory_space<vmem>>, vector<16xf32>,
      tpu.vector_store %arg9[%swap3A_1290, %swap3A_1291], %add3A_1287 {strides = array<i32>} : memref<64x16xf32, #tpu.memory_space<vmem>>, vector<16xf32>,
      %get3A_1293 = arith.constant 55 : i32
      %get3A_1294 = arith.index_cast %get3A_1293 : i32 to index
      %get3A_1295 = arith.index_cast %mul3A_12 : i32 to index
      %get3A_1296 = tpu.vector_load %arg8[%get3A_1294, %get3A_1295] {strides = array<i32>} : memref<64x256xf32, #tpu.memory_space<vmem>>, vector<16xf32>,
      %mul3A_1297 = arith.constant 7.54258347 : f32
      %mul3A_1298 = vector.broadcast %mul3A_1297 : f32 to vector<16xf32>
      %mul3A_1299 = arith.mulf %mul3A_1298, %get3A_1296 : vector<16xf32>
      %add3A_1300 = arith.addf %mul3A_1299, %add3A_1281 : vector<16xf32>
      %mul3A_1301 = arith.constant -0.942705094 : f32
      %mul3A_1302 = vector.broadcast %mul3A_1301 : f32 to vector<16xf32>
      %mul3A_1303 = arith.mulf %mul3A_1302, %get3A_1296 : vector<16xf32>
      %add3A_1304 = arith.addf %mul3A_1303, %add3A_1281 : vector<16xf32>
      %mul3A_1305 = arith.mulf %max3A_21, %add3A_1300 : vector<16xf32>
      %eq3A_1306 = arith.constant 55 : i32
      %eq3A_1307 = vector.broadcast %eq3A_1306 : i32 to vector<16xi32>
      %eq3A_1308 = arith.cmpi eq, %get3A_15, %eq3A_1307 : vector<16xi32>
      %select_n3A_1309 = arith.select %eq3A_1308, %mul3A_27, %neg3A_24 : vector<16xi1>, vector<16xf32>
      %add3A_1310 = arith.addf %mul3A_1305, %select_n3A_1309 : vector<16xf32>
      %max3A_1311 = arith.maximumf %max3A_1288, %add3A_1310 : vector<16xf32>
      %swap3A_1312 = arith.constant 55 : i32
      %swap3A_1313 = arith.index_cast %swap3A_1312 : i32 to index
      %swap3A_1314 = arith.constant 0 : index
      %swap3A_1315 = tpu.vector_load %arg9[%swap3A_1313, %swap3A_1314] {strides = array<i32>} : memref<64x16xf32, #tpu.memory_space<vmem>>, vector<16xf32>,
      tpu.vector_store %arg9[%swap3A_1313, %swap3A_1314], %add3A_1310 {strides = array<i32>} : memref<64x16xf32, #tpu.memory_space<vmem>>, vector<16xf32>,
      %get3A_1316 = arith.constant 56 : i32
      %get3A_1317 = arith.index_cast %get3A_1316 : i32 to index
      %get3A_1318 = arith.index_cast %mul3A_12 : i32 to index
      %get3A_1319 = tpu.vector_load %arg8[%get3A_1317, %get3A_1318] {strides = array<i32>} : memref<64x256xf32, #tpu.memory_space<vmem>>, vector<16xf32>,
      %mul3A_1320 = arith.constant 7.483440e+00 : f32
      %mul3A_1321 = vector.broadcast %mul3A_1320 : f32 to vector<16xf32>
      %mul3A_1322 = arith.mulf %mul3A_1321, %get3A_1319 : vector<16xf32>
      %add3A_1323 = arith.addf %mul3A_1322, %add3A_1304 : vector<16xf32>
      %mul3A_1324 = arith.constant -1.06891012 : f32
      %mul3A_1325 = vector.broadcast %mul3A_1324 : f32 to vector<16xf32>
      %mul3A_1326 = arith.mulf %mul3A_1325, %get3A_1319 : vector<16xf32>
      %add3A_1327 = arith.addf %mul3A_1326, %add3A_1304 : vector<16xf32>
      %mul3A_1328 = arith.mulf %max3A_21, %add3A_1323 : vector<16xf32>
      %eq3A_1329 = arith.constant 56 : i32
      %eq3A_1330 = vector.broadcast %eq3A_1329 : i32 to vector<16xi32>
      %eq3A_1331 = arith.cmpi eq, %get3A_15, %eq3A_1330 : vector<16xi32>
      %select_n3A_1332 = arith.select %eq3A_1331, %mul3A_27, %neg3A_24 : vector<16xi1>, vector<16xf32>
      %add3A_1333 = arith.addf %mul3A_1328, %select_n3A_1332 : vector<16xf32>
      %max3A_1334 = arith.maximumf %max3A_1311, %add3A_1333 : vector<16xf32>
      %swap3A_1335 = arith.constant 56 : i32
      %swap3A_1336 = arith.index_cast %swap3A_1335 : i32 to index
      %swap3A_1337 = arith.constant 0 : index
      %swap3A_1338 = tpu.vector_load %arg9[%swap3A_1336, %swap3A_1337] {strides = array<i32>} : memref<64x16xf32, #tpu.memory_space<vmem>>, vector<16xf32>,
      tpu.vector_store %arg9[%swap3A_1336, %swap3A_1337], %add3A_1333 {strides = array<i32>} : memref<64x16xf32, #tpu.memory_space<vmem>>, vector<16xf32>,
      %get3A_1339 = arith.constant 57 : i32
      %get3A_1340 = arith.index_cast %get3A_1339 : i32 to index
      %get3A_1341 = arith.index_cast %mul3A_12 : i32 to index
      %get3A_1342 = tpu.vector_load %arg8[%get3A_1340, %get3A_1341] {strides = array<i32>} : memref<64x256xf32, #tpu.memory_space<vmem>>, vector<16xf32>,
      %mul3A_1343 = arith.constant 7.4067068 : f32
      %mul3A_1344 = vector.broadcast %mul3A_1343 : f32 to vector<16xf32>
      %mul3A_1345 = arith.mulf %mul3A_1344, %get3A_1342 : vector<16xf32>
      %add3A_1346 = arith.addf %mul3A_1345, %add3A_1327 : vector<16xf32>
      %mul3A_1347 = arith.constant -1.23424542 : f32
      %mul3A_1348 = vector.broadcast %mul3A_1347 : f32 to vector<16xf32>
      %mul3A_1349 = arith.mulf %mul3A_1348, %get3A_1342 : vector<16xf32>
      %add3A_1350 = arith.addf %mul3A_1349, %add3A_1327 : vector<16xf32>
      %mul3A_1351 = arith.mulf %max3A_21, %add3A_1346 : vector<16xf32>
      %eq3A_1352 = arith.constant 57 : i32
      %eq3A_1353 = vector.broadcast %eq3A_1352 : i32 to vector<16xi32>
      %eq3A_1354 = arith.cmpi eq, %get3A_15, %eq3A_1353 : vector<16xi32>
      %select_n3A_1355 = arith.select %eq3A_1354, %mul3A_27, %neg3A_24 : vector<16xi1>, vector<16xf32>
      %add3A_1356 = arith.addf %mul3A_1351, %select_n3A_1355 : vector<16xf32>
      %max3A_1357 = arith.maximumf %max3A_1334, %add3A_1356 : vector<16xf32>
      %swap3A_1358 = arith.constant 57 : i32
      %swap3A_1359 = arith.index_cast %swap3A_1358 : i32 to index
      %swap3A_1360 = arith.constant 0 : index
      %swap3A_1361 = tpu.vector_load %arg9[%swap3A_1359, %swap3A_1360] {strides = array<i32>} : memref<64x16xf32, #tpu.memory_space<vmem>>, vector<16xf32>,
      tpu.vector_store %arg9[%swap3A_1359, %swap3A_1360], %add3A_1356 {strides = array<i32>} : memref<64x16xf32, #tpu.memory_space<vmem>>, vector<16xf32>,
      %get3A_1362 = arith.constant 58 : i32
      %get3A_1363 = arith.index_cast %get3A_1362 : i32 to index
      %get3A_1364 = arith.index_cast %mul3A_12 : i32 to index
      %get3A_1365 = tpu.vector_load %arg8[%get3A_1363, %get3A_1364] {strides = array<i32>} : memref<64x256xf32, #tpu.memory_space<vmem>>, vector<16xf32>,
      %mul3A_1366 = arith.constant 7.30314636 : f32
      %mul3A_1367 = vector.broadcast %mul3A_1366 : f32 to vector<16xf32>
      %mul3A_1368 = arith.mulf %mul3A_1367, %get3A_1365 : vector<16xf32>
      %add3A_1369 = arith.addf %mul3A_1368, %add3A_1350 : vector<16xf32>
      %mul3A_1370 = arith.constant -1.46033716 : f32
      %mul3A_1371 = vector.broadcast %mul3A_1370 : f32 to vector<16xf32>
      %mul3A_1372 = arith.mulf %mul3A_1371, %get3A_1365 : vector<16xf32>
      %add3A_1373 = arith.addf %mul3A_1372, %add3A_1350 : vector<16xf32>
      %mul3A_1374 = arith.mulf %max3A_21, %add3A_1369 : vector<16xf32>
      %eq3A_1375 = arith.constant 58 : i32
      %eq3A_1376 = vector.broadcast %eq3A_1375 : i32 to vector<16xi32>
      %eq3A_1377 = arith.cmpi eq, %get3A_15, %eq3A_1376 : vector<16xi32>
      %select_n3A_1378 = arith.select %eq3A_1377, %mul3A_27, %neg3A_24 : vector<16xi1>, vector<16xf32>
      %add3A_1379 = arith.addf %mul3A_1374, %select_n3A_1378 : vector<16xf32>
      %max3A_1380 = arith.maximumf %max3A_1357, %add3A_1379 : vector<16xf32>
      %swap3A_1381 = arith.constant 58 : i32
      %swap3A_1382 = arith.index_cast %swap3A_1381 : i32 to index
      %swap3A_1383 = arith.constant 0 : index
      %swap3A_1384 = tpu.vector_load %arg9[%swap3A_1382, %swap3A_1383] {strides = array<i32>} : memref<64x16xf32, #tpu.memory_space<vmem>>, vector<16xf32>,
      tpu.vector_store %arg9[%swap3A_1382, %swap3A_1383], %add3A_1379 {strides = array<i32>} : memref<64x16xf32, #tpu.memory_space<vmem>>, vector<16xf32>,
      %get3A_1385 = arith.constant 59 : i32
      %get3A_1386 = arith.index_cast %get3A_1385 : i32 to index
      %get3A_1387 = arith.index_cast %mul3A_12 : i32 to index
      %get3A_1388 = tpu.vector_load %arg8[%get3A_1386, %get3A_1387] {strides = array<i32>} : memref<64x256xf32, #tpu.memory_space<vmem>>, vector<16xf32>,
      %mul3A_1389 = arith.constant 7.15565204 : f32
      %mul3A_1390 = vector.broadcast %mul3A_1389 : f32 to vector<16xf32>
      %mul3A_1391 = arith.mulf %mul3A_1390, %get3A_1388 : vector<16xf32>
      %add3A_1392 = arith.addf %mul3A_1391, %add3A_1373 : vector<16xf32>
      %mul3A_1393 = arith.constant -1.78846598 : f32
      %mul3A_1394 = vector.broadcast %mul3A_1393 : f32 to vector<16xf32>
      %mul3A_1395 = arith.mulf %mul3A_1394, %get3A_1388 : vector<16xf32>
      %add3A_1396 = arith.addf %mul3A_1395, %add3A_1373 : vector<16xf32>
      %mul3A_1397 = arith.mulf %max3A_21, %add3A_1392 : vector<16xf32>
      %eq3A_1398 = arith.constant 59 : i32
      %eq3A_1399 = vector.broadcast %eq3A_1398 : i32 to vector<16xi32>
      %eq3A_1400 = arith.cmpi eq, %get3A_15, %eq3A_1399 : vector<16xi32>
      %select_n3A_1401 = arith.select %eq3A_1400, %mul3A_27, %neg3A_24 : vector<16xi1>, vector<16xf32>
      %add3A_1402 = arith.addf %mul3A_1397, %select_n3A_1401 : vector<16xf32>
      %max3A_1403 = arith.maximumf %max3A_1380, %add3A_1402 : vector<16xf32>
      %swap3A_1404 = arith.constant 59 : i32
      %swap3A_1405 = arith.index_cast %swap3A_1404 : i32 to index
      %swap3A_1406 = arith.constant 0 : index
      %swap3A_1407 = tpu.vector_load %arg9[%swap3A_1405, %swap3A_1406] {strides = array<i32>} : memref<64x16xf32, #tpu.memory_space<vmem>>, vector<16xf32>,
      tpu.vector_store %arg9[%swap3A_1405, %swap3A_1406], %add3A_1402 {strides = array<i32>} : memref<64x16xf32, #tpu.memory_space<vmem>>, vector<16xf32>,
      %get3A_1408 = arith.constant 60 : i32
      %get3A_1409 = arith.index_cast %get3A_1408 : i32 to index
      %get3A_1410 = arith.index_cast %mul3A_12 : i32 to index
      %get3A_1411 = tpu.vector_load %arg8[%get3A_1409, %get3A_1410] {strides = array<i32>} : memref<64x256xf32, #tpu.memory_space<vmem>>, vector<16xf32>,
      %mul3A_1412 = arith.constant 6.92854595 : f32
      %mul3A_1413 = vector.broadcast %mul3A_1412 : f32 to vector<16xf32>
      %mul3A_1414 = arith.mulf %mul3A_1413, %get3A_1411 : vector<16xf32>
      %add3A_1415 = arith.addf %mul3A_1414, %add3A_1396 : vector<16xf32>
      %mul3A_1416 = arith.constant -2.30874562 : f32
      %mul3A_1417 = vector.broadcast %mul3A_1416 : f32 to vector<16xf32>
      %mul3A_1418 = arith.mulf %mul3A_1417, %get3A_1411 : vector<16xf32>
      %add3A_1419 = arith.addf %mul3A_1418, %add3A_1396 : vector<16xf32>
      %mul3A_1420 = arith.mulf %max3A_21, %add3A_1415 : vector<16xf32>
      %eq3A_1421 = arith.constant 60 : i32
      %eq3A_1422 = vector.broadcast %eq3A_1421 : i32 to vector<16xi32>
      %eq3A_1423 = arith.cmpi eq, %get3A_15, %eq3A_1422 : vector<16xi32>
      %select_n3A_1424 = arith.select %eq3A_1423, %mul3A_27, %neg3A_24 : vector<16xi1>, vector<16xf32>
      %add3A_1425 = arith.addf %mul3A_1420, %select_n3A_1424 : vector<16xf32>
      %max3A_1426 = arith.maximumf %max3A_1403, %add3A_1425 : vector<16xf32>
      %swap3A_1427 = arith.constant 60 : i32
      %swap3A_1428 = arith.index_cast %swap3A_1427 : i32 to index
      %swap3A_1429 = arith.constant 0 : index
      %swap3A_1430 = tpu.vector_load %arg9[%swap3A_1428, %swap3A_1429] {strides = array<i32>} : memref<64x16xf32, #tpu.memory_space<vmem>>, vector<16xf32>,
      tpu.vector_store %arg9[%swap3A_1428, %swap3A_1429], %add3A_1425 {strides = array<i32>} : memref<64x16xf32, #tpu.memory_space<vmem>>, vector<16xf32>,
      %get3A_1431 = arith.constant 61 : i32
      %get3A_1432 = arith.index_cast %get3A_1431 : i32 to index
      %get3A_1433 = arith.index_cast %mul3A_12 : i32 to index
      %get3A_1434 = tpu.vector_load %arg8[%get3A_1432, %get3A_1433] {strides = array<i32>} : memref<64x256xf32, #tpu.memory_space<vmem>>, vector<16xf32>,
      %mul3A_1435 = arith.constant 6.53256798 : f32
      %mul3A_1436 = vector.broadcast %mul3A_1435 : f32 to vector<16xf32>
      %mul3A_1437 = arith.mulf %mul3A_1436, %get3A_1434 : vector<16xf32>
      %add3A_1438 = arith.addf %mul3A_1437, %add3A_1419 : vector<16xf32>
      %mul3A_1439 = arith.constant -3.26465154 : f32
      %mul3A_1440 = vector.broadcast %mul3A_1439 : f32 to vector<16xf32>
      %mul3A_1441 = arith.mulf %mul3A_1440, %get3A_1434 : vector<16xf32>
      %add3A_1442 = arith.addf %mul3A_1441, %add3A_1419 : vector<16xf32>
      %mul3A_1443 = arith.mulf %max3A_21, %add3A_1438 : vector<16xf32>
      %eq3A_1444 = arith.constant 61 : i32
      %eq3A_1445 = vector.broadcast %eq3A_1444 : i32 to vector<16xi32>
      %eq3A_1446 = arith.cmpi eq, %get3A_15, %eq3A_1445 : vector<16xi32>
      %select_n3A_1447 = arith.select %eq3A_1446, %mul3A_27, %neg3A_24 : vector<16xi1>, vector<16xf32>
      %add3A_1448 = arith.addf %mul3A_1443, %select_n3A_1447 : vector<16xf32>
      %max3A_1449 = arith.maximumf %max3A_1426, %add3A_1448 : vector<16xf32>
      %swap3A_1450 = arith.constant 61 : i32
      %swap3A_1451 = arith.index_cast %swap3A_1450 : i32 to index
      %swap3A_1452 = arith.constant 0 : index
      %swap3A_1453 = tpu.vector_load %arg9[%swap3A_1451, %swap3A_1452] {strides = array<i32>} : memref<64x16xf32, #tpu.memory_space<vmem>>, vector<16xf32>,
      tpu.vector_store %arg9[%swap3A_1451, %swap3A_1452], %add3A_1448 {strides = array<i32>} : memref<64x16xf32, #tpu.memory_space<vmem>>, vector<16xf32>,
      %get3A_1454 = arith.constant 62 : i32
      %get3A_1455 = arith.index_cast %get3A_1454 : i32 to index
      %get3A_1456 = arith.index_cast %mul3A_12 : i32 to index
      %get3A_1457 = tpu.vector_load %arg8[%get3A_1455, %get3A_1456] {strides = array<i32>} : memref<64x256xf32, #tpu.memory_space<vmem>>, vector<16xf32>,
      %mul3A_1458 = arith.constant 5.65831184 : f32
      %mul3A_1459 = vector.broadcast %mul3A_1458 : f32 to vector<16xf32>
      %mul3A_1460 = arith.mulf %mul3A_1459, %get3A_1457 : vector<16xf32>
      %add3A_1461 = arith.addf %mul3A_1460, %add3A_1442 : vector<16xf32>
      %mul3A_1462 = arith.constant -5.65265894 : f32
      %mul3A_1463 = vector.broadcast %mul3A_1462 : f32 to vector<16xf32>
      %mul3A_1464 = arith.mulf %mul3A_1463, %get3A_1457 : vector<16xf32>
      %add3A_1465 = arith.addf %mul3A_1464, %add3A_1442 : vector<16xf32>
      %mul3A_1466 = arith.mulf %max3A_21, %add3A_1461 : vector<16xf32>
      %eq3A_1467 = arith.constant 62 : i32
      %eq3A_1468 = vector.broadcast %eq3A_1467 : i32 to vector<16xi32>
      %eq3A_1469 = arith.cmpi eq, %get3A_15, %eq3A_1468 : vector<16xi32>
      %select_n3A_1470 = arith.select %eq3A_1469, %mul3A_27, %neg3A_24 : vector<16xi1>, vector<16xf32>
      %add3A_1471 = arith.addf %mul3A_1466, %select_n3A_1470 : vector<16xf32>
      %max3A_1472 = arith.maximumf %max3A_1449, %add3A_1471 : vector<16xf32>
      %swap3A_1473 = arith.constant 62 : i32
      %swap3A_1474 = arith.index_cast %swap3A_1473 : i32 to index
      %swap3A_1475 = arith.constant 0 : index
      %swap3A_1476 = tpu.vector_load %arg9[%swap3A_1474, %swap3A_1475] {strides = array<i32>} : memref<64x16xf32, #tpu.memory_space<vmem>>, vector<16xf32>,
      tpu.vector_store %arg9[%swap3A_1474, %swap3A_1475], %add3A_1471 {strides = array<i32>} : memref<64x16xf32, #tpu.memory_space<vmem>>, vector<16xf32>,
      %get3A_1477 = arith.constant 63 : i32
      %get3A_1478 = arith.index_cast %get3A_1477 : i32 to index
      %get3A_1479 = arith.index_cast %mul3A_12 : i32 to index
      %get3A_1480 = tpu.vector_load %arg8[%get3A_1478, %get3A_1479] {strides = array<i32>} : memref<64x256xf32, #tpu.memory_space<vmem>>, vector<16xf32>,
      %mul3A_1481 = arith.constant 0.252857804 : f32
      %mul3A_1482 = vector.broadcast %mul3A_1481 : f32 to vector<16xf32>
      %mul3A_1483 = arith.mulf %mul3A_1482, %get3A_1480 : vector<16xf32>
      %add3A_1484 = arith.addf %mul3A_1483, %add3A_1465 : vector<16xf32>
      %mul3A_1485 = arith.mulf %max3A_21, %add3A_1484 : vector<16xf32>
      %eq3A_1486 = arith.constant 63 : i32
      %eq3A_1487 = vector.broadcast %eq3A_1486 : i32 to vector<16xi32>
      %eq3A_1488 = arith.cmpi eq, %get3A_15, %eq3A_1487 : vector<16xi32>
      %select_n3A_1489 = arith.select %eq3A_1488, %mul3A_27, %neg3A_24 : vector<16xi1>, vector<16xf32>
      %add3A_1490 = arith.addf %mul3A_1485, %select_n3A_1489 : vector<16xf32>
      %max3A_1491 = arith.maximumf %max3A_1472, %add3A_1490 : vector<16xf32>
      %swap3A_1492 = arith.constant 63 : i32
      %swap3A_1493 = arith.index_cast %swap3A_1492 : i32 to index
      %swap3A_1494 = arith.constant 0 : index
      %swap3A_1495 = tpu.vector_load %arg9[%swap3A_1493, %swap3A_1494] {strides = array<i32>} : memref<64x16xf32, #tpu.memory_space<vmem>>, vector<16xf32>,
      tpu.vector_store %arg9[%swap3A_1493, %swap3A_1494], %add3A_1490 {strides = array<i32>} : memref<64x16xf32, #tpu.memory_space<vmem>>, vector<16xf32>,
      %broadcast_in_dim3A_1496 = arith.constant 0.000000e+00 : f32
      %broadcast_in_dim3A_1497 = vector.broadcast %broadcast_in_dim3A_1496 : f32 to vector<16xf32>
      %get3A_1498 = arith.constant 0 : i32
      %get3A_1499 = arith.index_cast %get3A_1498 : i32 to index
      %get3A_1500 = arith.constant 0 : index
      %get3A_1501 = tpu.vector_load %arg9[%get3A_1499, %get3A_1500] {strides = array<i32>} : memref<64x16xf32, #tpu.memory_space<vmem>>, vector<16xf32>,
      %sub3A = arith.subf %get3A_1501, %max3A_1491 : vector<16xf32>
      %exp3A = math.exp %sub3A : vector<16xf32>
      %add3A_1502 = arith.addf %broadcast_in_dim3A_1497, %exp3A : vector<16xf32>
      %swap3A_1503 = arith.constant 0 : i32
      %swap3A_1504 = arith.index_cast %swap3A_1503 : i32 to index
      %swap3A_1505 = arith.constant 0 : index
      %swap3A_1506 = tpu.vector_load %arg9[%swap3A_1504, %swap3A_1505] {strides = array<i32>} : memref<64x16xf32, #tpu.memory_space<vmem>>, vector<16xf32>,
      tpu.vector_store %arg9[%swap3A_1504, %swap3A_1505], %exp3A {strides = array<i32>} : memref<64x16xf32, #tpu.memory_space<vmem>>, vector<16xf32>,
      %get3A_1507 = arith.constant 1 : i32
      %get3A_1508 = arith.index_cast %get3A_1507 : i32 to index
      %get3A_1509 = arith.constant 0 : index
      %get3A_1510 = tpu.vector_load %arg9[%get3A_1508, %get3A_1509] {strides = array<i32>} : memref<64x16xf32, #tpu.memory_space<vmem>>, vector<16xf32>,
      %sub3A_1511 = arith.subf %get3A_1510, %max3A_1491 : vector<16xf32>
      %exp3A_1512 = math.exp %sub3A_1511 : vector<16xf32>
      %add3A_1513 = arith.addf %add3A_1502, %exp3A_1512 : vector<16xf32>
      %swap3A_1514 = arith.constant 1 : i32
      %swap3A_1515 = arith.index_cast %swap3A_1514 : i32 to index
      %swap3A_1516 = arith.constant 0 : index
      %swap3A_1517 = tpu.vector_load %arg9[%swap3A_1515, %swap3A_1516] {strides = array<i32>} : memref<64x16xf32, #tpu.memory_space<vmem>>, vector<16xf32>,
      tpu.vector_store %arg9[%swap3A_1515, %swap3A_1516], %exp3A_1512 {strides = array<i32>} : memref<64x16xf32, #tpu.memory_space<vmem>>, vector<16xf32>,
      %get3A_1518 = arith.constant 2 : i32
      %get3A_1519 = arith.index_cast %get3A_1518 : i32 to index
      %get3A_1520 = arith.constant 0 : index
      %get3A_1521 = tpu.vector_load %arg9[%get3A_1519, %get3A_1520] {strides = array<i32>} : memref<64x16xf32, #tpu.memory_space<vmem>>, vector<16xf32>,
      %sub3A_1522 = arith.subf %get3A_1521, %max3A_1491 : vector<16xf32>
      %exp3A_1523 = math.exp %sub3A_1522 : vector<16xf32>
      %add3A_1524 = arith.addf %add3A_1513, %exp3A_1523 : vector<16xf32>
      %swap3A_1525 = arith.constant 2 : i32
      %swap3A_1526 = arith.index_cast %swap3A_1525 : i32 to index
      %swap3A_1527 = arith.constant 0 : index
      %swap3A_1528 = tpu.vector_load %arg9[%swap3A_1526, %swap3A_1527] {strides = array<i32>} : memref<64x16xf32, #tpu.memory_space<vmem>>, vector<16xf32>,
      tpu.vector_store %arg9[%swap3A_1526, %swap3A_1527], %exp3A_1523 {strides = array<i32>} : memref<64x16xf32, #tpu.memory_space<vmem>>, vector<16xf32>,
      %get3A_1529 = arith.constant 3 : i32
      %get3A_1530 = arith.index_cast %get3A_1529 : i32 to index
      %get3A_1531 = arith.constant 0 : index
      %get3A_1532 = tpu.vector_load %arg9[%get3A_1530, %get3A_1531] {strides = array<i32>} : memref<64x16xf32, #tpu.memory_space<vmem>>, vector<16xf32>,
      %sub3A_1533 = arith.subf %get3A_1532, %max3A_1491 : vector<16xf32>
      %exp3A_1534 = math.exp %sub3A_1533 : vector<16xf32>
      %add3A_1535 = arith.addf %add3A_1524, %exp3A_1534 : vector<16xf32>
      %swap3A_1536 = arith.constant 3 : i32
      %swap3A_1537 = arith.index_cast %swap3A_1536 : i32 to index
      %swap3A_1538 = arith.constant 0 : index
      %swap3A_1539 = tpu.vector_load %arg9[%swap3A_1537, %swap3A_1538] {strides = array<i32>} : memref<64x16xf32, #tpu.memory_space<vmem>>, vector<16xf32>,
      tpu.vector_store %arg9[%swap3A_1537, %swap3A_1538], %exp3A_1534 {strides = array<i32>} : memref<64x16xf32, #tpu.memory_space<vmem>>, vector<16xf32>,
      %get3A_1540 = arith.constant 4 : i32
      %get3A_1541 = arith.index_cast %get3A_1540 : i32 to index
      %get3A_1542 = arith.constant 0 : index
      %get3A_1543 = tpu.vector_load %arg9[%get3A_1541, %get3A_1542] {strides = array<i32>} : memref<64x16xf32, #tpu.memory_space<vmem>>, vector<16xf32>,
      %sub3A_1544 = arith.subf %get3A_1543, %max3A_1491 : vector<16xf32>
      %exp3A_1545 = math.exp %sub3A_1544 : vector<16xf32>
      %add3A_1546 = arith.addf %add3A_1535, %exp3A_1545 : vector<16xf32>
      %swap3A_1547 = arith.constant 4 : i32
      %swap3A_1548 = arith.index_cast %swap3A_1547 : i32 to index
      %swap3A_1549 = arith.constant 0 : index
      %swap3A_1550 = tpu.vector_load %arg9[%swap3A_1548, %swap3A_1549] {strides = array<i32>} : memref<64x16xf32, #tpu.memory_space<vmem>>, vector<16xf32>,
      tpu.vector_store %arg9[%swap3A_1548, %swap3A_1549], %exp3A_1545 {strides = array<i32>} : memref<64x16xf32, #tpu.memory_space<vmem>>, vector<16xf32>,
      %get3A_1551 = arith.constant 5 : i32
      %get3A_1552 = arith.index_cast %get3A_1551 : i32 to index
      %get3A_1553 = arith.constant 0 : index
      %get3A_1554 = tpu.vector_load %arg9[%get3A_1552, %get3A_1553] {strides = array<i32>} : memref<64x16xf32, #tpu.memory_space<vmem>>, vector<16xf32>,
      %sub3A_1555 = arith.subf %get3A_1554, %max3A_1491 : vector<16xf32>
      %exp3A_1556 = math.exp %sub3A_1555 : vector<16xf32>
      %add3A_1557 = arith.addf %add3A_1546, %exp3A_1556 : vector<16xf32>
      %swap3A_1558 = arith.constant 5 : i32
      %swap3A_1559 = arith.index_cast %swap3A_1558 : i32 to index
      %swap3A_1560 = arith.constant 0 : index
      %swap3A_1561 = tpu.vector_load %arg9[%swap3A_1559, %swap3A_1560] {strides = array<i32>} : memref<64x16xf32, #tpu.memory_space<vmem>>, vector<16xf32>,
      tpu.vector_store %arg9[%swap3A_1559, %swap3A_1560], %exp3A_1556 {strides = array<i32>} : memref<64x16xf32, #tpu.memory_space<vmem>>, vector<16xf32>,
      %get3A_1562 = arith.constant 6 : i32
      %get3A_1563 = arith.index_cast %get3A_1562 : i32 to index
      %get3A_1564 = arith.constant 0 : index
      %get3A_1565 = tpu.vector_load %arg9[%get3A_1563, %get3A_1564] {strides = array<i32>} : memref<64x16xf32, #tpu.memory_space<vmem>>, vector<16xf32>,
      %sub3A_1566 = arith.subf %get3A_1565, %max3A_1491 : vector<16xf32>
      %exp3A_1567 = math.exp %sub3A_1566 : vector<16xf32>
      %add3A_1568 = arith.addf %add3A_1557, %exp3A_1567 : vector<16xf32>
      %swap3A_1569 = arith.constant 6 : i32
      %swap3A_1570 = arith.index_cast %swap3A_1569 : i32 to index
      %swap3A_1571 = arith.constant 0 : index
      %swap3A_1572 = tpu.vector_load %arg9[%swap3A_1570, %swap3A_1571] {strides = array<i32>} : memref<64x16xf32, #tpu.memory_space<vmem>>, vector<16xf32>,
      tpu.vector_store %arg9[%swap3A_1570, %swap3A_1571], %exp3A_1567 {strides = array<i32>} : memref<64x16xf32, #tpu.memory_space<vmem>>, vector<16xf32>,
      %get3A_1573 = arith.constant 7 : i32
      %get3A_1574 = arith.index_cast %get3A_1573 : i32 to index
      %get3A_1575 = arith.constant 0 : index
      %get3A_1576 = tpu.vector_load %arg9[%get3A_1574, %get3A_1575] {strides = array<i32>} : memref<64x16xf32, #tpu.memory_space<vmem>>, vector<16xf32>,
      %sub3A_1577 = arith.subf %get3A_1576, %max3A_1491 : vector<16xf32>
      %exp3A_1578 = math.exp %sub3A_1577 : vector<16xf32>
      %add3A_1579 = arith.addf %add3A_1568, %exp3A_1578 : vector<16xf32>
      %swap3A_1580 = arith.constant 7 : i32
      %swap3A_1581 = arith.index_cast %swap3A_1580 : i32 to index
      %swap3A_1582 = arith.constant 0 : index
      %swap3A_1583 = tpu.vector_load %arg9[%swap3A_1581, %swap3A_1582] {strides = array<i32>} : memref<64x16xf32, #tpu.memory_space<vmem>>, vector<16xf32>,
      tpu.vector_store %arg9[%swap3A_1581, %swap3A_1582], %exp3A_1578 {strides = array<i32>} : memref<64x16xf32, #tpu.memory_space<vmem>>, vector<16xf32>,
      %get3A_1584 = arith.constant 8 : i32
      %get3A_1585 = arith.index_cast %get3A_1584 : i32 to index
      %get3A_1586 = arith.constant 0 : index
      %get3A_1587 = tpu.vector_load %arg9[%get3A_1585, %get3A_1586] {strides = array<i32>} : memref<64x16xf32, #tpu.memory_space<vmem>>, vector<16xf32>,
      %sub3A_1588 = arith.subf %get3A_1587, %max3A_1491 : vector<16xf32>
      %exp3A_1589 = math.exp %sub3A_1588 : vector<16xf32>
      %add3A_1590 = arith.addf %add3A_1579, %exp3A_1589 : vector<16xf32>
      %swap3A_1591 = arith.constant 8 : i32
      %swap3A_1592 = arith.index_cast %swap3A_1591 : i32 to index
      %swap3A_1593 = arith.constant 0 : index
      %swap3A_1594 = tpu.vector_load %arg9[%swap3A_1592, %swap3A_1593] {strides = array<i32>} : memref<64x16xf32, #tpu.memory_space<vmem>>, vector<16xf32>,
      tpu.vector_store %arg9[%swap3A_1592, %swap3A_1593], %exp3A_1589 {strides = array<i32>} : memref<64x16xf32, #tpu.memory_space<vmem>>, vector<16xf32>,
      %get3A_1595 = arith.constant 9 : i32
      %get3A_1596 = arith.index_cast %get3A_1595 : i32 to index
      %get3A_1597 = arith.constant 0 : index
      %get3A_1598 = tpu.vector_load %arg9[%get3A_1596, %get3A_1597] {strides = array<i32>} : memref<64x16xf32, #tpu.memory_space<vmem>>, vector<16xf32>,
      %sub3A_1599 = arith.subf %get3A_1598, %max3A_1491 : vector<16xf32>
      %exp3A_1600 = math.exp %sub3A_1599 : vector<16xf32>
      %add3A_1601 = arith.addf %add3A_1590, %exp3A_1600 : vector<16xf32>
      %swap3A_1602 = arith.constant 9 : i32
      %swap3A_1603 = arith.index_cast %swap3A_1602 : i32 to index
      %swap3A_1604 = arith.constant 0 : index
      %swap3A_1605 = tpu.vector_load %arg9[%swap3A_1603, %swap3A_1604] {strides = array<i32>} : memref<64x16xf32, #tpu.memory_space<vmem>>, vector<16xf32>,
      tpu.vector_store %arg9[%swap3A_1603, %swap3A_1604], %exp3A_1600 {strides = array<i32>} : memref<64x16xf32, #tpu.memory_space<vmem>>, vector<16xf32>,
      %get3A_1606 = arith.constant 10 : i32
      %get3A_1607 = arith.index_cast %get3A_1606 : i32 to index
      %get3A_1608 = arith.constant 0 : index
      %get3A_1609 = tpu.vector_load %arg9[%get3A_1607, %get3A_1608] {strides = array<i32>} : memref<64x16xf32, #tpu.memory_space<vmem>>, vector<16xf32>,
      %sub3A_1610 = arith.subf %get3A_1609, %max3A_1491 : vector<16xf32>
      %exp3A_1611 = math.exp %sub3A_1610 : vector<16xf32>
      %add3A_1612 = arith.addf %add3A_1601, %exp3A_1611 : vector<16xf32>
      %swap3A_1613 = arith.constant 10 : i32
      %swap3A_1614 = arith.index_cast %swap3A_1613 : i32 to index
      %swap3A_1615 = arith.constant 0 : index
      %swap3A_1616 = tpu.vector_load %arg9[%swap3A_1614, %swap3A_1615] {strides = array<i32>} : memref<64x16xf32, #tpu.memory_space<vmem>>, vector<16xf32>,
      tpu.vector_store %arg9[%swap3A_1614, %swap3A_1615], %exp3A_1611 {strides = array<i32>} : memref<64x16xf32, #tpu.memory_space<vmem>>, vector<16xf32>,
      %get3A_1617 = arith.constant 11 : i32
      %get3A_1618 = arith.index_cast %get3A_1617 : i32 to index
      %get3A_1619 = arith.constant 0 : index
      %get3A_1620 = tpu.vector_load %arg9[%get3A_1618, %get3A_1619] {strides = array<i32>} : memref<64x16xf32, #tpu.memory_space<vmem>>, vector<16xf32>,
      %sub3A_1621 = arith.subf %get3A_1620, %max3A_1491 : vector<16xf32>
      %exp3A_1622 = math.exp %sub3A_1621 : vector<16xf32>
      %add3A_1623 = arith.addf %add3A_1612, %exp3A_1622 : vector<16xf32>
      %swap3A_1624 = arith.constant 11 : i32
      %swap3A_1625 = arith.index_cast %swap3A_1624 : i32 to index
      %swap3A_1626 = arith.constant 0 : index
      %swap3A_1627 = tpu.vector_load %arg9[%swap3A_1625, %swap3A_1626] {strides = array<i32>} : memref<64x16xf32, #tpu.memory_space<vmem>>, vector<16xf32>,
      tpu.vector_store %arg9[%swap3A_1625, %swap3A_1626], %exp3A_1622 {strides = array<i32>} : memref<64x16xf32, #tpu.memory_space<vmem>>, vector<16xf32>,
      %get3A_1628 = arith.constant 12 : i32
      %get3A_1629 = arith.index_cast %get3A_1628 : i32 to index
      %get3A_1630 = arith.constant 0 : index
      %get3A_1631 = tpu.vector_load %arg9[%get3A_1629, %get3A_1630] {strides = array<i32>} : memref<64x16xf32, #tpu.memory_space<vmem>>, vector<16xf32>,
      %sub3A_1632 = arith.subf %get3A_1631, %max3A_1491 : vector<16xf32>
      %exp3A_1633 = math.exp %sub3A_1632 : vector<16xf32>
      %add3A_1634 = arith.addf %add3A_1623, %exp3A_1633 : vector<16xf32>
      %swap3A_1635 = arith.constant 12 : i32
      %swap3A_1636 = arith.index_cast %swap3A_1635 : i32 to index
      %swap3A_1637 = arith.constant 0 : index
      %swap3A_1638 = tpu.vector_load %arg9[%swap3A_1636, %swap3A_1637] {strides = array<i32>} : memref<64x16xf32, #tpu.memory_space<vmem>>, vector<16xf32>,
      tpu.vector_store %arg9[%swap3A_1636, %swap3A_1637], %exp3A_1633 {strides = array<i32>} : memref<64x16xf32, #tpu.memory_space<vmem>>, vector<16xf32>,
      %get3A_1639 = arith.constant 13 : i32
      %get3A_1640 = arith.index_cast %get3A_1639 : i32 to index
      %get3A_1641 = arith.constant 0 : index
      %get3A_1642 = tpu.vector_load %arg9[%get3A_1640, %get3A_1641] {strides = array<i32>} : memref<64x16xf32, #tpu.memory_space<vmem>>, vector<16xf32>,
      %sub3A_1643 = arith.subf %get3A_1642, %max3A_1491 : vector<16xf32>
      %exp3A_1644 = math.exp %sub3A_1643 : vector<16xf32>
      %add3A_1645 = arith.addf %add3A_1634, %exp3A_1644 : vector<16xf32>
      %swap3A_1646 = arith.constant 13 : i32
      %swap3A_1647 = arith.index_cast %swap3A_1646 : i32 to index
      %swap3A_1648 = arith.constant 0 : index
      %swap3A_1649 = tpu.vector_load %arg9[%swap3A_1647, %swap3A_1648] {strides = array<i32>} : memref<64x16xf32, #tpu.memory_space<vmem>>, vector<16xf32>,
      tpu.vector_store %arg9[%swap3A_1647, %swap3A_1648], %exp3A_1644 {strides = array<i32>} : memref<64x16xf32, #tpu.memory_space<vmem>>, vector<16xf32>,
      %get3A_1650 = arith.constant 14 : i32
      %get3A_1651 = arith.index_cast %get3A_1650 : i32 to index
      %get3A_1652 = arith.constant 0 : index
      %get3A_1653 = tpu.vector_load %arg9[%get3A_1651, %get3A_1652] {strides = array<i32>} : memref<64x16xf32, #tpu.memory_space<vmem>>, vector<16xf32>,
      %sub3A_1654 = arith.subf %get3A_1653, %max3A_1491 : vector<16xf32>
      %exp3A_1655 = math.exp %sub3A_1654 : vector<16xf32>
      %add3A_1656 = arith.addf %add3A_1645, %exp3A_1655 : vector<16xf32>
      %swap3A_1657 = arith.constant 14 : i32
      %swap3A_1658 = arith.index_cast %swap3A_1657 : i32 to index
      %swap3A_1659 = arith.constant 0 : index
      %swap3A_1660 = tpu.vector_load %arg9[%swap3A_1658, %swap3A_1659] {strides = array<i32>} : memref<64x16xf32, #tpu.memory_space<vmem>>, vector<16xf32>,
      tpu.vector_store %arg9[%swap3A_1658, %swap3A_1659], %exp3A_1655 {strides = array<i32>} : memref<64x16xf32, #tpu.memory_space<vmem>>, vector<16xf32>,
      %get3A_1661 = arith.constant 15 : i32
      %get3A_1662 = arith.index_cast %get3A_1661 : i32 to index
      %get3A_1663 = arith.constant 0 : index
      %get3A_1664 = tpu.vector_load %arg9[%get3A_1662, %get3A_1663] {strides = array<i32>} : memref<64x16xf32, #tpu.memory_space<vmem>>, vector<16xf32>,
      %sub3A_1665 = arith.subf %get3A_1664, %max3A_1491 : vector<16xf32>
      %exp3A_1666 = math.exp %sub3A_1665 : vector<16xf32>
      %add3A_1667 = arith.addf %add3A_1656, %exp3A_1666 : vector<16xf32>
      %swap3A_1668 = arith.constant 15 : i32
      %swap3A_1669 = arith.index_cast %swap3A_1668 : i32 to index
      %swap3A_1670 = arith.constant 0 : index
      %swap3A_1671 = tpu.vector_load %arg9[%swap3A_1669, %swap3A_1670] {strides = array<i32>} : memref<64x16xf32, #tpu.memory_space<vmem>>, vector<16xf32>,
      tpu.vector_store %arg9[%swap3A_1669, %swap3A_1670], %exp3A_1666 {strides = array<i32>} : memref<64x16xf32, #tpu.memory_space<vmem>>, vector<16xf32>,
      %get3A_1672 = arith.constant 16 : i32
      %get3A_1673 = arith.index_cast %get3A_1672 : i32 to index
      %get3A_1674 = arith.constant 0 : index
      %get3A_1675 = tpu.vector_load %arg9[%get3A_1673, %get3A_1674] {strides = array<i32>} : memref<64x16xf32, #tpu.memory_space<vmem>>, vector<16xf32>,
      %sub3A_1676 = arith.subf %get3A_1675, %max3A_1491 : vector<16xf32>
      %exp3A_1677 = math.exp %sub3A_1676 : vector<16xf32>
      %add3A_1678 = arith.addf %add3A_1667, %exp3A_1677 : vector<16xf32>
      %swap3A_1679 = arith.constant 16 : i32
      %swap3A_1680 = arith.index_cast %swap3A_1679 : i32 to index
      %swap3A_1681 = arith.constant 0 : index
      %swap3A_1682 = tpu.vector_load %arg9[%swap3A_1680, %swap3A_1681] {strides = array<i32>} : memref<64x16xf32, #tpu.memory_space<vmem>>, vector<16xf32>,
      tpu.vector_store %arg9[%swap3A_1680, %swap3A_1681], %exp3A_1677 {strides = array<i32>} : memref<64x16xf32, #tpu.memory_space<vmem>>, vector<16xf32>,
      %get3A_1683 = arith.constant 17 : i32
      %get3A_1684 = arith.index_cast %get3A_1683 : i32 to index
      %get3A_1685 = arith.constant 0 : index
      %get3A_1686 = tpu.vector_load %arg9[%get3A_1684, %get3A_1685] {strides = array<i32>} : memref<64x16xf32, #tpu.memory_space<vmem>>, vector<16xf32>,
      %sub3A_1687 = arith.subf %get3A_1686, %max3A_1491 : vector<16xf32>
      %exp3A_1688 = math.exp %sub3A_1687 : vector<16xf32>
      %add3A_1689 = arith.addf %add3A_1678, %exp3A_1688 : vector<16xf32>
      %swap3A_1690 = arith.constant 17 : i32
      %swap3A_1691 = arith.index_cast %swap3A_1690 : i32 to index
      %swap3A_1692 = arith.constant 0 : index
      %swap3A_1693 = tpu.vector_load %arg9[%swap3A_1691, %swap3A_1692] {strides = array<i32>} : memref<64x16xf32, #tpu.memory_space<vmem>>, vector<16xf32>,
      tpu.vector_store %arg9[%swap3A_1691, %swap3A_1692], %exp3A_1688 {strides = array<i32>} : memref<64x16xf32, #tpu.memory_space<vmem>>, vector<16xf32>,
      %get3A_1694 = arith.constant 18 : i32
      %get3A_1695 = arith.index_cast %get3A_1694 : i32 to index
      %get3A_1696 = arith.constant 0 : index
      %get3A_1697 = tpu.vector_load %arg9[%get3A_1695, %get3A_1696] {strides = array<i32>} : memref<64x16xf32, #tpu.memory_space<vmem>>, vector<16xf32>,
      %sub3A_1698 = arith.subf %get3A_1697, %max3A_1491 : vector<16xf32>
      %exp3A_1699 = math.exp %sub3A_1698 : vector<16xf32>
      %add3A_1700 = arith.addf %add3A_1689, %exp3A_1699 : vector<16xf32>
      %swap3A_1701 = arith.constant 18 : i32
      %swap3A_1702 = arith.index_cast %swap3A_1701 : i32 to index
      %swap3A_1703 = arith.constant 0 : index
      %swap3A_1704 = tpu.vector_load %arg9[%swap3A_1702, %swap3A_1703] {strides = array<i32>} : memref<64x16xf32, #tpu.memory_space<vmem>>, vector<16xf32>,
      tpu.vector_store %arg9[%swap3A_1702, %swap3A_1703], %exp3A_1699 {strides = array<i32>} : memref<64x16xf32, #tpu.memory_space<vmem>>, vector<16xf32>,
      %get3A_1705 = arith.constant 19 : i32
      %get3A_1706 = arith.index_cast %get3A_1705 : i32 to index
      %get3A_1707 = arith.constant 0 : index
      %get3A_1708 = tpu.vector_load %arg9[%get3A_1706, %get3A_1707] {strides = array<i32>} : memref<64x16xf32, #tpu.memory_space<vmem>>, vector<16xf32>,
      %sub3A_1709 = arith.subf %get3A_1708, %max3A_1491 : vector<16xf32>
      %exp3A_1710 = math.exp %sub3A_1709 : vector<16xf32>
      %add3A_1711 = arith.addf %add3A_1700, %exp3A_1710 : vector<16xf32>
      %swap3A_1712 = arith.constant 19 : i32
      %swap3A_1713 = arith.index_cast %swap3A_1712 : i32 to index
      %swap3A_1714 = arith.constant 0 : index
      %swap3A_1715 = tpu.vector_load %arg9[%swap3A_1713, %swap3A_1714] {strides = array<i32>} : memref<64x16xf32, #tpu.memory_space<vmem>>, vector<16xf32>,
      tpu.vector_store %arg9[%swap3A_1713, %swap3A_1714], %exp3A_1710 {strides = array<i32>} : memref<64x16xf32, #tpu.memory_space<vmem>>, vector<16xf32>,
      %get3A_1716 = arith.constant 20 : i32
      %get3A_1717 = arith.index_cast %get3A_1716 : i32 to index
      %get3A_1718 = arith.constant 0 : index
      %get3A_1719 = tpu.vector_load %arg9[%get3A_1717, %get3A_1718] {strides = array<i32>} : memref<64x16xf32, #tpu.memory_space<vmem>>, vector<16xf32>,
      %sub3A_1720 = arith.subf %get3A_1719, %max3A_1491 : vector<16xf32>
      %exp3A_1721 = math.exp %sub3A_1720 : vector<16xf32>
      %add3A_1722 = arith.addf %add3A_1711, %exp3A_1721 : vector<16xf32>
      %swap3A_1723 = arith.constant 20 : i32
      %swap3A_1724 = arith.index_cast %swap3A_1723 : i32 to index
      %swap3A_1725 = arith.constant 0 : index
      %swap3A_1726 = tpu.vector_load %arg9[%swap3A_1724, %swap3A_1725] {strides = array<i32>} : memref<64x16xf32, #tpu.memory_space<vmem>>, vector<16xf32>,
      tpu.vector_store %arg9[%swap3A_1724, %swap3A_1725], %exp3A_1721 {strides = array<i32>} : memref<64x16xf32, #tpu.memory_space<vmem>>, vector<16xf32>,
      %get3A_1727 = arith.constant 21 : i32
      %get3A_1728 = arith.index_cast %get3A_1727 : i32 to index
      %get3A_1729 = arith.constant 0 : index
      %get3A_1730 = tpu.vector_load %arg9[%get3A_1728, %get3A_1729] {strides = array<i32>} : memref<64x16xf32, #tpu.memory_space<vmem>>, vector<16xf32>,
      %sub3A_1731 = arith.subf %get3A_1730, %max3A_1491 : vector<16xf32>
      %exp3A_1732 = math.exp %sub3A_1731 : vector<16xf32>
      %add3A_1733 = arith.addf %add3A_1722, %exp3A_1732 : vector<16xf32>
      %swap3A_1734 = arith.constant 21 : i32
      %swap3A_1735 = arith.index_cast %swap3A_1734 : i32 to index
      %swap3A_1736 = arith.constant 0 : index
      %swap3A_1737 = tpu.vector_load %arg9[%swap3A_1735, %swap3A_1736] {strides = array<i32>} : memref<64x16xf32, #tpu.memory_space<vmem>>, vector<16xf32>,
      tpu.vector_store %arg9[%swap3A_1735, %swap3A_1736], %exp3A_1732 {strides = array<i32>} : memref<64x16xf32, #tpu.memory_space<vmem>>, vector<16xf32>,
      %get3A_1738 = arith.constant 22 : i32
      %get3A_1739 = arith.index_cast %get3A_1738 : i32 to index
      %get3A_1740 = arith.constant 0 : index
      %get3A_1741 = tpu.vector_load %arg9[%get3A_1739, %get3A_1740] {strides = array<i32>} : memref<64x16xf32, #tpu.memory_space<vmem>>, vector<16xf32>,
      %sub3A_1742 = arith.subf %get3A_1741, %max3A_1491 : vector<16xf32>
      %exp3A_1743 = math.exp %sub3A_1742 : vector<16xf32>
      %add3A_1744 = arith.addf %add3A_1733, %exp3A_1743 : vector<16xf32>
      %swap3A_1745 = arith.constant 22 : i32
      %swap3A_1746 = arith.index_cast %swap3A_1745 : i32 to index
      %swap3A_1747 = arith.constant 0 : index
      %swap3A_1748 = tpu.vector_load %arg9[%swap3A_1746, %swap3A_1747] {strides = array<i32>} : memref<64x16xf32, #tpu.memory_space<vmem>>, vector<16xf32>,
      tpu.vector_store %arg9[%swap3A_1746, %swap3A_1747], %exp3A_1743 {strides = array<i32>} : memref<64x16xf32, #tpu.memory_space<vmem>>, vector<16xf32>,
      %get3A_1749 = arith.constant 23 : i32
      %get3A_1750 = arith.index_cast %get3A_1749 : i32 to index
      %get3A_1751 = arith.constant 0 : index
      %get3A_1752 = tpu.vector_load %arg9[%get3A_1750, %get3A_1751] {strides = array<i32>} : memref<64x16xf32, #tpu.memory_space<vmem>>, vector<16xf32>,
      %sub3A_1753 = arith.subf %get3A_1752, %max3A_1491 : vector<16xf32>
      %exp3A_1754 = math.exp %sub3A_1753 : vector<16xf32>
      %add3A_1755 = arith.addf %add3A_1744, %exp3A_1754 : vector<16xf32>
      %swap3A_1756 = arith.constant 23 : i32
      %swap3A_1757 = arith.index_cast %swap3A_1756 : i32 to index
      %swap3A_1758 = arith.constant 0 : index
      %swap3A_1759 = tpu.vector_load %arg9[%swap3A_1757, %swap3A_1758] {strides = array<i32>} : memref<64x16xf32, #tpu.memory_space<vmem>>, vector<16xf32>,
      tpu.vector_store %arg9[%swap3A_1757, %swap3A_1758], %exp3A_1754 {strides = array<i32>} : memref<64x16xf32, #tpu.memory_space<vmem>>, vector<16xf32>,
      %get3A_1760 = arith.constant 24 : i32
      %get3A_1761 = arith.index_cast %get3A_1760 : i32 to index
      %get3A_1762 = arith.constant 0 : index
      %get3A_1763 = tpu.vector_load %arg9[%get3A_1761, %get3A_1762] {strides = array<i32>} : memref<64x16xf32, #tpu.memory_space<vmem>>, vector<16xf32>,
      %sub3A_1764 = arith.subf %get3A_1763, %max3A_1491 : vector<16xf32>
      %exp3A_1765 = math.exp %sub3A_1764 : vector<16xf32>
      %add3A_1766 = arith.addf %add3A_1755, %exp3A_1765 : vector<16xf32>
      %swap3A_1767 = arith.constant 24 : i32
      %swap3A_1768 = arith.index_cast %swap3A_1767 : i32 to index
      %swap3A_1769 = arith.constant 0 : index
      %swap3A_1770 = tpu.vector_load %arg9[%swap3A_1768, %swap3A_1769] {strides = array<i32>} : memref<64x16xf32, #tpu.memory_space<vmem>>, vector<16xf32>,
      tpu.vector_store %arg9[%swap3A_1768, %swap3A_1769], %exp3A_1765 {strides = array<i32>} : memref<64x16xf32, #tpu.memory_space<vmem>>, vector<16xf32>,
      %get3A_1771 = arith.constant 25 : i32
      %get3A_1772 = arith.index_cast %get3A_1771 : i32 to index
      %get3A_1773 = arith.constant 0 : index
      %get3A_1774 = tpu.vector_load %arg9[%get3A_1772, %get3A_1773] {strides = array<i32>} : memref<64x16xf32, #tpu.memory_space<vmem>>, vector<16xf32>,
      %sub3A_1775 = arith.subf %get3A_1774, %max3A_1491 : vector<16xf32>
      %exp3A_1776 = math.exp %sub3A_1775 : vector<16xf32>
      %add3A_1777 = arith.addf %add3A_1766, %exp3A_1776 : vector<16xf32>
      %swap3A_1778 = arith.constant 25 : i32
      %swap3A_1779 = arith.index_cast %swap3A_1778 : i32 to index
      %swap3A_1780 = arith.constant 0 : index
      %swap3A_1781 = tpu.vector_load %arg9[%swap3A_1779, %swap3A_1780] {strides = array<i32>} : memref<64x16xf32, #tpu.memory_space<vmem>>, vector<16xf32>,
      tpu.vector_store %arg9[%swap3A_1779, %swap3A_1780], %exp3A_1776 {strides = array<i32>} : memref<64x16xf32, #tpu.memory_space<vmem>>, vector<16xf32>,
      %get3A_1782 = arith.constant 26 : i32
      %get3A_1783 = arith.index_cast %get3A_1782 : i32 to index
      %get3A_1784 = arith.constant 0 : index
      %get3A_1785 = tpu.vector_load %arg9[%get3A_1783, %get3A_1784] {strides = array<i32>} : memref<64x16xf32, #tpu.memory_space<vmem>>, vector<16xf32>,
      %sub3A_1786 = arith.subf %get3A_1785, %max3A_1491 : vector<16xf32>
      %exp3A_1787 = math.exp %sub3A_1786 : vector<16xf32>
      %add3A_1788 = arith.addf %add3A_1777, %exp3A_1787 : vector<16xf32>
      %swap3A_1789 = arith.constant 26 : i32
      %swap3A_1790 = arith.index_cast %swap3A_1789 : i32 to index
      %swap3A_1791 = arith.constant 0 : index
      %swap3A_1792 = tpu.vector_load %arg9[%swap3A_1790, %swap3A_1791] {strides = array<i32>} : memref<64x16xf32, #tpu.memory_space<vmem>>, vector<16xf32>,
      tpu.vector_store %arg9[%swap3A_1790, %swap3A_1791], %exp3A_1787 {strides = array<i32>} : memref<64x16xf32, #tpu.memory_space<vmem>>, vector<16xf32>,
      %get3A_1793 = arith.constant 27 : i32
      %get3A_1794 = arith.index_cast %get3A_1793 : i32 to index
      %get3A_1795 = arith.constant 0 : index
      %get3A_1796 = tpu.vector_load %arg9[%get3A_1794, %get3A_1795] {strides = array<i32>} : memref<64x16xf32, #tpu.memory_space<vmem>>, vector<16xf32>,
      %sub3A_1797 = arith.subf %get3A_1796, %max3A_1491 : vector<16xf32>
      %exp3A_1798 = math.exp %sub3A_1797 : vector<16xf32>
      %add3A_1799 = arith.addf %add3A_1788, %exp3A_1798 : vector<16xf32>
      %swap3A_1800 = arith.constant 27 : i32
      %swap3A_1801 = arith.index_cast %swap3A_1800 : i32 to index
      %swap3A_1802 = arith.constant 0 : index
      %swap3A_1803 = tpu.vector_load %arg9[%swap3A_1801, %swap3A_1802] {strides = array<i32>} : memref<64x16xf32, #tpu.memory_space<vmem>>, vector<16xf32>,
      tpu.vector_store %arg9[%swap3A_1801, %swap3A_1802], %exp3A_1798 {strides = array<i32>} : memref<64x16xf32, #tpu.memory_space<vmem>>, vector<16xf32>,
      %get3A_1804 = arith.constant 28 : i32
      %get3A_1805 = arith.index_cast %get3A_1804 : i32 to index
      %get3A_1806 = arith.constant 0 : index
      %get3A_1807 = tpu.vector_load %arg9[%get3A_1805, %get3A_1806] {strides = array<i32>} : memref<64x16xf32, #tpu.memory_space<vmem>>, vector<16xf32>,
      %sub3A_1808 = arith.subf %get3A_1807, %max3A_1491 : vector<16xf32>
      %exp3A_1809 = math.exp %sub3A_1808 : vector<16xf32>
      %add3A_1810 = arith.addf %add3A_1799, %exp3A_1809 : vector<16xf32>
      %swap3A_1811 = arith.constant 28 : i32
      %swap3A_1812 = arith.index_cast %swap3A_1811 : i32 to index
      %swap3A_1813 = arith.constant 0 : index
      %swap3A_1814 = tpu.vector_load %arg9[%swap3A_1812, %swap3A_1813] {strides = array<i32>} : memref<64x16xf32, #tpu.memory_space<vmem>>, vector<16xf32>,
      tpu.vector_store %arg9[%swap3A_1812, %swap3A_1813], %exp3A_1809 {strides = array<i32>} : memref<64x16xf32, #tpu.memory_space<vmem>>, vector<16xf32>,
      %get3A_1815 = arith.constant 29 : i32
      %get3A_1816 = arith.index_cast %get3A_1815 : i32 to index
      %get3A_1817 = arith.constant 0 : index
      %get3A_1818 = tpu.vector_load %arg9[%get3A_1816, %get3A_1817] {strides = array<i32>} : memref<64x16xf32, #tpu.memory_space<vmem>>, vector<16xf32>,
      %sub3A_1819 = arith.subf %get3A_1818, %max3A_1491 : vector<16xf32>
      %exp3A_1820 = math.exp %sub3A_1819 : vector<16xf32>
      %add3A_1821 = arith.addf %add3A_1810, %exp3A_1820 : vector<16xf32>
      %swap3A_1822 = arith.constant 29 : i32
      %swap3A_1823 = arith.index_cast %swap3A_1822 : i32 to index
      %swap3A_1824 = arith.constant 0 : index
      %swap3A_1825 = tpu.vector_load %arg9[%swap3A_1823, %swap3A_1824] {strides = array<i32>} : memref<64x16xf32, #tpu.memory_space<vmem>>, vector<16xf32>,
      tpu.vector_store %arg9[%swap3A_1823, %swap3A_1824], %exp3A_1820 {strides = array<i32>} : memref<64x16xf32, #tpu.memory_space<vmem>>, vector<16xf32>,
      %get3A_1826 = arith.constant 30 : i32
      %get3A_1827 = arith.index_cast %get3A_1826 : i32 to index
      %get3A_1828 = arith.constant 0 : index
      %get3A_1829 = tpu.vector_load %arg9[%get3A_1827, %get3A_1828] {strides = array<i32>} : memref<64x16xf32, #tpu.memory_space<vmem>>, vector<16xf32>,
      %sub3A_1830 = arith.subf %get3A_1829, %max3A_1491 : vector<16xf32>
      %exp3A_1831 = math.exp %sub3A_1830 : vector<16xf32>
      %add3A_1832 = arith.addf %add3A_1821, %exp3A_1831 : vector<16xf32>
      %swap3A_1833 = arith.constant 30 : i32
      %swap3A_1834 = arith.index_cast %swap3A_1833 : i32 to index
      %swap3A_1835 = arith.constant 0 : index
      %swap3A_1836 = tpu.vector_load %arg9[%swap3A_1834, %swap3A_1835] {strides = array<i32>} : memref<64x16xf32, #tpu.memory_space<vmem>>, vector<16xf32>,
      tpu.vector_store %arg9[%swap3A_1834, %swap3A_1835], %exp3A_1831 {strides = array<i32>} : memref<64x16xf32, #tpu.memory_space<vmem>>, vector<16xf32>,
      %get3A_1837 = arith.constant 31 : i32
      %get3A_1838 = arith.index_cast %get3A_1837 : i32 to index
      %get3A_1839 = arith.constant 0 : index
      %get3A_1840 = tpu.vector_load %arg9[%get3A_1838, %get3A_1839] {strides = array<i32>} : memref<64x16xf32, #tpu.memory_space<vmem>>, vector<16xf32>,
      %sub3A_1841 = arith.subf %get3A_1840, %max3A_1491 : vector<16xf32>
      %exp3A_1842 = math.exp %sub3A_1841 : vector<16xf32>
      %add3A_1843 = arith.addf %add3A_1832, %exp3A_1842 : vector<16xf32>
      %swap3A_1844 = arith.constant 31 : i32
      %swap3A_1845 = arith.index_cast %swap3A_1844 : i32 to index
      %swap3A_1846 = arith.constant 0 : index
      %swap3A_1847 = tpu.vector_load %arg9[%swap3A_1845, %swap3A_1846] {strides = array<i32>} : memref<64x16xf32, #tpu.memory_space<vmem>>, vector<16xf32>,
      tpu.vector_store %arg9[%swap3A_1845, %swap3A_1846], %exp3A_1842 {strides = array<i32>} : memref<64x16xf32, #tpu.memory_space<vmem>>, vector<16xf32>,
      %get3A_1848 = arith.constant 32 : i32
      %get3A_1849 = arith.index_cast %get3A_1848 : i32 to index
      %get3A_1850 = arith.constant 0 : index
      %get3A_1851 = tpu.vector_load %arg9[%get3A_1849, %get3A_1850] {strides = array<i32>} : memref<64x16xf32, #tpu.memory_space<vmem>>, vector<16xf32>,
      %sub3A_1852 = arith.subf %get3A_1851, %max3A_1491 : vector<16xf32>
      %exp3A_1853 = math.exp %sub3A_1852 : vector<16xf32>
      %add3A_1854 = arith.addf %add3A_1843, %exp3A_1853 : vector<16xf32>
      %swap3A_1855 = arith.constant 32 : i32
      %swap3A_1856 = arith.index_cast %swap3A_1855 : i32 to index
      %swap3A_1857 = arith.constant 0 : index
      %swap3A_1858 = tpu.vector_load %arg9[%swap3A_1856, %swap3A_1857] {strides = array<i32>} : memref<64x16xf32, #tpu.memory_space<vmem>>, vector<16xf32>,
      tpu.vector_store %arg9[%swap3A_1856, %swap3A_1857], %exp3A_1853 {strides = array<i32>} : memref<64x16xf32, #tpu.memory_space<vmem>>, vector<16xf32>,
      %get3A_1859 = arith.constant 33 : i32
      %get3A_1860 = arith.index_cast %get3A_1859 : i32 to index
      %get3A_1861 = arith.constant 0 : index
      %get3A_1862 = tpu.vector_load %arg9[%get3A_1860, %get3A_1861] {strides = array<i32>} : memref<64x16xf32, #tpu.memory_space<vmem>>, vector<16xf32>,
      %sub3A_1863 = arith.subf %get3A_1862, %max3A_1491 : vector<16xf32>
      %exp3A_1864 = math.exp %sub3A_1863 : vector<16xf32>
      %add3A_1865 = arith.addf %add3A_1854, %exp3A_1864 : vector<16xf32>
      %swap3A_1866 = arith.constant 33 : i32
      %swap3A_1867 = arith.index_cast %swap3A_1866 : i32 to index
      %swap3A_1868 = arith.constant 0 : index
      %swap3A_1869 = tpu.vector_load %arg9[%swap3A_1867, %swap3A_1868] {strides = array<i32>} : memref<64x16xf32, #tpu.memory_space<vmem>>, vector<16xf32>,
      tpu.vector_store %arg9[%swap3A_1867, %swap3A_1868], %exp3A_1864 {strides = array<i32>} : memref<64x16xf32, #tpu.memory_space<vmem>>, vector<16xf32>,
      %get3A_1870 = arith.constant 34 : i32
      %get3A_1871 = arith.index_cast %get3A_1870 : i32 to index
      %get3A_1872 = arith.constant 0 : index
      %get3A_1873 = tpu.vector_load %arg9[%get3A_1871, %get3A_1872] {strides = array<i32>} : memref<64x16xf32, #tpu.memory_space<vmem>>, vector<16xf32>,
      %sub3A_1874 = arith.subf %get3A_1873, %max3A_1491 : vector<16xf32>
      %exp3A_1875 = math.exp %sub3A_1874 : vector<16xf32>
      %add3A_1876 = arith.addf %add3A_1865, %exp3A_1875 : vector<16xf32>
      %swap3A_1877 = arith.constant 34 : i32
      %swap3A_1878 = arith.index_cast %swap3A_1877 : i32 to index
      %swap3A_1879 = arith.constant 0 : index
      %swap3A_1880 = tpu.vector_load %arg9[%swap3A_1878, %swap3A_1879] {strides = array<i32>} : memref<64x16xf32, #tpu.memory_space<vmem>>, vector<16xf32>,
      tpu.vector_store %arg9[%swap3A_1878, %swap3A_1879], %exp3A_1875 {strides = array<i32>} : memref<64x16xf32, #tpu.memory_space<vmem>>, vector<16xf32>,
      %get3A_1881 = arith.constant 35 : i32
      %get3A_1882 = arith.index_cast %get3A_1881 : i32 to index
      %get3A_1883 = arith.constant 0 : index
      %get3A_1884 = tpu.vector_load %arg9[%get3A_1882, %get3A_1883] {strides = array<i32>} : memref<64x16xf32, #tpu.memory_space<vmem>>, vector<16xf32>,
      %sub3A_1885 = arith.subf %get3A_1884, %max3A_1491 : vector<16xf32>
      %exp3A_1886 = math.exp %sub3A_1885 : vector<16xf32>
      %add3A_1887 = arith.addf %add3A_1876, %exp3A_1886 : vector<16xf32>
      %swap3A_1888 = arith.constant 35 : i32
      %swap3A_1889 = arith.index_cast %swap3A_1888 : i32 to index
      %swap3A_1890 = arith.constant 0 : index
      %swap3A_1891 = tpu.vector_load %arg9[%swap3A_1889, %swap3A_1890] {strides = array<i32>} : memref<64x16xf32, #tpu.memory_space<vmem>>, vector<16xf32>,
      tpu.vector_store %arg9[%swap3A_1889, %swap3A_1890], %exp3A_1886 {strides = array<i32>} : memref<64x16xf32, #tpu.memory_space<vmem>>, vector<16xf32>,
      %get3A_1892 = arith.constant 36 : i32
      %get3A_1893 = arith.index_cast %get3A_1892 : i32 to index
      %get3A_1894 = arith.constant 0 : index
      %get3A_1895 = tpu.vector_load %arg9[%get3A_1893, %get3A_1894] {strides = array<i32>} : memref<64x16xf32, #tpu.memory_space<vmem>>, vector<16xf32>,
      %sub3A_1896 = arith.subf %get3A_1895, %max3A_1491 : vector<16xf32>
      %exp3A_1897 = math.exp %sub3A_1896 : vector<16xf32>
      %add3A_1898 = arith.addf %add3A_1887, %exp3A_1897 : vector<16xf32>
      %swap3A_1899 = arith.constant 36 : i32
      %swap3A_1900 = arith.index_cast %swap3A_1899 : i32 to index
      %swap3A_1901 = arith.constant 0 : index
      %swap3A_1902 = tpu.vector_load %arg9[%swap3A_1900, %swap3A_1901] {strides = array<i32>} : memref<64x16xf32, #tpu.memory_space<vmem>>, vector<16xf32>,
      tpu.vector_store %arg9[%swap3A_1900, %swap3A_1901], %exp3A_1897 {strides = array<i32>} : memref<64x16xf32, #tpu.memory_space<vmem>>, vector<16xf32>,
      %get3A_1903 = arith.constant 37 : i32
      %get3A_1904 = arith.index_cast %get3A_1903 : i32 to index
      %get3A_1905 = arith.constant 0 : index
      %get3A_1906 = tpu.vector_load %arg9[%get3A_1904, %get3A_1905] {strides = array<i32>} : memref<64x16xf32, #tpu.memory_space<vmem>>, vector<16xf32>,
      %sub3A_1907 = arith.subf %get3A_1906, %max3A_1491 : vector<16xf32>
      %exp3A_1908 = math.exp %sub3A_1907 : vector<16xf32>
      %add3A_1909 = arith.addf %add3A_1898, %exp3A_1908 : vector<16xf32>
      %swap3A_1910 = arith.constant 37 : i32
      %swap3A_1911 = arith.index_cast %swap3A_1910 : i32 to index
      %swap3A_1912 = arith.constant 0 : index
      %swap3A_1913 = tpu.vector_load %arg9[%swap3A_1911, %swap3A_1912] {strides = array<i32>} : memref<64x16xf32, #tpu.memory_space<vmem>>, vector<16xf32>,
      tpu.vector_store %arg9[%swap3A_1911, %swap3A_1912], %exp3A_1908 {strides = array<i32>} : memref<64x16xf32, #tpu.memory_space<vmem>>, vector<16xf32>,
      %get3A_1914 = arith.constant 38 : i32
      %get3A_1915 = arith.index_cast %get3A_1914 : i32 to index
      %get3A_1916 = arith.constant 0 : index
      %get3A_1917 = tpu.vector_load %arg9[%get3A_1915, %get3A_1916] {strides = array<i32>} : memref<64x16xf32, #tpu.memory_space<vmem>>, vector<16xf32>,
      %sub3A_1918 = arith.subf %get3A_1917, %max3A_1491 : vector<16xf32>
      %exp3A_1919 = math.exp %sub3A_1918 : vector<16xf32>
      %add3A_1920 = arith.addf %add3A_1909, %exp3A_1919 : vector<16xf32>
      %swap3A_1921 = arith.constant 38 : i32
      %swap3A_1922 = arith.index_cast %swap3A_1921 : i32 to index
      %swap3A_1923 = arith.constant 0 : index
      %swap3A_1924 = tpu.vector_load %arg9[%swap3A_1922, %swap3A_1923] {strides = array<i32>} : memref<64x16xf32, #tpu.memory_space<vmem>>, vector<16xf32>,
      tpu.vector_store %arg9[%swap3A_1922, %swap3A_1923], %exp3A_1919 {strides = array<i32>} : memref<64x16xf32, #tpu.memory_space<vmem>>, vector<16xf32>,
      %get3A_1925 = arith.constant 39 : i32
      %get3A_1926 = arith.index_cast %get3A_1925 : i32 to index
      %get3A_1927 = arith.constant 0 : index
      %get3A_1928 = tpu.vector_load %arg9[%get3A_1926, %get3A_1927] {strides = array<i32>} : memref<64x16xf32, #tpu.memory_space<vmem>>, vector<16xf32>,
      %sub3A_1929 = arith.subf %get3A_1928, %max3A_1491 : vector<16xf32>
      %exp3A_1930 = math.exp %sub3A_1929 : vector<16xf32>
      %add3A_1931 = arith.addf %add3A_1920, %exp3A_1930 : vector<16xf32>
      %swap3A_1932 = arith.constant 39 : i32
      %swap3A_1933 = arith.index_cast %swap3A_1932 : i32 to index
      %swap3A_1934 = arith.constant 0 : index
      %swap3A_1935 = tpu.vector_load %arg9[%swap3A_1933, %swap3A_1934] {strides = array<i32>} : memref<64x16xf32, #tpu.memory_space<vmem>>, vector<16xf32>,
      tpu.vector_store %arg9[%swap3A_1933, %swap3A_1934], %exp3A_1930 {strides = array<i32>} : memref<64x16xf32, #tpu.memory_space<vmem>>, vector<16xf32>,
      %get3A_1936 = arith.constant 40 : i32
      %get3A_1937 = arith.index_cast %get3A_1936 : i32 to index
      %get3A_1938 = arith.constant 0 : index
      %get3A_1939 = tpu.vector_load %arg9[%get3A_1937, %get3A_1938] {strides = array<i32>} : memref<64x16xf32, #tpu.memory_space<vmem>>, vector<16xf32>,
      %sub3A_1940 = arith.subf %get3A_1939, %max3A_1491 : vector<16xf32>
      %exp3A_1941 = math.exp %sub3A_1940 : vector<16xf32>
      %add3A_1942 = arith.addf %add3A_1931, %exp3A_1941 : vector<16xf32>
      %swap3A_1943 = arith.constant 40 : i32
      %swap3A_1944 = arith.index_cast %swap3A_1943 : i32 to index
      %swap3A_1945 = arith.constant 0 : index
      %swap3A_1946 = tpu.vector_load %arg9[%swap3A_1944, %swap3A_1945] {strides = array<i32>} : memref<64x16xf32, #tpu.memory_space<vmem>>, vector<16xf32>,
      tpu.vector_store %arg9[%swap3A_1944, %swap3A_1945], %exp3A_1941 {strides = array<i32>} : memref<64x16xf32, #tpu.memory_space<vmem>>, vector<16xf32>,
      %get3A_1947 = arith.constant 41 : i32
      %get3A_1948 = arith.index_cast %get3A_1947 : i32 to index
      %get3A_1949 = arith.constant 0 : index
      %get3A_1950 = tpu.vector_load %arg9[%get3A_1948, %get3A_1949] {strides = array<i32>} : memref<64x16xf32, #tpu.memory_space<vmem>>, vector<16xf32>,
      %sub3A_1951 = arith.subf %get3A_1950, %max3A_1491 : vector<16xf32>
      %exp3A_1952 = math.exp %sub3A_1951 : vector<16xf32>
      %add3A_1953 = arith.addf %add3A_1942, %exp3A_1952 : vector<16xf32>
      %swap3A_1954 = arith.constant 41 : i32
      %swap3A_1955 = arith.index_cast %swap3A_1954 : i32 to index
      %swap3A_1956 = arith.constant 0 : index
      %swap3A_1957 = tpu.vector_load %arg9[%swap3A_1955, %swap3A_1956] {strides = array<i32>} : memref<64x16xf32, #tpu.memory_space<vmem>>, vector<16xf32>,
      tpu.vector_store %arg9[%swap3A_1955, %swap3A_1956], %exp3A_1952 {strides = array<i32>} : memref<64x16xf32, #tpu.memory_space<vmem>>, vector<16xf32>,
      %get3A_1958 = arith.constant 42 : i32
      %get3A_1959 = arith.index_cast %get3A_1958 : i32 to index
      %get3A_1960 = arith.constant 0 : index
      %get3A_1961 = tpu.vector_load %arg9[%get3A_1959, %get3A_1960] {strides = array<i32>} : memref<64x16xf32, #tpu.memory_space<vmem>>, vector<16xf32>,
      %sub3A_1962 = arith.subf %get3A_1961, %max3A_1491 : vector<16xf32>
      %exp3A_1963 = math.exp %sub3A_1962 : vector<16xf32>
      %add3A_1964 = arith.addf %add3A_1953, %exp3A_1963 : vector<16xf32>
      %swap3A_1965 = arith.constant 42 : i32
      %swap3A_1966 = arith.index_cast %swap3A_1965 : i32 to index
      %swap3A_1967 = arith.constant 0 : index
      %swap3A_1968 = tpu.vector_load %arg9[%swap3A_1966, %swap3A_1967] {strides = array<i32>} : memref<64x16xf32, #tpu.memory_space<vmem>>, vector<16xf32>,
      tpu.vector_store %arg9[%swap3A_1966, %swap3A_1967], %exp3A_1963 {strides = array<i32>} : memref<64x16xf32, #tpu.memory_space<vmem>>, vector<16xf32>,
      %get3A_1969 = arith.constant 43 : i32
      %get3A_1970 = arith.index_cast %get3A_1969 : i32 to index
      %get3A_1971 = arith.constant 0 : index
      %get3A_1972 = tpu.vector_load %arg9[%get3A_1970, %get3A_1971] {strides = array<i32>} : memref<64x16xf32, #tpu.memory_space<vmem>>, vector<16xf32>,
      %sub3A_1973 = arith.subf %get3A_1972, %max3A_1491 : vector<16xf32>
      %exp3A_1974 = math.exp %sub3A_1973 : vector<16xf32>
      %add3A_1975 = arith.addf %add3A_1964, %exp3A_1974 : vector<16xf32>
      %swap3A_1976 = arith.constant 43 : i32
      %swap3A_1977 = arith.index_cast %swap3A_1976 : i32 to index
      %swap3A_1978 = arith.constant 0 : index
      %swap3A_1979 = tpu.vector_load %arg9[%swap3A_1977, %swap3A_1978] {strides = array<i32>} : memref<64x16xf32, #tpu.memory_space<vmem>>, vector<16xf32>,
      tpu.vector_store %arg9[%swap3A_1977, %swap3A_1978], %exp3A_1974 {strides = array<i32>} : memref<64x16xf32, #tpu.memory_space<vmem>>, vector<16xf32>,
      %get3A_1980 = arith.constant 44 : i32
      %get3A_1981 = arith.index_cast %get3A_1980 : i32 to index
      %get3A_1982 = arith.constant 0 : index
      %get3A_1983 = tpu.vector_load %arg9[%get3A_1981, %get3A_1982] {strides = array<i32>} : memref<64x16xf32, #tpu.memory_space<vmem>>, vector<16xf32>,
      %sub3A_1984 = arith.subf %get3A_1983, %max3A_1491 : vector<16xf32>
      %exp3A_1985 = math.exp %sub3A_1984 : vector<16xf32>
      %add3A_1986 = arith.addf %add3A_1975, %exp3A_1985 : vector<16xf32>
      %swap3A_1987 = arith.constant 44 : i32
      %swap3A_1988 = arith.index_cast %swap3A_1987 : i32 to index
      %swap3A_1989 = arith.constant 0 : index
      %swap3A_1990 = tpu.vector_load %arg9[%swap3A_1988, %swap3A_1989] {strides = array<i32>} : memref<64x16xf32, #tpu.memory_space<vmem>>, vector<16xf32>,
      tpu.vector_store %arg9[%swap3A_1988, %swap3A_1989], %exp3A_1985 {strides = array<i32>} : memref<64x16xf32, #tpu.memory_space<vmem>>, vector<16xf32>,
      %get3A_1991 = arith.constant 45 : i32
      %get3A_1992 = arith.index_cast %get3A_1991 : i32 to index
      %get3A_1993 = arith.constant 0 : index
      %get3A_1994 = tpu.vector_load %arg9[%get3A_1992, %get3A_1993] {strides = array<i32>} : memref<64x16xf32, #tpu.memory_space<vmem>>, vector<16xf32>,
      %sub3A_1995 = arith.subf %get3A_1994, %max3A_1491 : vector<16xf32>
      %exp3A_1996 = math.exp %sub3A_1995 : vector<16xf32>
      %add3A_1997 = arith.addf %add3A_1986, %exp3A_1996 : vector<16xf32>
      %swap3A_1998 = arith.constant 45 : i32
      %swap3A_1999 = arith.index_cast %swap3A_1998 : i32 to index
      %swap3A_2000 = arith.constant 0 : index
      %swap3A_2001 = tpu.vector_load %arg9[%swap3A_1999, %swap3A_2000] {strides = array<i32>} : memref<64x16xf32, #tpu.memory_space<vmem>>, vector<16xf32>,
      tpu.vector_store %arg9[%swap3A_1999, %swap3A_2000], %exp3A_1996 {strides = array<i32>} : memref<64x16xf32, #tpu.memory_space<vmem>>, vector<16xf32>,
      %get3A_2002 = arith.constant 46 : i32
      %get3A_2003 = arith.index_cast %get3A_2002 : i32 to index
      %get3A_2004 = arith.constant 0 : index
      %get3A_2005 = tpu.vector_load %arg9[%get3A_2003, %get3A_2004] {strides = array<i32>} : memref<64x16xf32, #tpu.memory_space<vmem>>, vector<16xf32>,
      %sub3A_2006 = arith.subf %get3A_2005, %max3A_1491 : vector<16xf32>
      %exp3A_2007 = math.exp %sub3A_2006 : vector<16xf32>
      %add3A_2008 = arith.addf %add3A_1997, %exp3A_2007 : vector<16xf32>
      %swap3A_2009 = arith.constant 46 : i32
      %swap3A_2010 = arith.index_cast %swap3A_2009 : i32 to index
      %swap3A_2011 = arith.constant 0 : index
      %swap3A_2012 = tpu.vector_load %arg9[%swap3A_2010, %swap3A_2011] {strides = array<i32>} : memref<64x16xf32, #tpu.memory_space<vmem>>, vector<16xf32>,
      tpu.vector_store %arg9[%swap3A_2010, %swap3A_2011], %exp3A_2007 {strides = array<i32>} : memref<64x16xf32, #tpu.memory_space<vmem>>, vector<16xf32>,
      %get3A_2013 = arith.constant 47 : i32
      %get3A_2014 = arith.index_cast %get3A_2013 : i32 to index
      %get3A_2015 = arith.constant 0 : index
      %get3A_2016 = tpu.vector_load %arg9[%get3A_2014, %get3A_2015] {strides = array<i32>} : memref<64x16xf32, #tpu.memory_space<vmem>>, vector<16xf32>,
      %sub3A_2017 = arith.subf %get3A_2016, %max3A_1491 : vector<16xf32>
      %exp3A_2018 = math.exp %sub3A_2017 : vector<16xf32>
      %add3A_2019 = arith.addf %add3A_2008, %exp3A_2018 : vector<16xf32>
      %swap3A_2020 = arith.constant 47 : i32
      %swap3A_2021 = arith.index_cast %swap3A_2020 : i32 to index
      %swap3A_2022 = arith.constant 0 : index
      %swap3A_2023 = tpu.vector_load %arg9[%swap3A_2021, %swap3A_2022] {strides = array<i32>} : memref<64x16xf32, #tpu.memory_space<vmem>>, vector<16xf32>,
      tpu.vector_store %arg9[%swap3A_2021, %swap3A_2022], %exp3A_2018 {strides = array<i32>} : memref<64x16xf32, #tpu.memory_space<vmem>>, vector<16xf32>,
      %get3A_2024 = arith.constant 48 : i32
      %get3A_2025 = arith.index_cast %get3A_2024 : i32 to index
      %get3A_2026 = arith.constant 0 : index
      %get3A_2027 = tpu.vector_load %arg9[%get3A_2025, %get3A_2026] {strides = array<i32>} : memref<64x16xf32, #tpu.memory_space<vmem>>, vector<16xf32>,
      %sub3A_2028 = arith.subf %get3A_2027, %max3A_1491 : vector<16xf32>
      %exp3A_2029 = math.exp %sub3A_2028 : vector<16xf32>
      %add3A_2030 = arith.addf %add3A_2019, %exp3A_2029 : vector<16xf32>
      %swap3A_2031 = arith.constant 48 : i32
      %swap3A_2032 = arith.index_cast %swap3A_2031 : i32 to index
      %swap3A_2033 = arith.constant 0 : index
      %swap3A_2034 = tpu.vector_load %arg9[%swap3A_2032, %swap3A_2033] {strides = array<i32>} : memref<64x16xf32, #tpu.memory_space<vmem>>, vector<16xf32>,
      tpu.vector_store %arg9[%swap3A_2032, %swap3A_2033], %exp3A_2029 {strides = array<i32>} : memref<64x16xf32, #tpu.memory_space<vmem>>, vector<16xf32>,
      %get3A_2035 = arith.constant 49 : i32
      %get3A_2036 = arith.index_cast %get3A_2035 : i32 to index
      %get3A_2037 = arith.constant 0 : index
      %get3A_2038 = tpu.vector_load %arg9[%get3A_2036, %get3A_2037] {strides = array<i32>} : memref<64x16xf32, #tpu.memory_space<vmem>>, vector<16xf32>,
      %sub3A_2039 = arith.subf %get3A_2038, %max3A_1491 : vector<16xf32>
      %exp3A_2040 = math.exp %sub3A_2039 : vector<16xf32>
      %add3A_2041 = arith.addf %add3A_2030, %exp3A_2040 : vector<16xf32>
      %swap3A_2042 = arith.constant 49 : i32
      %swap3A_2043 = arith.index_cast %swap3A_2042 : i32 to index
      %swap3A_2044 = arith.constant 0 : index
      %swap3A_2045 = tpu.vector_load %arg9[%swap3A_2043, %swap3A_2044] {strides = array<i32>} : memref<64x16xf32, #tpu.memory_space<vmem>>, vector<16xf32>,
      tpu.vector_store %arg9[%swap3A_2043, %swap3A_2044], %exp3A_2040 {strides = array<i32>} : memref<64x16xf32, #tpu.memory_space<vmem>>, vector<16xf32>,
      %get3A_2046 = arith.constant 50 : i32
      %get3A_2047 = arith.index_cast %get3A_2046 : i32 to index
      %get3A_2048 = arith.constant 0 : index
      %get3A_2049 = tpu.vector_load %arg9[%get3A_2047, %get3A_2048] {strides = array<i32>} : memref<64x16xf32, #tpu.memory_space<vmem>>, vector<16xf32>,
      %sub3A_2050 = arith.subf %get3A_2049, %max3A_1491 : vector<16xf32>
      %exp3A_2051 = math.exp %sub3A_2050 : vector<16xf32>
      %add3A_2052 = arith.addf %add3A_2041, %exp3A_2051 : vector<16xf32>
      %swap3A_2053 = arith.constant 50 : i32
      %swap3A_2054 = arith.index_cast %swap3A_2053 : i32 to index
      %swap3A_2055 = arith.constant 0 : index
      %swap3A_2056 = tpu.vector_load %arg9[%swap3A_2054, %swap3A_2055] {strides = array<i32>} : memref<64x16xf32, #tpu.memory_space<vmem>>, vector<16xf32>,
      tpu.vector_store %arg9[%swap3A_2054, %swap3A_2055], %exp3A_2051 {strides = array<i32>} : memref<64x16xf32, #tpu.memory_space<vmem>>, vector<16xf32>,
      %get3A_2057 = arith.constant 51 : i32
      %get3A_2058 = arith.index_cast %get3A_2057 : i32 to index
      %get3A_2059 = arith.constant 0 : index
      %get3A_2060 = tpu.vector_load %arg9[%get3A_2058, %get3A_2059] {strides = array<i32>} : memref<64x16xf32, #tpu.memory_space<vmem>>, vector<16xf32>,
      %sub3A_2061 = arith.subf %get3A_2060, %max3A_1491 : vector<16xf32>
      %exp3A_2062 = math.exp %sub3A_2061 : vector<16xf32>
      %add3A_2063 = arith.addf %add3A_2052, %exp3A_2062 : vector<16xf32>
      %swap3A_2064 = arith.constant 51 : i32
      %swap3A_2065 = arith.index_cast %swap3A_2064 : i32 to index
      %swap3A_2066 = arith.constant 0 : index
      %swap3A_2067 = tpu.vector_load %arg9[%swap3A_2065, %swap3A_2066] {strides = array<i32>} : memref<64x16xf32, #tpu.memory_space<vmem>>, vector<16xf32>,
      tpu.vector_store %arg9[%swap3A_2065, %swap3A_2066], %exp3A_2062 {strides = array<i32>} : memref<64x16xf32, #tpu.memory_space<vmem>>, vector<16xf32>,
      %get3A_2068 = arith.constant 52 : i32
      %get3A_2069 = arith.index_cast %get3A_2068 : i32 to index
      %get3A_2070 = arith.constant 0 : index
      %get3A_2071 = tpu.vector_load %arg9[%get3A_2069, %get3A_2070] {strides = array<i32>} : memref<64x16xf32, #tpu.memory_space<vmem>>, vector<16xf32>,
      %sub3A_2072 = arith.subf %get3A_2071, %max3A_1491 : vector<16xf32>
      %exp3A_2073 = math.exp %sub3A_2072 : vector<16xf32>
      %add3A_2074 = arith.addf %add3A_2063, %exp3A_2073 : vector<16xf32>
      %swap3A_2075 = arith.constant 52 : i32
      %swap3A_2076 = arith.index_cast %swap3A_2075 : i32 to index
      %swap3A_2077 = arith.constant 0 : index
      %swap3A_2078 = tpu.vector_load %arg9[%swap3A_2076, %swap3A_2077] {strides = array<i32>} : memref<64x16xf32, #tpu.memory_space<vmem>>, vector<16xf32>,
      tpu.vector_store %arg9[%swap3A_2076, %swap3A_2077], %exp3A_2073 {strides = array<i32>} : memref<64x16xf32, #tpu.memory_space<vmem>>, vector<16xf32>,
      %get3A_2079 = arith.constant 53 : i32
      %get3A_2080 = arith.index_cast %get3A_2079 : i32 to index
      %get3A_2081 = arith.constant 0 : index
      %get3A_2082 = tpu.vector_load %arg9[%get3A_2080, %get3A_2081] {strides = array<i32>} : memref<64x16xf32, #tpu.memory_space<vmem>>, vector<16xf32>,
      %sub3A_2083 = arith.subf %get3A_2082, %max3A_1491 : vector<16xf32>
      %exp3A_2084 = math.exp %sub3A_2083 : vector<16xf32>
      %add3A_2085 = arith.addf %add3A_2074, %exp3A_2084 : vector<16xf32>
      %swap3A_2086 = arith.constant 53 : i32
      %swap3A_2087 = arith.index_cast %swap3A_2086 : i32 to index
      %swap3A_2088 = arith.constant 0 : index
      %swap3A_2089 = tpu.vector_load %arg9[%swap3A_2087, %swap3A_2088] {strides = array<i32>} : memref<64x16xf32, #tpu.memory_space<vmem>>, vector<16xf32>,
      tpu.vector_store %arg9[%swap3A_2087, %swap3A_2088], %exp3A_2084 {strides = array<i32>} : memref<64x16xf32, #tpu.memory_space<vmem>>, vector<16xf32>,
      %get3A_2090 = arith.constant 54 : i32
      %get3A_2091 = arith.index_cast %get3A_2090 : i32 to index
      %get3A_2092 = arith.constant 0 : index
      %get3A_2093 = tpu.vector_load %arg9[%get3A_2091, %get3A_2092] {strides = array<i32>} : memref<64x16xf32, #tpu.memory_space<vmem>>, vector<16xf32>,
      %sub3A_2094 = arith.subf %get3A_2093, %max3A_1491 : vector<16xf32>
      %exp3A_2095 = math.exp %sub3A_2094 : vector<16xf32>
      %add3A_2096 = arith.addf %add3A_2085, %exp3A_2095 : vector<16xf32>
      %swap3A_2097 = arith.constant 54 : i32
      %swap3A_2098 = arith.index_cast %swap3A_2097 : i32 to index
      %swap3A_2099 = arith.constant 0 : index
      %swap3A_2100 = tpu.vector_load %arg9[%swap3A_2098, %swap3A_2099] {strides = array<i32>} : memref<64x16xf32, #tpu.memory_space<vmem>>, vector<16xf32>,
      tpu.vector_store %arg9[%swap3A_2098, %swap3A_2099], %exp3A_2095 {strides = array<i32>} : memref<64x16xf32, #tpu.memory_space<vmem>>, vector<16xf32>,
      %get3A_2101 = arith.constant 55 : i32
      %get3A_2102 = arith.index_cast %get3A_2101 : i32 to index
      %get3A_2103 = arith.constant 0 : index
      %get3A_2104 = tpu.vector_load %arg9[%get3A_2102, %get3A_2103] {strides = array<i32>} : memref<64x16xf32, #tpu.memory_space<vmem>>, vector<16xf32>,
      %sub3A_2105 = arith.subf %get3A_2104, %max3A_1491 : vector<16xf32>
      %exp3A_2106 = math.exp %sub3A_2105 : vector<16xf32>
      %add3A_2107 = arith.addf %add3A_2096, %exp3A_2106 : vector<16xf32>
      %swap3A_2108 = arith.constant 55 : i32
      %swap3A_2109 = arith.index_cast %swap3A_2108 : i32 to index
      %swap3A_2110 = arith.constant 0 : index
      %swap3A_2111 = tpu.vector_load %arg9[%swap3A_2109, %swap3A_2110] {strides = array<i32>} : memref<64x16xf32, #tpu.memory_space<vmem>>, vector<16xf32>,
      tpu.vector_store %arg9[%swap3A_2109, %swap3A_2110], %exp3A_2106 {strides = array<i32>} : memref<64x16xf32, #tpu.memory_space<vmem>>, vector<16xf32>,
      %get3A_2112 = arith.constant 56 : i32
      %get3A_2113 = arith.index_cast %get3A_2112 : i32 to index
      %get3A_2114 = arith.constant 0 : index
      %get3A_2115 = tpu.vector_load %arg9[%get3A_2113, %get3A_2114] {strides = array<i32>} : memref<64x16xf32, #tpu.memory_space<vmem>>, vector<16xf32>,
      %sub3A_2116 = arith.subf %get3A_2115, %max3A_1491 : vector<16xf32>
      %exp3A_2117 = math.exp %sub3A_2116 : vector<16xf32>
      %add3A_2118 = arith.addf %add3A_2107, %exp3A_2117 : vector<16xf32>
      %swap3A_2119 = arith.constant 56 : i32
      %swap3A_2120 = arith.index_cast %swap3A_2119 : i32 to index
      %swap3A_2121 = arith.constant 0 : index
      %swap3A_2122 = tpu.vector_load %arg9[%swap3A_2120, %swap3A_2121] {strides = array<i32>} : memref<64x16xf32, #tpu.memory_space<vmem>>, vector<16xf32>,
      tpu.vector_store %arg9[%swap3A_2120, %swap3A_2121], %exp3A_2117 {strides = array<i32>} : memref<64x16xf32, #tpu.memory_space<vmem>>, vector<16xf32>,
      %get3A_2123 = arith.constant 57 : i32
      %get3A_2124 = arith.index_cast %get3A_2123 : i32 to index
      %get3A_2125 = arith.constant 0 : index
      %get3A_2126 = tpu.vector_load %arg9[%get3A_2124, %get3A_2125] {strides = array<i32>} : memref<64x16xf32, #tpu.memory_space<vmem>>, vector<16xf32>,
      %sub3A_2127 = arith.subf %get3A_2126, %max3A_1491 : vector<16xf32>
      %exp3A_2128 = math.exp %sub3A_2127 : vector<16xf32>
      %add3A_2129 = arith.addf %add3A_2118, %exp3A_2128 : vector<16xf32>
      %swap3A_2130 = arith.constant 57 : i32
      %swap3A_2131 = arith.index_cast %swap3A_2130 : i32 to index
      %swap3A_2132 = arith.constant 0 : index
      %swap3A_2133 = tpu.vector_load %arg9[%swap3A_2131, %swap3A_2132] {strides = array<i32>} : memref<64x16xf32, #tpu.memory_space<vmem>>, vector<16xf32>,
      tpu.vector_store %arg9[%swap3A_2131, %swap3A_2132], %exp3A_2128 {strides = array<i32>} : memref<64x16xf32, #tpu.memory_space<vmem>>, vector<16xf32>,
      %get3A_2134 = arith.constant 58 : i32
      %get3A_2135 = arith.index_cast %get3A_2134 : i32 to index
      %get3A_2136 = arith.constant 0 : index
      %get3A_2137 = tpu.vector_load %arg9[%get3A_2135, %get3A_2136] {strides = array<i32>} : memref<64x16xf32, #tpu.memory_space<vmem>>, vector<16xf32>,
      %sub3A_2138 = arith.subf %get3A_2137, %max3A_1491 : vector<16xf32>
      %exp3A_2139 = math.exp %sub3A_2138 : vector<16xf32>
      %add3A_2140 = arith.addf %add3A_2129, %exp3A_2139 : vector<16xf32>
      %swap3A_2141 = arith.constant 58 : i32
      %swap3A_2142 = arith.index_cast %swap3A_2141 : i32 to index
      %swap3A_2143 = arith.constant 0 : index
      %swap3A_2144 = tpu.vector_load %arg9[%swap3A_2142, %swap3A_2143] {strides = array<i32>} : memref<64x16xf32, #tpu.memory_space<vmem>>, vector<16xf32>,
      tpu.vector_store %arg9[%swap3A_2142, %swap3A_2143], %exp3A_2139 {strides = array<i32>} : memref<64x16xf32, #tpu.memory_space<vmem>>, vector<16xf32>,
      %get3A_2145 = arith.constant 59 : i32
      %get3A_2146 = arith.index_cast %get3A_2145 : i32 to index
      %get3A_2147 = arith.constant 0 : index
      %get3A_2148 = tpu.vector_load %arg9[%get3A_2146, %get3A_2147] {strides = array<i32>} : memref<64x16xf32, #tpu.memory_space<vmem>>, vector<16xf32>,
      %sub3A_2149 = arith.subf %get3A_2148, %max3A_1491 : vector<16xf32>
      %exp3A_2150 = math.exp %sub3A_2149 : vector<16xf32>
      %add3A_2151 = arith.addf %add3A_2140, %exp3A_2150 : vector<16xf32>
      %swap3A_2152 = arith.constant 59 : i32
      %swap3A_2153 = arith.index_cast %swap3A_2152 : i32 to index
      %swap3A_2154 = arith.constant 0 : index
      %swap3A_2155 = tpu.vector_load %arg9[%swap3A_2153, %swap3A_2154] {strides = array<i32>} : memref<64x16xf32, #tpu.memory_space<vmem>>, vector<16xf32>,
      tpu.vector_store %arg9[%swap3A_2153, %swap3A_2154], %exp3A_2150 {strides = array<i32>} : memref<64x16xf32, #tpu.memory_space<vmem>>, vector<16xf32>,
      %get3A_2156 = arith.constant 60 : i32
      %get3A_2157 = arith.index_cast %get3A_2156 : i32 to index
      %get3A_2158 = arith.constant 0 : index
      %get3A_2159 = tpu.vector_load %arg9[%get3A_2157, %get3A_2158] {strides = array<i32>} : memref<64x16xf32, #tpu.memory_space<vmem>>, vector<16xf32>,
      %sub3A_2160 = arith.subf %get3A_2159, %max3A_1491 : vector<16xf32>
      %exp3A_2161 = math.exp %sub3A_2160 : vector<16xf32>
      %add3A_2162 = arith.addf %add3A_2151, %exp3A_2161 : vector<16xf32>
      %swap3A_2163 = arith.constant 60 : i32
      %swap3A_2164 = arith.index_cast %swap3A_2163 : i32 to index
      %swap3A_2165 = arith.constant 0 : index
      %swap3A_2166 = tpu.vector_load %arg9[%swap3A_2164, %swap3A_2165] {strides = array<i32>} : memref<64x16xf32, #tpu.memory_space<vmem>>, vector<16xf32>,
      tpu.vector_store %arg9[%swap3A_2164, %swap3A_2165], %exp3A_2161 {strides = array<i32>} : memref<64x16xf32, #tpu.memory_space<vmem>>, vector<16xf32>,
      %get3A_2167 = arith.constant 61 : i32
      %get3A_2168 = arith.index_cast %get3A_2167 : i32 to index
      %get3A_2169 = arith.constant 0 : index
      %get3A_2170 = tpu.vector_load %arg9[%get3A_2168, %get3A_2169] {strides = array<i32>} : memref<64x16xf32, #tpu.memory_space<vmem>>, vector<16xf32>,
      %sub3A_2171 = arith.subf %get3A_2170, %max3A_1491 : vector<16xf32>
      %exp3A_2172 = math.exp %sub3A_2171 : vector<16xf32>
      %add3A_2173 = arith.addf %add3A_2162, %exp3A_2172 : vector<16xf32>
      %swap3A_2174 = arith.constant 61 : i32
      %swap3A_2175 = arith.index_cast %swap3A_2174 : i32 to index
      %swap3A_2176 = arith.constant 0 : index
      %swap3A_2177 = tpu.vector_load %arg9[%swap3A_2175, %swap3A_2176] {strides = array<i32>} : memref<64x16xf32, #tpu.memory_space<vmem>>, vector<16xf32>,
      tpu.vector_store %arg9[%swap3A_2175, %swap3A_2176], %exp3A_2172 {strides = array<i32>} : memref<64x16xf32, #tpu.memory_space<vmem>>, vector<16xf32>,
      %get3A_2178 = arith.constant 62 : i32
      %get3A_2179 = arith.index_cast %get3A_2178 : i32 to index
      %get3A_2180 = arith.constant 0 : index
      %get3A_2181 = tpu.vector_load %arg9[%get3A_2179, %get3A_2180] {strides = array<i32>} : memref<64x16xf32, #tpu.memory_space<vmem>>, vector<16xf32>,
      %sub3A_2182 = arith.subf %get3A_2181, %max3A_1491 : vector<16xf32>
      %exp3A_2183 = math.exp %sub3A_2182 : vector<16xf32>
      %add3A_2184 = arith.addf %add3A_2173, %exp3A_2183 : vector<16xf32>
      %swap3A_2185 = arith.constant 62 : i32
      %swap3A_2186 = arith.index_cast %swap3A_2185 : i32 to index
      %swap3A_2187 = arith.constant 0 : index
      %swap3A_2188 = tpu.vector_load %arg9[%swap3A_2186, %swap3A_2187] {strides = array<i32>} : memref<64x16xf32, #tpu.memory_space<vmem>>, vector<16xf32>,
      tpu.vector_store %arg9[%swap3A_2186, %swap3A_2187], %exp3A_2183 {strides = array<i32>} : memref<64x16xf32, #tpu.memory_space<vmem>>, vector<16xf32>,
      %get3A_2189 = arith.constant 63 : i32
      %get3A_2190 = arith.index_cast %get3A_2189 : i32 to index
      %get3A_2191 = arith.constant 0 : index
      %get3A_2192 = tpu.vector_load %arg9[%get3A_2190, %get3A_2191] {strides = array<i32>} : memref<64x16xf32, #tpu.memory_space<vmem>>, vector<16xf32>,
      %sub3A_2193 = arith.subf %get3A_2192, %max3A_1491 : vector<16xf32>
      %exp3A_2194 = math.exp %sub3A_2193 : vector<16xf32>
      %add3A_2195 = arith.addf %add3A_2184, %exp3A_2194 : vector<16xf32>
      %swap3A_2196 = arith.constant 63 : i32
      %swap3A_2197 = arith.index_cast %swap3A_2196 : i32 to index
      %swap3A_2198 = arith.constant 0 : index
      %swap3A_2199 = tpu.vector_load %arg9[%swap3A_2197, %swap3A_2198] {strides = array<i32>} : memref<64x16xf32, #tpu.memory_space<vmem>>, vector<16xf32>,
      tpu.vector_store %arg9[%swap3A_2197, %swap3A_2198], %exp3A_2194 {strides = array<i32>} : memref<64x16xf32, #tpu.memory_space<vmem>>, vector<16xf32>,
      %div3A = arith.constant 1.000000e+00 : f32
      %div3A_2200 = vector.broadcast %div3A : f32 to vector<16xf32>
      %div3A_2201 = arith.divf %div3A_2200, %add3A_2195 : vector<16xf32>
      %add3A_2202 = vector.broadcast %mul3A_12 : i32 to vector<16xi32>
      %add3A_2203 = arith.addi %add3A_2202, %iota3A : vector<16xi32>
      %get3A_2204 = arith.constant 0 : i32
      %get3A_2205 = arith.index_cast %get3A_2204 : i32 to index
      %get3A_2206 = arith.constant 0 : index
      %get3A_2207 = tpu.vector_load %arg9[%get3A_2205, %get3A_2206] {strides = array<i32>} : memref<64x16xf32, #tpu.memory_space<vmem>>, vector<16xf32>,
      %mul3A_2208 = arith.mulf %get3A_2207, %div3A_2201 : vector<16xf32>
      %jit3A = arith.constant 1.562500e-02 : f32
      %broadcast_in_dim3A_2209 = vector.broadcast %jit3A : f32 to vector<16xf32>
      %select_n3A_2210 = arith.select %lt3A_19, %broadcast_in_dim3A_2209, %mul3A_2208 : vector<16xi1>, vector<16xf32>
      %broadcast_in_dim3A_2211 = arith.constant 0 : i32
      %broadcast_in_dim3A_2212 = vector.broadcast %broadcast_in_dim3A_2211 : i32 to vector<16xi32>
      tpu.vector_store_idx %arg10[%add3A_2203, %broadcast_in_dim3A_2212], %select_n3A_2210 : memref<256x64xf32, #tpu.memory_space<vmem>>[vector<16xi32>, vector<16xi32>], vector<16xf32>,
      %get3A_2213 = arith.constant 1 : i32
      %get3A_2214 = arith.index_cast %get3A_2213 : i32 to index
      %get3A_2215 = arith.constant 0 : index
      %get3A_2216 = tpu.vector_load %arg9[%get3A_2214, %get3A_2215] {strides = array<i32>} : memref<64x16xf32, #tpu.memory_space<vmem>>, vector<16xf32>,
      %mul3A_2217 = arith.mulf %get3A_2216, %div3A_2201 : vector<16xf32>
      %jit3A_2218 = arith.constant 1.562500e-02 : f32
      %broadcast_in_dim3A_2219 = vector.broadcast %jit3A_2218 : f32 to vector<16xf32>
      %select_n3A_2220 = arith.select %lt3A_19, %broadcast_in_dim3A_2219, %mul3A_2217 : vector<16xi1>, vector<16xf32>
      %broadcast_in_dim3A_2221 = arith.constant 1 : i32
      %broadcast_in_dim3A_2222 = vector.broadcast %broadcast_in_dim3A_2221 : i32 to vector<16xi32>
      tpu.vector_store_idx %arg10[%add3A_2203, %broadcast_in_dim3A_2222], %select_n3A_2220 : memref<256x64xf32, #tpu.memory_space<vmem>>[vector<16xi32>, vector<16xi32>], vector<16xf32>,
      %get3A_2223 = arith.constant 2 : i32
      %get3A_2224 = arith.index_cast %get3A_2223 : i32 to index
      %get3A_2225 = arith.constant 0 : index
      %get3A_2226 = tpu.vector_load %arg9[%get3A_2224, %get3A_2225] {strides = array<i32>} : memref<64x16xf32, #tpu.memory_space<vmem>>, vector<16xf32>,
      %mul3A_2227 = arith.mulf %get3A_2226, %div3A_2201 : vector<16xf32>
      %jit3A_2228 = arith.constant 1.562500e-02 : f32
      %broadcast_in_dim3A_2229 = vector.broadcast %jit3A_2228 : f32 to vector<16xf32>
      %select_n3A_2230 = arith.select %lt3A_19, %broadcast_in_dim3A_2229, %mul3A_2227 : vector<16xi1>, vector<16xf32>
      %broadcast_in_dim3A_2231 = arith.constant 2 : i32
      %broadcast_in_dim3A_2232 = vector.broadcast %broadcast_in_dim3A_2231 : i32 to vector<16xi32>
      tpu.vector_store_idx %arg10[%add3A_2203, %broadcast_in_dim3A_2232], %select_n3A_2230 : memref<256x64xf32, #tpu.memory_space<vmem>>[vector<16xi32>, vector<16xi32>], vector<16xf32>,
      %get3A_2233 = arith.constant 3 : i32
      %get3A_2234 = arith.index_cast %get3A_2233 : i32 to index
      %get3A_2235 = arith.constant 0 : index
      %get3A_2236 = tpu.vector_load %arg9[%get3A_2234, %get3A_2235] {strides = array<i32>} : memref<64x16xf32, #tpu.memory_space<vmem>>, vector<16xf32>,
      %mul3A_2237 = arith.mulf %get3A_2236, %div3A_2201 : vector<16xf32>
      %jit3A_2238 = arith.constant 1.562500e-02 : f32
      %broadcast_in_dim3A_2239 = vector.broadcast %jit3A_2238 : f32 to vector<16xf32>
      %select_n3A_2240 = arith.select %lt3A_19, %broadcast_in_dim3A_2239, %mul3A_2237 : vector<16xi1>, vector<16xf32>
      %broadcast_in_dim3A_2241 = arith.constant 3 : i32
      %broadcast_in_dim3A_2242 = vector.broadcast %broadcast_in_dim3A_2241 : i32 to vector<16xi32>
      tpu.vector_store_idx %arg10[%add3A_2203, %broadcast_in_dim3A_2242], %select_n3A_2240 : memref<256x64xf32, #tpu.memory_space<vmem>>[vector<16xi32>, vector<16xi32>], vector<16xf32>,
      %get3A_2243 = arith.constant 4 : i32
      %get3A_2244 = arith.index_cast %get3A_2243 : i32 to index
      %get3A_2245 = arith.constant 0 : index
      %get3A_2246 = tpu.vector_load %arg9[%get3A_2244, %get3A_2245] {strides = array<i32>} : memref<64x16xf32, #tpu.memory_space<vmem>>, vector<16xf32>,
      %mul3A_2247 = arith.mulf %get3A_2246, %div3A_2201 : vector<16xf32>
      %jit3A_2248 = arith.constant 1.562500e-02 : f32
      %broadcast_in_dim3A_2249 = vector.broadcast %jit3A_2248 : f32 to vector<16xf32>
      %select_n3A_2250 = arith.select %lt3A_19, %broadcast_in_dim3A_2249, %mul3A_2247 : vector<16xi1>, vector<16xf32>
      %broadcast_in_dim3A_2251 = arith.constant 4 : i32
      %broadcast_in_dim3A_2252 = vector.broadcast %broadcast_in_dim3A_2251 : i32 to vector<16xi32>
      tpu.vector_store_idx %arg10[%add3A_2203, %broadcast_in_dim3A_2252], %select_n3A_2250 : memref<256x64xf32, #tpu.memory_space<vmem>>[vector<16xi32>, vector<16xi32>], vector<16xf32>,
      %get3A_2253 = arith.constant 5 : i32
      %get3A_2254 = arith.index_cast %get3A_2253 : i32 to index
      %get3A_2255 = arith.constant 0 : index
      %get3A_2256 = tpu.vector_load %arg9[%get3A_2254, %get3A_2255] {strides = array<i32>} : memref<64x16xf32, #tpu.memory_space<vmem>>, vector<16xf32>,
      %mul3A_2257 = arith.mulf %get3A_2256, %div3A_2201 : vector<16xf32>
      %jit3A_2258 = arith.constant 1.562500e-02 : f32
      %broadcast_in_dim3A_2259 = vector.broadcast %jit3A_2258 : f32 to vector<16xf32>
      %select_n3A_2260 = arith.select %lt3A_19, %broadcast_in_dim3A_2259, %mul3A_2257 : vector<16xi1>, vector<16xf32>
      %broadcast_in_dim3A_2261 = arith.constant 5 : i32
      %broadcast_in_dim3A_2262 = vector.broadcast %broadcast_in_dim3A_2261 : i32 to vector<16xi32>
      tpu.vector_store_idx %arg10[%add3A_2203, %broadcast_in_dim3A_2262], %select_n3A_2260 : memref<256x64xf32, #tpu.memory_space<vmem>>[vector<16xi32>, vector<16xi32>], vector<16xf32>,
      %get3A_2263 = arith.constant 6 : i32
      %get3A_2264 = arith.index_cast %get3A_2263 : i32 to index
      %get3A_2265 = arith.constant 0 : index
      %get3A_2266 = tpu.vector_load %arg9[%get3A_2264, %get3A_2265] {strides = array<i32>} : memref<64x16xf32, #tpu.memory_space<vmem>>, vector<16xf32>,
      %mul3A_2267 = arith.mulf %get3A_2266, %div3A_2201 : vector<16xf32>
      %jit3A_2268 = arith.constant 1.562500e-02 : f32
      %broadcast_in_dim3A_2269 = vector.broadcast %jit3A_2268 : f32 to vector<16xf32>
      %select_n3A_2270 = arith.select %lt3A_19, %broadcast_in_dim3A_2269, %mul3A_2267 : vector<16xi1>, vector<16xf32>
      %broadcast_in_dim3A_2271 = arith.constant 6 : i32
      %broadcast_in_dim3A_2272 = vector.broadcast %broadcast_in_dim3A_2271 : i32 to vector<16xi32>
      tpu.vector_store_idx %arg10[%add3A_2203, %broadcast_in_dim3A_2272], %select_n3A_2270 : memref<256x64xf32, #tpu.memory_space<vmem>>[vector<16xi32>, vector<16xi32>], vector<16xf32>,
      %get3A_2273 = arith.constant 7 : i32
      %get3A_2274 = arith.index_cast %get3A_2273 : i32 to index
      %get3A_2275 = arith.constant 0 : index
      %get3A_2276 = tpu.vector_load %arg9[%get3A_2274, %get3A_2275] {strides = array<i32>} : memref<64x16xf32, #tpu.memory_space<vmem>>, vector<16xf32>,
      %mul3A_2277 = arith.mulf %get3A_2276, %div3A_2201 : vector<16xf32>
      %jit3A_2278 = arith.constant 1.562500e-02 : f32
      %broadcast_in_dim3A_2279 = vector.broadcast %jit3A_2278 : f32 to vector<16xf32>
      %select_n3A_2280 = arith.select %lt3A_19, %broadcast_in_dim3A_2279, %mul3A_2277 : vector<16xi1>, vector<16xf32>
      %broadcast_in_dim3A_2281 = arith.constant 7 : i32
      %broadcast_in_dim3A_2282 = vector.broadcast %broadcast_in_dim3A_2281 : i32 to vector<16xi32>
      tpu.vector_store_idx %arg10[%add3A_2203, %broadcast_in_dim3A_2282], %select_n3A_2280 : memref<256x64xf32, #tpu.memory_space<vmem>>[vector<16xi32>, vector<16xi32>], vector<16xf32>,
      %get3A_2283 = arith.constant 8 : i32
      %get3A_2284 = arith.index_cast %get3A_2283 : i32 to index
      %get3A_2285 = arith.constant 0 : index
      %get3A_2286 = tpu.vector_load %arg9[%get3A_2284, %get3A_2285] {strides = array<i32>} : memref<64x16xf32, #tpu.memory_space<vmem>>, vector<16xf32>,
      %mul3A_2287 = arith.mulf %get3A_2286, %div3A_2201 : vector<16xf32>
      %jit3A_2288 = arith.constant 1.562500e-02 : f32
      %broadcast_in_dim3A_2289 = vector.broadcast %jit3A_2288 : f32 to vector<16xf32>
      %select_n3A_2290 = arith.select %lt3A_19, %broadcast_in_dim3A_2289, %mul3A_2287 : vector<16xi1>, vector<16xf32>
      %broadcast_in_dim3A_2291 = arith.constant 8 : i32
      %broadcast_in_dim3A_2292 = vector.broadcast %broadcast_in_dim3A_2291 : i32 to vector<16xi32>
      tpu.vector_store_idx %arg10[%add3A_2203, %broadcast_in_dim3A_2292], %select_n3A_2290 : memref<256x64xf32, #tpu.memory_space<vmem>>[vector<16xi32>, vector<16xi32>], vector<16xf32>,
      %get3A_2293 = arith.constant 9 : i32
      %get3A_2294 = arith.index_cast %get3A_2293 : i32 to index
      %get3A_2295 = arith.constant 0 : index
      %get3A_2296 = tpu.vector_load %arg9[%get3A_2294, %get3A_2295] {strides = array<i32>} : memref<64x16xf32, #tpu.memory_space<vmem>>, vector<16xf32>,
      %mul3A_2297 = arith.mulf %get3A_2296, %div3A_2201 : vector<16xf32>
      %jit3A_2298 = arith.constant 1.562500e-02 : f32
      %broadcast_in_dim3A_2299 = vector.broadcast %jit3A_2298 : f32 to vector<16xf32>
      %select_n3A_2300 = arith.select %lt3A_19, %broadcast_in_dim3A_2299, %mul3A_2297 : vector<16xi1>, vector<16xf32>
      %broadcast_in_dim3A_2301 = arith.constant 9 : i32
      %broadcast_in_dim3A_2302 = vector.broadcast %broadcast_in_dim3A_2301 : i32 to vector<16xi32>
      tpu.vector_store_idx %arg10[%add3A_2203, %broadcast_in_dim3A_2302], %select_n3A_2300 : memref<256x64xf32, #tpu.memory_space<vmem>>[vector<16xi32>, vector<16xi32>], vector<16xf32>,
      %get3A_2303 = arith.constant 10 : i32
      %get3A_2304 = arith.index_cast %get3A_2303 : i32 to index
      %get3A_2305 = arith.constant 0 : index
      %get3A_2306 = tpu.vector_load %arg9[%get3A_2304, %get3A_2305] {strides = array<i32>} : memref<64x16xf32, #tpu.memory_space<vmem>>, vector<16xf32>,
      %mul3A_2307 = arith.mulf %get3A_2306, %div3A_2201 : vector<16xf32>
      %jit3A_2308 = arith.constant 1.562500e-02 : f32
      %broadcast_in_dim3A_2309 = vector.broadcast %jit3A_2308 : f32 to vector<16xf32>
      %select_n3A_2310 = arith.select %lt3A_19, %broadcast_in_dim3A_2309, %mul3A_2307 : vector<16xi1>, vector<16xf32>
      %broadcast_in_dim3A_2311 = arith.constant 10 : i32
      %broadcast_in_dim3A_2312 = vector.broadcast %broadcast_in_dim3A_2311 : i32 to vector<16xi32>
      tpu.vector_store_idx %arg10[%add3A_2203, %broadcast_in_dim3A_2312], %select_n3A_2310 : memref<256x64xf32, #tpu.memory_space<vmem>>[vector<16xi32>, vector<16xi32>], vector<16xf32>,
      %get3A_2313 = arith.constant 11 : i32
      %get3A_2314 = arith.index_cast %get3A_2313 : i32 to index
      %get3A_2315 = arith.constant 0 : index
      %get3A_2316 = tpu.vector_load %arg9[%get3A_2314, %get3A_2315] {strides = array<i32>} : memref<64x16xf32, #tpu.memory_space<vmem>>, vector<16xf32>,
      %mul3A_2317 = arith.mulf %get3A_2316, %div3A_2201 : vector<16xf32>
      %jit3A_2318 = arith.constant 1.562500e-02 : f32
      %broadcast_in_dim3A_2319 = vector.broadcast %jit3A_2318 : f32 to vector<16xf32>
      %select_n3A_2320 = arith.select %lt3A_19, %broadcast_in_dim3A_2319, %mul3A_2317 : vector<16xi1>, vector<16xf32>
      %broadcast_in_dim3A_2321 = arith.constant 11 : i32
      %broadcast_in_dim3A_2322 = vector.broadcast %broadcast_in_dim3A_2321 : i32 to vector<16xi32>
      tpu.vector_store_idx %arg10[%add3A_2203, %broadcast_in_dim3A_2322], %select_n3A_2320 : memref<256x64xf32, #tpu.memory_space<vmem>>[vector<16xi32>, vector<16xi32>], vector<16xf32>,
      %get3A_2323 = arith.constant 12 : i32
      %get3A_2324 = arith.index_cast %get3A_2323 : i32 to index
      %get3A_2325 = arith.constant 0 : index
      %get3A_2326 = tpu.vector_load %arg9[%get3A_2324, %get3A_2325] {strides = array<i32>} : memref<64x16xf32, #tpu.memory_space<vmem>>, vector<16xf32>,
      %mul3A_2327 = arith.mulf %get3A_2326, %div3A_2201 : vector<16xf32>
      %jit3A_2328 = arith.constant 1.562500e-02 : f32
      %broadcast_in_dim3A_2329 = vector.broadcast %jit3A_2328 : f32 to vector<16xf32>
      %select_n3A_2330 = arith.select %lt3A_19, %broadcast_in_dim3A_2329, %mul3A_2327 : vector<16xi1>, vector<16xf32>
      %broadcast_in_dim3A_2331 = arith.constant 12 : i32
      %broadcast_in_dim3A_2332 = vector.broadcast %broadcast_in_dim3A_2331 : i32 to vector<16xi32>
      tpu.vector_store_idx %arg10[%add3A_2203, %broadcast_in_dim3A_2332], %select_n3A_2330 : memref<256x64xf32, #tpu.memory_space<vmem>>[vector<16xi32>, vector<16xi32>], vector<16xf32>,
      %get3A_2333 = arith.constant 13 : i32
      %get3A_2334 = arith.index_cast %get3A_2333 : i32 to index
      %get3A_2335 = arith.constant 0 : index
      %get3A_2336 = tpu.vector_load %arg9[%get3A_2334, %get3A_2335] {strides = array<i32>} : memref<64x16xf32, #tpu.memory_space<vmem>>, vector<16xf32>,
      %mul3A_2337 = arith.mulf %get3A_2336, %div3A_2201 : vector<16xf32>
      %jit3A_2338 = arith.constant 1.562500e-02 : f32
      %broadcast_in_dim3A_2339 = vector.broadcast %jit3A_2338 : f32 to vector<16xf32>
      %select_n3A_2340 = arith.select %lt3A_19, %broadcast_in_dim3A_2339, %mul3A_2337 : vector<16xi1>, vector<16xf32>
      %broadcast_in_dim3A_2341 = arith.constant 13 : i32
      %broadcast_in_dim3A_2342 = vector.broadcast %broadcast_in_dim3A_2341 : i32 to vector<16xi32>
      tpu.vector_store_idx %arg10[%add3A_2203, %broadcast_in_dim3A_2342], %select_n3A_2340 : memref<256x64xf32, #tpu.memory_space<vmem>>[vector<16xi32>, vector<16xi32>], vector<16xf32>,
      %get3A_2343 = arith.constant 14 : i32
      %get3A_2344 = arith.index_cast %get3A_2343 : i32 to index
      %get3A_2345 = arith.constant 0 : index
      %get3A_2346 = tpu.vector_load %arg9[%get3A_2344, %get3A_2345] {strides = array<i32>} : memref<64x16xf32, #tpu.memory_space<vmem>>, vector<16xf32>,
      %mul3A_2347 = arith.mulf %get3A_2346, %div3A_2201 : vector<16xf32>
      %jit3A_2348 = arith.constant 1.562500e-02 : f32
      %broadcast_in_dim3A_2349 = vector.broadcast %jit3A_2348 : f32 to vector<16xf32>
      %select_n3A_2350 = arith.select %lt3A_19, %broadcast_in_dim3A_2349, %mul3A_2347 : vector<16xi1>, vector<16xf32>
      %broadcast_in_dim3A_2351 = arith.constant 14 : i32
      %broadcast_in_dim3A_2352 = vector.broadcast %broadcast_in_dim3A_2351 : i32 to vector<16xi32>
      tpu.vector_store_idx %arg10[%add3A_2203, %broadcast_in_dim3A_2352], %select_n3A_2350 : memref<256x64xf32, #tpu.memory_space<vmem>>[vector<16xi32>, vector<16xi32>], vector<16xf32>,
      %get3A_2353 = arith.constant 15 : i32
      %get3A_2354 = arith.index_cast %get3A_2353 : i32 to index
      %get3A_2355 = arith.constant 0 : index
      %get3A_2356 = tpu.vector_load %arg9[%get3A_2354, %get3A_2355] {strides = array<i32>} : memref<64x16xf32, #tpu.memory_space<vmem>>, vector<16xf32>,
      %mul3A_2357 = arith.mulf %get3A_2356, %div3A_2201 : vector<16xf32>
      %jit3A_2358 = arith.constant 1.562500e-02 : f32
      %broadcast_in_dim3A_2359 = vector.broadcast %jit3A_2358 : f32 to vector<16xf32>
      %select_n3A_2360 = arith.select %lt3A_19, %broadcast_in_dim3A_2359, %mul3A_2357 : vector<16xi1>, vector<16xf32>
      %broadcast_in_dim3A_2361 = arith.constant 15 : i32
      %broadcast_in_dim3A_2362 = vector.broadcast %broadcast_in_dim3A_2361 : i32 to vector<16xi32>
      tpu.vector_store_idx %arg10[%add3A_2203, %broadcast_in_dim3A_2362], %select_n3A_2360 : memref<256x64xf32, #tpu.memory_space<vmem>>[vector<16xi32>, vector<16xi32>], vector<16xf32>,
      %get3A_2363 = arith.constant 16 : i32
      %get3A_2364 = arith.index_cast %get3A_2363 : i32 to index
      %get3A_2365 = arith.constant 0 : index
      %get3A_2366 = tpu.vector_load %arg9[%get3A_2364, %get3A_2365] {strides = array<i32>} : memref<64x16xf32, #tpu.memory_space<vmem>>, vector<16xf32>,
      %mul3A_2367 = arith.mulf %get3A_2366, %div3A_2201 : vector<16xf32>
      %jit3A_2368 = arith.constant 1.562500e-02 : f32
      %broadcast_in_dim3A_2369 = vector.broadcast %jit3A_2368 : f32 to vector<16xf32>
      %select_n3A_2370 = arith.select %lt3A_19, %broadcast_in_dim3A_2369, %mul3A_2367 : vector<16xi1>, vector<16xf32>
      %broadcast_in_dim3A_2371 = arith.constant 16 : i32
      %broadcast_in_dim3A_2372 = vector.broadcast %broadcast_in_dim3A_2371 : i32 to vector<16xi32>
      tpu.vector_store_idx %arg10[%add3A_2203, %broadcast_in_dim3A_2372], %select_n3A_2370 : memref<256x64xf32, #tpu.memory_space<vmem>>[vector<16xi32>, vector<16xi32>], vector<16xf32>,
      %get3A_2373 = arith.constant 17 : i32
      %get3A_2374 = arith.index_cast %get3A_2373 : i32 to index
      %get3A_2375 = arith.constant 0 : index
      %get3A_2376 = tpu.vector_load %arg9[%get3A_2374, %get3A_2375] {strides = array<i32>} : memref<64x16xf32, #tpu.memory_space<vmem>>, vector<16xf32>,
      %mul3A_2377 = arith.mulf %get3A_2376, %div3A_2201 : vector<16xf32>
      %jit3A_2378 = arith.constant 1.562500e-02 : f32
      %broadcast_in_dim3A_2379 = vector.broadcast %jit3A_2378 : f32 to vector<16xf32>
      %select_n3A_2380 = arith.select %lt3A_19, %broadcast_in_dim3A_2379, %mul3A_2377 : vector<16xi1>, vector<16xf32>
      %broadcast_in_dim3A_2381 = arith.constant 17 : i32
      %broadcast_in_dim3A_2382 = vector.broadcast %broadcast_in_dim3A_2381 : i32 to vector<16xi32>
      tpu.vector_store_idx %arg10[%add3A_2203, %broadcast_in_dim3A_2382], %select_n3A_2380 : memref<256x64xf32, #tpu.memory_space<vmem>>[vector<16xi32>, vector<16xi32>], vector<16xf32>,
      %get3A_2383 = arith.constant 18 : i32
      %get3A_2384 = arith.index_cast %get3A_2383 : i32 to index
      %get3A_2385 = arith.constant 0 : index
      %get3A_2386 = tpu.vector_load %arg9[%get3A_2384, %get3A_2385] {strides = array<i32>} : memref<64x16xf32, #tpu.memory_space<vmem>>, vector<16xf32>,
      %mul3A_2387 = arith.mulf %get3A_2386, %div3A_2201 : vector<16xf32>
      %jit3A_2388 = arith.constant 1.562500e-02 : f32
      %broadcast_in_dim3A_2389 = vector.broadcast %jit3A_2388 : f32 to vector<16xf32>
      %select_n3A_2390 = arith.select %lt3A_19, %broadcast_in_dim3A_2389, %mul3A_2387 : vector<16xi1>, vector<16xf32>
      %broadcast_in_dim3A_2391 = arith.constant 18 : i32
      %broadcast_in_dim3A_2392 = vector.broadcast %broadcast_in_dim3A_2391 : i32 to vector<16xi32>
      tpu.vector_store_idx %arg10[%add3A_2203, %broadcast_in_dim3A_2392], %select_n3A_2390 : memref<256x64xf32, #tpu.memory_space<vmem>>[vector<16xi32>, vector<16xi32>], vector<16xf32>,
      %get3A_2393 = arith.constant 19 : i32
      %get3A_2394 = arith.index_cast %get3A_2393 : i32 to index
      %get3A_2395 = arith.constant 0 : index
      %get3A_2396 = tpu.vector_load %arg9[%get3A_2394, %get3A_2395] {strides = array<i32>} : memref<64x16xf32, #tpu.memory_space<vmem>>, vector<16xf32>,
      %mul3A_2397 = arith.mulf %get3A_2396, %div3A_2201 : vector<16xf32>
      %jit3A_2398 = arith.constant 1.562500e-02 : f32
      %broadcast_in_dim3A_2399 = vector.broadcast %jit3A_2398 : f32 to vector<16xf32>
      %select_n3A_2400 = arith.select %lt3A_19, %broadcast_in_dim3A_2399, %mul3A_2397 : vector<16xi1>, vector<16xf32>
      %broadcast_in_dim3A_2401 = arith.constant 19 : i32
      %broadcast_in_dim3A_2402 = vector.broadcast %broadcast_in_dim3A_2401 : i32 to vector<16xi32>
      tpu.vector_store_idx %arg10[%add3A_2203, %broadcast_in_dim3A_2402], %select_n3A_2400 : memref<256x64xf32, #tpu.memory_space<vmem>>[vector<16xi32>, vector<16xi32>], vector<16xf32>,
      %get3A_2403 = arith.constant 20 : i32
      %get3A_2404 = arith.index_cast %get3A_2403 : i32 to index
      %get3A_2405 = arith.constant 0 : index
      %get3A_2406 = tpu.vector_load %arg9[%get3A_2404, %get3A_2405] {strides = array<i32>} : memref<64x16xf32, #tpu.memory_space<vmem>>, vector<16xf32>,
      %mul3A_2407 = arith.mulf %get3A_2406, %div3A_2201 : vector<16xf32>
      %jit3A_2408 = arith.constant 1.562500e-02 : f32
      %broadcast_in_dim3A_2409 = vector.broadcast %jit3A_2408 : f32 to vector<16xf32>
      %select_n3A_2410 = arith.select %lt3A_19, %broadcast_in_dim3A_2409, %mul3A_2407 : vector<16xi1>, vector<16xf32>
      %broadcast_in_dim3A_2411 = arith.constant 20 : i32
      %broadcast_in_dim3A_2412 = vector.broadcast %broadcast_in_dim3A_2411 : i32 to vector<16xi32>
      tpu.vector_store_idx %arg10[%add3A_2203, %broadcast_in_dim3A_2412], %select_n3A_2410 : memref<256x64xf32, #tpu.memory_space<vmem>>[vector<16xi32>, vector<16xi32>], vector<16xf32>,
      %get3A_2413 = arith.constant 21 : i32
      %get3A_2414 = arith.index_cast %get3A_2413 : i32 to index
      %get3A_2415 = arith.constant 0 : index
      %get3A_2416 = tpu.vector_load %arg9[%get3A_2414, %get3A_2415] {strides = array<i32>} : memref<64x16xf32, #tpu.memory_space<vmem>>, vector<16xf32>,
      %mul3A_2417 = arith.mulf %get3A_2416, %div3A_2201 : vector<16xf32>
      %jit3A_2418 = arith.constant 1.562500e-02 : f32
      %broadcast_in_dim3A_2419 = vector.broadcast %jit3A_2418 : f32 to vector<16xf32>
      %select_n3A_2420 = arith.select %lt3A_19, %broadcast_in_dim3A_2419, %mul3A_2417 : vector<16xi1>, vector<16xf32>
      %broadcast_in_dim3A_2421 = arith.constant 21 : i32
      %broadcast_in_dim3A_2422 = vector.broadcast %broadcast_in_dim3A_2421 : i32 to vector<16xi32>
      tpu.vector_store_idx %arg10[%add3A_2203, %broadcast_in_dim3A_2422], %select_n3A_2420 : memref<256x64xf32, #tpu.memory_space<vmem>>[vector<16xi32>, vector<16xi32>], vector<16xf32>,
      %get3A_2423 = arith.constant 22 : i32
      %get3A_2424 = arith.index_cast %get3A_2423 : i32 to index
      %get3A_2425 = arith.constant 0 : index
      %get3A_2426 = tpu.vector_load %arg9[%get3A_2424, %get3A_2425] {strides = array<i32>} : memref<64x16xf32, #tpu.memory_space<vmem>>, vector<16xf32>,
      %mul3A_2427 = arith.mulf %get3A_2426, %div3A_2201 : vector<16xf32>
      %jit3A_2428 = arith.constant 1.562500e-02 : f32
      %broadcast_in_dim3A_2429 = vector.broadcast %jit3A_2428 : f32 to vector<16xf32>
      %select_n3A_2430 = arith.select %lt3A_19, %broadcast_in_dim3A_2429, %mul3A_2427 : vector<16xi1>, vector<16xf32>
      %broadcast_in_dim3A_2431 = arith.constant 22 : i32
      %broadcast_in_dim3A_2432 = vector.broadcast %broadcast_in_dim3A_2431 : i32 to vector<16xi32>
      tpu.vector_store_idx %arg10[%add3A_2203, %broadcast_in_dim3A_2432], %select_n3A_2430 : memref<256x64xf32, #tpu.memory_space<vmem>>[vector<16xi32>, vector<16xi32>], vector<16xf32>,
      %get3A_2433 = arith.constant 23 : i32
      %get3A_2434 = arith.index_cast %get3A_2433 : i32 to index
      %get3A_2435 = arith.constant 0 : index
      %get3A_2436 = tpu.vector_load %arg9[%get3A_2434, %get3A_2435] {strides = array<i32>} : memref<64x16xf32, #tpu.memory_space<vmem>>, vector<16xf32>,
      %mul3A_2437 = arith.mulf %get3A_2436, %div3A_2201 : vector<16xf32>
      %jit3A_2438 = arith.constant 1.562500e-02 : f32
      %broadcast_in_dim3A_2439 = vector.broadcast %jit3A_2438 : f32 to vector<16xf32>
      %select_n3A_2440 = arith.select %lt3A_19, %broadcast_in_dim3A_2439, %mul3A_2437 : vector<16xi1>, vector<16xf32>
      %broadcast_in_dim3A_2441 = arith.constant 23 : i32
      %broadcast_in_dim3A_2442 = vector.broadcast %broadcast_in_dim3A_2441 : i32 to vector<16xi32>
      tpu.vector_store_idx %arg10[%add3A_2203, %broadcast_in_dim3A_2442], %select_n3A_2440 : memref<256x64xf32, #tpu.memory_space<vmem>>[vector<16xi32>, vector<16xi32>], vector<16xf32>,
      %get3A_2443 = arith.constant 24 : i32
      %get3A_2444 = arith.index_cast %get3A_2443 : i32 to index
      %get3A_2445 = arith.constant 0 : index
      %get3A_2446 = tpu.vector_load %arg9[%get3A_2444, %get3A_2445] {strides = array<i32>} : memref<64x16xf32, #tpu.memory_space<vmem>>, vector<16xf32>,
      %mul3A_2447 = arith.mulf %get3A_2446, %div3A_2201 : vector<16xf32>
      %jit3A_2448 = arith.constant 1.562500e-02 : f32
      %broadcast_in_dim3A_2449 = vector.broadcast %jit3A_2448 : f32 to vector<16xf32>
      %select_n3A_2450 = arith.select %lt3A_19, %broadcast_in_dim3A_2449, %mul3A_2447 : vector<16xi1>, vector<16xf32>
      %broadcast_in_dim3A_2451 = arith.constant 24 : i32
      %broadcast_in_dim3A_2452 = vector.broadcast %broadcast_in_dim3A_2451 : i32 to vector<16xi32>
      tpu.vector_store_idx %arg10[%add3A_2203, %broadcast_in_dim3A_2452], %select_n3A_2450 : memref<256x64xf32, #tpu.memory_space<vmem>>[vector<16xi32>, vector<16xi32>], vector<16xf32>,
      %get3A_2453 = arith.constant 25 : i32
      %get3A_2454 = arith.index_cast %get3A_2453 : i32 to index
      %get3A_2455 = arith.constant 0 : index
      %get3A_2456 = tpu.vector_load %arg9[%get3A_2454, %get3A_2455] {strides = array<i32>} : memref<64x16xf32, #tpu.memory_space<vmem>>, vector<16xf32>,
      %mul3A_2457 = arith.mulf %get3A_2456, %div3A_2201 : vector<16xf32>
      %jit3A_2458 = arith.constant 1.562500e-02 : f32
      %broadcast_in_dim3A_2459 = vector.broadcast %jit3A_2458 : f32 to vector<16xf32>
      %select_n3A_2460 = arith.select %lt3A_19, %broadcast_in_dim3A_2459, %mul3A_2457 : vector<16xi1>, vector<16xf32>
      %broadcast_in_dim3A_2461 = arith.constant 25 : i32
      %broadcast_in_dim3A_2462 = vector.broadcast %broadcast_in_dim3A_2461 : i32 to vector<16xi32>
      tpu.vector_store_idx %arg10[%add3A_2203, %broadcast_in_dim3A_2462], %select_n3A_2460 : memref<256x64xf32, #tpu.memory_space<vmem>>[vector<16xi32>, vector<16xi32>], vector<16xf32>,
      %get3A_2463 = arith.constant 26 : i32
      %get3A_2464 = arith.index_cast %get3A_2463 : i32 to index
      %get3A_2465 = arith.constant 0 : index
      %get3A_2466 = tpu.vector_load %arg9[%get3A_2464, %get3A_2465] {strides = array<i32>} : memref<64x16xf32, #tpu.memory_space<vmem>>, vector<16xf32>,
      %mul3A_2467 = arith.mulf %get3A_2466, %div3A_2201 : vector<16xf32>
      %jit3A_2468 = arith.constant 1.562500e-02 : f32
      %broadcast_in_dim3A_2469 = vector.broadcast %jit3A_2468 : f32 to vector<16xf32>
      %select_n3A_2470 = arith.select %lt3A_19, %broadcast_in_dim3A_2469, %mul3A_2467 : vector<16xi1>, vector<16xf32>
      %broadcast_in_dim3A_2471 = arith.constant 26 : i32
      %broadcast_in_dim3A_2472 = vector.broadcast %broadcast_in_dim3A_2471 : i32 to vector<16xi32>
      tpu.vector_store_idx %arg10[%add3A_2203, %broadcast_in_dim3A_2472], %select_n3A_2470 : memref<256x64xf32, #tpu.memory_space<vmem>>[vector<16xi32>, vector<16xi32>], vector<16xf32>,
      %get3A_2473 = arith.constant 27 : i32
      %get3A_2474 = arith.index_cast %get3A_2473 : i32 to index
      %get3A_2475 = arith.constant 0 : index
      %get3A_2476 = tpu.vector_load %arg9[%get3A_2474, %get3A_2475] {strides = array<i32>} : memref<64x16xf32, #tpu.memory_space<vmem>>, vector<16xf32>,
      %mul3A_2477 = arith.mulf %get3A_2476, %div3A_2201 : vector<16xf32>
      %jit3A_2478 = arith.constant 1.562500e-02 : f32
      %broadcast_in_dim3A_2479 = vector.broadcast %jit3A_2478 : f32 to vector<16xf32>
      %select_n3A_2480 = arith.select %lt3A_19, %broadcast_in_dim3A_2479, %mul3A_2477 : vector<16xi1>, vector<16xf32>
      %broadcast_in_dim3A_2481 = arith.constant 27 : i32
      %broadcast_in_dim3A_2482 = vector.broadcast %broadcast_in_dim3A_2481 : i32 to vector<16xi32>
      tpu.vector_store_idx %arg10[%add3A_2203, %broadcast_in_dim3A_2482], %select_n3A_2480 : memref<256x64xf32, #tpu.memory_space<vmem>>[vector<16xi32>, vector<16xi32>], vector<16xf32>,
      %get3A_2483 = arith.constant 28 : i32
      %get3A_2484 = arith.index_cast %get3A_2483 : i32 to index
      %get3A_2485 = arith.constant 0 : index
      %get3A_2486 = tpu.vector_load %arg9[%get3A_2484, %get3A_2485] {strides = array<i32>} : memref<64x16xf32, #tpu.memory_space<vmem>>, vector<16xf32>,
      %mul3A_2487 = arith.mulf %get3A_2486, %div3A_2201 : vector<16xf32>
      %jit3A_2488 = arith.constant 1.562500e-02 : f32
      %broadcast_in_dim3A_2489 = vector.broadcast %jit3A_2488 : f32 to vector<16xf32>
      %select_n3A_2490 = arith.select %lt3A_19, %broadcast_in_dim3A_2489, %mul3A_2487 : vector<16xi1>, vector<16xf32>
      %broadcast_in_dim3A_2491 = arith.constant 28 : i32
      %broadcast_in_dim3A_2492 = vector.broadcast %broadcast_in_dim3A_2491 : i32 to vector<16xi32>
      tpu.vector_store_idx %arg10[%add3A_2203, %broadcast_in_dim3A_2492], %select_n3A_2490 : memref<256x64xf32, #tpu.memory_space<vmem>>[vector<16xi32>, vector<16xi32>], vector<16xf32>,
      %get3A_2493 = arith.constant 29 : i32
      %get3A_2494 = arith.index_cast %get3A_2493 : i32 to index
      %get3A_2495 = arith.constant 0 : index
      %get3A_2496 = tpu.vector_load %arg9[%get3A_2494, %get3A_2495] {strides = array<i32>} : memref<64x16xf32, #tpu.memory_space<vmem>>, vector<16xf32>,
      %mul3A_2497 = arith.mulf %get3A_2496, %div3A_2201 : vector<16xf32>
      %jit3A_2498 = arith.constant 1.562500e-02 : f32
      %broadcast_in_dim3A_2499 = vector.broadcast %jit3A_2498 : f32 to vector<16xf32>
      %select_n3A_2500 = arith.select %lt3A_19, %broadcast_in_dim3A_2499, %mul3A_2497 : vector<16xi1>, vector<16xf32>
      %broadcast_in_dim3A_2501 = arith.constant 29 : i32
      %broadcast_in_dim3A_2502 = vector.broadcast %broadcast_in_dim3A_2501 : i32 to vector<16xi32>
      tpu.vector_store_idx %arg10[%add3A_2203, %broadcast_in_dim3A_2502], %select_n3A_2500 : memref<256x64xf32, #tpu.memory_space<vmem>>[vector<16xi32>, vector<16xi32>], vector<16xf32>,
      %get3A_2503 = arith.constant 30 : i32
      %get3A_2504 = arith.index_cast %get3A_2503 : i32 to index
      %get3A_2505 = arith.constant 0 : index
      %get3A_2506 = tpu.vector_load %arg9[%get3A_2504, %get3A_2505] {strides = array<i32>} : memref<64x16xf32, #tpu.memory_space<vmem>>, vector<16xf32>,
      %mul3A_2507 = arith.mulf %get3A_2506, %div3A_2201 : vector<16xf32>
      %jit3A_2508 = arith.constant 1.562500e-02 : f32
      %broadcast_in_dim3A_2509 = vector.broadcast %jit3A_2508 : f32 to vector<16xf32>
      %select_n3A_2510 = arith.select %lt3A_19, %broadcast_in_dim3A_2509, %mul3A_2507 : vector<16xi1>, vector<16xf32>
      %broadcast_in_dim3A_2511 = arith.constant 30 : i32
      %broadcast_in_dim3A_2512 = vector.broadcast %broadcast_in_dim3A_2511 : i32 to vector<16xi32>
      tpu.vector_store_idx %arg10[%add3A_2203, %broadcast_in_dim3A_2512], %select_n3A_2510 : memref<256x64xf32, #tpu.memory_space<vmem>>[vector<16xi32>, vector<16xi32>], vector<16xf32>,
      %get3A_2513 = arith.constant 31 : i32
      %get3A_2514 = arith.index_cast %get3A_2513 : i32 to index
      %get3A_2515 = arith.constant 0 : index
      %get3A_2516 = tpu.vector_load %arg9[%get3A_2514, %get3A_2515] {strides = array<i32>} : memref<64x16xf32, #tpu.memory_space<vmem>>, vector<16xf32>,
      %mul3A_2517 = arith.mulf %get3A_2516, %div3A_2201 : vector<16xf32>
      %jit3A_2518 = arith.constant 1.562500e-02 : f32
      %broadcast_in_dim3A_2519 = vector.broadcast %jit3A_2518 : f32 to vector<16xf32>
      %select_n3A_2520 = arith.select %lt3A_19, %broadcast_in_dim3A_2519, %mul3A_2517 : vector<16xi1>, vector<16xf32>
      %broadcast_in_dim3A_2521 = arith.constant 31 : i32
      %broadcast_in_dim3A_2522 = vector.broadcast %broadcast_in_dim3A_2521 : i32 to vector<16xi32>
      tpu.vector_store_idx %arg10[%add3A_2203, %broadcast_in_dim3A_2522], %select_n3A_2520 : memref<256x64xf32, #tpu.memory_space<vmem>>[vector<16xi32>, vector<16xi32>], vector<16xf32>,
      %get3A_2523 = arith.constant 32 : i32
      %get3A_2524 = arith.index_cast %get3A_2523 : i32 to index
      %get3A_2525 = arith.constant 0 : index
      %get3A_2526 = tpu.vector_load %arg9[%get3A_2524, %get3A_2525] {strides = array<i32>} : memref<64x16xf32, #tpu.memory_space<vmem>>, vector<16xf32>,
      %mul3A_2527 = arith.mulf %get3A_2526, %div3A_2201 : vector<16xf32>
      %jit3A_2528 = arith.constant 1.562500e-02 : f32
      %broadcast_in_dim3A_2529 = vector.broadcast %jit3A_2528 : f32 to vector<16xf32>
      %select_n3A_2530 = arith.select %lt3A_19, %broadcast_in_dim3A_2529, %mul3A_2527 : vector<16xi1>, vector<16xf32>
      %broadcast_in_dim3A_2531 = arith.constant 32 : i32
      %broadcast_in_dim3A_2532 = vector.broadcast %broadcast_in_dim3A_2531 : i32 to vector<16xi32>
      tpu.vector_store_idx %arg10[%add3A_2203, %broadcast_in_dim3A_2532], %select_n3A_2530 : memref<256x64xf32, #tpu.memory_space<vmem>>[vector<16xi32>, vector<16xi32>], vector<16xf32>,
      %get3A_2533 = arith.constant 33 : i32
      %get3A_2534 = arith.index_cast %get3A_2533 : i32 to index
      %get3A_2535 = arith.constant 0 : index
      %get3A_2536 = tpu.vector_load %arg9[%get3A_2534, %get3A_2535] {strides = array<i32>} : memref<64x16xf32, #tpu.memory_space<vmem>>, vector<16xf32>,
      %mul3A_2537 = arith.mulf %get3A_2536, %div3A_2201 : vector<16xf32>
      %jit3A_2538 = arith.constant 1.562500e-02 : f32
      %broadcast_in_dim3A_2539 = vector.broadcast %jit3A_2538 : f32 to vector<16xf32>
      %select_n3A_2540 = arith.select %lt3A_19, %broadcast_in_dim3A_2539, %mul3A_2537 : vector<16xi1>, vector<16xf32>
      %broadcast_in_dim3A_2541 = arith.constant 33 : i32
      %broadcast_in_dim3A_2542 = vector.broadcast %broadcast_in_dim3A_2541 : i32 to vector<16xi32>
      tpu.vector_store_idx %arg10[%add3A_2203, %broadcast_in_dim3A_2542], %select_n3A_2540 : memref<256x64xf32, #tpu.memory_space<vmem>>[vector<16xi32>, vector<16xi32>], vector<16xf32>,
      %get3A_2543 = arith.constant 34 : i32
      %get3A_2544 = arith.index_cast %get3A_2543 : i32 to index
      %get3A_2545 = arith.constant 0 : index
      %get3A_2546 = tpu.vector_load %arg9[%get3A_2544, %get3A_2545] {strides = array<i32>} : memref<64x16xf32, #tpu.memory_space<vmem>>, vector<16xf32>,
      %mul3A_2547 = arith.mulf %get3A_2546, %div3A_2201 : vector<16xf32>
      %jit3A_2548 = arith.constant 1.562500e-02 : f32
      %broadcast_in_dim3A_2549 = vector.broadcast %jit3A_2548 : f32 to vector<16xf32>
      %select_n3A_2550 = arith.select %lt3A_19, %broadcast_in_dim3A_2549, %mul3A_2547 : vector<16xi1>, vector<16xf32>
      %broadcast_in_dim3A_2551 = arith.constant 34 : i32
      %broadcast_in_dim3A_2552 = vector.broadcast %broadcast_in_dim3A_2551 : i32 to vector<16xi32>
      tpu.vector_store_idx %arg10[%add3A_2203, %broadcast_in_dim3A_2552], %select_n3A_2550 : memref<256x64xf32, #tpu.memory_space<vmem>>[vector<16xi32>, vector<16xi32>], vector<16xf32>,
      %get3A_2553 = arith.constant 35 : i32
      %get3A_2554 = arith.index_cast %get3A_2553 : i32 to index
      %get3A_2555 = arith.constant 0 : index
      %get3A_2556 = tpu.vector_load %arg9[%get3A_2554, %get3A_2555] {strides = array<i32>} : memref<64x16xf32, #tpu.memory_space<vmem>>, vector<16xf32>,
      %mul3A_2557 = arith.mulf %get3A_2556, %div3A_2201 : vector<16xf32>
      %jit3A_2558 = arith.constant 1.562500e-02 : f32
      %broadcast_in_dim3A_2559 = vector.broadcast %jit3A_2558 : f32 to vector<16xf32>
      %select_n3A_2560 = arith.select %lt3A_19, %broadcast_in_dim3A_2559, %mul3A_2557 : vector<16xi1>, vector<16xf32>
      %broadcast_in_dim3A_2561 = arith.constant 35 : i32
      %broadcast_in_dim3A_2562 = vector.broadcast %broadcast_in_dim3A_2561 : i32 to vector<16xi32>
      tpu.vector_store_idx %arg10[%add3A_2203, %broadcast_in_dim3A_2562], %select_n3A_2560 : memref<256x64xf32, #tpu.memory_space<vmem>>[vector<16xi32>, vector<16xi32>], vector<16xf32>,
      %get3A_2563 = arith.constant 36 : i32
      %get3A_2564 = arith.index_cast %get3A_2563 : i32 to index
      %get3A_2565 = arith.constant 0 : index
      %get3A_2566 = tpu.vector_load %arg9[%get3A_2564, %get3A_2565] {strides = array<i32>} : memref<64x16xf32, #tpu.memory_space<vmem>>, vector<16xf32>,
      %mul3A_2567 = arith.mulf %get3A_2566, %div3A_2201 : vector<16xf32>
      %jit3A_2568 = arith.constant 1.562500e-02 : f32
      %broadcast_in_dim3A_2569 = vector.broadcast %jit3A_2568 : f32 to vector<16xf32>
      %select_n3A_2570 = arith.select %lt3A_19, %broadcast_in_dim3A_2569, %mul3A_2567 : vector<16xi1>, vector<16xf32>
      %broadcast_in_dim3A_2571 = arith.constant 36 : i32
      %broadcast_in_dim3A_2572 = vector.broadcast %broadcast_in_dim3A_2571 : i32 to vector<16xi32>
      tpu.vector_store_idx %arg10[%add3A_2203, %broadcast_in_dim3A_2572], %select_n3A_2570 : memref<256x64xf32, #tpu.memory_space<vmem>>[vector<16xi32>, vector<16xi32>], vector<16xf32>,
      %get3A_2573 = arith.constant 37 : i32
      %get3A_2574 = arith.index_cast %get3A_2573 : i32 to index
      %get3A_2575 = arith.constant 0 : index
      %get3A_2576 = tpu.vector_load %arg9[%get3A_2574, %get3A_2575] {strides = array<i32>} : memref<64x16xf32, #tpu.memory_space<vmem>>, vector<16xf32>,
      %mul3A_2577 = arith.mulf %get3A_2576, %div3A_2201 : vector<16xf32>
      %jit3A_2578 = arith.constant 1.562500e-02 : f32
      %broadcast_in_dim3A_2579 = vector.broadcast %jit3A_2578 : f32 to vector<16xf32>
      %select_n3A_2580 = arith.select %lt3A_19, %broadcast_in_dim3A_2579, %mul3A_2577 : vector<16xi1>, vector<16xf32>
      %broadcast_in_dim3A_2581 = arith.constant 37 : i32
      %broadcast_in_dim3A_2582 = vector.broadcast %broadcast_in_dim3A_2581 : i32 to vector<16xi32>
      tpu.vector_store_idx %arg10[%add3A_2203, %broadcast_in_dim3A_2582], %select_n3A_2580 : memref<256x64xf32, #tpu.memory_space<vmem>>[vector<16xi32>, vector<16xi32>], vector<16xf32>,
      %get3A_2583 = arith.constant 38 : i32
      %get3A_2584 = arith.index_cast %get3A_2583 : i32 to index
      %get3A_2585 = arith.constant 0 : index
      %get3A_2586 = tpu.vector_load %arg9[%get3A_2584, %get3A_2585] {strides = array<i32>} : memref<64x16xf32, #tpu.memory_space<vmem>>, vector<16xf32>,
      %mul3A_2587 = arith.mulf %get3A_2586, %div3A_2201 : vector<16xf32>
      %jit3A_2588 = arith.constant 1.562500e-02 : f32
      %broadcast_in_dim3A_2589 = vector.broadcast %jit3A_2588 : f32 to vector<16xf32>
      %select_n3A_2590 = arith.select %lt3A_19, %broadcast_in_dim3A_2589, %mul3A_2587 : vector<16xi1>, vector<16xf32>
      %broadcast_in_dim3A_2591 = arith.constant 38 : i32
      %broadcast_in_dim3A_2592 = vector.broadcast %broadcast_in_dim3A_2591 : i32 to vector<16xi32>
      tpu.vector_store_idx %arg10[%add3A_2203, %broadcast_in_dim3A_2592], %select_n3A_2590 : memref<256x64xf32, #tpu.memory_space<vmem>>[vector<16xi32>, vector<16xi32>], vector<16xf32>,
      %get3A_2593 = arith.constant 39 : i32
      %get3A_2594 = arith.index_cast %get3A_2593 : i32 to index
      %get3A_2595 = arith.constant 0 : index
      %get3A_2596 = tpu.vector_load %arg9[%get3A_2594, %get3A_2595] {strides = array<i32>} : memref<64x16xf32, #tpu.memory_space<vmem>>, vector<16xf32>,
      %mul3A_2597 = arith.mulf %get3A_2596, %div3A_2201 : vector<16xf32>
      %jit3A_2598 = arith.constant 1.562500e-02 : f32
      %broadcast_in_dim3A_2599 = vector.broadcast %jit3A_2598 : f32 to vector<16xf32>
      %select_n3A_2600 = arith.select %lt3A_19, %broadcast_in_dim3A_2599, %mul3A_2597 : vector<16xi1>, vector<16xf32>
      %broadcast_in_dim3A_2601 = arith.constant 39 : i32
      %broadcast_in_dim3A_2602 = vector.broadcast %broadcast_in_dim3A_2601 : i32 to vector<16xi32>
      tpu.vector_store_idx %arg10[%add3A_2203, %broadcast_in_dim3A_2602], %select_n3A_2600 : memref<256x64xf32, #tpu.memory_space<vmem>>[vector<16xi32>, vector<16xi32>], vector<16xf32>,
      %get3A_2603 = arith.constant 40 : i32
      %get3A_2604 = arith.index_cast %get3A_2603 : i32 to index
      %get3A_2605 = arith.constant 0 : index
      %get3A_2606 = tpu.vector_load %arg9[%get3A_2604, %get3A_2605] {strides = array<i32>} : memref<64x16xf32, #tpu.memory_space<vmem>>, vector<16xf32>,
      %mul3A_2607 = arith.mulf %get3A_2606, %div3A_2201 : vector<16xf32>
      %jit3A_2608 = arith.constant 1.562500e-02 : f32
      %broadcast_in_dim3A_2609 = vector.broadcast %jit3A_2608 : f32 to vector<16xf32>
      %select_n3A_2610 = arith.select %lt3A_19, %broadcast_in_dim3A_2609, %mul3A_2607 : vector<16xi1>, vector<16xf32>
      %broadcast_in_dim3A_2611 = arith.constant 40 : i32
      %broadcast_in_dim3A_2612 = vector.broadcast %broadcast_in_dim3A_2611 : i32 to vector<16xi32>
      tpu.vector_store_idx %arg10[%add3A_2203, %broadcast_in_dim3A_2612], %select_n3A_2610 : memref<256x64xf32, #tpu.memory_space<vmem>>[vector<16xi32>, vector<16xi32>], vector<16xf32>,
      %get3A_2613 = arith.constant 41 : i32
      %get3A_2614 = arith.index_cast %get3A_2613 : i32 to index
      %get3A_2615 = arith.constant 0 : index
      %get3A_2616 = tpu.vector_load %arg9[%get3A_2614, %get3A_2615] {strides = array<i32>} : memref<64x16xf32, #tpu.memory_space<vmem>>, vector<16xf32>,
      %mul3A_2617 = arith.mulf %get3A_2616, %div3A_2201 : vector<16xf32>
      %jit3A_2618 = arith.constant 1.562500e-02 : f32
      %broadcast_in_dim3A_2619 = vector.broadcast %jit3A_2618 : f32 to vector<16xf32>
      %select_n3A_2620 = arith.select %lt3A_19, %broadcast_in_dim3A_2619, %mul3A_2617 : vector<16xi1>, vector<16xf32>
      %broadcast_in_dim3A_2621 = arith.constant 41 : i32
      %broadcast_in_dim3A_2622 = vector.broadcast %broadcast_in_dim3A_2621 : i32 to vector<16xi32>
      tpu.vector_store_idx %arg10[%add3A_2203, %broadcast_in_dim3A_2622], %select_n3A_2620 : memref<256x64xf32, #tpu.memory_space<vmem>>[vector<16xi32>, vector<16xi32>], vector<16xf32>,
      %get3A_2623 = arith.constant 42 : i32
      %get3A_2624 = arith.index_cast %get3A_2623 : i32 to index
      %get3A_2625 = arith.constant 0 : index
      %get3A_2626 = tpu.vector_load %arg9[%get3A_2624, %get3A_2625] {strides = array<i32>} : memref<64x16xf32, #tpu.memory_space<vmem>>, vector<16xf32>,
      %mul3A_2627 = arith.mulf %get3A_2626, %div3A_2201 : vector<16xf32>
      %jit3A_2628 = arith.constant 1.562500e-02 : f32
      %broadcast_in_dim3A_2629 = vector.broadcast %jit3A_2628 : f32 to vector<16xf32>
      %select_n3A_2630 = arith.select %lt3A_19, %broadcast_in_dim3A_2629, %mul3A_2627 : vector<16xi1>, vector<16xf32>
      %broadcast_in_dim3A_2631 = arith.constant 42 : i32
      %broadcast_in_dim3A_2632 = vector.broadcast %broadcast_in_dim3A_2631 : i32 to vector<16xi32>
      tpu.vector_store_idx %arg10[%add3A_2203, %broadcast_in_dim3A_2632], %select_n3A_2630 : memref<256x64xf32, #tpu.memory_space<vmem>>[vector<16xi32>, vector<16xi32>], vector<16xf32>,
      %get3A_2633 = arith.constant 43 : i32
      %get3A_2634 = arith.index_cast %get3A_2633 : i32 to index
      %get3A_2635 = arith.constant 0 : index
      %get3A_2636 = tpu.vector_load %arg9[%get3A_2634, %get3A_2635] {strides = array<i32>} : memref<64x16xf32, #tpu.memory_space<vmem>>, vector<16xf32>,
      %mul3A_2637 = arith.mulf %get3A_2636, %div3A_2201 : vector<16xf32>
      %jit3A_2638 = arith.constant 1.562500e-02 : f32
      %broadcast_in_dim3A_2639 = vector.broadcast %jit3A_2638 : f32 to vector<16xf32>
      %select_n3A_2640 = arith.select %lt3A_19, %broadcast_in_dim3A_2639, %mul3A_2637 : vector<16xi1>, vector<16xf32>
      %broadcast_in_dim3A_2641 = arith.constant 43 : i32
      %broadcast_in_dim3A_2642 = vector.broadcast %broadcast_in_dim3A_2641 : i32 to vector<16xi32>
      tpu.vector_store_idx %arg10[%add3A_2203, %broadcast_in_dim3A_2642], %select_n3A_2640 : memref<256x64xf32, #tpu.memory_space<vmem>>[vector<16xi32>, vector<16xi32>], vector<16xf32>,
      %get3A_2643 = arith.constant 44 : i32
      %get3A_2644 = arith.index_cast %get3A_2643 : i32 to index
      %get3A_2645 = arith.constant 0 : index
      %get3A_2646 = tpu.vector_load %arg9[%get3A_2644, %get3A_2645] {strides = array<i32>} : memref<64x16xf32, #tpu.memory_space<vmem>>, vector<16xf32>,
      %mul3A_2647 = arith.mulf %get3A_2646, %div3A_2201 : vector<16xf32>
      %jit3A_2648 = arith.constant 1.562500e-02 : f32
      %broadcast_in_dim3A_2649 = vector.broadcast %jit3A_2648 : f32 to vector<16xf32>
      %select_n3A_2650 = arith.select %lt3A_19, %broadcast_in_dim3A_2649, %mul3A_2647 : vector<16xi1>, vector<16xf32>
      %broadcast_in_dim3A_2651 = arith.constant 44 : i32
      %broadcast_in_dim3A_2652 = vector.broadcast %broadcast_in_dim3A_2651 : i32 to vector<16xi32>
      tpu.vector_store_idx %arg10[%add3A_2203, %broadcast_in_dim3A_2652], %select_n3A_2650 : memref<256x64xf32, #tpu.memory_space<vmem>>[vector<16xi32>, vector<16xi32>], vector<16xf32>,
      %get3A_2653 = arith.constant 45 : i32
      %get3A_2654 = arith.index_cast %get3A_2653 : i32 to index
      %get3A_2655 = arith.constant 0 : index
      %get3A_2656 = tpu.vector_load %arg9[%get3A_2654, %get3A_2655] {strides = array<i32>} : memref<64x16xf32, #tpu.memory_space<vmem>>, vector<16xf32>,
      %mul3A_2657 = arith.mulf %get3A_2656, %div3A_2201 : vector<16xf32>
      %jit3A_2658 = arith.constant 1.562500e-02 : f32
      %broadcast_in_dim3A_2659 = vector.broadcast %jit3A_2658 : f32 to vector<16xf32>
      %select_n3A_2660 = arith.select %lt3A_19, %broadcast_in_dim3A_2659, %mul3A_2657 : vector<16xi1>, vector<16xf32>
      %broadcast_in_dim3A_2661 = arith.constant 45 : i32
      %broadcast_in_dim3A_2662 = vector.broadcast %broadcast_in_dim3A_2661 : i32 to vector<16xi32>
      tpu.vector_store_idx %arg10[%add3A_2203, %broadcast_in_dim3A_2662], %select_n3A_2660 : memref<256x64xf32, #tpu.memory_space<vmem>>[vector<16xi32>, vector<16xi32>], vector<16xf32>,
      %get3A_2663 = arith.constant 46 : i32
      %get3A_2664 = arith.index_cast %get3A_2663 : i32 to index
      %get3A_2665 = arith.constant 0 : index
      %get3A_2666 = tpu.vector_load %arg9[%get3A_2664, %get3A_2665] {strides = array<i32>} : memref<64x16xf32, #tpu.memory_space<vmem>>, vector<16xf32>,
      %mul3A_2667 = arith.mulf %get3A_2666, %div3A_2201 : vector<16xf32>
      %jit3A_2668 = arith.constant 1.562500e-02 : f32
      %broadcast_in_dim3A_2669 = vector.broadcast %jit3A_2668 : f32 to vector<16xf32>
      %select_n3A_2670 = arith.select %lt3A_19, %broadcast_in_dim3A_2669, %mul3A_2667 : vector<16xi1>, vector<16xf32>
      %broadcast_in_dim3A_2671 = arith.constant 46 : i32
      %broadcast_in_dim3A_2672 = vector.broadcast %broadcast_in_dim3A_2671 : i32 to vector<16xi32>
      tpu.vector_store_idx %arg10[%add3A_2203, %broadcast_in_dim3A_2672], %select_n3A_2670 : memref<256x64xf32, #tpu.memory_space<vmem>>[vector<16xi32>, vector<16xi32>], vector<16xf32>,
      %get3A_2673 = arith.constant 47 : i32
      %get3A_2674 = arith.index_cast %get3A_2673 : i32 to index
      %get3A_2675 = arith.constant 0 : index
      %get3A_2676 = tpu.vector_load %arg9[%get3A_2674, %get3A_2675] {strides = array<i32>} : memref<64x16xf32, #tpu.memory_space<vmem>>, vector<16xf32>,
      %mul3A_2677 = arith.mulf %get3A_2676, %div3A_2201 : vector<16xf32>
      %jit3A_2678 = arith.constant 1.562500e-02 : f32
      %broadcast_in_dim3A_2679 = vector.broadcast %jit3A_2678 : f32 to vector<16xf32>
      %select_n3A_2680 = arith.select %lt3A_19, %broadcast_in_dim3A_2679, %mul3A_2677 : vector<16xi1>, vector<16xf32>
      %broadcast_in_dim3A_2681 = arith.constant 47 : i32
      %broadcast_in_dim3A_2682 = vector.broadcast %broadcast_in_dim3A_2681 : i32 to vector<16xi32>
      tpu.vector_store_idx %arg10[%add3A_2203, %broadcast_in_dim3A_2682], %select_n3A_2680 : memref<256x64xf32, #tpu.memory_space<vmem>>[vector<16xi32>, vector<16xi32>], vector<16xf32>,
      %get3A_2683 = arith.constant 48 : i32
      %get3A_2684 = arith.index_cast %get3A_2683 : i32 to index
      %get3A_2685 = arith.constant 0 : index
      %get3A_2686 = tpu.vector_load %arg9[%get3A_2684, %get3A_2685] {strides = array<i32>} : memref<64x16xf32, #tpu.memory_space<vmem>>, vector<16xf32>,
      %mul3A_2687 = arith.mulf %get3A_2686, %div3A_2201 : vector<16xf32>
      %jit3A_2688 = arith.constant 1.562500e-02 : f32
      %broadcast_in_dim3A_2689 = vector.broadcast %jit3A_2688 : f32 to vector<16xf32>
      %select_n3A_2690 = arith.select %lt3A_19, %broadcast_in_dim3A_2689, %mul3A_2687 : vector<16xi1>, vector<16xf32>
      %broadcast_in_dim3A_2691 = arith.constant 48 : i32
      %broadcast_in_dim3A_2692 = vector.broadcast %broadcast_in_dim3A_2691 : i32 to vector<16xi32>
      tpu.vector_store_idx %arg10[%add3A_2203, %broadcast_in_dim3A_2692], %select_n3A_2690 : memref<256x64xf32, #tpu.memory_space<vmem>>[vector<16xi32>, vector<16xi32>], vector<16xf32>,
      %get3A_2693 = arith.constant 49 : i32
      %get3A_2694 = arith.index_cast %get3A_2693 : i32 to index
      %get3A_2695 = arith.constant 0 : index
      %get3A_2696 = tpu.vector_load %arg9[%get3A_2694, %get3A_2695] {strides = array<i32>} : memref<64x16xf32, #tpu.memory_space<vmem>>, vector<16xf32>,
      %mul3A_2697 = arith.mulf %get3A_2696, %div3A_2201 : vector<16xf32>
      %jit3A_2698 = arith.constant 1.562500e-02 : f32
      %broadcast_in_dim3A_2699 = vector.broadcast %jit3A_2698 : f32 to vector<16xf32>
      %select_n3A_2700 = arith.select %lt3A_19, %broadcast_in_dim3A_2699, %mul3A_2697 : vector<16xi1>, vector<16xf32>
      %broadcast_in_dim3A_2701 = arith.constant 49 : i32
      %broadcast_in_dim3A_2702 = vector.broadcast %broadcast_in_dim3A_2701 : i32 to vector<16xi32>
      tpu.vector_store_idx %arg10[%add3A_2203, %broadcast_in_dim3A_2702], %select_n3A_2700 : memref<256x64xf32, #tpu.memory_space<vmem>>[vector<16xi32>, vector<16xi32>], vector<16xf32>,
      %get3A_2703 = arith.constant 50 : i32
      %get3A_2704 = arith.index_cast %get3A_2703 : i32 to index
      %get3A_2705 = arith.constant 0 : index
      %get3A_2706 = tpu.vector_load %arg9[%get3A_2704, %get3A_2705] {strides = array<i32>} : memref<64x16xf32, #tpu.memory_space<vmem>>, vector<16xf32>,
      %mul3A_2707 = arith.mulf %get3A_2706, %div3A_2201 : vector<16xf32>
      %jit3A_2708 = arith.constant 1.562500e-02 : f32
      %broadcast_in_dim3A_2709 = vector.broadcast %jit3A_2708 : f32 to vector<16xf32>
      %select_n3A_2710 = arith.select %lt3A_19, %broadcast_in_dim3A_2709, %mul3A_2707 : vector<16xi1>, vector<16xf32>
      %broadcast_in_dim3A_2711 = arith.constant 50 : i32
      %broadcast_in_dim3A_2712 = vector.broadcast %broadcast_in_dim3A_2711 : i32 to vector<16xi32>
      tpu.vector_store_idx %arg10[%add3A_2203, %broadcast_in_dim3A_2712], %select_n3A_2710 : memref<256x64xf32, #tpu.memory_space<vmem>>[vector<16xi32>, vector<16xi32>], vector<16xf32>,
      %get3A_2713 = arith.constant 51 : i32
      %get3A_2714 = arith.index_cast %get3A_2713 : i32 to index
      %get3A_2715 = arith.constant 0 : index
      %get3A_2716 = tpu.vector_load %arg9[%get3A_2714, %get3A_2715] {strides = array<i32>} : memref<64x16xf32, #tpu.memory_space<vmem>>, vector<16xf32>,
      %mul3A_2717 = arith.mulf %get3A_2716, %div3A_2201 : vector<16xf32>
      %jit3A_2718 = arith.constant 1.562500e-02 : f32
      %broadcast_in_dim3A_2719 = vector.broadcast %jit3A_2718 : f32 to vector<16xf32>
      %select_n3A_2720 = arith.select %lt3A_19, %broadcast_in_dim3A_2719, %mul3A_2717 : vector<16xi1>, vector<16xf32>
      %broadcast_in_dim3A_2721 = arith.constant 51 : i32
      %broadcast_in_dim3A_2722 = vector.broadcast %broadcast_in_dim3A_2721 : i32 to vector<16xi32>
      tpu.vector_store_idx %arg10[%add3A_2203, %broadcast_in_dim3A_2722], %select_n3A_2720 : memref<256x64xf32, #tpu.memory_space<vmem>>[vector<16xi32>, vector<16xi32>], vector<16xf32>,
      %get3A_2723 = arith.constant 52 : i32
      %get3A_2724 = arith.index_cast %get3A_2723 : i32 to index
      %get3A_2725 = arith.constant 0 : index
      %get3A_2726 = tpu.vector_load %arg9[%get3A_2724, %get3A_2725] {strides = array<i32>} : memref<64x16xf32, #tpu.memory_space<vmem>>, vector<16xf32>,
      %mul3A_2727 = arith.mulf %get3A_2726, %div3A_2201 : vector<16xf32>
      %jit3A_2728 = arith.constant 1.562500e-02 : f32
      %broadcast_in_dim3A_2729 = vector.broadcast %jit3A_2728 : f32 to vector<16xf32>
      %select_n3A_2730 = arith.select %lt3A_19, %broadcast_in_dim3A_2729, %mul3A_2727 : vector<16xi1>, vector<16xf32>
      %broadcast_in_dim3A_2731 = arith.constant 52 : i32
      %broadcast_in_dim3A_2732 = vector.broadcast %broadcast_in_dim3A_2731 : i32 to vector<16xi32>
      tpu.vector_store_idx %arg10[%add3A_2203, %broadcast_in_dim3A_2732], %select_n3A_2730 : memref<256x64xf32, #tpu.memory_space<vmem>>[vector<16xi32>, vector<16xi32>], vector<16xf32>,
      %get3A_2733 = arith.constant 53 : i32
      %get3A_2734 = arith.index_cast %get3A_2733 : i32 to index
      %get3A_2735 = arith.constant 0 : index
      %get3A_2736 = tpu.vector_load %arg9[%get3A_2734, %get3A_2735] {strides = array<i32>} : memref<64x16xf32, #tpu.memory_space<vmem>>, vector<16xf32>,
      %mul3A_2737 = arith.mulf %get3A_2736, %div3A_2201 : vector<16xf32>
      %jit3A_2738 = arith.constant 1.562500e-02 : f32
      %broadcast_in_dim3A_2739 = vector.broadcast %jit3A_2738 : f32 to vector<16xf32>
      %select_n3A_2740 = arith.select %lt3A_19, %broadcast_in_dim3A_2739, %mul3A_2737 : vector<16xi1>, vector<16xf32>
      %broadcast_in_dim3A_2741 = arith.constant 53 : i32
      %broadcast_in_dim3A_2742 = vector.broadcast %broadcast_in_dim3A_2741 : i32 to vector<16xi32>
      tpu.vector_store_idx %arg10[%add3A_2203, %broadcast_in_dim3A_2742], %select_n3A_2740 : memref<256x64xf32, #tpu.memory_space<vmem>>[vector<16xi32>, vector<16xi32>], vector<16xf32>,
      %get3A_2743 = arith.constant 54 : i32
      %get3A_2744 = arith.index_cast %get3A_2743 : i32 to index
      %get3A_2745 = arith.constant 0 : index
      %get3A_2746 = tpu.vector_load %arg9[%get3A_2744, %get3A_2745] {strides = array<i32>} : memref<64x16xf32, #tpu.memory_space<vmem>>, vector<16xf32>,
      %mul3A_2747 = arith.mulf %get3A_2746, %div3A_2201 : vector<16xf32>
      %jit3A_2748 = arith.constant 1.562500e-02 : f32
      %broadcast_in_dim3A_2749 = vector.broadcast %jit3A_2748 : f32 to vector<16xf32>
      %select_n3A_2750 = arith.select %lt3A_19, %broadcast_in_dim3A_2749, %mul3A_2747 : vector<16xi1>, vector<16xf32>
      %broadcast_in_dim3A_2751 = arith.constant 54 : i32
      %broadcast_in_dim3A_2752 = vector.broadcast %broadcast_in_dim3A_2751 : i32 to vector<16xi32>
      tpu.vector_store_idx %arg10[%add3A_2203, %broadcast_in_dim3A_2752], %select_n3A_2750 : memref<256x64xf32, #tpu.memory_space<vmem>>[vector<16xi32>, vector<16xi32>], vector<16xf32>,
      %get3A_2753 = arith.constant 55 : i32
      %get3A_2754 = arith.index_cast %get3A_2753 : i32 to index
      %get3A_2755 = arith.constant 0 : index
      %get3A_2756 = tpu.vector_load %arg9[%get3A_2754, %get3A_2755] {strides = array<i32>} : memref<64x16xf32, #tpu.memory_space<vmem>>, vector<16xf32>,
      %mul3A_2757 = arith.mulf %get3A_2756, %div3A_2201 : vector<16xf32>
      %jit3A_2758 = arith.constant 1.562500e-02 : f32
      %broadcast_in_dim3A_2759 = vector.broadcast %jit3A_2758 : f32 to vector<16xf32>
      %select_n3A_2760 = arith.select %lt3A_19, %broadcast_in_dim3A_2759, %mul3A_2757 : vector<16xi1>, vector<16xf32>
      %broadcast_in_dim3A_2761 = arith.constant 55 : i32
      %broadcast_in_dim3A_2762 = vector.broadcast %broadcast_in_dim3A_2761 : i32 to vector<16xi32>
      tpu.vector_store_idx %arg10[%add3A_2203, %broadcast_in_dim3A_2762], %select_n3A_2760 : memref<256x64xf32, #tpu.memory_space<vmem>>[vector<16xi32>, vector<16xi32>], vector<16xf32>,
      %get3A_2763 = arith.constant 56 : i32
      %get3A_2764 = arith.index_cast %get3A_2763 : i32 to index
      %get3A_2765 = arith.constant 0 : index
      %get3A_2766 = tpu.vector_load %arg9[%get3A_2764, %get3A_2765] {strides = array<i32>} : memref<64x16xf32, #tpu.memory_space<vmem>>, vector<16xf32>,
      %mul3A_2767 = arith.mulf %get3A_2766, %div3A_2201 : vector<16xf32>
      %jit3A_2768 = arith.constant 1.562500e-02 : f32
      %broadcast_in_dim3A_2769 = vector.broadcast %jit3A_2768 : f32 to vector<16xf32>
      %select_n3A_2770 = arith.select %lt3A_19, %broadcast_in_dim3A_2769, %mul3A_2767 : vector<16xi1>, vector<16xf32>
      %broadcast_in_dim3A_2771 = arith.constant 56 : i32
      %broadcast_in_dim3A_2772 = vector.broadcast %broadcast_in_dim3A_2771 : i32 to vector<16xi32>
      tpu.vector_store_idx %arg10[%add3A_2203, %broadcast_in_dim3A_2772], %select_n3A_2770 : memref<256x64xf32, #tpu.memory_space<vmem>>[vector<16xi32>, vector<16xi32>], vector<16xf32>,
      %get3A_2773 = arith.constant 57 : i32
      %get3A_2774 = arith.index_cast %get3A_2773 : i32 to index
      %get3A_2775 = arith.constant 0 : index
      %get3A_2776 = tpu.vector_load %arg9[%get3A_2774, %get3A_2775] {strides = array<i32>} : memref<64x16xf32, #tpu.memory_space<vmem>>, vector<16xf32>,
      %mul3A_2777 = arith.mulf %get3A_2776, %div3A_2201 : vector<16xf32>
      %jit3A_2778 = arith.constant 1.562500e-02 : f32
      %broadcast_in_dim3A_2779 = vector.broadcast %jit3A_2778 : f32 to vector<16xf32>
      %select_n3A_2780 = arith.select %lt3A_19, %broadcast_in_dim3A_2779, %mul3A_2777 : vector<16xi1>, vector<16xf32>
      %broadcast_in_dim3A_2781 = arith.constant 57 : i32
      %broadcast_in_dim3A_2782 = vector.broadcast %broadcast_in_dim3A_2781 : i32 to vector<16xi32>
      tpu.vector_store_idx %arg10[%add3A_2203, %broadcast_in_dim3A_2782], %select_n3A_2780 : memref<256x64xf32, #tpu.memory_space<vmem>>[vector<16xi32>, vector<16xi32>], vector<16xf32>,
      %get3A_2783 = arith.constant 58 : i32
      %get3A_2784 = arith.index_cast %get3A_2783 : i32 to index
      %get3A_2785 = arith.constant 0 : index
      %get3A_2786 = tpu.vector_load %arg9[%get3A_2784, %get3A_2785] {strides = array<i32>} : memref<64x16xf32, #tpu.memory_space<vmem>>, vector<16xf32>,
      %mul3A_2787 = arith.mulf %get3A_2786, %div3A_2201 : vector<16xf32>
      %jit3A_2788 = arith.constant 1.562500e-02 : f32
      %broadcast_in_dim3A_2789 = vector.broadcast %jit3A_2788 : f32 to vector<16xf32>
      %select_n3A_2790 = arith.select %lt3A_19, %broadcast_in_dim3A_2789, %mul3A_2787 : vector<16xi1>, vector<16xf32>
      %broadcast_in_dim3A_2791 = arith.constant 58 : i32
      %broadcast_in_dim3A_2792 = vector.broadcast %broadcast_in_dim3A_2791 : i32 to vector<16xi32>
      tpu.vector_store_idx %arg10[%add3A_2203, %broadcast_in_dim3A_2792], %select_n3A_2790 : memref<256x64xf32, #tpu.memory_space<vmem>>[vector<16xi32>, vector<16xi32>], vector<16xf32>,
      %get3A_2793 = arith.constant 59 : i32
      %get3A_2794 = arith.index_cast %get3A_2793 : i32 to index
      %get3A_2795 = arith.constant 0 : index
      %get3A_2796 = tpu.vector_load %arg9[%get3A_2794, %get3A_2795] {strides = array<i32>} : memref<64x16xf32, #tpu.memory_space<vmem>>, vector<16xf32>,
      %mul3A_2797 = arith.mulf %get3A_2796, %div3A_2201 : vector<16xf32>
      %jit3A_2798 = arith.constant 1.562500e-02 : f32
      %broadcast_in_dim3A_2799 = vector.broadcast %jit3A_2798 : f32 to vector<16xf32>
      %select_n3A_2800 = arith.select %lt3A_19, %broadcast_in_dim3A_2799, %mul3A_2797 : vector<16xi1>, vector<16xf32>
      %broadcast_in_dim3A_2801 = arith.constant 59 : i32
      %broadcast_in_dim3A_2802 = vector.broadcast %broadcast_in_dim3A_2801 : i32 to vector<16xi32>
      tpu.vector_store_idx %arg10[%add3A_2203, %broadcast_in_dim3A_2802], %select_n3A_2800 : memref<256x64xf32, #tpu.memory_space<vmem>>[vector<16xi32>, vector<16xi32>], vector<16xf32>,
      %get3A_2803 = arith.constant 60 : i32
      %get3A_2804 = arith.index_cast %get3A_2803 : i32 to index
      %get3A_2805 = arith.constant 0 : index
      %get3A_2806 = tpu.vector_load %arg9[%get3A_2804, %get3A_2805] {strides = array<i32>} : memref<64x16xf32, #tpu.memory_space<vmem>>, vector<16xf32>,
      %mul3A_2807 = arith.mulf %get3A_2806, %div3A_2201 : vector<16xf32>
      %jit3A_2808 = arith.constant 1.562500e-02 : f32
      %broadcast_in_dim3A_2809 = vector.broadcast %jit3A_2808 : f32 to vector<16xf32>
      %select_n3A_2810 = arith.select %lt3A_19, %broadcast_in_dim3A_2809, %mul3A_2807 : vector<16xi1>, vector<16xf32>
      %broadcast_in_dim3A_2811 = arith.constant 60 : i32
      %broadcast_in_dim3A_2812 = vector.broadcast %broadcast_in_dim3A_2811 : i32 to vector<16xi32>
      tpu.vector_store_idx %arg10[%add3A_2203, %broadcast_in_dim3A_2812], %select_n3A_2810 : memref<256x64xf32, #tpu.memory_space<vmem>>[vector<16xi32>, vector<16xi32>], vector<16xf32>,
      %get3A_2813 = arith.constant 61 : i32
      %get3A_2814 = arith.index_cast %get3A_2813 : i32 to index
      %get3A_2815 = arith.constant 0 : index
      %get3A_2816 = tpu.vector_load %arg9[%get3A_2814, %get3A_2815] {strides = array<i32>} : memref<64x16xf32, #tpu.memory_space<vmem>>, vector<16xf32>,
      %mul3A_2817 = arith.mulf %get3A_2816, %div3A_2201 : vector<16xf32>
      %jit3A_2818 = arith.constant 1.562500e-02 : f32
      %broadcast_in_dim3A_2819 = vector.broadcast %jit3A_2818 : f32 to vector<16xf32>
      %select_n3A_2820 = arith.select %lt3A_19, %broadcast_in_dim3A_2819, %mul3A_2817 : vector<16xi1>, vector<16xf32>
      %broadcast_in_dim3A_2821 = arith.constant 61 : i32
      %broadcast_in_dim3A_2822 = vector.broadcast %broadcast_in_dim3A_2821 : i32 to vector<16xi32>
      tpu.vector_store_idx %arg10[%add3A_2203, %broadcast_in_dim3A_2822], %select_n3A_2820 : memref<256x64xf32, #tpu.memory_space<vmem>>[vector<16xi32>, vector<16xi32>], vector<16xf32>,
      %get3A_2823 = arith.constant 62 : i32
      %get3A_2824 = arith.index_cast %get3A_2823 : i32 to index
      %get3A_2825 = arith.constant 0 : index
      %get3A_2826 = tpu.vector_load %arg9[%get3A_2824, %get3A_2825] {strides = array<i32>} : memref<64x16xf32, #tpu.memory_space<vmem>>, vector<16xf32>,
      %mul3A_2827 = arith.mulf %get3A_2826, %div3A_2201 : vector<16xf32>
      %jit3A_2828 = arith.constant 1.562500e-02 : f32
      %broadcast_in_dim3A_2829 = vector.broadcast %jit3A_2828 : f32 to vector<16xf32>
      %select_n3A_2830 = arith.select %lt3A_19, %broadcast_in_dim3A_2829, %mul3A_2827 : vector<16xi1>, vector<16xf32>
      %broadcast_in_dim3A_2831 = arith.constant 62 : i32
      %broadcast_in_dim3A_2832 = vector.broadcast %broadcast_in_dim3A_2831 : i32 to vector<16xi32>
      tpu.vector_store_idx %arg10[%add3A_2203, %broadcast_in_dim3A_2832], %select_n3A_2830 : memref<256x64xf32, #tpu.memory_space<vmem>>[vector<16xi32>, vector<16xi32>], vector<16xf32>,
      %get3A_2833 = arith.constant 63 : i32
      %get3A_2834 = arith.index_cast %get3A_2833 : i32 to index
      %get3A_2835 = arith.constant 0 : index
      %get3A_2836 = tpu.vector_load %arg9[%get3A_2834, %get3A_2835] {strides = array<i32>} : memref<64x16xf32, #tpu.memory_space<vmem>>, vector<16xf32>,
      %mul3A_2837 = arith.mulf %get3A_2836, %div3A_2201 : vector<16xf32>
      %jit3A_2838 = arith.constant 1.562500e-02 : f32
      %broadcast_in_dim3A_2839 = vector.broadcast %jit3A_2838 : f32 to vector<16xf32>
      %select_n3A_2840 = arith.select %lt3A_19, %broadcast_in_dim3A_2839, %mul3A_2837 : vector<16xi1>, vector<16xf32>
      %broadcast_in_dim3A_2841 = arith.constant 63 : i32
      %broadcast_in_dim3A_2842 = vector.broadcast %broadcast_in_dim3A_2841 : i32 to vector<16xi32>
      tpu.vector_store_idx %arg10[%add3A_2203, %broadcast_in_dim3A_2842], %select_n3A_2840 : memref<256x64xf32, #tpu.memory_space<vmem>>[vector<16xi32>, vector<16xi32>], vector<16xf32>,
      %scan3A_2843 = arith.constant 0 : i32
      scf.yield %scan3A_2843 : i32
    }
    %scan3A_8 = arith.constant 16 : i32
    "tpu.region"() ({
      %run_scoped3A = tpu.sem_alloc : memref<!tpu.dma_semaphore, #tpu.memory_space<semaphore_mem>>
      %dma_start3A = arith.constant 0 : i32
      %dma_start3A_9 = tpu.memref_slice %arg5[%mul3A_2, %dma_start3A] : memref<8192x64xf32, #tpu.memory_space<hbm>> -> memref<256x64xf32, #tpu.memory_space<hbm>>
      %dma_start3A_10 = arith.constant 0 : i32
      %dma_start3A_11 = tpu.memref_slice %arg5[%mul3A_2, %dma_start3A_10] : memref<8192x64xf32, #tpu.memory_space<hbm>> -> memref<256x64xf32, #tpu.memory_space<hbm>>
      tpu.enqueue_dma source(%arg10 : memref<256x64xf32, #tpu.memory_space<vmem>>) target(%dma_start3A_11 : memref<256x64xf32, #tpu.memory_space<hbm>>) target_semaphore(%run_scoped3A : memref<!tpu.dma_semaphore, #tpu.memory_space<semaphore_mem>>)
      %dma_wait3A = arith.constant 0 : i32
      %dma_wait3A_12 = tpu.memref_slice %arg5[%mul3A_2, %dma_wait3A] : memref<8192x64xf32, #tpu.memory_space<hbm>> -> memref<256x64xf32, #tpu.memory_space<hbm>>
      %dma_wait3A_13 = arith.constant 0 : i32
      %dma_wait3A_14 = tpu.memref_slice %arg5[%mul3A_2, %dma_wait3A_13] : memref<8192x64xf32, #tpu.memory_space<hbm>> -> memref<256x64xf32, #tpu.memory_space<hbm>>
      tpu.wait_dma2 semaphore(%run_scoped3A : memref<!tpu.dma_semaphore, #tpu.memory_space<semaphore_mem>>) src(%arg10 : memref<256x64xf32, #tpu.memory_space<vmem>>) dst(%dma_wait3A_14 : memref<256x64xf32, #tpu.memory_space<hbm>>)
      tpu.yield
    }) : () -> ()
    return
  }
}

</mosaic_0001>

<sc_bundles>
// kernel: kernel.3.cloned.1.call-start
scs
__scs_entry_jumppad:
0x0: {  	(pc) =	sbr.rel $0x88, $3  }
0x1: {  	(tag) =	ssettag $0x0;
	lr =	simm.s32 $0x1  }
0x2: {  	[smem:$0x3F9F] =	sst lr;
	_ =	strace $0xD0000000  }
0x3: {  	_ = 	snop  }
0x4: {  	_ = 	snop  }
0x5: {  	_ = 	snop  }
0x6: {  	_ = 	snop  }
0x7: {  	_ = 	snop  }
__scs_overlays_trampoline_lowered:
0x8: {  	[smem:$0x3FAE] =	sst s0  }
0x9: {  	[smem:$0x3FAF] =	sst s1  }
0xa: {  	[smem:$0x3FB0] =	sst s2  }
0xb: {  	[smem:$0x3FB1] =	sst s3  }
0xc: {  	[smem:$0x3FB2] =	sst s4  }
0xd: {  	[smem:$0x3FB3] =	sst s5  }
0xe: {  	[smem:$0x3FB4] =	sst s6  }
0xf: {  	[smem:$0x3FB5] =	sst s7  }
0x10: {  	[smem:$0x3FB6] =	sst s8  }
0x11: {  	[smem:$0x3FB7] =	sst s9;
	s0 =	simm.s32 @!p0 $0x0  }
0x12: {  	s1 =	sld [smem:$0x3F9D];
	s0 =	simm.s32 @p0 $0x1  }
0x13: {  	[smem:$0x3FB8] =	sst s0;
	s0 =	simm.s32 @!p1 $0x0  }
0x14: {  	s2 =	sld [smem:$0x3F9C];
	s0 =	simm.s32 @p1 $0x1  }
0x15: {  	[smem:$0x3FB9] =	sst s0;
	s0 =	simm.s32 @!p2 $0x0  }
0x16: {  	s3 =	sld [smem:$0x3FDB];
	s0 =	simm.s32 @p2 $0x1  }
0x17: {  	s4 =	simm.s32 $0x1BF5;
	[smem:$0x3FBB] =	sst s0  }
0x18: {  	s0 =	sld [smem:$0x3F9E];
	_ =	swait.ge [sflag:s4], $0x0  }
0x19: {  	s7 =	sld [smem:$0x3F9F]  }
0x1a: {  	s8 =	sadd.s32 $0xFFFFE003, lr  }
0x1b: {  	s9 =	sadd.s32 $0xFFFFFEF7, lr;
	s5 =	simm.s32 $0xFFFFFFFF;
	p2 =	slt.u32 s8, $0xFFFFF086  }
0x1c: {  	p1 =	slt.u32 s9, $0xF7A;
	s5 =	simm.s32 @!p2 $0x0  }
0x1d: {  	s5 =	simm.s32 @p1 $0x1;
	p0 =	seq.s32 s7, s2  }
0x1e: {  	s7 =	smul.u32 @!p0 $0xF7A, s2;
	p2 =	seq.s32 @!p0 s5, $0x0  }
0x1f: {  	s9 =	smul.u32 $0xF7A, s1;
	s8 =	simm.s32 @!p0 $0x1BF5;
	p2 =	por !p2, p0  }
0x20: {  	[sflag:s8] =	ssyncset.s32 @!p0 $0xFFFFF086;
	s6 =	sadd.s32 @!p0 s3, s7;
	s7 =	simm.s32 @!p0 $0x108  }
0x21: {  	s3 =	sadd.s32 s3, s9;
	s6 =	sadd.s32 @!p0 $0x88, s6;
	s7 =	simm.s32 @p2 $0x1082  }
0x22: {  	[simem:s7], [sflag:s8] =	dma.local @!p0 [hbm:s6], $0xF7A  }
0x23: {  	s9 =	sor.u32 $0xD0000000, s2;
	s6 =	simm.s32 $0x108;
	_ =	swait.ge @!p0 [sflag:s8], $0x0  }
0x24: {  	s3 =	sadd.s32 $0x88, s3;
	s6 =	simm.s32 @!p1 $0x1082;
	[sflag:s4] =	ssyncset.s32 $0xFFFFF086  }
0x25: {  	[simem:s6], [sflag:s4] =	dma.local [hbm:s3], $0xF7A  }
0x26: {  	[smem:$0x3F9F] =	sst s1;
	(tag) =	ssettag s2;
	_ =	strace s9  }
0x27: {  	s1 =	sld [smem:$0x3FAF]  }
0x28: {  	s2 =	sld [smem:$0x3FB0]  }
0x29: {  	s4 =	sld [smem:$0x3FB2]  }
0x2a: {  	p0 =	seq.s32 s5, $0x0;
	s5 =	sld [smem:$0x3FB3]  }
0x2b: {  	s6 =	sld [smem:$0x3FB4]  }
0x2c: {  	s7 =	sld [smem:$0x3FB5]  }
0x2d: {  	s3 =	simm.s32 $0x108;
	s8 =	sld [smem:$0x3FB6]  }
0x2e: {  	s3 =	simm.s32 @!p0 $0x1082;
	s9 =	sld [smem:$0x3FB7]  }
0x2f: {  	lr =	sadd.s32 s0, s3;
	s0 =	sld [smem:$0x3FAE]  }
0x30: {  	s3 =	sld [smem:$0x3FB1]  }
0x31: {  	[smem:$0x3FBA] =	sst s10  }
0x32: {  	s10 =	sld [smem:$0x3FB8];
	_ =	sdelay $0x3  }
0x33: {  	p0 =	seq.s32 s10, $0x1;
	s10 =	sld [smem:$0x3FBA];
	_ =	sdelay $0x3  }
0x34: {  	[smem:$0x3FBA] =	sst s10  }
0x35: {  	s10 =	sld [smem:$0x3FB9];
	_ =	sdelay $0x3  }
0x36: {  	p1 =	seq.s32 s10, $0x1;
	s10 =	sld [smem:$0x3FBA];
	_ =	sdelay $0x3  }
0x37: {  	[smem:$0x3FBA] =	sst s10  }
0x38: {  	s10 =	sld [smem:$0x3FBB]  }
0x39: {  	_ = 	snop;
	(pc) =	sbr.ind lr, $3  }
0x3a: {  	_ = 	snop  }
0x3b: {  	_ = 	snop  }
0x3c: {  	p2 =	seq.s32 s10, $0x1;
	s10 =	sld [smem:$0x3FBA]  }
0x3d: {  	_ =	shalt  }
0x3e: {  	_ =	shalt  }
0x3f: {  	_ =	shalt  }
0x40: {  	_ =	shalt  }
0x41: {  	_ =	shalt  }
0x42: {  	_ =	shalt  }
0x43: {  	_ =	shalt  }
0x44: {  	_ =	shalt  }
0x45: {  	_ =	shalt  }
0x46: {  	_ =	shalt  }
0x47: {  	_ =	shalt  }
0x48: {  	_ =	shalt  }
0x49: {  	_ =	shalt  }
0x4a: {  	_ =	shalt  }
0x4b: {  	_ =	shalt  }
0x4c: {  	_ =	shalt  }
0x4d: {  	_ =	shalt  }
0x4e: {  	_ =	shalt  }
0x4f: {  	_ =	shalt  }
0x50: {  	_ =	shalt  }
0x51: {  	_ =	shalt  }
0x52: {  	_ =	shalt  }
0x53: {  	_ =	shalt  }
0x54: {  	_ =	shalt  }
0x55: {  	_ =	shalt  }
0x56: {  	_ =	shalt  }
0x57: {  	_ =	shalt  }
0x58: {  	_ =	shalt  }
0x59: {  	_ =	shalt  }
0x5a: {  	_ =	shalt  }
0x5b: {  	_ =	shalt  }
0x5c: {  	_ =	shalt  }
0x5d: {  	_ =	shalt  }
0x5e: {  	_ =	shalt  }
0x5f: {  	_ =	shalt  }
0x60: {  	_ =	shalt  }
0x61: {  	_ =	shalt  }
0x62: {  	_ =	shalt  }
0x63: {  	_ =	shalt  }
0x64: {  	_ =	shalt  }
0x65: {  	_ =	shalt  }
0x66: {  	_ =	shalt  }
0x67: {  	_ =	shalt  }
0x68: {  	_ =	shalt  }
0x69: {  	_ =	shalt  }
0x6a: {  	_ =	shalt  }
0x6b: {  	_ =	shalt  }
0x6c: {  	_ =	shalt  }
0x6d: {  	_ =	shalt  }
0x6e: {  	_ =	shalt  }
0x6f: {  	_ =	shalt  }
0x70: {  	_ =	shalt  }
0x71: {  	_ =	shalt  }
0x72: {  	_ =	shalt  }
0x73: {  	_ =	shalt  }
0x74: {  	_ =	shalt  }
0x75: {  	_ =	shalt  }
0x76: {  	_ =	shalt  }
0x77: {  	_ =	shalt  }
0x78: {  	_ =	shalt  }
0x79: {  	_ =	shalt  }
0x7a: {  	_ =	shalt  }
0x7b: {  	_ =	shalt  }
0x7c: {  	_ =	shalt  }
0x7d: {  	_ =	shalt  }
0x7e: {  	_ =	shalt  }
0x7f: {  	_ =	shalt  }
0x80: {  	_ =	shalt  }
0x81: {  	_ =	shalt  }
0x82: {  	_ =	shalt  }
0x83: {  	_ =	shalt  }
0x84: {  	_ =	shalt  }
0x85: {  	_ =	shalt  }
0x86: {  	_ =	shalt  }
0x87: {  	_ =	shalt  }
.Lfunc_end0:
.L_simem_size_0:
called_computation_lowered:
.L_overlay_start_0:
0x88: {  	s2 =	sld [smem:$0x3FD9]  }
0x89: {  	s3 =	sld [smem:$0x3FFE];
	_ =	sdelay $0x1  }
0x8a: {  	s1 =	srdreg.scid  }
0x8b: {  	s0 =	sand.u32 $0x1, s1  }
0x8c: {  	s17 =	sshll.u32 s0, $0xA;
	s2 =	sadd.s32 s3, s2  }
0x8d: {  	s2 =	sadd.s32 s2, s17  }
0x8e: {  	[smem:$0x3FC6] =	sst s2  }
0x8f: {  	_ = 	snop  }
0x90: {  	s2 =	sld [smem:$0x3FD0];
	(tm) =	ssettm $0x1  }
0x91: {  	s18 =	sld [smem:$0x3FFB];
	_ =	sdelay $0x3  }
0x92: {  	_ =	strace s18  }
0x93: {  	s3 =	sld [smem:$0x3FFC];
	_ =	sdelay $0x3  }
0x94: {  	_ =	strace s3  }
0x95: {  	s3 =	sld [smem:$0x3FFD];
	_ =	sdelay $0x3  }
0x96: {  	_ =	strace s3  }
0x97: {  	_ =	strace $0x8FFFFFFF  }
0x98: {  	s19 =	sld [smem:$0x3FDB];
	_ =	sdelay $0x1  }
0x99: {  	s4 =	simm.s32 $_scs_section_size  }
0x9a: {  	s5 =	simm.s32 $_size__tile_overlayer_lowered;
	s6 =	simm.s32 $_tile_overlayer_lowered  }
0x9b: {  	s22 =	simm.s32 $0x1BFF;
	s21 =	sshll.u32 s6, $0x1;
	s3 =	sadd.s32 s4, s19  }
0x9c: {  	s7 =	simm.s32 $0x0;
	s20 =	sshll.u32 s5, $0x1;
	s5 =	sadd.s32 s21, s3  }
0x9d: {  	[timem:s7], [sflag:s22] =	dma.local [hbm:s5], s20  }
0x9e: {  	_ =	swait.ge [sflag:s22], s20  }
0x9f: {  	s4 =	ssub.s32 $0x0, s20;
	[sflag:s22] =	ssyncset.done $0x0  }
0xa0: {  	[sflag:s22] =	ssyncadd.s32 s4;
	_ =	sdelay $0x1  }
0xa1: {  	s23 =	simm.s32 $0x1B8B  }
0xa2: {  	_ =	swait.ge [sflag:s23], $0x1  }
0xa3: {  	[sflag:s23] =	ssyncset.done $0x0  }
0xa4: {  	s25 =	simm.s32 $0x1B8E;
	s24 =	sld [smem:$0x3FFE];
	[sflag:s23] =	ssyncadd.s32 $0xFFFFFFFF  }
0xa5: {  	s26 =	simm.s32 $execute0_lowered;
	[smem:$0x3FD2] =	sst s25  }
0xa6: {  	s5 =	sshll.u32 s26, $0x1;
	_ =	strace $0x80000046;
	[dreg:$0x1] =	wrdreg $0xFFFFFFFF  }
0xa7: {  	s28 =	simm.s32 $_size_execute0_lowered;
	s3 =	sadd.s32 s3, s5;
	[dreg:$0x0] =	wrdreg $0x0  }
0xa8: {  	s5 =	sshll.u32 s28, $0x1;
	[dreg:$0x2] =	wrdreg s3  }
0xa9: {  	[dreg:$0x3] =	wrdreg s5  }
0xaa: {  	[dreg:$0x4] =	wrdreg $0xC0  }
0xab: {  	_ =	task [dreg:s7], $0x5FFFF  }
0xac: {  	[dreg:$0x1] =	wrdreg $0xFFFFFFFF  }
0xad: {  	[dreg:$0x0] =	wrdreg $0x60  }
0xae: {  	[dreg:$0x2] =	wrdreg s24  }
0xaf: {  	[dreg:$0x3] =	wrdreg s2  }
0xb0: {  	[dreg:$0x4] =	wrdreg $0x9  }
0xb1: {  	_ =	task.clear_ibuf [dreg:s7], $0x5FFFF;
	_ =	strace $0x90000046  }
0xb2: {  	s29 =	simm.s32 $0x9;
	_ =	strace $0x80000048  }
0xb3: {  	_ =	swait.ge [sflag:s29], $0x1  }
0xb4: {  	[sflag:s29] =	ssyncadd.s32 $0xFFFFFFFF  }
0xb5: {  	_ =	strace $0x90000048  }
0xb6: {  	_ =	sfence  }
0xb7: {  	s30 =	sld [smem:$0x0];
	_ =	sdelay $0x2  }
0xb8: {  	s31 =	sshll.u32 s1, $0xD;
	s1 =	sshrl.u32 s1, $0x2  }
0xb9: {  	s3 =	sand.u32 $0x4000, s31;
	s1 =	sadd.s32 s1, s30  }
0xba: {  	s0 =	sor.u32 s3, s0;
	s1 =	sshll.u32 s1, $0x11  }
0xbb: {  	s0 =	sor.u32 s1, s0  }
0xbc: {  	s0 =	sadd.s32 $0x8F2B, s0  }
0xbd: {  	[sflag:s0] =	ssyncadd.remote.s32 $0x1  }
0xbe: {  	_ =	sfence.sel $0xFFFF  }
0xbf: {  	[dreg:$0x0] =	wrdreg $0xFFFFFFFF;
	(pc) =	sbr.abs _section_cstart, $3  }
0xc0: {  	[dreg:$0x1] =	wrdreg $0xFFFFFFFF  }
0xc1: {  	_ =	task.clear_ibuf [dreg:s7], $0x2FFFF;
	_ =	strace $0x9FFFFFFF  }
0xc2: {  	(tm) =	ssettm $0x7FFFFFFF  }
0xc3: {  	_ =	shalt  }
tec
execute0_lowered:
.L_overlay_start_1:
0x0: {  	(tag) =	ssettag $0x1  }
0x1: {  	s3 =	rddreg [dreg:$0x0]  }
0x2: {  	s5 =	rddreg [dreg:$0x1]  }
0x3: {  	s0 =	rddreg [dreg:$0x2]  }
0x4: {  	s4 =	srdreg.scid;
	s2 =	simm.s32 $0x0;
	s1 =	stileid.u32  }
0x5: {  	s10 =	simm.s32 $0x10000;
	s11 =	simm.s32 $0x200;
	s12 =	simm.s32 $0x6200  }
0x6: {  	s13 =	simm.s32 $0x0;
	s4 =	sand.u32 $0x1, s4;
	[smem:$0x7FF] =	sst s2  }
0x7: {  	s6 =	sshll.u32 s1, $0x9;
	s7 =	sshll.u32 s4, $0x8;
	s4 =	ssub.s32 $0x2, s4  }
0x8: {  	_ =	strace $0x80000047;
	s6 =	sor.u32 s7, s6;
	s31 =	sshrl.u32 s4, $0x1  }
0x9: {  	v0 =	vlaneseq.u32;
	s7 =	sshrl.u32 s6, $0x3;
	s8 =	sshll.u32 s6, $0x4;
	s9 =	ssub.s32 s4, s31  }
0xa: {  	v4 =	vmul.u32 $0x80, v0;
	s5 =	sadd.s32 s5, s6;
	s7 =	sadd.s32 s7, s3;
	s8 =	sadd.s32 s8, s3  }
0xb: {  	s3 =	sadd.s32 $0x600, s7;
	s4 =	sadd.s32 $0xA00, s7;
	s6 =	sadd.s32 $0xE00, s8  }
0xc: {  	[tilespmem:$0x1FFF0] =	vst v4;
	s7 =	smax.u32 s9, $0x1;
	s8 =	simm.s32 $0x1;
	s9 =	simm.s32 $0x800  }
.LBB2_1:
0xd: {  	[tilespmem:s2], [sflag:$0x1] =	stream.linear.gather [hbm4b:s3+s2], $0x100, $0x38;
	[tilespmem:$0xE200] =	vst v63  }
0xe: {  	_ =	swait.ge [sflag:s8], $0x100  }
0xf: {  	[sflag:s8] =	ssyncset.done $0x0  }
0x10: {  	s14 =	simm.s32 $0x100;
	[sflag:s8] =	ssyncadd.s32 $0xFFFFFF00  }
0x11: {  	[tilespmem:s14], [sflag:$0x1] =	stream.linear.gather [hbm4b:s4+s2], $0x100, $0x38;
	[tilespmem:$0xE200] =	vst v63  }
0x12: {  	_ =	swait.ge [sflag:s8], $0x100  }
0x13: {  	[sflag:s8] =	ssyncset.done $0x0  }
0x14: {  	[sflag:s8] =	ssyncadd.s32 $0xFFFFFF00  }
0x15: {  	[tilespmem:s11], [sflag:$0x1] =	stream.strided.gather [hbm4b:s5+s9], $0x4000, s10, s9, $0x38;
	[tilespmem:$0xE200] =	vst v63  }
0x16: {  	_ =	swait.ge [sflag:s8], $0x4000  }
0x17: {  	s15 =	simm.s32 $0x0;
	[sflag:s8] =	ssyncset.done $0x0  }
0x18: {  	s16 =	simm.s32 $0x0;
	s17 =	simm.s32 $0x0;
	[sflag:s8] =	ssyncadd.s32 $0xFFFFC000  }
.LBB2_2:
0x19: {  	s18 =	sand.u32 $0x70, s17;
	s19 =	sand.u32 $0x400, s16  }
0x1a: {  	v0 =	vld [tilespmem:s14+$0x0];
	s18 =	sor.u32 s18, s19  }
0x1b: {  	v1 =	vld [tilespmem:s18+$0x200];
	_ =	sdelay $0x3  }
0x1c: {  	v2 =	vld [tilespmem:s15+$0x0];
	v0 =	vmin.f32 v0, $9.999989860e-01  }
0x1d: {  	v3 =	vmax.f32 v0, $1.000000010e-10;
	v26 =	vmul.f32 $7.937316890e+00, v1  }
0x1e: {  	v4 =	vmul.f32 v3, v3  }
0x1f: {  	[tilespmem:$0x1FFE0] =	vst v0;
	v0 =	vadd.f32 $0.0e+00, v26  }
0x20: {  	v5 =	vsub.f32 $0.0e+00, v4;
	v6 =	vmul.f32 $6.300000000e+01, v4  }
0x21: {  	vm0 =	veq.s32 v2, $0x0;
	v0 =	vmul.f32 v0, v3  }
0x22: {  	v4 =	vsel vm0, v6, v5  }
0x23: {  	v13 =	vadd.f32 v4, v0;
	_ =	sdelay $0x1  }
0x24: {  	[tilespmem:$0x4200] =	vst v13  }
0x25: {  	v27 =	vld [tilespmem:s18+$0x280];
	_ =	sdelay $0x2  }
0x26: {  	v1 =	vmul.f32 $-1.259871570e-01, v1;
	_ =	sdelay $0x1  }
0x27: {  	v1 =	vadd.f32 $0.0e+00, v1;
	v28 =	vmul.f32 $7.936316970e+00, v27;
	_ =	sdelay $0x1  }
0x28: {  	v4 =	vadd.f32 v28, v1;
	_ =	sdelay $0x1  }
0x29: {  	vm12 =	veq.s32 v2, $0x1;
	v4 =	vmul.f32 v4, v3  }
0x2a: {  	v7 =	vsel vm12, v6, v5  }
0x2b: {  	v14 =	vadd.f32 v4, v7;
	_ =	sdelay $0x1  }
0x2c: {  	[tilespmem:$0x4280] =	vst v14  }
0x2d: {  	v29 =	vld [tilespmem:s18+$0x300];
	_ =	sdelay $0x2  }
0x2e: {  	v0 =	vmul.f32 $-1.280030460e-01, v27;
	_ =	sdelay $0x1  }
0x2f: {  	v0 =	vadd.f32 v0, v1;
	v30 =	vmul.f32 $7.935284610e+00, v29;
	_ =	sdelay $0x1  }
0x30: {  	v1 =	vadd.f32 v30, v0;
	_ =	sdelay $0x1  }
0x31: {  	vm13 =	veq.s32 v2, $0x2;
	v1 =	vmul.f32 v1, v3  }
0x32: {  	v31 =	vsel vm13, v6, v5  }
0x33: {  	v46 =	vadd.f32 v1, v31;
	_ =	sdelay $0x1  }
0x34: {  	[tilespmem:$0x4300] =	vst v46  }
0x35: {  	v32 =	vld [tilespmem:s18+$0x380];
	_ =	sdelay $0x2  }
0x36: {  	v4 =	vmul.f32 $-1.300845000e-01, v29;
	_ =	sdelay $0x1  }
0x37: {  	v0 =	vadd.f32 v4, v0;
	v33 =	vmul.f32 $7.934218400e+00, v32;
	_ =	sdelay $0x1  }
0x38: {  	v4 =	vadd.f32 v33, v0;
	_ =	sdelay $0x1  }
0x39: {  	vm14 =	veq.s32 v2, $0x3;
	v4 =	vmul.f32 v4, v3  }
0x3a: {  	v34 =	vsel vm14, v6, v5  }
0x3b: {  	v47 =	vadd.f32 v4, v34;
	_ =	sdelay $0x1  }
0x3c: {  	[tilespmem:$0x4380] =	vst v47  }
0x3d: {  	v35 =	vld [tilespmem:s18+$0x400];
	_ =	sdelay $0x2  }
0x3e: {  	v1 =	vmul.f32 $-1.322347670e-01, v32;
	_ =	sdelay $0x1  }
0x3f: {  	v0 =	vadd.f32 v1, v0;
	v36 =	vmul.f32 $7.933116440e+00, v35;
	_ =	sdelay $0x1  }
0x40: {  	v1 =	vadd.f32 v36, v0;
	_ =	sdelay $0x1  }
0x41: {  	vm15 =	veq.s32 v2, $0x4;
	v1 =	vmul.f32 v1, v3  }
0x42: {  	v37 =	vsel vm15, v6, v5  }
0x43: {  	v50 =	vadd.f32 v1, v37;
	_ =	sdelay $0x1  }
0x44: {  	[tilespmem:$0x4400] =	vst v50  }
0x45: {  	v38 =	vld [tilespmem:s18+$0x480];
	_ =	sdelay $0x2  }
0x46: {  	v4 =	vmul.f32 $-1.344573200e-01, v35;
	_ =	sdelay $0x1  }
0x47: {  	v0 =	vadd.f32 v4, v0;
	v39 =	vmul.f32 $7.931976800e+00, v38;
	_ =	sdelay $0x1  }
0x48: {  	v4 =	vadd.f32 v39, v0;
	_ =	sdelay $0x1  }
0x49: {  	vm4 =	veq.s32 v2, $0x5;
	v4 =	vmul.f32 v4, v3  }
0x4a: {  	v40 =	vsel vm4, v6, v5  }
0x4b: {  	v21 =	vadd.f32 v4, v40;
	_ =	sdelay $0x1  }
0x4c: {  	[tilespmem:$0x4480] =	vst v21  }
0x4d: {  	v41 =	vld [tilespmem:s18+$0x500];
	_ =	sdelay $0x2  }
0x4e: {  	v1 =	vmul.f32 $-1.367558690e-01, v38;
	_ =	sdelay $0x1  }
0x4f: {  	v0 =	vadd.f32 v1, v0;
	v42 =	vmul.f32 $7.930797580e+00, v41;
	_ =	sdelay $0x1  }
0x50: {  	v1 =	vadd.f32 v42, v0;
	_ =	sdelay $0x1  }
0x51: {  	vm5 =	veq.s32 v2, $0x6;
	v1 =	vmul.f32 v1, v3  }
0x52: {  	v43 =	vsel vm5, v6, v5  }
0x53: {  	v51 =	vadd.f32 v1, v43  }
0x54: {  	s31 =	sor.u32 s16, s17  }
0x55: {  	s19 =	sor.u32 $0x380, s31;
	[tilespmem:$0x4500] =	vst v51  }
0x56: {  	v44 =	vld [tilespmem:s19+$0x200];
	_ =	sdelay $0x2  }
0x57: {  	v4 =	vmul.f32 $-1.391343620e-01, v41;
	_ =	sdelay $0x1  }
0x58: {  	v0 =	vadd.f32 v4, v0;
	v45 =	vmul.f32 $7.929577350e+00, v44;
	_ =	sdelay $0x1  }
0x59: {  	v4 =	vadd.f32 v45, v0;
	_ =	sdelay $0x1  }
0x5a: {  	vm6 =	veq.s32 v2, $0x7;
	v4 =	vmul.f32 v4, v3  }
0x5b: {  	v48 =	vsel vm6, v6, v5  }
0x5c: {  	v52 =	vadd.f32 v4, v48;
	_ =	sdelay $0x1  }
0x5d: {  	[tilespmem:$0x4580] =	vst v52  }
0x5e: {  	v49 =	vld [tilespmem:s18+$0xA00];
	_ =	sdelay $0x2  }
0x5f: {  	v1 =	vmul.f32 $-1.415970620e-01, v44;
	_ =	sdelay $0x1  }
0x60: {  	v0 =	vadd.f32 v1, v0;
	v55 =	vmul.f32 $7.928312780e+00, v49;
	_ =	sdelay $0x1  }
0x61: {  	v1 =	vadd.f32 v55, v0;
	_ =	sdelay $0x1  }
0x62: {  	vm7 =	veq.s32 v2, $0x8;
	v1 =	vmul.f32 v1, v3  }
0x63: {  	v56 =	vsel vm7, v6, v5  }
0x64: {  	v53 =	vadd.f32 v1, v56;
	_ =	sdelay $0x1  }
0x65: {  	[tilespmem:$0x4600] =	vst v53  }
0x66: {  	v57 =	vld [tilespmem:s18+$0xA80];
	_ =	sdelay $0x2  }
0x67: {  	v4 =	vmul.f32 $-1.441485290e-01, v49;
	_ =	sdelay $0x1  }
0x68: {  	v0 =	vadd.f32 v4, v0;
	v58 =	vmul.f32 $7.927002430e+00, v57;
	_ =	sdelay $0x1  }
0x69: {  	v4 =	vadd.f32 v58, v0;
	_ =	sdelay $0x1  }
0x6a: {  	vm8 =	veq.s32 v2, $0x9;
	v4 =	vmul.f32 v4, v3  }
0x6b: {  	v59 =	vsel vm8, v6, v5  }
0x6c: {  	v54 =	vadd.f32 v4, v59;
	_ =	sdelay $0x1  }
0x6d: {  	[tilespmem:$0x4680] =	vst v54  }
0x6e: {  	v60 =	vld [tilespmem:s18+$0xB00];
	_ =	sdelay $0x2  }
0x6f: {  	v1 =	vmul.f32 $-1.467936190e-01, v57;
	_ =	sdelay $0x1  }
0x70: {  	v0 =	vadd.f32 v1, v0;
	v61 =	vmul.f32 $7.925642960e+00, v60;
	_ =	sdelay $0x1  }
0x71: {  	v1 =	vadd.f32 v61, v0;
	_ =	sdelay $0x1  }
0x72: {  	vm9 =	veq.s32 v2, $0xA;
	v1 =	vmul.f32 v1, v3  }
0x73: {  	v62 =	vsel vm9, v6, v5  }
0x74: {  	v57 =	vadd.f32 v1, v62;
	_ =	sdelay $0x1  }
0x75: {  	[tilespmem:$0x4700] =	vst v57  }
0x76: {  	v63 =	vld [tilespmem:s18+$0xB80];
	_ =	sdelay $0x2  }
0x77: {  	v4 =	vmul.f32 $-1.495376080e-01, v60;
	_ =	sdelay $0x1  }
0x78: {  	v0 =	vadd.f32 v4, v0;
	v8 =	vmul.f32 $7.924232480e+00, v63;
	_ =	sdelay $0x1  }
0x79: {  	v4 =	vadd.f32 v8, v0;
	_ =	sdelay $0x1  }
0x7a: {  	vm10 =	veq.s32 v2, $0xB;
	v4 =	vmul.f32 v4, v3  }
0x7b: {  	v9 =	vsel vm10, v6, v5  }
0x7c: {  	v55 =	vadd.f32 v4, v9;
	_ =	sdelay $0x1  }
0x7d: {  	[tilespmem:$0x4780] =	vst v55  }
0x7e: {  	v10 =	vld [tilespmem:s18+$0xC00];
	_ =	sdelay $0x2  }
0x7f: {  	v1 =	vmul.f32 $-1.523861440e-01, v63;
	_ =	sdelay $0x1  }
0x80: {  	v0 =	vadd.f32 v1, v0;
	v11 =	vmul.f32 $7.922766680e+00, v10;
	_ =	sdelay $0x1  }
0x81: {  	v1 =	vadd.f32 v11, v0;
	_ =	sdelay $0x1  }
0x82: {  	vm11 =	veq.s32 v2, $0xC;
	v1 =	vmul.f32 v1, v3  }
0x83: {  	v12 =	vsel vm11, v6, v5  }
0x84: {  	v56 =	vadd.f32 v1, v12;
	_ =	sdelay $0x1  }
0x85: {  	[tilespmem:$0x4800] =	vst v56  }
0x86: {  	v15 =	vld [tilespmem:s18+$0xC80];
	_ =	sdelay $0x2  }
0x87: {  	v4 =	vmul.f32 $-1.553453210e-01, v10;
	_ =	sdelay $0x1  }
0x88: {  	v0 =	vadd.f32 v4, v0;
	v16 =	vmul.f32 $7.921243660e+00, v15;
	_ =	sdelay $0x1  }
0x89: {  	v4 =	vadd.f32 v16, v0;
	_ =	sdelay $0x1  }
0x8a: {  	vm12 =	veq.s32 v2, $0xD;
	v4 =	vmul.f32 v4, v3  }
0x8b: {  	v17 =	vsel vm12, v6, v5  }
0x8c: {  	v58 =	vadd.f32 v4, v17;
	_ =	sdelay $0x1  }
0x8d: {  	[tilespmem:$0x4880] =	vst v58  }
0x8e: {  	v18 =	vld [tilespmem:s18+$0xD00];
	_ =	sdelay $0x2  }
0x8f: {  	v1 =	vmul.f32 $-1.584217100e-01, v15;
	_ =	sdelay $0x1  }
0x90: {  	v0 =	vadd.f32 v1, v0;
	v19 =	vmul.f32 $7.919659610e+00, v18;
	_ =	sdelay $0x1  }
0x91: {  	v1 =	vadd.f32 v19, v0;
	_ =	sdelay $0x1  }
0x92: {  	vm13 =	veq.s32 v2, $0xE;
	v1 =	vmul.f32 v1, v3  }
0x93: {  	v20 =	vsel vm13, v6, v5  }
0x94: {  	v61 =	vadd.f32 v1, v20;
	_ =	sdelay $0x1  }
0x95: {  	[tilespmem:$0x4900] =	vst v61  }
0x96: {  	v22 =	vld [tilespmem:s18+$0xD80];
	_ =	sdelay $0x2  }
0x97: {  	v4 =	vmul.f32 $-1.616224050e-01, v18;
	_ =	sdelay $0x1  }
0x98: {  	v0 =	vadd.f32 v4, v0;
	v23 =	vmul.f32 $7.918010230e+00, v22;
	_ =	sdelay $0x1  }
0x99: {  	v4 =	vadd.f32 v23, v0;
	_ =	sdelay $0x1  }
0x9a: {  	vm14 =	veq.s32 v2, $0xF;
	v4 =	vmul.f32 v4, v3  }
0x9b: {  	v24 =	vsel vm14, v6, v5  }
0x9c: {  	v59 =	vadd.f32 v4, v24;
	_ =	sdelay $0x1  }
0x9d: {  	[tilespmem:$0x4980] =	vst v59  }
0x9e: {  	v25 =	vld [tilespmem:s18+$0x1200];
	_ =	sdelay $0x2  }
0x9f: {  	v1 =	vmul.f32 $-1.649551090e-01, v22;
	_ =	sdelay $0x1  }
0xa0: {  	v0 =	vadd.f32 v1, v0;
	v26 =	vmul.f32 $7.916291710e+00, v25;
	_ =	sdelay $0x1  }
0xa1: {  	v1 =	vadd.f32 v26, v0;
	_ =	sdelay $0x1  }
0xa2: {  	vm15 =	veq.s32 v2, $0x10;
	v1 =	vmul.f32 v1, v3  }
0xa3: {  	v27 =	vsel vm15, v6, v5  }
0xa4: {  	v60 =	vadd.f32 v1, v27;
	_ =	sdelay $0x1  }
0xa5: {  	[tilespmem:$0x4A00] =	vst v60  }
0xa6: {  	v28 =	vld [tilespmem:s18+$0x1280];
	_ =	sdelay $0x2  }
0xa7: {  	v4 =	vmul.f32 $-1.684281530e-01, v25;
	_ =	sdelay $0x1  }
0xa8: {  	v0 =	vadd.f32 v4, v0;
	v29 =	vmul.f32 $7.914499760e+00, v28;
	_ =	sdelay $0x1  }
0xa9: {  	v4 =	vadd.f32 v29, v0;
	_ =	sdelay $0x1  }
0xaa: {  	vm4 =	veq.s32 v2, $0x11;
	v4 =	vmul.f32 v4, v3  }
0xab: {  	v30 =	vsel vm4, v6, v5  }
0xac: {  	v62 =	vadd.f32 v4, v30;
	_ =	sdelay $0x1  }
0xad: {  	[tilespmem:$0x4A80] =	vst v62  }
0xae: {  	v31 =	vld [tilespmem:s18+$0x1300];
	_ =	sdelay $0x2  }
0xaf: {  	v1 =	vmul.f32 $-1.720505950e-01, v28;
	_ =	sdelay $0x1  }
0xb0: {  	v0 =	vadd.f32 v1, v0;
	v32 =	vmul.f32 $7.912629600e+00, v31;
	_ =	sdelay $0x1  }
0xb1: {  	v1 =	vadd.f32 v32, v0;
	_ =	sdelay $0x1  }
0xb2: {  	vm5 =	veq.s32 v2, $0x12;
	v1 =	vmul.f32 v1, v3  }
0xb3: {  	v33 =	vsel vm5, v6, v5  }
0xb4: {  	v22 =	vadd.f32 v1, v33;
	_ =	sdelay $0x1  }
0xb5: {  	[tilespmem:$0x4B00] =	vst v22  }
0xb6: {  	v34 =	vld [tilespmem:s18+$0x1380];
	_ =	sdelay $0x2  }
0xb7: {  	v4 =	vmul.f32 $-1.758323010e-01, v31;
	_ =	sdelay $0x1  }
0xb8: {  	v0 =	vadd.f32 v4, v0;
	v35 =	vmul.f32 $7.910675530e+00, v34;
	_ =	sdelay $0x1  }
0xb9: {  	v4 =	vadd.f32 v35, v0;
	_ =	sdelay $0x1  }
0xba: {  	vm6 =	veq.s32 v2, $0x13;
	v4 =	vmul.f32 v4, v3  }
0xbb: {  	v36 =	vsel vm6, v6, v5  }
0xbc: {  	v63 =	vadd.f32 v4, v36;
	_ =	sdelay $0x1  }
0xbd: {  	[tilespmem:$0x4B80] =	vst v63  }
0xbe: {  	v37 =	vld [tilespmem:s18+$0x1400];
	_ =	sdelay $0x2  }
0xbf: {  	v1 =	vmul.f32 $-1.797840000e-01, v34;
	_ =	sdelay $0x1  }
0xc0: {  	v0 =	vadd.f32 v1, v0;
	v38 =	vmul.f32 $7.908632270e+00, v37;
	_ =	sdelay $0x1  }
0xc1: {  	v1 =	vadd.f32 v38, v0;
	_ =	sdelay $0x1  }
0xc2: {  	vm7 =	veq.s32 v2, $0x14;
	v1 =	vmul.f32 v1, v3  }
0xc3: {  	v39 =	vsel vm7, v6, v5  }
0xc4: {  	v1 =	vadd.f32 v1, v39;
	_ =	sdelay $0x1  }
0xc5: {  	[tilespmem:$0x4C00] =	vst v1  }
0xc6: {  	[tilespmem:$0x1FE00] =	vst v1;
	v1 =	vld [tilespmem:s18+$0x1480];
	_ =	sdelay $0x2  }
0xc7: {  	v4 =	vmul.f32 $-1.839174030e-01, v37;
	_ =	sdelay $0x1  }
0xc8: {  	v0 =	vadd.f32 v4, v0;
	v40 =	vmul.f32 $7.906493660e+00, v1;
	_ =	sdelay $0x1  }
0xc9: {  	v4 =	vadd.f32 v40, v0;
	_ =	sdelay $0x1  }
0xca: {  	vm8 =	veq.s32 v2, $0x15;
	v4 =	vmul.f32 v4, v3  }
0xcb: {  	v41 =	vsel vm8, v6, v5  }
0xcc: {  	v41 =	vadd.f32 v4, v41;
	_ =	sdelay $0x1  }
0xcd: {  	[tilespmem:$0x4C80] =	vst v41  }
0xce: {  	v42 =	vld [tilespmem:s18+$0x1500];
	_ =	sdelay $0x2  }
0xcf: {  	v1 =	vmul.f32 $-1.882453560e-01, v1;
	_ =	sdelay $0x1  }
0xd0: {  	v0 =	vadd.f32 v1, v0;
	v43 =	vmul.f32 $7.904252050e+00, v42;
	_ =	sdelay $0x1  }
0xd1: {  	v1 =	vadd.f32 v43, v0;
	_ =	sdelay $0x1  }
0xd2: {  	vm9 =	veq.s32 v2, $0x16;
	v1 =	vmul.f32 v1, v3  }
0xd3: {  	v44 =	vsel vm9, v6, v5  }
0xd4: {  	v25 =	vadd.f32 v1, v44;
	_ =	sdelay $0x1  }
0xd5: {  	[tilespmem:$0x4D00] =	vst v25  }
0xd6: {  	v45 =	vld [tilespmem:s18+$0x1580];
	_ =	sdelay $0x2  }
0xd7: {  	v4 =	vmul.f32 $-1.927819400e-01, v42;
	_ =	sdelay $0x1  }
0xd8: {  	v0 =	vadd.f32 v4, v0;
	v48 =	vmul.f32 $7.901900770e+00, v45;
	_ =	sdelay $0x1  }
0xd9: {  	v4 =	vadd.f32 v48, v0;
	_ =	sdelay $0x1  }
0xda: {  	vm10 =	veq.s32 v2, $0x17;
	v4 =	vmul.f32 v4, v3  }
0xdb: {  	v49 =	vsel vm10, v6, v5  }
0xdc: {  	v27 =	vadd.f32 v4, v49;
	_ =	sdelay $0x1  }
0xdd: {  	[tilespmem:$0x4D80] =	vst v27  }
0xde: {  	v9 =	vld [tilespmem:s18+$0x1A00];
	_ =	sdelay $0x2  }
0xdf: {  	v1 =	vmul.f32 $-1.975425780e-01, v45;
	_ =	sdelay $0x1  }
0xe0: {  	v0 =	vadd.f32 v1, v0;
	v10 =	vmul.f32 $7.899431220e+00, v9;
	_ =	sdelay $0x1  }
0xe1: {  	v1 =	vadd.f32 v10, v0;
	_ =	sdelay $0x1  }
0xe2: {  	vm11 =	veq.s32 v2, $0x18;
	v1 =	vmul.f32 v1, v3  }
0xe3: {  	v11 =	vsel vm11, v6, v5  }
0xe4: {  	v35 =	vadd.f32 v1, v11;
	_ =	sdelay $0x1  }
0xe5: {  	[tilespmem:$0x4E00] =	vst v35  }
0xe6: {  	v12 =	vld [tilespmem:s18+$0x1A80];
	_ =	sdelay $0x2  }
0xe7: {  	v4 =	vmul.f32 $-2.025443320e-01, v9;
	_ =	sdelay $0x1  }
0xe8: {  	v0 =	vadd.f32 v4, v0;
	v15 =	vmul.f32 $7.896834370e+00, v12;
	_ =	sdelay $0x1  }
0xe9: {  	v4 =	vadd.f32 v15, v0;
	_ =	sdelay $0x1  }
0xea: {  	vm12 =	veq.s32 v2, $0x19;
	v4 =	vmul.f32 v4, v3  }
0xeb: {  	v16 =	vsel vm12, v6, v5  }
0xec: {  	v29 =	vadd.f32 v4, v16;
	_ =	sdelay $0x1  }
0xed: {  	[tilespmem:$0x4E80] =	vst v29  }
0xee: {  	v17 =	vld [tilespmem:s18+$0x1B00];
	_ =	sdelay $0x2  }
0xef: {  	v1 =	vmul.f32 $-2.078059610e-01, v12;
	_ =	sdelay $0x1  }
0xf0: {  	v0 =	vadd.f32 v1, v0;
	v18 =	vmul.f32 $7.894099710e+00, v17;
	_ =	sdelay $0x1  }
0xf1: {  	v1 =	vadd.f32 v18, v0;
	_ =	sdelay $0x1  }
0xf2: {  	vm13 =	veq.s32 v2, $0x1A;
	v1 =	vmul.f32 v1, v3  }
0xf3: {  	v19 =	vsel vm13, v6, v5  }
0xf4: {  	v31 =	vadd.f32 v1, v19;
	_ =	sdelay $0x1  }
0xf5: {  	[tilespmem:$0x4F00] =	vst v31  }
0xf6: {  	v20 =	vld [tilespmem:s18+$0x1B80];
	_ =	sdelay $0x2  }
0xf7: {  	v4 =	vmul.f32 $-2.133482690e-01, v17;
	_ =	sdelay $0x1  }
0xf8: {  	v0 =	vadd.f32 v4, v0;
	v23 =	vmul.f32 $7.891215800e+00, v20;
	_ =	sdelay $0x1  }
0xf9: {  	v4 =	vadd.f32 v23, v0;
	_ =	sdelay $0x1  }
0xfa: {  	vm14 =	veq.s32 v2, $0x1B;
	v4 =	vmul.f32 v4, v3  }
0xfb: {  	v24 =	vsel vm14, v6, v5  }
0xfc: {  	v39 =	vadd.f32 v4, v24;
	_ =	sdelay $0x1  }
0xfd: {  	[tilespmem:$0x4F80] =	vst v39  }
0xfe: {  	v26 =	vld [tilespmem:s18+$0x1C00];
	_ =	sdelay $0x2  }
0xff: {  	v1 =	vmul.f32 $-2.191943530e-01, v20;
	_ =	sdelay $0x1  }
0x100: {  	v0 =	vadd.f32 v1, v0;
	v28 =	vmul.f32 $7.888171190e+00, v26;
	_ =	sdelay $0x1  }
0x101: {  	v1 =	vadd.f32 v28, v0;
	_ =	sdelay $0x1  }
0x102: {  	vm15 =	veq.s32 v2, $0x1C;
	v1 =	vmul.f32 v1, v3  }
0x103: {  	v30 =	vsel vm15, v6, v5  }
0x104: {  	v33 =	vadd.f32 v1, v30;
	_ =	sdelay $0x1  }
0x105: {  	[tilespmem:$0x5000] =	vst v33  }
0x106: {  	v32 =	vld [tilespmem:s18+$0x1C80];
	_ =	sdelay $0x2  }
0x107: {  	v4 =	vmul.f32 $-2.253698860e-01, v26;
	_ =	sdelay $0x1  }
0x108: {  	v0 =	vadd.f32 v4, v0;
	v34 =	vmul.f32 $7.884951110e+00, v32;
	_ =	sdelay $0x1  }
0x109: {  	v4 =	vadd.f32 v34, v0;
	_ =	sdelay $0x1  }
0x10a: {  	vm4 =	veq.s32 v2, $0x1D;
	v4 =	vmul.f32 v4, v3  }
0x10b: {  	v36 =	vsel vm4, v6, v5  }
0x10c: {  	v4 =	vadd.f32 v4, v36;
	_ =	sdelay $0x1  }
0x10d: {  	[tilespmem:$0x5080] =	vst v4  }
0x10e: {  	[tilespmem:$0x1FE10] =	vst v4;
	v4 =	vld [tilespmem:s18+$0x1D00];
	_ =	sdelay $0x2  }
0x10f: {  	v1 =	vmul.f32 $-2.319035080e-01, v32;
	_ =	sdelay $0x1  }
0x110: {  	v0 =	vadd.f32 v1, v0;
	v37 =	vmul.f32 $7.881539820e+00, v4;
	_ =	sdelay $0x1  }
0x111: {  	v1 =	vadd.f32 v37, v0;
	_ =	sdelay $0x1  }
0x112: {  	vm5 =	veq.s32 v2, $0x1E;
	v1 =	vmul.f32 v1, v3  }
0x113: {  	v38 =	vsel vm5, v6, v5  }
0x114: {  	v34 =	vadd.f32 v1, v38;
	_ =	sdelay $0x1  }
0x115: {  	[tilespmem:$0x5100] =	vst v34  }
0x116: {  	v40 =	vld [tilespmem:s18+$0x1D80];
	_ =	sdelay $0x2  }
0x117: {  	v4 =	vmul.f32 $-2.388273030e-01, v4;
	_ =	sdelay $0x1  }
0x118: {  	v0 =	vadd.f32 v4, v0;
	v42 =	vmul.f32 $7.877920630e+00, v40;
	_ =	sdelay $0x1  }
0x119: {  	v4 =	vadd.f32 v42, v0;
	_ =	sdelay $0x1  }
0x11a: {  	vm6 =	veq.s32 v2, $0x1F;
	v4 =	vmul.f32 v4, v3  }
0x11b: {  	v43 =	vsel vm6, v6, v5  }
0x11c: {  	v37 =	vadd.f32 v4, v43;
	_ =	sdelay $0x1  }
0x11d: {  	[tilespmem:$0x5180] =	vst v37  }
0x11e: {  	v44 =	vld [tilespmem:s18+$0x2200];
	_ =	sdelay $0x2  }
0x11f: {  	v1 =	vmul.f32 $-2.461773310e-01, v40;
	_ =	sdelay $0x1  }
0x120: {  	v0 =	vadd.f32 v1, v0;
	v45 =	vmul.f32 $7.874073510e+00, v44;
	_ =	sdelay $0x1  }
0x121: {  	v1 =	vadd.f32 v45, v0;
	_ =	sdelay $0x1  }
0x122: {  	vm7 =	veq.s32 v2, $0x20;
	v1 =	vmul.f32 v1, v3  }
0x123: {  	v48 =	vsel vm7, v6, v5  }
0x124: {  	v11 =	vadd.f32 v1, v48;
	_ =	sdelay $0x1  }
0x125: {  	[tilespmem:$0x5200] =	vst v11  }
0x126: {  	v49 =	vld [tilespmem:s18+$0x2280];
	_ =	sdelay $0x2  }
0x127: {  	v4 =	vmul.f32 $-2.539941670e-01, v44;
	_ =	sdelay $0x1  }
0x128: {  	v0 =	vadd.f32 v4, v0;
	v9 =	vmul.f32 $7.869975570e+00, v49;
	_ =	sdelay $0x1  }
0x129: {  	v4 =	vadd.f32 v9, v0;
	_ =	sdelay $0x1  }
0x12a: {  	vm8 =	veq.s32 v2, $0x21;
	v4 =	vmul.f32 v4, v3  }
0x12b: {  	v10 =	vsel vm8, v6, v5  }
0x12c: {  	v4 =	vadd.f32 v4, v10;
	_ =	sdelay $0x1  }
0x12d: {  	[tilespmem:$0x5280] =	vst v4  }
0x12e: {  	[tilespmem:$0x1FE20] =	vst v4;
	v4 =	vld [tilespmem:s18+$0x2300];
	_ =	sdelay $0x2  }
0x12f: {  	v1 =	vmul.f32 $-2.623237670e-01, v49;
	_ =	sdelay $0x1  }
0x130: {  	v0 =	vadd.f32 v1, v0;
	v12 =	vmul.f32 $7.865602490e+00, v4;
	_ =	sdelay $0x1  }
0x131: {  	v1 =	vadd.f32 v12, v0;
	_ =	sdelay $0x1  }
0x132: {  	vm9 =	veq.s32 v2, $0x22;
	v1 =	vmul.f32 v1, v3  }
0x133: {  	v15 =	vsel vm9, v6, v5  }
0x134: {  	v1 =	vadd.f32 v1, v15;
	_ =	sdelay $0x1  }
0x135: {  	[tilespmem:$0x5300] =	vst v1  }
0x136: {  	[tilespmem:$0x1FE90] =	vst v1;
	v1 =	vld [tilespmem:s18+$0x2380];
	_ =	sdelay $0x2  }
0x137: {  	v4 =	vmul.f32 $-2.712183300e-01, v4;
	_ =	sdelay $0x1  }
0x138: {  	v0 =	vadd.f32 v4, v0;
	v16 =	vmul.f32 $7.860925200e+00, v1;
	_ =	sdelay $0x1  }
0x139: {  	v4 =	vadd.f32 v16, v0;
	_ =	sdelay $0x1  }
0x13a: {  	vm10 =	veq.s32 v2, $0x23;
	v4 =	vmul.f32 v4, v3  }
0x13b: {  	v17 =	vsel vm10, v6, v5  }
0x13c: {  	v4 =	vadd.f32 v4, v17;
	_ =	sdelay $0x1  }
0x13d: {  	[tilespmem:$0x5380] =	vst v4  }
0x13e: {  	[tilespmem:$0x1FE30] =	vst v4;
	v4 =	vld [tilespmem:s18+$0x2400];
	_ =	sdelay $0x2  }
0x13f: {  	v1 =	vmul.f32 $-2.807373110e-01, v1;
	_ =	sdelay $0x1  }
0x140: {  	v0 =	vadd.f32 v1, v0;
	v18 =	vmul.f32 $7.855910780e+00, v4;
	_ =	sdelay $0x1  }
0x141: {  	v1 =	vadd.f32 v18, v0;
	_ =	sdelay $0x1  }
0x142: {  	vm11 =	veq.s32 v2, $0x24;
	v1 =	vmul.f32 v1, v3  }
0x143: {  	v19 =	vsel vm11, v6, v5  }
0x144: {  	v1 =	vadd.f32 v1, v19;
	_ =	sdelay $0x1  }
0x145: {  	[tilespmem:$0x5400] =	vst v1  }
0x146: {  	[tilespmem:$0x1FEA0] =	vst v1;
	v1 =	vld [tilespmem:s18+$0x2480];
	_ =	sdelay $0x2  }
0x147: {  	v4 =	vmul.f32 $-2.909488680e-01, v4;
	_ =	sdelay $0x1  }
0x148: {  	v0 =	vadd.f32 v4, v0;
	v20 =	vmul.f32 $7.850521090e+00, v1;
	_ =	sdelay $0x1  }
0x149: {  	v4 =	vadd.f32 v20, v0;
	_ =	sdelay $0x1  }
0x14a: {  	vm12 =	veq.s32 v2, $0x25;
	v4 =	vmul.f32 v4, v3  }
0x14b: {  	v23 =	vsel vm12, v6, v5  }
0x14c: {  	v49 =	vadd.f32 v4, v23;
	_ =	sdelay $0x1  }
0x14d: {  	[tilespmem:$0x5480] =	vst v49  }
0x14e: {  	v24 =	vld [tilespmem:s18+$0x2500];
	_ =	sdelay $0x2  }
0x14f: {  	v1 =	vmul.f32 $-3.019315000e-01, v1;
	_ =	sdelay $0x1  }
0x150: {  	v0 =	vadd.f32 v1, v0;
	v26 =	vmul.f32 $7.844712730e+00, v24;
	_ =	sdelay $0x1  }
0x151: {  	v1 =	vadd.f32 v26, v0;
	_ =	sdelay $0x1  }
0x152: {  	vm13 =	veq.s32 v2, $0x26;
	v1 =	vmul.f32 v1, v3  }
0x153: {  	v28 =	vsel vm13, v6, v5  }
0x154: {  	v42 =	vadd.f32 v1, v28;
	_ =	sdelay $0x1  }
0x155: {  	[tilespmem:$0x5500] =	vst v42  }
0x156: {  	v30 =	vld [tilespmem:s18+$0x2580];
	_ =	sdelay $0x2  }
0x157: {  	v4 =	vmul.f32 $-3.137759570e-01, v24;
	_ =	sdelay $0x1  }
0x158: {  	v0 =	vadd.f32 v4, v0;
	v32 =	vmul.f32 $7.838435170e+00, v30;
	_ =	sdelay $0x1  }
0x159: {  	v4 =	vadd.f32 v32, v0;
	_ =	sdelay $0x1  }
0x15a: {  	vm14 =	veq.s32 v2, $0x27;
	v4 =	vmul.f32 v4, v3  }
0x15b: {  	v36 =	vsel vm14, v6, v5  }
0x15c: {  	v4 =	vadd.f32 v4, v36;
	_ =	sdelay $0x1  }
0x15d: {  	[tilespmem:$0x5580] =	vst v4  }
0x15e: {  	[tilespmem:$0x1FE40] =	vst v4;
	v4 =	vld [tilespmem:s18+$0x2A00];
	_ =	sdelay $0x2  }
0x15f: {  	v1 =	vmul.f32 $-3.265878560e-01, v30;
	_ =	sdelay $0x1  }
0x160: {  	v0 =	vadd.f32 v1, v0;
	v38 =	vmul.f32 $7.831628320e+00, v4;
	_ =	sdelay $0x1  }
0x161: {  	v1 =	vadd.f32 v38, v0;
	_ =	sdelay $0x1  }
0x162: {  	vm15 =	veq.s32 v2, $0x28;
	v1 =	vmul.f32 v1, v3  }
0x163: {  	v40 =	vsel vm15, v6, v5  }
0x164: {  	v48 =	vadd.f32 v1, v40;
	_ =	sdelay $0x1  }
0x165: {  	[tilespmem:$0x5600] =	vst v48  }
0x166: {  	v43 =	vld [tilespmem:s18+$0x2A80];
	_ =	sdelay $0x2  }
0x167: {  	v4 =	vmul.f32 $-3.404907880e-01, v4;
	_ =	sdelay $0x1  }
0x168: {  	v0 =	vadd.f32 v4, v0;
	v8 =	vmul.f32 $7.824223040e+00, v43;
	_ =	sdelay $0x1  }
0x169: {  	v4 =	vadd.f32 v8, v0;
	_ =	sdelay $0x1  }
0x16a: {  	vm4 =	veq.s32 v2, $0x29;
	v4 =	vmul.f32 v4, v3  }
0x16b: {  	v9 =	vsel vm4, v6, v5  }
0x16c: {  	v45 =	vadd.f32 v4, v9;
	_ =	sdelay $0x1  }
0x16d: {  	[tilespmem:$0x5680] =	vst v45  }
0x16e: {  	v10 =	vld [tilespmem:s18+$0x2B00];
	_ =	sdelay $0x2  }
0x16f: {  	v1 =	vmul.f32 $-3.556303380e-01, v43;
	_ =	sdelay $0x1  }
0x170: {  	v0 =	vadd.f32 v1, v0;
	v12 =	vmul.f32 $7.816136840e+00, v10;
	_ =	sdelay $0x1  }
0x171: {  	v1 =	vadd.f32 v12, v0;
	_ =	sdelay $0x1  }
0x172: {  	vm5 =	veq.s32 v2, $0x2A;
	v1 =	vmul.f32 v1, v3  }
0x173: {  	v15 =	vsel vm5, v6, v5  }
0x174: {  	v44 =	vadd.f32 v1, v15;
	_ =	sdelay $0x1  }
0x175: {  	[tilespmem:$0x5700] =	vst v44  }
0x176: {  	v16 =	vld [tilespmem:s18+$0x2B80];
	_ =	sdelay $0x2  }
0x177: {  	v4 =	vmul.f32 $-3.721792700e-01, v10;
	_ =	sdelay $0x1  }
0x178: {  	v0 =	vadd.f32 v4, v0;
	v17 =	vmul.f32 $7.807271000e+00, v16;
	_ =	sdelay $0x1  }
0x179: {  	v4 =	vadd.f32 v17, v0;
	_ =	sdelay $0x1  }
0x17a: {  	vm6 =	veq.s32 v2, $0x2B;
	v4 =	vmul.f32 v4, v3  }
0x17b: {  	v18 =	vsel vm6, v6, v5  }
0x17c: {  	v43 =	vadd.f32 v4, v18;
	_ =	sdelay $0x1  }
0x17d: {  	[tilespmem:$0x5780] =	vst v43  }
0x17e: {  	v19 =	vld [tilespmem:s18+$0x2C00];
	_ =	sdelay $0x2  }
0x17f: {  	v1 =	vmul.f32 $-3.903440240e-01, v16;
	_ =	sdelay $0x1  }
0x180: {  	v0 =	vadd.f32 v1, v0;
	v20 =	vmul.f32 $7.797506810e+00, v19;
	_ =	sdelay $0x1  }
0x181: {  	v1 =	vadd.f32 v20, v0;
	_ =	sdelay $0x1  }
0x182: {  	vm7 =	veq.s32 v2, $0x2C;
	v1 =	vmul.f32 v1, v3  }
0x183: {  	v23 =	vsel vm7, v6, v5  }
0x184: {  	v40 =	vadd.f32 v1, v23;
	_ =	sdelay $0x1  }
0x185: {  	[tilespmem:$0x5800] =	vst v40  }
0x186: {  	v24 =	vld [tilespmem:s18+$0x2C80];
	_ =	sdelay $0x2  }
0x187: {  	v4 =	vmul.f32 $-4.103734790e-01, v19;
	_ =	sdelay $0x1  }
0x188: {  	v0 =	vadd.f32 v4, v0;
	v26 =	vmul.f32 $7.786700240e+00, v24;
	_ =	sdelay $0x1  }
0x189: {  	v4 =	vadd.f32 v26, v0;
	_ =	sdelay $0x1  }
0x18a: {  	vm8 =	veq.s32 v2, $0x2D;
	v4 =	vmul.f32 v4, v3  }
0x18b: {  	v28 =	vsel vm8, v6, v5  }
0x18c: {  	v38 =	vadd.f32 v4, v28;
	_ =	sdelay $0x1  }
0x18d: {  	[tilespmem:$0x5880] =	vst v38  }
0x18e: {  	v30 =	vld [tilespmem:s18+$0x2D00];
	_ =	sdelay $0x2  }
0x18f: {  	v1 =	vmul.f32 $-4.325704280e-01, v24;
	_ =	sdelay $0x1  }
0x190: {  	v0 =	vadd.f32 v1, v0;
	v32 =	vmul.f32 $7.774675850e+00, v30;
	_ =	sdelay $0x1  }
0x191: {  	v1 =	vadd.f32 v32, v0;
	_ =	sdelay $0x1  }
0x192: {  	vm9 =	veq.s32 v2, $0x2E;
	v1 =	vmul.f32 v1, v3  }
0x193: {  	v36 =	vsel vm9, v6, v5  }
0x194: {  	v36 =	vadd.f32 v1, v36;
	_ =	sdelay $0x1  }
0x195: {  	[tilespmem:$0x5900] =	vst v36  }
0x196: {  	v9 =	vld [tilespmem:s18+$0x2D80];
	_ =	sdelay $0x2  }
0x197: {  	v4 =	vmul.f32 $-4.573069810e-01, v30;
	_ =	sdelay $0x1  }
0x198: {  	v0 =	vadd.f32 v4, v0;
	v10 =	vmul.f32 $7.761214730e+00, v9;
	_ =	sdelay $0x1  }
0x199: {  	v4 =	vadd.f32 v10, v0;
	_ =	sdelay $0x1  }
0x19a: {  	vm10 =	veq.s32 v2, $0x2F;
	v4 =	vmul.f32 v4, v3  }
0x19b: {  	v12 =	vsel vm10, v6, v5  }
0x19c: {  	v32 =	vadd.f32 v4, v12;
	_ =	sdelay $0x1  }
0x19d: {  	[tilespmem:$0x5980] =	vst v32  }
0x19e: {  	v15 =	vld [tilespmem:s18+$0x3200];
	_ =	sdelay $0x2  }
0x19f: {  	v1 =	vmul.f32 $-4.850456120e-01, v9;
	_ =	sdelay $0x1  }
0x1a0: {  	v0 =	vadd.f32 v1, v0;
	v16 =	vmul.f32 $7.746043200e+00, v15;
	_ =	sdelay $0x1  }
0x1a1: {  	v1 =	vadd.f32 v16, v0;
	_ =	sdelay $0x1  }
0x1a2: {  	vm11 =	veq.s32 v2, $0x30;
	v1 =	vmul.f32 v1, v3  }
0x1a3: {  	v17 =	vsel vm11, v6, v5  }
0x1a4: {  	v30 =	vadd.f32 v1, v17;
	_ =	sdelay $0x1  }
0x1a5: {  	[tilespmem:$0x5A00] =	vst v30  }
0x1a6: {  	v18 =	vld [tilespmem:s18+$0x3280];
	_ =	sdelay $0x2  }
0x1a7: {  	v4 =	vmul.f32 $-5.163684490e-01, v15;
	_ =	sdelay $0x1  }
0x1a8: {  	v0 =	vadd.f32 v4, v0;
	v19 =	vmul.f32 $7.728813170e+00, v18;
	_ =	sdelay $0x1  }
0x1a9: {  	v4 =	vadd.f32 v19, v0;
	_ =	sdelay $0x1  }
0x1aa: {  	vm12 =	veq.s32 v2, $0x31;
	v4 =	vmul.f32 v4, v3  }
0x1ab: {  	v20 =	vsel vm12, v6, v5  }
0x1ac: {  	v28 =	vadd.f32 v4, v20;
	_ =	sdelay $0x1  }
0x1ad: {  	[tilespmem:$0x5A80] =	vst v28  }
0x1ae: {  	v23 =	vld [tilespmem:s18+$0x3300];
	_ =	sdelay $0x2  }
0x1af: {  	v1 =	vmul.f32 $-5.520186420e-01, v18;
	_ =	sdelay $0x1  }
0x1b0: {  	v0 =	vadd.f32 v1, v0;
	v9 =	vmul.f32 $7.709074500e+00, v23;
	_ =	sdelay $0x1  }
0x1b1: {  	v1 =	vadd.f32 v9, v0;
	_ =	sdelay $0x1  }
0x1b2: {  	vm13 =	veq.s32 v2, $0x32;
	v1 =	vmul.f32 v1, v3  }
0x1b3: {  	v10 =	vsel vm13, v6, v5  }
0x1b4: {  	v26 =	vadd.f32 v1, v10;
	_ =	sdelay $0x1  }
0x1b5: {  	[tilespmem:$0x5B00] =	vst v26  }
0x1b6: {  	v12 =	vld [tilespmem:s18+$0x3380];
	_ =	sdelay $0x2  }
0x1b7: {  	v4 =	vmul.f32 $-5.929601190e-01, v23;
	_ =	sdelay $0x1  }
0x1b8: {  	v0 =	vadd.f32 v4, v0;
	v15 =	vmul.f32 $7.686235900e+00, v12;
	_ =	sdelay $0x1  }
0x1b9: {  	v4 =	vadd.f32 v15, v0;
	_ =	sdelay $0x1  }
0x1ba: {  	vm14 =	veq.s32 v2, $0x33;
	v4 =	vmul.f32 v4, v3  }
0x1bb: {  	v16 =	vsel vm14, v6, v5  }
0x1bc: {  	v23 =	vadd.f32 v4, v16;
	_ =	sdelay $0x1  }
0x1bd: {  	[tilespmem:$0x5B80] =	vst v23  }
0x1be: {  	v17 =	vld [tilespmem:s18+$0x3400];
	_ =	sdelay $0x2  }
0x1bf: {  	v1 =	vmul.f32 $-6.404662720e-01, v12;
	_ =	sdelay $0x1  }
0x1c0: {  	v0 =	vadd.f32 v1, v0;
	v20 =	vmul.f32 $7.659505840e+00, v17;
	_ =	sdelay $0x1  }
0x1c1: {  	v1 =	vadd.f32 v20, v0;
	_ =	sdelay $0x1  }
0x1c2: {  	vm15 =	veq.s32 v2, $0x34;
	v1 =	vmul.f32 v1, v3  }
0x1c3: {  	v24 =	vsel vm15, v6, v5  }
0x1c4: {  	v20 =	vadd.f32 v1, v24;
	_ =	sdelay $0x1  }
0x1c5: {  	[tilespmem:$0x5C00] =	vst v20  }
0x1c6: {  	v9 =	vld [tilespmem:s18+$0x3480];
	_ =	sdelay $0x2  }
0x1c7: {  	v4 =	vmul.f32 $-6.962553850e-01, v17;
	_ =	sdelay $0x1  }
0x1c8: {  	v0 =	vadd.f32 v4, v0;
	v10 =	vmul.f32 $7.627794740e+00, v9;
	_ =	sdelay $0x1  }
0x1c9: {  	v4 =	vadd.f32 v10, v0;
	_ =	sdelay $0x1  }
0x1ca: {  	vm4 =	veq.s32 v2, $0x35;
	v4 =	vmul.f32 v4, v3  }
0x1cb: {  	v12 =	vsel vm4, v6, v5  }
0x1cc: {  	v19 =	vadd.f32 v4, v12;
	_ =	sdelay $0x1  }
0x1cd: {  	[tilespmem:$0x5C80] =	vst v19  }
0x1ce: {  	v15 =	vld [tilespmem:s18+$0x3500];
	_ =	sdelay $0x2  }
0x1cf: {  	v1 =	vmul.f32 $-7.627032390e-01, v9;
	_ =	sdelay $0x1  }
0x1d0: {  	v0 =	vadd.f32 v1, v0;
	v17 =	vmul.f32 $7.589567660e+00, v15;
	_ =	sdelay $0x1  }
0x1d1: {  	v1 =	vadd.f32 v17, v0;
	_ =	sdelay $0x1  }
0x1d2: {  	vm5 =	veq.s32 v2, $0x36;
	v1 =	vmul.f32 v1, v3  }
0x1d3: {  	v18 =	vsel vm5, v6, v5  }
0x1d4: {  	v18 =	vadd.f32 v1, v18;
	_ =	sdelay $0x1  }
0x1d5: {  	[tilespmem:$0x5D00] =	vst v18  }
0x1d6: {  	v24 =	vld [tilespmem:s18+$0x3580];
	_ =	sdelay $0x2  }
0x1d7: {  	v4 =	vmul.f32 $-8.431916230e-01, v15;
	_ =	sdelay $0x1  }
0x1d8: {  	v0 =	vadd.f32 v4, v0;
	v9 =	vmul.f32 $7.542583470e+00, v24;
	_ =	sdelay $0x1  }
0x1d9: {  	v4 =	vadd.f32 v9, v0;
	_ =	sdelay $0x1  }
0x1da: {  	vm6 =	veq.s32 v2, $0x37;
	v4 =	vmul.f32 v4, v3  }
0x1db: {  	v10 =	vsel vm6, v6, v5  }
0x1dc: {  	v17 =	vadd.f32 v4, v10;
	_ =	sdelay $0x1  }
0x1dd: {  	[tilespmem:$0x5D80] =	vst v17  }
0x1de: {  	v12 =	vld [tilespmem:s18+$0x3A00];
	_ =	sdelay $0x2  }
0x1df: {  	v1 =	vmul.f32 $-9.427050940e-01, v24;
	_ =	sdelay $0x1  }
0x1e0: {  	v0 =	vadd.f32 v1, v0;
	v15 =	vmul.f32 $7.483439920e+00, v12;
	_ =	sdelay $0x1  }
0x1e1: {  	v1 =	vadd.f32 v15, v0;
	_ =	sdelay $0x1  }
0x1e2: {  	vm7 =	veq.s32 v2, $0x38;
	v1 =	vmul.f32 v1, v3  }
0x1e3: {  	v16 =	vsel vm7, v6, v5  }
0x1e4: {  	v16 =	vadd.f32 v1, v16;
	_ =	sdelay $0x1  }
0x1e5: {  	[tilespmem:$0x5E00] =	vst v16  }
0x1e6: {  	v24 =	vld [tilespmem:s18+$0x3A80];
	_ =	sdelay $0x2  }
0x1e7: {  	v4 =	vmul.f32 $-1.068910120e+00, v12;
	_ =	sdelay $0x1  }
0x1e8: {  	v0 =	vadd.f32 v4, v0;
	v8 =	vmul.f32 $7.406706800e+00, v24;
	_ =	sdelay $0x1  }
0x1e9: {  	v4 =	vadd.f32 v8, v0;
	_ =	sdelay $0x1  }
0x1ea: {  	vm8 =	veq.s32 v2, $0x39;
	v4 =	vmul.f32 v4, v3  }
0x1eb: {  	v9 =	vsel vm8, v6, v5  }
0x1ec: {  	v15 =	vadd.f32 v4, v9;
	_ =	sdelay $0x1  }
0x1ed: {  	[tilespmem:$0x5E80] =	vst v15  }
0x1ee: {  	v10 =	vld [tilespmem:s18+$0x3B00];
	_ =	sdelay $0x2  }
0x1ef: {  	v1 =	vmul.f32 $-1.234245420e+00, v24;
	_ =	sdelay $0x1  }
0x1f0: {  	v0 =	vadd.f32 v1, v0;
	v12 =	vmul.f32 $7.303146360e+00, v10;
	_ =	sdelay $0x1  }
0x1f1: {  	v1 =	vadd.f32 v12, v0;
	_ =	sdelay $0x1  }
0x1f2: {  	vm9 =	veq.s32 v2, $0x3A;
	v1 =	vmul.f32 v1, v3  }
0x1f3: {  	v24 =	vsel vm9, v6, v5  }
0x1f4: {  	v12 =	vadd.f32 v1, v24;
	_ =	sdelay $0x1  }
0x1f5: {  	[tilespmem:$0x5F00] =	vst v12  }
0x1f6: {  	v1 =	vld [tilespmem:s18+$0x3B80];
	_ =	sdelay $0x2  }
0x1f7: {  	v4 =	vmul.f32 $-1.460337160e+00, v10;
	_ =	sdelay $0x1  }
0x1f8: {  	v8 =	vadd.f32 v4, v0;
	v9 =	vmul.f32 $7.155652040e+00, v1  }
0x1f9: {  	v10 =	vmax.f32 v13, $-3.000000010e+38  }
0x1fa: {  	v7 =	vmax.f32 v10, v14;
	v4 =	vadd.f32 v9, v8  }
0x1fb: {  	v7 =	vmax.f32 v7, v46  }
0x1fc: {  	vm10 =	veq.s32 v2, $0x3B;
	v7 =	vmax.f32 v7, v47;
	v4 =	vmul.f32 v4, v3  }
0x1fd: {  	v10 =	vsel vm10, v6, v5;
	v24 =	vmax.f32 v7, v50  }
0x1fe: {  	v0 =	vmax.f32 v24, v21;
	v9 =	vadd.f32 v4, v10  }
0x1ff: {  	v0 =	vmax.f32 v0, v51  }
0x200: {  	v0 =	vmax.f32 v0, v52;
	[tilespmem:$0x5F80] =	vst v9  }
0x201: {  	v0 =	vmax.f32 v0, v53;
	v4 =	vld [tilespmem:s18+$0x3C00]  }
0x202: {  	v0 =	vmax.f32 v0, v54  }
0x203: {  	v0 =	vmax.f32 v0, v57  }
0x204: {  	v0 =	vmax.f32 v0, v55;
	v1 =	vmul.f32 $-1.788465980e+00, v1  }
0x205: {  	v0 =	vmax.f32 v0, v56  }
0x206: {  	v0 =	vmax.f32 v0, v58;
	v1 =	vadd.f32 v1, v8;
	v24 =	vmul.f32 $6.928545950e+00, v4  }
0x207: {  	v0 =	vmax.f32 v0, v61  }
0x208: {  	v0 =	vmax.f32 v0, v59;
	v8 =	vadd.f32 v24, v1;
	v24 =	vld [tilespmem:$0x1FE00]  }
0x209: {  	v0 =	vmax.f32 v0, v60  }
0x20a: {  	v0 =	vmax.f32 v0, v62  }
0x20b: {  	v0 =	vmax.f32 v0, v22  }
0x20c: {  	v0 =	vmax.f32 v0, v63  }
0x20d: {  	vm11 =	veq.s32 v2, $0x3C;
	v8 =	vmul.f32 v8, v3;
	v0 =	vmax.f32 v0, v24  }
0x20e: {  	v10 =	vsel vm11, v6, v5;
	v0 =	vmax.f32 v0, v41  }
0x20f: {  	v8 =	vadd.f32 v8, v10;
	v0 =	vmax.f32 v0, v25  }
0x210: {  	v0 =	vmax.f32 v0, v27  }
0x211: {  	[tilespmem:$0x6000] =	vst v8;
	v0 =	vmax.f32 v0, v35  }
0x212: {  	v10 =	vld [tilespmem:s18+$0x3C80];
	v0 =	vmax.f32 v0, v29  }
0x213: {  	v0 =	vmax.f32 v0, v31  }
0x214: {  	v0 =	vmax.f32 v0, v39  }
0x215: {  	[tilespmem:$0x1FE60] =	vst v33;
	v4 =	vmul.f32 $-2.308745620e+00, v4;
	v0 =	vmax.f32 v0, v33;
	v33 =	vld [tilespmem:$0x1FE10];
	_ =	sdelay $0x1  }
0x216: {  	v4 =	vadd.f32 v4, v1;
	v7 =	vmul.f32 $6.532567980e+00, v10;
	_ =	sdelay $0x1  }
0x217: {  	v1 =	vadd.f32 v7, v4  }
0x218: {  	v0 =	vmax.f32 v0, v33  }
0x219: {  	vm12 =	veq.s32 v2, $0x3D;
	v1 =	vmul.f32 v1, v3;
	v0 =	vmax.f32 v0, v34  }
0x21a: {  	[tilespmem:$0x1FE70] =	vst v37;
	v0 =	vmax.f32 v0, v37;
	v37 =	vsel vm12, v6, v5  }
0x21b: {  	v1 =	vadd.f32 v1, v37;
	v37 =	vld [tilespmem:$0x1FE20]  }
0x21c: {  	[tilespmem:$0x1FE50] =	vst v31;
	v31 =	vmov v39;
	v39 =	vld [tilespmem:$0x1FE90];
	_ =	sdelay $0x2  }
0x21d: {  	v0 =	vmax.f32 v0, v11  }
0x21e: {  	v0 =	vmax.f32 v0, v37  }
0x21f: {  	v0 =	vmax.f32 v0, v39;
	v39 =	vld [tilespmem:$0x1FE30]  }
0x220: {  	[tilespmem:$0x1FE80] =	vst v11;
	v11 =	vld [tilespmem:$0x1FEA0];
	_ =	sdelay $0x3  }
0x221: {  	v0 =	vmax.f32 v0, v39  }
0x222: {  	v0 =	vmax.f32 v0, v11  }
0x223: {  	v0 =	vmax.f32 v0, v49  }
0x224: {  	[tilespmem:$0x1FEB0] =	vst v49;
	v49 =	vmov v42;
	v0 =	vmax.f32 v0, v42;
	v42 =	vld [tilespmem:$0x1FE40]  }
0x225: {  	[tilespmem:$0x6080] =	vst v1  }
0x226: {  	v11 =	vld [tilespmem:s18+$0x3D00];
	_ =	sdelay $0x2  }
0x227: {  	v10 =	vmul.f32 $-3.264651540e+00, v10;
	v0 =	vmax.f32 v0, v42  }
0x228: {  	v0 =	vmax.f32 v0, v48  }
0x229: {  	v4 =	vadd.f32 v10, v4;
	v10 =	vmul.f32 $5.658311840e+00, v11;
	v0 =	vmax.f32 v0, v45  }
0x22a: {  	v0 =	vmax.f32 v0, v44  }
0x22b: {  	v10 =	vadd.f32 v10, v4;
	v0 =	vmax.f32 v0, v43  }
0x22c: {  	v0 =	vmax.f32 v0, v40  }
0x22d: {  	vm13 =	veq.s32 v2, $0x3E;
	v10 =	vmul.f32 v10, v3;
	v0 =	vmax.f32 v0, v38  }
0x22e: {  	[tilespmem:$0x1FED0] =	vst v45;
	v45 =	vmov v43;
	v43 =	vsel vm13, v6, v5;
	v0 =	vmax.f32 v0, v36  }
0x22f: {  	v7 =	vmov v1;
	[tilespmem:$0x1FFD0] =	vst v1;
	v1 =	vadd.f32 v10, v43;
	v0 =	vmax.f32 v0, v32  }
0x230: {  	v0 =	vmax.f32 v0, v30  }
0x231: {  	[tilespmem:$0x6100] =	vst v1;
	v0 =	vmax.f32 v0, v28  }
0x232: {  	[tilespmem:$0x1FEC0] =	vst v48;
	v48 =	vmov v44;
	v44 =	vld [tilespmem:s18+$0x3D80];
	v0 =	vmax.f32 v0, v26  }
0x233: {  	v0 =	vmax.f32 v0, v23  }
0x234: {  	v0 =	vmax.f32 v0, v20  }
0x235: {  	v11 =	vmul.f32 $-5.652658940e+00, v11;
	v0 =	vmax.f32 v0, v19  }
0x236: {  	v0 =	vmax.f32 v0, v18  }
0x237: {  	v4 =	vadd.f32 v11, v4;
	v10 =	vmul.f32 $2.528578040e-01, v44;
	v0 =	vmax.f32 v0, v17  }
0x238: {  	v0 =	vmax.f32 v0, v16  }
0x239: {  	v4 =	vadd.f32 v10, v4;
	v0 =	vmax.f32 v0, v15  }
0x23a: {  	v0 =	vmax.f32 v0, v12  }
0x23b: {  	vm14 =	veq.s32 v2, $0x3F;
	v3 =	vmul.f32 v4, v3;
	v0 =	vmax.f32 v0, v9  }
0x23c: {  	v2 =	vsel vm14, v6, v5;
	v0 =	vmax.f32 v0, v8  }
0x23d: {  	v3 =	vadd.f32 v3, v2;
	v0 =	vmax.f32 v0, v7  }
0x23e: {  	v0 =	vmax.f32 v0, v1  }
0x23f: {  	v5 =	vmax.f32 v0, v3  }
0x240: {  	v0 =	vsub.f32 v13, v5;
	_ =	sdelay $0x1  }
0x241: {  	[tilespmem:$0x1FFC0] =	vst v9;
	v9 =	vsub.f32 v14, v5;
	v0 =	vmul.f32 $1.442695020e+00, v0;
	_ =	sdelay $0x1  }
0x242: {  	v10 =	vmul.f32 $1.442695020e+00, v9;
	(erf) = vpow2.f32 v0  }
0x243: {  	v11 =	vsub.f32 v46, v5  }
0x244: {  	(erf) = vpow2.f32 v10  }
0x245: {  	[tilespmem:$0x1FFB0] =	vst v12;
	v13 =	vsub.f32 v47, v5;
	v12 =	vmul.f32 $1.442695020e+00, v11;
	_ =	sdelay $0x1  }
0x246: {  	[tilespmem:$0x1FFA0] =	vst v15;
	v15 =	vsub.f32 v50, v5;
	v14 =	vmul.f32 $1.442695020e+00, v13;
	(erf) = vpow2.f32 v12  }
0x247: {  	[tilespmem:$0x1FF80] =	vst v17  }
0x248: {  	[tilespmem:$0x1FF90] =	vst v16;
	v17 =	vsub.f32 v21, v5;
	v16 =	vmul.f32 $1.442695020e+00, v15;
	(erf) = vpow2.f32 v14  }
0x249: {  	[tilespmem:$0x1FF60] =	vst v20  }
0x24a: {  	[tilespmem:$0x1FF70] =	vst v19;
	v20 =	vsub.f32 v51, v5;
	v19 =	vmul.f32 $1.442695020e+00, v17;
	v2 =	vpop (erf);
	(erf) = vpow2.f32 v16  }
0x24b: {  	[tilespmem:$0x1FEF0] =	vst v38;
	v21 =	vadd.f32 $0.0e+00, v2  }
0x24c: {  	[tilespmem:$0x1FF50] =	vst v23;
	v23 =	vmul.f32 $1.442695020e+00, v20;
	(erf) = vpow2.f32 v19;
	v6 =	vpop (erf)  }
0x24d: {  	[tilespmem:$0x1FF40] =	vst v26;
	v26 =	vsub.f32 v52, v5;
	v10 =	vadd.f32 v21, v6  }
0x24e: {  	[tilespmem:$0x1FF20] =	vst v30;
	(erf) = vpow2.f32 v23  }
0x24f: {  	[tilespmem:$0x1FF30] =	vst v28;
	v30 =	vsub.f32 v53, v5;
	v28 =	vmul.f32 $1.442695020e+00, v26;
	v9 =	vpop (erf)  }
0x250: {  	[tilespmem:$0x1FF10] =	vst v32;
	v32 =	vadd.f32 v10, v9  }
0x251: {  	[tilespmem:$0x1FF00] =	vst v36;
	v38 =	vsub.f32 v54, v5;
	v36 =	vmul.f32 $1.442695020e+00, v30;
	(erf) = vpow2.f32 v28;
	v10 =	vpop (erf)  }
0x252: {  	[tilespmem:$0x1FEE0] =	vst v40;
	v40 =	vadd.f32 v32, v10  }
0x253: {  	v44 =	vsub.f32 v57, v5;
	v43 =	vmul.f32 $1.442695020e+00, v38;
	(erf) = vpow2.f32 v36;
	v11 =	vpop (erf)  }
0x254: {  	v46 =	vadd.f32 v40, v11  }
0x255: {  	v47 =	vmul.f32 $1.442695020e+00, v44;
	(erf) = vpow2.f32 v43;
	v12 =	vpop (erf)  }
0x256: {  	v50 =	vsub.f32 v55, v5;
	v15 =	vadd.f32 v46, v12  }
0x257: {  	(erf) = vpow2.f32 v47;
	v13 =	vpop (erf)  }
0x258: {  	v52 =	vsub.f32 v56, v5;
	v51 =	vmul.f32 $1.442695020e+00, v50;
	v15 =	vadd.f32 v15, v13;
	_ =	sdelay $0x1  }
0x259: {  	v54 =	vsub.f32 v58, v5;
	v53 =	vmul.f32 $1.442695020e+00, v52;
	(erf) = vpow2.f32 v51;
	v14 =	vpop (erf)  }
0x25a: {  	v55 =	vadd.f32 v15, v14  }
0x25b: {  	v57 =	vsub.f32 v61, v5;
	v56 =	vmul.f32 $1.442695020e+00, v54;
	(erf) = vpow2.f32 v53;
	v15 =	vpop (erf)  }
0x25c: {  	v58 =	vadd.f32 v55, v15  }
0x25d: {  	v61 =	vmul.f32 $1.442695020e+00, v57;
	(erf) = vpow2.f32 v56;
	v16 =	vpop (erf)  }
0x25e: {  	v21 =	vsub.f32 v59, v5;
	v19 =	vadd.f32 v58, v16  }
0x25f: {  	(erf) = vpow2.f32 v61;
	v7 =	vpop (erf)  }
0x260: {  	v26 =	vsub.f32 v60, v5;
	v23 =	vmul.f32 $1.442695020e+00, v21;
	v19 =	vadd.f32 v19, v7;
	_ =	sdelay $0x1  }
0x261: {  	v30 =	vsub.f32 v62, v5;
	v28 =	vmul.f32 $1.442695020e+00, v26;
	(erf) = vpow2.f32 v23;
	v46 =	vpop (erf)  }
0x262: {  	v32 =	vadd.f32 v19, v46  }
0x263: {  	v36 =	vmul.f32 $1.442695020e+00, v30;
	(erf) = vpow2.f32 v28;
	v19 =	vpop (erf)  }
0x264: {  	v38 =	vsub.f32 v22, v5;
	v40 =	vadd.f32 v32, v19  }
0x265: {  	(erf) = vpow2.f32 v36;
	v20 =	vpop (erf)  }
0x266: {  	v44 =	vsub.f32 v63, v5;
	v43 =	vmul.f32 $1.442695020e+00, v38;
	v23 =	vadd.f32 v40, v20  }
0x267: {  	v17 =	vpop (erf)  }
0x268: {  	v47 =	vmul.f32 $1.442695020e+00, v44;
	(erf) = vpow2.f32 v43;
	v23 =	vadd.f32 v23, v17  }
0x269: {  	v50 =	vsub.f32 v24, v5  }
0x26a: {  	(erf) = vpow2.f32 v47;
	v22 =	vpop (erf)  }
0x26b: {  	v52 =	vsub.f32 v41, v5;
	v51 =	vmul.f32 $1.442695020e+00, v50;
	v53 =	vadd.f32 v23, v22  }
0x26c: {  	v23 =	vpop (erf)  }
0x26d: {  	v54 =	vmul.f32 $1.442695020e+00, v52;
	(erf) = vpow2.f32 v51;
	v56 =	vadd.f32 v53, v23  }
0x26e: {  	v55 =	vsub.f32 v25, v5;
	v24 =	vpop (erf)  }
0x26f: {  	(erf) = vpow2.f32 v54;
	v26 =	vadd.f32 v56, v24  }
0x270: {  	v57 =	vmul.f32 $1.442695020e+00, v55;
	v58 =	vsub.f32 v27, v5  }
0x271: {  	v60 =	vsub.f32 v35, v5;
	v35 =	vld [tilespmem:$0x1FE50];
	v25 =	vpop (erf)  }
0x272: {  	v59 =	vmul.f32 $1.442695020e+00, v58;
	(erf) = vpow2.f32 v57;
	v61 =	vadd.f32 v26, v25  }
0x273: {  	v26 =	vpop (erf)  }
0x274: {  	(erf) = vpow2.f32 v59;
	v28 =	vadd.f32 v61, v26  }
0x275: {  	v63 =	vsub.f32 v29, v5;
	v62 =	vmul.f32 $1.442695020e+00, v60  }
0x276: {  	v4 =	vsub.f32 v35, v5;
	v27 =	vpop (erf)  }
0x277: {  	v21 =	vmul.f32 $1.442695020e+00, v63;
	v43 =	vld [tilespmem:$0x1FE60];
	(erf) = vpow2.f32 v62;
	v36 =	vadd.f32 v28, v27  }
0x278: {  	v38 =	vmul.f32 $1.442695020e+00, v4;
	v28 =	vpop (erf)  }
0x279: {  	v40 =	vsub.f32 v31, v5;
	(erf) = vpow2.f32 v21;
	v30 =	vadd.f32 v36, v28;
	_ =	sdelay $0x1  }
0x27a: {  	v41 =	vmul.f32 $1.442695020e+00, v40;
	(erf) = vpow2.f32 v38;
	v29 =	vpop (erf)  }
0x27b: {  	v4 =	vsub.f32 v43, v5;
	v44 =	vadd.f32 v30, v29  }
0x27c: {  	v55 =	vld [tilespmem:$0x1FE70];
	(erf) = vpow2.f32 v41;
	v30 =	vpop (erf)  }
0x27d: {  	v50 =	vsub.f32 v33, v5;
	v47 =	vmul.f32 $1.442695020e+00, v4;
	v32 =	vadd.f32 v44, v30;
	_ =	sdelay $0x1  }
0x27e: {  	v52 =	vsub.f32 v34, v5;
	v58 =	vld [tilespmem:$0x1FE80];
	v51 =	vmul.f32 $1.442695020e+00, v50;
	(erf) = vpow2.f32 v47;
	v31 =	vpop (erf)  }
0x27f: {  	v53 =	vadd.f32 v32, v31  }
0x280: {  	v4 =	vsub.f32 v55, v5;
	v54 =	vmul.f32 $1.442695020e+00, v52;
	(erf) = vpow2.f32 v51;
	v32 =	vpop (erf)  }
0x281: {  	v56 =	vadd.f32 v53, v32  }
0x282: {  	v57 =	vmul.f32 $1.442695020e+00, v4;
	v62 =	vld [tilespmem:$0x1FE90];
	(erf) = vpow2.f32 v54;
	v33 =	vpop (erf)  }
0x283: {  	v4 =	vsub.f32 v58, v5;
	v36 =	vadd.f32 v56, v33  }
0x284: {  	(erf) = vpow2.f32 v57;
	v34 =	vpop (erf)  }
0x285: {  	v60 =	vsub.f32 v37, v5;
	v59 =	vmul.f32 $1.442695020e+00, v4;
	v36 =	vadd.f32 v36, v34;
	_ =	sdelay $0x1  }
0x286: {  	v61 =	vmul.f32 $1.442695020e+00, v60;
	v4 =	vsub.f32 v62, v5;
	v51 =	vld [tilespmem:$0x1FEA0];
	(erf) = vpow2.f32 v59;
	v35 =	vpop (erf)  }
0x287: {  	v63 =	vadd.f32 v36, v35  }
0x288: {  	v21 =	vmul.f32 $1.442695020e+00, v4;
	v44 =	vsub.f32 v39, v5;
	v53 =	vld [tilespmem:$0x1FEB0];
	(erf) = vpow2.f32 v61;
	v36 =	vpop (erf)  }
0x289: {  	v47 =	vadd.f32 v63, v36  }
0x28a: {  	v50 =	vmul.f32 $1.442695020e+00, v44;
	(erf) = vpow2.f32 v21;
	v37 =	vpop (erf)  }
0x28b: {  	v4 =	vsub.f32 v51, v5;
	v40 =	vadd.f32 v47, v37  }
0x28c: {  	(erf) = vpow2.f32 v50;
	v38 =	vpop (erf)  }
0x28d: {  	v52 =	vmul.f32 $1.442695020e+00, v4;
	v4 =	vsub.f32 v53, v5;
	v40 =	vadd.f32 v40, v38  }
0x28e: {  	v61 =	vld [tilespmem:$0x1FEC0]  }
0x28f: {  	v55 =	vsub.f32 v49, v5;
	v54 =	vmul.f32 $1.442695020e+00, v4;
	(erf) = vpow2.f32 v52;
	v39 =	vpop (erf)  }
0x290: {  	v63 =	vld [tilespmem:$0x1FED0];
	v56 =	vadd.f32 v40, v39  }
0x291: {  	v58 =	vsub.f32 v42, v5;
	v57 =	vmul.f32 $1.442695020e+00, v55;
	(erf) = vpow2.f32 v54;
	v40 =	vpop (erf)  }
0x292: {  	v59 =	vadd.f32 v56, v40  }
0x293: {  	v60 =	vmul.f32 $1.442695020e+00, v58;
	v4 =	vsub.f32 v61, v5;
	(erf) = vpow2.f32 v57;
	v41 =	vpop (erf)  }
0x294: {  	v44 =	vadd.f32 v59, v41  }
0x295: {  	v62 =	vmul.f32 $1.442695020e+00, v4;
	v4 =	vsub.f32 v63, v5;
	(erf) = vpow2.f32 v60;
	v42 =	vpop (erf)  }
0x296: {  	v57 =	vld [tilespmem:$0x1FEE0];
	v44 =	vadd.f32 v44, v42  }
0x297: {  	v52 =	vsub.f32 v48, v5;
	v21 =	vmul.f32 $1.442695020e+00, v4;
	v60 =	vld [tilespmem:$0x1FEF0];
	(erf) = vpow2.f32 v62  }
0x298: {  	v45 =	vsub.f32 v45, v5;
	v43 =	vpop (erf)  }
0x299: {  	v54 =	vmul.f32 $1.442695020e+00, v52;
	v62 =	vld [tilespmem:$0x1FF00];
	(erf) = vpow2.f32 v21;
	v53 =	vadd.f32 v44, v43  }
0x29a: {  	v55 =	vmul.f32 $1.442695020e+00, v45;
	v44 =	vpop (erf)  }
0x29b: {  	v48 =	vld [tilespmem:$0x1FF10];
	(erf) = vpow2.f32 v54;
	v58 =	vsub.f32 v57, v5;
	v56 =	vadd.f32 v53, v44  }
0x29c: {  	v49 =	vld [tilespmem:$0x1FF20];
	v61 =	vsub.f32 v60, v5;
	v45 =	vpop (erf)  }
0x29d: {  	v50 =	vld [tilespmem:$0x1FF30];
	v59 =	vmul.f32 $1.442695020e+00, v58;
	(erf) = vpow2.f32 v55;
	v0 =	vadd.f32 v56, v45  }
0x29e: {  	[tilespmem:$0x4280] =	vst v6;
	v63 =	vsub.f32 v62, v5;
	v6 =	vpop (erf)  }
0x29f: {  	[tilespmem:$0x4300] =	vst v9;
	v21 =	vmul.f32 $1.442695020e+00, v61;
	(erf) = vpow2.f32 v59;
	v0 =	vadd.f32 v0, v6  }
0x2a0: {  	[tilespmem:$0x4380] =	vst v10;
	v4 =	vsub.f32 v48, v5;
	v9 =	vpop (erf)  }
0x2a1: {  	[tilespmem:$0x4400] =	vst v11;
	v47 =	vmul.f32 $1.442695020e+00, v63;
	(erf) = vpow2.f32 v21;
	v0 =	vadd.f32 v0, v9  }
0x2a2: {  	[tilespmem:$0x4500] =	vst v13;
	v11 =	vsub.f32 v49, v5;
	v52 =	vld [tilespmem:$0x1FF40];
	v13 =	vsub.f32 v50, v5;
	v10 =	vpop (erf)  }
0x2a3: {  	[tilespmem:$0x4200] =	vst v2;
	v4 =	vmul.f32 $1.442695020e+00, v4;
	(erf) = vpow2.f32 v47;
	v0 =	vadd.f32 v0, v10  }
0x2a4: {  	[tilespmem:$0x4480] =	vst v12;
	v13 =	vmul.f32 $1.442695020e+00, v13;
	v53 =	vld [tilespmem:$0x1FF50];
	v12 =	vpop (erf)  }
0x2a5: {  	[tilespmem:$0x4580] =	vst v14;
	v51 =	vmul.f32 $1.442695020e+00, v11;
	v56 =	vld [tilespmem:$0x1FF60];
	(erf) = vpow2.f32 v4;
	v0 =	vadd.f32 v0, v12  }
0x2a6: {  	[tilespmem:$0x4600] =	vst v15;
	v11 =	vpop (erf)  }
0x2a7: {  	[tilespmem:$0x4680] =	vst v16;
	v4 =	vsub.f32 v52, v5;
	(erf) = vpow2.f32 v51;
	v0 =	vadd.f32 v0, v11  }
0x2a8: {  	[tilespmem:$0x4700] =	vst v7;
	v60 =	vld [tilespmem:$0x1FF70];
	(erf) = vpow2.f32 v13;
	v13 =	vpop (erf)  }
0x2a9: {  	[tilespmem:$0x4780] =	vst v46;
	v54 =	vsub.f32 v53, v5;
	v4 =	vmul.f32 $1.442695020e+00, v4;
	v0 =	vadd.f32 v0, v13  }
0x2aa: {  	[tilespmem:$0x4800] =	vst v19;
	v57 =	vsub.f32 v56, v5;
	v55 =	vpop (erf)  }
0x2ab: {  	[tilespmem:$0x4980] =	vst v22;
	v22 =	vld [tilespmem:$0x1FF80];
	v58 =	vmul.f32 $1.442695020e+00, v54;
	(erf) = vpow2.f32 v4;
	v0 =	vadd.f32 v0, v55  }
0x2ac: {  	[tilespmem:$0x4A00] =	vst v23;
	v16 =	vmul.f32 $1.442695020e+00, v57;
	v59 =	vpop (erf)  }
0x2ad: {  	[tilespmem:$0x4A80] =	vst v24;
	v4 =	vsub.f32 v60, v5;
	(erf) = vpow2.f32 v58;
	v0 =	vadd.f32 v0, v59  }
0x2ae: {  	[tilespmem:$0x4B80] =	vst v26;
	v26 =	vld [tilespmem:$0x1FF90];
	v62 =	vsub.f32 v18, v5;
	v61 =	vpop (erf)  }
0x2af: {  	[tilespmem:$0x4C80] =	vst v28;
	v28 =	vld [tilespmem:$0x1FFA0];
	(erf) = vpow2.f32 v16;
	v4 =	vmul.f32 $1.442695020e+00, v4;
	v0 =	vadd.f32 v0, v61  }
0x2b0: {  	[tilespmem:$0x4B00] =	vst v25;
	v23 =	vsub.f32 v22, v5;
	v63 =	vpop (erf)  }
0x2b1: {  	[tilespmem:$0x4E00] =	vst v31;
	v31 =	vld [tilespmem:$0x1FFB0];
	v24 =	vmul.f32 $1.442695020e+00, v62;
	(erf) = vpow2.f32 v4;
	v0 =	vadd.f32 v0, v63  }
0x2b2: {  	v19 =	vmul.f32 $1.442695020e+00, v23;
	[tilespmem:$0x4C00] =	vst v27;
	v25 =	vpop (erf)  }
0x2b3: {  	[tilespmem:$0x4D00] =	vst v29;
	v4 =	vsub.f32 v26, v5;
	(erf) = vpow2.f32 v24;
	v0 =	vadd.f32 v0, v25  }
0x2b4: {  	v29 =	vsub.f32 v28, v5;
	[tilespmem:$0x5000] =	vst v35;
	v35 =	vld [tilespmem:$0x1FFC0];
	v27 =	vpop (erf)  }
0x2b5: {  	[tilespmem:$0x4D80] =	vst v30;
	v4 =	vmul.f32 $1.442695020e+00, v4;
	(erf) = vpow2.f32 v19;
	v0 =	vadd.f32 v0, v27  }
0x2b6: {  	[tilespmem:$0x4E80] =	vst v32;
	v32 =	vsub.f32 v31, v5;
	v30 =	vpop (erf)  }
0x2b7: {  	v46 =	vld [tilespmem:$0x1FFD0];
	[tilespmem:$0x4F00] =	vst v33;
	v33 =	vmul.f32 $1.442695020e+00, v29;
	(erf) = vpow2.f32 v4;
	v0 =	vadd.f32 v0, v30  }
0x2b8: {  	[tilespmem:$0x4F80] =	vst v34;
	v22 =	vmul.f32 $1.442695020e+00, v32;
	v34 =	vpop (erf)  }
0x2b9: {  	[tilespmem:$0x4880] =	vst v20;
	v4 =	vsub.f32 v35, v5;
	(erf) = vpow2.f32 v33;
	v0 =	vadd.f32 v0, v34  }
0x2ba: {  	v8 =	vsub.f32 v8, v5;
	[tilespmem:$0x5080] =	vst v36;
	v36 =	vpop (erf)  }
0x2bb: {  	[tilespmem:$0x4900] =	vst v17;
	(erf) = vpow2.f32 v22;
	v4 =	vmul.f32 $1.442695020e+00, v4;
	v0 =	vadd.f32 v0, v36  }
0x2bc: {  	v7 =	vsub.f32 v46, v5;
	[tilespmem:$0x5180] =	vst v38;
	v38 =	vpop (erf)  }
0x2bd: {  	[tilespmem:$0x5100] =	vst v37;
	v47 =	vmul.f32 $1.442695020e+00, v8;
	(erf) = vpow2.f32 v4;
	v0 =	vadd.f32 v0, v38  }
0x2be: {  	v1 =	vsub.f32 v1, v5;
	[tilespmem:$0x5200] =	vst v39;
	v48 =	vpop (erf)  }
0x2bf: {  	v7 =	vmul.f32 $1.442695020e+00, v7;
	[tilespmem:$0x5280] =	vst v40;
	(erf) = vpow2.f32 v47;
	v0 =	vadd.f32 v0, v48  }
0x2c0: {  	v3 =	vsub.f32 v3, v5;
	[tilespmem:$0x5300] =	vst v41;
	v49 =	vpop (erf)  }
0x2c1: {  	v1 =	vmul.f32 $1.442695020e+00, v1;
	[tilespmem:$0x5380] =	vst v42;
	(erf) = vpow2.f32 v7;
	v0 =	vadd.f32 v0, v49  }
0x2c2: {  	[tilespmem:$0x5400] =	vst v43;
	v50 =	vpop (erf)  }
0x2c3: {  	[tilespmem:$0x5480] =	vst v44;
	v51 =	vmul.f32 $1.442695020e+00, v3;
	(erf) = vpow2.f32 v1;
	v0 =	vadd.f32 v0, v50  }
0x2c4: {  	[tilespmem:$0x5500] =	vst v45;
	v52 =	vpop (erf)  }
0x2c5: {  	[tilespmem:$0x5580] =	vst v6;
	(erf) = vpow2.f32 v51;
	v0 =	vadd.f32 v0, v52  }
0x2c6: {  	[tilespmem:$0x5600] =	vst v9;
	v53 =	vpop (erf)  }
0x2c7: {  	[tilespmem:$0x5680] =	vst v10;
	v0 =	vadd.f32 v0, v53  }
0x2c8: {  	[tilespmem:$0x5700] =	vst v12;
	v54 =	vpop (erf)  }
0x2c9: {  	[tilespmem:$0x5780] =	vst v11;
	v0 =	vadd.f32 v0, v54  }
0x2ca: {  	[tilespmem:$0x5800] =	vst v13;
	v7 =	vpop (erf)  }
0x2cb: {  	[tilespmem:$0x5880] =	vst v55;
	v0 =	vadd.f32 v0, v7  }
0x2cc: {  	[tilespmem:$0x5900] =	vst v59;
	v55 =	vpop (erf)  }
0x2cd: {  	[tilespmem:$0x5980] =	vst v61;
	v0 =	vadd.f32 v0, v55  }
0x2ce: {  	[tilespmem:$0x5A00] =	vst v63;
	v56 =	vpop (erf)  }
0x2cf: {  	[tilespmem:$0x5A80] =	vst v25;
	v0 =	vadd.f32 v0, v56  }
0x2d0: {  	[tilespmem:$0x5B00] =	vst v27  }
0x2d1: {  	[tilespmem:$0x5B80] =	vst v30;
	(erf) = vrcp.f32 v0  }
0x2d2: {  	[tilespmem:$0x5C00] =	vst v34  }
0x2d3: {  	[tilespmem:$0x5C80] =	vst v36  }
0x2d4: {  	v57 =	vld [tilespmem:$0x1FFF0];
	[tilespmem:$0x5D00] =	vst v38  }
0x2d5: {  	[tilespmem:$0x5D80] =	vst v48  }
0x2d6: {  	[tilespmem:$0x5E00] =	vst v49  }
0x2d7: {  	v58 =	vmov s17;
	v59 =	vld [tilespmem:$0x1FFE0];
	[tilespmem:$0x5E80] =	vst v50  }
0x2d8: {  	[tilespmem:$0x5F00] =	vst v52;
	v0 =	vshll.u32 v58, $0x7  }
0x2d9: {  	[tilespmem:$0x5F80] =	vst v53;
	v0 =	vor.u32 v57, v0  }
0x2da: {  	[tilespmem:$0x6000] =	vst v54;
	v1 =	vpop (erf)  }
0x2db: {  	[tilespmem:$0x6080] =	vst v7;
	v2 =	vmul.f32 v1, v2  }
0x2dc: {  	vm15 =	vlt.f32 v59, $1.000000010e-10;
	[tilespmem:$0x6100] =	vst v55  }
0x2dd: {  	[tilespmem:$0x6180] =	vst v56;
	v2 =	vsel vm15, $0x3C800000, v2  }
0x2de: {  	[tilespmem:v0+s12+$0x0] =	vst.idx.msk $0xffff, v2  }
0x2df: {  	v2 =	vld [tilespmem:$0x4280];
	_ =	sdelay $0x2  }
0x2e0: {  	v60 =	vor.u32 $0x1, v0;
	_ =	sdelay $0x1  }
0x2e1: {  	v2 =	vmul.f32 v1, v2;
	_ =	sdelay $0x1  }
0x2e2: {  	v2 =	vsel vm15, $0x3C800000, v2  }
0x2e3: {  	[tilespmem:v60+s12+$0x0] =	vst.idx.msk $0xffff, v2  }
0x2e4: {  	v2 =	vld [tilespmem:$0x4300];
	_ =	sdelay $0x2  }
0x2e5: {  	v61 =	vor.u32 $0x2, v0;
	_ =	sdelay $0x1  }
0x2e6: {  	v2 =	vmul.f32 v1, v2;
	_ =	sdelay $0x1  }
0x2e7: {  	v2 =	vsel vm15, $0x3C800000, v2  }
0x2e8: {  	[tilespmem:v61+s12+$0x0] =	vst.idx.msk $0xffff, v2  }
0x2e9: {  	v2 =	vld [tilespmem:$0x4380];
	_ =	sdelay $0x2  }
0x2ea: {  	v62 =	vor.u32 $0x3, v0;
	_ =	sdelay $0x1  }
0x2eb: {  	v2 =	vmul.f32 v1, v2;
	_ =	sdelay $0x1  }
0x2ec: {  	v2 =	vsel vm15, $0x3C800000, v2  }
0x2ed: {  	[tilespmem:v62+s12+$0x0] =	vst.idx.msk $0xffff, v2  }
0x2ee: {  	v2 =	vld [tilespmem:$0x4400];
	_ =	sdelay $0x2  }
0x2ef: {  	v63 =	vor.u32 $0x4, v0;
	_ =	sdelay $0x1  }
0x2f0: {  	v2 =	vmul.f32 v1, v2;
	_ =	sdelay $0x1  }
0x2f1: {  	v2 =	vsel vm15, $0x3C800000, v2  }
0x2f2: {  	[tilespmem:v63+s12+$0x0] =	vst.idx.msk $0xffff, v2  }
0x2f3: {  	v2 =	vld [tilespmem:$0x4480];
	_ =	sdelay $0x2  }
0x2f4: {  	v6 =	vor.u32 $0x5, v0;
	_ =	sdelay $0x1  }
0x2f5: {  	v2 =	vmul.f32 v2, v1;
	_ =	sdelay $0x1  }
0x2f6: {  	v2 =	vsel vm15, $0x3C800000, v2  }
0x2f7: {  	[tilespmem:v6+s12+$0x0] =	vst.idx.msk $0xffff, v2  }
0x2f8: {  	v2 =	vld [tilespmem:$0x4500];
	_ =	sdelay $0x2  }
0x2f9: {  	v7 =	vor.u32 $0x6, v0;
	_ =	sdelay $0x1  }
0x2fa: {  	v2 =	vmul.f32 v2, v1;
	_ =	sdelay $0x1  }
0x2fb: {  	v2 =	vsel vm15, $0x3C800000, v2  }
0x2fc: {  	[tilespmem:v7+s12+$0x0] =	vst.idx.msk $0xffff, v2  }
0x2fd: {  	v2 =	vld [tilespmem:$0x4580];
	_ =	sdelay $0x2  }
0x2fe: {  	v8 =	vor.u32 $0x7, v0;
	_ =	sdelay $0x1  }
0x2ff: {  	v2 =	vmul.f32 v2, v1;
	_ =	sdelay $0x1  }
0x300: {  	v2 =	vsel vm15, $0x3C800000, v2  }
0x301: {  	[tilespmem:v8+s12+$0x0] =	vst.idx.msk $0xffff, v2  }
0x302: {  	v2 =	vld [tilespmem:$0x4600];
	_ =	sdelay $0x2  }
0x303: {  	v9 =	vor.u32 $0x8, v0;
	_ =	sdelay $0x1  }
0x304: {  	v2 =	vmul.f32 v2, v1;
	_ =	sdelay $0x1  }
0x305: {  	v2 =	vsel vm15, $0x3C800000, v2  }
0x306: {  	[tilespmem:v9+s12+$0x0] =	vst.idx.msk $0xffff, v2  }
0x307: {  	v2 =	vld [tilespmem:$0x4680];
	_ =	sdelay $0x2  }
0x308: {  	v10 =	vor.u32 $0x9, v0;
	_ =	sdelay $0x1  }
0x309: {  	v2 =	vmul.f32 v2, v1;
	_ =	sdelay $0x1  }
0x30a: {  	v2 =	vsel vm15, $0x3C800000, v2  }
0x30b: {  	[tilespmem:v10+s12+$0x0] =	vst.idx.msk $0xffff, v2  }
0x30c: {  	v2 =	vld [tilespmem:$0x4700];
	_ =	sdelay $0x2  }
0x30d: {  	v11 =	vor.u32 $0xA, v0;
	_ =	sdelay $0x1  }
0x30e: {  	v2 =	vmul.f32 v2, v1;
	_ =	sdelay $0x1  }
0x30f: {  	v2 =	vsel vm15, $0x3C800000, v2  }
0x310: {  	[tilespmem:v11+s12+$0x0] =	vst.idx.msk $0xffff, v2  }
0x311: {  	v2 =	vld [tilespmem:$0x4780];
	_ =	sdelay $0x2  }
0x312: {  	v12 =	vor.u32 $0xB, v0;
	_ =	sdelay $0x1  }
0x313: {  	v2 =	vmul.f32 v2, v1;
	_ =	sdelay $0x1  }
0x314: {  	v2 =	vsel vm15, $0x3C800000, v2  }
0x315: {  	[tilespmem:v12+s12+$0x0] =	vst.idx.msk $0xffff, v2  }
0x316: {  	v2 =	vld [tilespmem:$0x4800];
	_ =	sdelay $0x2  }
0x317: {  	v13 =	vor.u32 $0xC, v0;
	_ =	sdelay $0x1  }
0x318: {  	v2 =	vmul.f32 v2, v1;
	_ =	sdelay $0x1  }
0x319: {  	v2 =	vsel vm15, $0x3C800000, v2  }
0x31a: {  	[tilespmem:v13+s12+$0x0] =	vst.idx.msk $0xffff, v2  }
0x31b: {  	v2 =	vld [tilespmem:$0x4880];
	_ =	sdelay $0x2  }
0x31c: {  	v14 =	vor.u32 $0xD, v0;
	_ =	sdelay $0x1  }
0x31d: {  	v2 =	vmul.f32 v2, v1;
	_ =	sdelay $0x1  }
0x31e: {  	v2 =	vsel vm15, $0x3C800000, v2  }
0x31f: {  	[tilespmem:v14+s12+$0x0] =	vst.idx.msk $0xffff, v2  }
0x320: {  	v2 =	vld [tilespmem:$0x4900];
	_ =	sdelay $0x2  }
0x321: {  	v15 =	vor.u32 $0xE, v0;
	_ =	sdelay $0x1  }
0x322: {  	v2 =	vmul.f32 v2, v1;
	_ =	sdelay $0x1  }
0x323: {  	v2 =	vsel vm15, $0x3C800000, v2  }
0x324: {  	[tilespmem:v15+s12+$0x0] =	vst.idx.msk $0xffff, v2  }
0x325: {  	v2 =	vld [tilespmem:$0x4980];
	_ =	sdelay $0x2  }
0x326: {  	v16 =	vor.u32 $0xF, v0;
	_ =	sdelay $0x1  }
0x327: {  	v2 =	vmul.f32 v2, v1;
	_ =	sdelay $0x1  }
0x328: {  	v2 =	vsel vm15, $0x3C800000, v2  }
0x329: {  	[tilespmem:v16+s12+$0x0] =	vst.idx.msk $0xffff, v2  }
0x32a: {  	v2 =	vld [tilespmem:$0x4A00];
	_ =	sdelay $0x2  }
0x32b: {  	v17 =	vor.u32 $0x10, v0;
	_ =	sdelay $0x1  }
0x32c: {  	v2 =	vmul.f32 v2, v1;
	_ =	sdelay $0x1  }
0x32d: {  	v2 =	vsel vm15, $0x3C800000, v2  }
0x32e: {  	[tilespmem:v17+s12+$0x0] =	vst.idx.msk $0xffff, v2  }
0x32f: {  	v2 =	vld [tilespmem:$0x4A80];
	_ =	sdelay $0x2  }
0x330: {  	v18 =	vor.u32 $0x11, v0;
	_ =	sdelay $0x1  }
0x331: {  	v2 =	vmul.f32 v2, v1;
	_ =	sdelay $0x1  }
0x332: {  	v2 =	vsel vm15, $0x3C800000, v2  }
0x333: {  	[tilespmem:v18+s12+$0x0] =	vst.idx.msk $0xffff, v2  }
0x334: {  	v2 =	vld [tilespmem:$0x4B00];
	_ =	sdelay $0x2  }
0x335: {  	v19 =	vor.u32 $0x12, v0;
	_ =	sdelay $0x1  }
0x336: {  	v2 =	vmul.f32 v2, v1;
	_ =	sdelay $0x1  }
0x337: {  	v2 =	vsel vm15, $0x3C800000, v2  }
0x338: {  	[tilespmem:v19+s12+$0x0] =	vst.idx.msk $0xffff, v2  }
0x339: {  	v2 =	vld [tilespmem:$0x4B80];
	_ =	sdelay $0x2  }
0x33a: {  	v20 =	vor.u32 $0x13, v0;
	_ =	sdelay $0x1  }
0x33b: {  	v2 =	vmul.f32 v2, v1;
	_ =	sdelay $0x1  }
0x33c: {  	v2 =	vsel vm15, $0x3C800000, v2  }
0x33d: {  	[tilespmem:v20+s12+$0x0] =	vst.idx.msk $0xffff, v2  }
0x33e: {  	v2 =	vld [tilespmem:$0x4C00];
	_ =	sdelay $0x2  }
0x33f: {  	v21 =	vor.u32 $0x14, v0;
	_ =	sdelay $0x1  }
0x340: {  	v2 =	vmul.f32 v2, v1;
	_ =	sdelay $0x1  }
0x341: {  	v2 =	vsel vm15, $0x3C800000, v2  }
0x342: {  	[tilespmem:v21+s12+$0x0] =	vst.idx.msk $0xffff, v2  }
0x343: {  	v2 =	vld [tilespmem:$0x4C80];
	_ =	sdelay $0x2  }
0x344: {  	v22 =	vor.u32 $0x15, v0;
	_ =	sdelay $0x1  }
0x345: {  	v2 =	vmul.f32 v2, v1;
	_ =	sdelay $0x1  }
0x346: {  	v2 =	vsel vm15, $0x3C800000, v2  }
0x347: {  	[tilespmem:v22+s12+$0x0] =	vst.idx.msk $0xffff, v2  }
0x348: {  	v2 =	vld [tilespmem:$0x4D00];
	_ =	sdelay $0x2  }
0x349: {  	v23 =	vor.u32 $0x16, v0;
	_ =	sdelay $0x1  }
0x34a: {  	v2 =	vmul.f32 v2, v1;
	_ =	sdelay $0x1  }
0x34b: {  	v2 =	vsel vm15, $0x3C800000, v2  }
0x34c: {  	[tilespmem:v23+s12+$0x0] =	vst.idx.msk $0xffff, v2  }
0x34d: {  	v2 =	vld [tilespmem:$0x4D80];
	_ =	sdelay $0x2  }
0x34e: {  	v24 =	vor.u32 $0x17, v0;
	_ =	sdelay $0x1  }
0x34f: {  	v2 =	vmul.f32 v2, v1;
	_ =	sdelay $0x1  }
0x350: {  	v2 =	vsel vm15, $0x3C800000, v2  }
0x351: {  	[tilespmem:v24+s12+$0x0] =	vst.idx.msk $0xffff, v2  }
0x352: {  	v2 =	vld [tilespmem:$0x4E00];
	_ =	sdelay $0x2  }
0x353: {  	v25 =	vor.u32 $0x18, v0;
	_ =	sdelay $0x1  }
0x354: {  	v2 =	vmul.f32 v2, v1;
	_ =	sdelay $0x1  }
0x355: {  	v2 =	vsel vm15, $0x3C800000, v2  }
0x356: {  	[tilespmem:v25+s12+$0x0] =	vst.idx.msk $0xffff, v2  }
0x357: {  	v2 =	vld [tilespmem:$0x4E80];
	_ =	sdelay $0x2  }
0x358: {  	v26 =	vor.u32 $0x19, v0;
	_ =	sdelay $0x1  }
0x359: {  	v2 =	vmul.f32 v2, v1;
	_ =	sdelay $0x1  }
0x35a: {  	v2 =	vsel vm15, $0x3C800000, v2  }
0x35b: {  	[tilespmem:v26+s12+$0x0] =	vst.idx.msk $0xffff, v2  }
0x35c: {  	v2 =	vld [tilespmem:$0x4F00];
	_ =	sdelay $0x2  }
0x35d: {  	v27 =	vor.u32 $0x1A, v0;
	_ =	sdelay $0x1  }
0x35e: {  	v2 =	vmul.f32 v2, v1;
	_ =	sdelay $0x1  }
0x35f: {  	v2 =	vsel vm15, $0x3C800000, v2  }
0x360: {  	[tilespmem:v27+s12+$0x0] =	vst.idx.msk $0xffff, v2  }
0x361: {  	v2 =	vld [tilespmem:$0x4F80];
	_ =	sdelay $0x2  }
0x362: {  	v28 =	vor.u32 $0x1B, v0;
	_ =	sdelay $0x1  }
0x363: {  	v2 =	vmul.f32 v2, v1;
	_ =	sdelay $0x1  }
0x364: {  	v2 =	vsel vm15, $0x3C800000, v2  }
0x365: {  	[tilespmem:v28+s12+$0x0] =	vst.idx.msk $0xffff, v2  }
0x366: {  	v2 =	vld [tilespmem:$0x5000];
	_ =	sdelay $0x2  }
0x367: {  	v29 =	vor.u32 $0x1C, v0;
	_ =	sdelay $0x1  }
0x368: {  	v2 =	vmul.f32 v2, v1;
	_ =	sdelay $0x1  }
0x369: {  	v2 =	vsel vm15, $0x3C800000, v2  }
0x36a: {  	[tilespmem:v29+s12+$0x0] =	vst.idx.msk $0xffff, v2  }
0x36b: {  	v2 =	vld [tilespmem:$0x5080];
	_ =	sdelay $0x2  }
0x36c: {  	v30 =	vor.u32 $0x1D, v0;
	_ =	sdelay $0x1  }
0x36d: {  	v2 =	vmul.f32 v2, v1;
	_ =	sdelay $0x1  }
0x36e: {  	v2 =	vsel vm15, $0x3C800000, v2  }
0x36f: {  	[tilespmem:v30+s12+$0x0] =	vst.idx.msk $0xffff, v2  }
0x370: {  	v2 =	vld [tilespmem:$0x5100];
	_ =	sdelay $0x2  }
0x371: {  	v31 =	vor.u32 $0x1E, v0;
	_ =	sdelay $0x1  }
0x372: {  	v2 =	vmul.f32 v2, v1;
	_ =	sdelay $0x1  }
0x373: {  	v2 =	vsel vm15, $0x3C800000, v2  }
0x374: {  	[tilespmem:v31+s12+$0x0] =	vst.idx.msk $0xffff, v2  }
0x375: {  	v2 =	vld [tilespmem:$0x5180];
	_ =	sdelay $0x2  }
0x376: {  	v32 =	vor.u32 $0x1F, v0;
	_ =	sdelay $0x1  }
0x377: {  	v2 =	vmul.f32 v2, v1;
	_ =	sdelay $0x1  }
0x378: {  	v2 =	vsel vm15, $0x3C800000, v2  }
0x379: {  	[tilespmem:v32+s12+$0x0] =	vst.idx.msk $0xffff, v2  }
0x37a: {  	v2 =	vld [tilespmem:$0x5200];
	_ =	sdelay $0x2  }
0x37b: {  	v33 =	vor.u32 $0x20, v0;
	_ =	sdelay $0x1  }
0x37c: {  	v2 =	vmul.f32 v2, v1;
	_ =	sdelay $0x1  }
0x37d: {  	v2 =	vsel vm15, $0x3C800000, v2  }
0x37e: {  	[tilespmem:v33+s12+$0x0] =	vst.idx.msk $0xffff, v2  }
0x37f: {  	v2 =	vld [tilespmem:$0x5280];
	_ =	sdelay $0x2  }
0x380: {  	v34 =	vor.u32 $0x21, v0;
	_ =	sdelay $0x1  }
0x381: {  	v2 =	vmul.f32 v2, v1;
	_ =	sdelay $0x1  }
0x382: {  	v2 =	vsel vm15, $0x3C800000, v2  }
0x383: {  	[tilespmem:v34+s12+$0x0] =	vst.idx.msk $0xffff, v2  }
0x384: {  	v2 =	vld [tilespmem:$0x5300];
	_ =	sdelay $0x2  }
0x385: {  	v35 =	vor.u32 $0x22, v0;
	_ =	sdelay $0x1  }
0x386: {  	v2 =	vmul.f32 v2, v1;
	_ =	sdelay $0x1  }
0x387: {  	v2 =	vsel vm15, $0x3C800000, v2  }
0x388: {  	[tilespmem:v35+s12+$0x0] =	vst.idx.msk $0xffff, v2  }
0x389: {  	v2 =	vld [tilespmem:$0x5380];
	_ =	sdelay $0x2  }
0x38a: {  	v36 =	vor.u32 $0x23, v0;
	_ =	sdelay $0x1  }
0x38b: {  	v2 =	vmul.f32 v2, v1;
	_ =	sdelay $0x1  }
0x38c: {  	v2 =	vsel vm15, $0x3C800000, v2  }
0x38d: {  	[tilespmem:v36+s12+$0x0] =	vst.idx.msk $0xffff, v2  }
0x38e: {  	v2 =	vld [tilespmem:$0x5400];
	_ =	sdelay $0x2  }
0x38f: {  	v37 =	vor.u32 $0x24, v0;
	_ =	sdelay $0x1  }
0x390: {  	v2 =	vmul.f32 v2, v1;
	_ =	sdelay $0x1  }
0x391: {  	v2 =	vsel vm15, $0x3C800000, v2  }
0x392: {  	[tilespmem:v37+s12+$0x0] =	vst.idx.msk $0xffff, v2  }
0x393: {  	v2 =	vld [tilespmem:$0x5480];
	_ =	sdelay $0x2  }
0x394: {  	v38 =	vor.u32 $0x25, v0;
	_ =	sdelay $0x1  }
0x395: {  	v2 =	vmul.f32 v2, v1;
	_ =	sdelay $0x1  }
0x396: {  	v2 =	vsel vm15, $0x3C800000, v2  }
0x397: {  	[tilespmem:v38+s12+$0x0] =	vst.idx.msk $0xffff, v2  }
0x398: {  	v2 =	vld [tilespmem:$0x5500];
	_ =	sdelay $0x2  }
0x399: {  	v39 =	vor.u32 $0x26, v0;
	_ =	sdelay $0x1  }
0x39a: {  	v2 =	vmul.f32 v2, v1;
	_ =	sdelay $0x1  }
0x39b: {  	v2 =	vsel vm15, $0x3C800000, v2  }
0x39c: {  	[tilespmem:v39+s12+$0x0] =	vst.idx.msk $0xffff, v2  }
0x39d: {  	v2 =	vld [tilespmem:$0x5580];
	_ =	sdelay $0x2  }
0x39e: {  	v40 =	vor.u32 $0x27, v0;
	_ =	sdelay $0x1  }
0x39f: {  	v2 =	vmul.f32 v2, v1;
	_ =	sdelay $0x1  }
0x3a0: {  	v2 =	vsel vm15, $0x3C800000, v2  }
0x3a1: {  	[tilespmem:v40+s12+$0x0] =	vst.idx.msk $0xffff, v2  }
0x3a2: {  	v2 =	vld [tilespmem:$0x5600];
	_ =	sdelay $0x2  }
0x3a3: {  	v41 =	vor.u32 $0x28, v0;
	_ =	sdelay $0x1  }
0x3a4: {  	v2 =	vmul.f32 v2, v1;
	_ =	sdelay $0x1  }
0x3a5: {  	v2 =	vsel vm15, $0x3C800000, v2  }
0x3a6: {  	[tilespmem:v41+s12+$0x0] =	vst.idx.msk $0xffff, v2  }
0x3a7: {  	v2 =	vld [tilespmem:$0x5680];
	_ =	sdelay $0x2  }
0x3a8: {  	v42 =	vor.u32 $0x29, v0;
	_ =	sdelay $0x1  }
0x3a9: {  	v2 =	vmul.f32 v2, v1;
	_ =	sdelay $0x1  }
0x3aa: {  	v2 =	vsel vm15, $0x3C800000, v2  }
0x3ab: {  	[tilespmem:v42+s12+$0x0] =	vst.idx.msk $0xffff, v2  }
0x3ac: {  	v2 =	vld [tilespmem:$0x5700];
	_ =	sdelay $0x2  }
0x3ad: {  	v43 =	vor.u32 $0x2A, v0;
	_ =	sdelay $0x1  }
0x3ae: {  	v2 =	vmul.f32 v2, v1;
	_ =	sdelay $0x1  }
0x3af: {  	v2 =	vsel vm15, $0x3C800000, v2  }
0x3b0: {  	[tilespmem:v43+s12+$0x0] =	vst.idx.msk $0xffff, v2  }
0x3b1: {  	v2 =	vld [tilespmem:$0x5780];
	_ =	sdelay $0x2  }
0x3b2: {  	v44 =	vor.u32 $0x2B, v0;
	_ =	sdelay $0x1  }
0x3b3: {  	v2 =	vmul.f32 v2, v1;
	_ =	sdelay $0x1  }
0x3b4: {  	v2 =	vsel vm15, $0x3C800000, v2  }
0x3b5: {  	[tilespmem:v44+s12+$0x0] =	vst.idx.msk $0xffff, v2  }
0x3b6: {  	v2 =	vld [tilespmem:$0x5800];
	_ =	sdelay $0x2  }
0x3b7: {  	v45 =	vor.u32 $0x2C, v0;
	_ =	sdelay $0x1  }
0x3b8: {  	v2 =	vmul.f32 v2, v1;
	_ =	sdelay $0x1  }
0x3b9: {  	v2 =	vsel vm15, $0x3C800000, v2  }
0x3ba: {  	[tilespmem:v45+s12+$0x0] =	vst.idx.msk $0xffff, v2  }
0x3bb: {  	v2 =	vld [tilespmem:$0x5880];
	_ =	sdelay $0x2  }
0x3bc: {  	v46 =	vor.u32 $0x2D, v0;
	_ =	sdelay $0x1  }
0x3bd: {  	v2 =	vmul.f32 v2, v1;
	_ =	sdelay $0x1  }
0x3be: {  	v2 =	vsel vm15, $0x3C800000, v2  }
0x3bf: {  	[tilespmem:v46+s12+$0x0] =	vst.idx.msk $0xffff, v2  }
0x3c0: {  	v2 =	vld [tilespmem:$0x5900];
	_ =	sdelay $0x2  }
0x3c1: {  	v47 =	vor.u32 $0x2E, v0;
	_ =	sdelay $0x1  }
0x3c2: {  	v2 =	vmul.f32 v2, v1;
	_ =	sdelay $0x1  }
0x3c3: {  	v2 =	vsel vm15, $0x3C800000, v2  }
0x3c4: {  	[tilespmem:v47+s12+$0x0] =	vst.idx.msk $0xffff, v2  }
0x3c5: {  	v2 =	vld [tilespmem:$0x5980];
	_ =	sdelay $0x2  }
0x3c6: {  	v48 =	vor.u32 $0x2F, v0;
	_ =	sdelay $0x1  }
0x3c7: {  	v2 =	vmul.f32 v2, v1;
	_ =	sdelay $0x1  }
0x3c8: {  	v2 =	vsel vm15, $0x3C800000, v2  }
0x3c9: {  	[tilespmem:v48+s12+$0x0] =	vst.idx.msk $0xffff, v2  }
0x3ca: {  	v2 =	vld [tilespmem:$0x5A00];
	_ =	sdelay $0x2  }
0x3cb: {  	v49 =	vor.u32 $0x30, v0;
	_ =	sdelay $0x1  }
0x3cc: {  	v2 =	vmul.f32 v2, v1;
	_ =	sdelay $0x1  }
0x3cd: {  	v2 =	vsel vm15, $0x3C800000, v2  }
0x3ce: {  	[tilespmem:v49+s12+$0x0] =	vst.idx.msk $0xffff, v2  }
0x3cf: {  	v2 =	vld [tilespmem:$0x5A80];
	_ =	sdelay $0x2  }
0x3d0: {  	v50 =	vor.u32 $0x31, v0;
	_ =	sdelay $0x1  }
0x3d1: {  	v2 =	vmul.f32 v2, v1;
	_ =	sdelay $0x1  }
0x3d2: {  	v2 =	vsel vm15, $0x3C800000, v2  }
0x3d3: {  	[tilespmem:v50+s12+$0x0] =	vst.idx.msk $0xffff, v2  }
0x3d4: {  	v2 =	vld [tilespmem:$0x5B00];
	_ =	sdelay $0x2  }
0x3d5: {  	v51 =	vor.u32 $0x32, v0;
	_ =	sdelay $0x1  }
0x3d6: {  	v2 =	vmul.f32 v2, v1;
	_ =	sdelay $0x1  }
0x3d7: {  	v2 =	vsel vm15, $0x3C800000, v2  }
0x3d8: {  	[tilespmem:v51+s12+$0x0] =	vst.idx.msk $0xffff, v2  }
0x3d9: {  	v2 =	vld [tilespmem:$0x5B80];
	_ =	sdelay $0x2  }
0x3da: {  	v52 =	vor.u32 $0x33, v0;
	_ =	sdelay $0x1  }
0x3db: {  	v2 =	vmul.f32 v2, v1;
	_ =	sdelay $0x1  }
0x3dc: {  	v2 =	vsel vm15, $0x3C800000, v2  }
0x3dd: {  	[tilespmem:v52+s12+$0x0] =	vst.idx.msk $0xffff, v2  }
0x3de: {  	v2 =	vld [tilespmem:$0x5C00];
	_ =	sdelay $0x2  }
0x3df: {  	v53 =	vor.u32 $0x34, v0;
	_ =	sdelay $0x1  }
0x3e0: {  	v2 =	vmul.f32 v2, v1;
	_ =	sdelay $0x1  }
0x3e1: {  	v2 =	vsel vm15, $0x3C800000, v2  }
0x3e2: {  	[tilespmem:v53+s12+$0x0] =	vst.idx.msk $0xffff, v2  }
0x3e3: {  	v2 =	vld [tilespmem:$0x5C80];
	_ =	sdelay $0x2  }
0x3e4: {  	v54 =	vor.u32 $0x35, v0;
	_ =	sdelay $0x1  }
0x3e5: {  	v2 =	vmul.f32 v2, v1;
	_ =	sdelay $0x1  }
0x3e6: {  	v2 =	vsel vm15, $0x3C800000, v2  }
0x3e7: {  	[tilespmem:v54+s12+$0x0] =	vst.idx.msk $0xffff, v2  }
0x3e8: {  	v2 =	vld [tilespmem:$0x5D00];
	_ =	sdelay $0x2  }
0x3e9: {  	v55 =	vor.u32 $0x36, v0;
	_ =	sdelay $0x1  }
0x3ea: {  	v2 =	vmul.f32 v2, v1;
	_ =	sdelay $0x1  }
0x3eb: {  	v2 =	vsel vm15, $0x3C800000, v2  }
0x3ec: {  	[tilespmem:v55+s12+$0x0] =	vst.idx.msk $0xffff, v2  }
0x3ed: {  	v2 =	vld [tilespmem:$0x5D80];
	_ =	sdelay $0x2  }
0x3ee: {  	v56 =	vor.u32 $0x37, v0;
	_ =	sdelay $0x1  }
0x3ef: {  	v2 =	vmul.f32 v2, v1;
	_ =	sdelay $0x1  }
0x3f0: {  	v2 =	vsel vm15, $0x3C800000, v2  }
0x3f1: {  	[tilespmem:v56+s12+$0x0] =	vst.idx.msk $0xffff, v2  }
0x3f2: {  	v2 =	vld [tilespmem:$0x5E00];
	_ =	sdelay $0x2  }
0x3f3: {  	v57 =	vor.u32 $0x38, v0;
	_ =	sdelay $0x1  }
0x3f4: {  	v2 =	vmul.f32 v2, v1;
	_ =	sdelay $0x1  }
0x3f5: {  	v2 =	vsel vm15, $0x3C800000, v2  }
0x3f6: {  	[tilespmem:v57+s12+$0x0] =	vst.idx.msk $0xffff, v2  }
0x3f7: {  	v2 =	vld [tilespmem:$0x5E80];
	_ =	sdelay $0x2  }
0x3f8: {  	v58 =	vor.u32 $0x39, v0;
	_ =	sdelay $0x1  }
0x3f9: {  	v2 =	vmul.f32 v2, v1;
	_ =	sdelay $0x1  }
0x3fa: {  	v2 =	vsel vm15, $0x3C800000, v2  }
0x3fb: {  	[tilespmem:v58+s12+$0x0] =	vst.idx.msk $0xffff, v2  }
0x3fc: {  	v2 =	vld [tilespmem:$0x5F00];
	_ =	sdelay $0x2  }
0x3fd: {  	v59 =	vor.u32 $0x3A, v0;
	_ =	sdelay $0x1  }
0x3fe: {  	v2 =	vmul.f32 v2, v1;
	_ =	sdelay $0x1  }
0x3ff: {  	v2 =	vsel vm15, $0x3C800000, v2  }
0x400: {  	[tilespmem:v59+s12+$0x0] =	vst.idx.msk $0xffff, v2  }
0x401: {  	v2 =	vld [tilespmem:$0x5F80];
	_ =	sdelay $0x2  }
0x402: {  	v60 =	vor.u32 $0x3B, v0;
	_ =	sdelay $0x1  }
0x403: {  	v2 =	vmul.f32 v2, v1;
	_ =	sdelay $0x1  }
0x404: {  	v2 =	vsel vm15, $0x3C800000, v2  }
0x405: {  	[tilespmem:v60+s12+$0x0] =	vst.idx.msk $0xffff, v2  }
0x406: {  	v2 =	vld [tilespmem:$0x6000];
	_ =	sdelay $0x2  }
0x407: {  	v61 =	vor.u32 $0x3C, v0;
	_ =	sdelay $0x1  }
0x408: {  	v2 =	vmul.f32 v2, v1;
	_ =	sdelay $0x1  }
0x409: {  	v2 =	vsel vm15, $0x3C800000, v2  }
0x40a: {  	[tilespmem:v61+s12+$0x0] =	vst.idx.msk $0xffff, v2  }
0x40b: {  	v2 =	vld [tilespmem:$0x6080];
	_ =	sdelay $0x2  }
0x40c: {  	v62 =	vor.u32 $0x3D, v0;
	_ =	sdelay $0x1  }
0x40d: {  	v2 =	vmul.f32 v2, v1;
	_ =	sdelay $0x1  }
0x40e: {  	v2 =	vsel vm15, $0x3C800000, v2  }
0x40f: {  	[tilespmem:v62+s12+$0x0] =	vst.idx.msk $0xffff, v2  }
0x410: {  	v2 =	vld [tilespmem:$0x6100];
	_ =	sdelay $0x2  }
0x411: {  	v63 =	vor.u32 $0x3E, v0;
	_ =	sdelay $0x1  }
0x412: {  	v2 =	vmul.f32 v2, v1;
	_ =	sdelay $0x1  }
0x413: {  	v2 =	vsel vm15, $0x3C800000, v2  }
0x414: {  	[tilespmem:v63+s12+$0x0] =	vst.idx.msk $0xffff, v2  }
0x415: {  	v2 =	vld [tilespmem:$0x6180];
	_ =	sdelay $0x2  }
0x416: {  	p0 =	sne.s32 s17, $0xF0;
	v0 =	vor.u32 $0x3F, v0  }
.Ltmp0:
0x417: {  	_ = 	snop;
	(pc) =	sbr.rel @p0 .LBB2_2-.Ltmp0, $3  }
0x418: {  	v1 =	vmul.f32 v2, v1;
	_ =	sdelay $0x1  }
0x419: {  	s16 =	sadd.s32 $0x80, s16;
	v1 =	vsel vm15, $0x3C800000, v1  }
0x41a: {  	s14 =	sadd.s32 $0x10, s14;
	s15 =	sadd.s32 $0x10, s15;
	s17 =	sadd.s32 $0x10, s17;
	[tilespmem:v0+s12+$0x0] =	vst.idx.msk $0xffff, v1  }
0x41b: {  	s13 =	sadd.s32 $0x1, s13  }
0x41c: {  	p0 =	sne.s32 s13, s7  }
.Ltmp1:
0x41d: {  	_ = 	snop;
	(pc) =	sbr.rel @p0 .LBB2_1-.Ltmp1, $4  }
0x41e: {  	[hbm4b:s6+s2] =	stream.linear.scatter [tilespmem:s12], [sflag:$0x1], $0x8000, $0x38;
	[tilespmem:$0xE200] =	vst v63  }
0x41f: {  	_ =	swait.ge [sflag:s8], $0x8000  }
0x420: {  	[sflag:s8] =	ssyncset.done $0x0  }
0x421: {  	[sflag:s8] =	ssyncadd.s32 $0xFFFF8000  }
0x422: {  	_ =	sfence.sel $0x180000  }
0x423: {  	[bflag:$0x0] =	sbarrier.arrive $0xFFFF  }
0x424: {  	p0 =	sne.s32 s1, $0x0;
	_ =	strace $0x90000047  }
0x425: {  	s0 =	sadd.s32 @!p0 $0x100000, s0;
	[bflag:$0x2] =	sbarrier.arrive $0xFFFF  }
0x426: {  	[sflag:s0] =	ssyncadd.tile.s32 @!p0 $0x1;
	_ =	shalt  }
.Lfunc_end2:
_tile_overlayer_lowered:
.L_overlay_start_2:
0x427: {  	(tag) =	ssettag $0x2  }
0x428: {  	s0 =	rddreg [dreg:$0x0];
	s2 =	stileid.u32  }
0x429: {  	s1 =	rddreg [dreg:$0x1];
	p0 =	sne.s32 s2, $0x0  }
0x42a: {  	s3 =	rddreg [dreg:$0x2];
	[bflag:$0x3] =	sbarrier.arrive $0xFFFF;
	s2 =	simm.s32 @!p0 $0x1C01  }
0x42b: {  	[timem:s3], [sflag:s2] =	dma.local @!p0 [hbm:s0], s1  }
0x42c: {  	s0 =	simm.s32 @!p0 $0x1  }
0x42d: {  	_ =	swait.ge @!p0 [sflag:s0], s1  }
0x42e: {  	s1 =	ssub.s32 @!p0 $0x0, s1;
	[sflag:s0] =	ssyncset.done @!p0 $0x0  }
0x42f: {  	[sflag:s0] =	ssyncadd.s32 @!p0 s1  }
0x430: {  	[bflag:$0x3] =	sbarrier.arrive $0xFFFF  }
0x431: {  	_ =	shalt  }

</sc_bundles>
